<compile_context>
chip_gen: v7x
topology: tpu7x:2x2x1
jax: 0.10.2.dev20260603
libtpu: 0.0.44.dev20260713+nightly
codegen_flags: <defaults>
</compile_context>

<pallas_src>
import functools
import math

import jax
import jax.numpy as jnp
from jax import lax
from jax.experimental import pallas as pl
from jax.experimental.pallas import tpu as pltpu
from jax.experimental.pallas import tpu_sc as plsc

RADIUS_C = 1.3
COARSE_C = 64
FINE_C = 2
NUM_ATOMS_C = 32
DATA_DIM_C = 13
NB = 128
FINE_VOXEL = (RADIUS_C * 2.0 / COARSE_C) / FINE_C
STEP_C = FINE_VOXEL / 2.0
N_INT_C = int(math.sqrt(3.0) * RADIUS_C * 2.0 / STEP_C) - 1
NSAMP = N_INT_C - 1
NPAD = 448
C0_C = 0.28209479177387814
C1_C = 0.4886025119029199
GRES = COARSE_C * FINE_C
OFFS = [(-1, -1, -1), (-1, -1, 1), (-1, 1, -1), (-1, 1, 1),
        (1, -1, -1), (1, -1, 1), (1, 1, -1), (1, 1, 1)]

SC_NC = 2
SC_NS = 16
SC_NW = SC_NC * SC_NS
TOTAL_ROWS = NB * 8 * NPAD
ROWS_PER_W = TOTAL_ROWS // SC_NW
CHUNK = 512
NCHUNK = ROWS_PER_W // CHUNK


def _ray_geometry(o, d, iota_f):
    r = RADIUS_C
    start = None
    for dim in range(3):
        od = o[:, dim:dim + 1]
        dd = d[:, dim:dim + 1]
        off_pos = (r - od) / dd
        off_neg = (-r - od) / dd
        off_in = jnp.minimum(off_pos, off_neg)
        start = off_in if start is None else jnp.maximum(start, off_in)
    it = start + iota_f * STEP_C
    g = []
    inside = None
    for dim in range(3):
        pt = o[:, dim:dim + 1] + it * d[:, dim:dim + 1]
        ok = (pt > -r) & (pt < r)
        inside = ok if inside is None else (inside & ok)
        g.append((pt + r) / FINE_VOXEL)
    return g, inside


def _neighbor(g, k):
    w = None
    cidx = []
    fflat = None
    for dim in range(3):
        pre = g[dim] + OFFS[k][dim] * 0.5
        pf = jnp.clip(jnp.floor(pre), 0.0, GRES - 1.0)
        dist = jnp.abs(g[dim] - (pf + 0.5))
        wd = jnp.clip(1.0 - dist, 0.0, None)
        w = wd if w is None else (w * wd)
        ii = pf.astype(jnp.int32)
        cidx.append(ii >> 1)
        fb = ii & 1
        fflat = fb if fflat is None else (fflat * 2 + fb)
    cflat = (cidx[0] * COARSE_C + cidx[1]) * COARSE_C + cidx[2]
    return w, fflat, cflat


def _prep_body(o_ref, d_ref, cflat_ref):
    o = o_ref[...].reshape(NB, 3)
    d = d_ref[...].reshape(NB, 3)
    iota_i = lax.broadcasted_iota(jnp.int32, (NB, NPAD), 1)
    iota_f = iota_i.astype(jnp.float32)
    g, inside = _ray_geometry(o, d, iota_f)
    valid = inside & (iota_i < NSAMP)
    for k in range(8):
        _, _, cflat = _neighbor(g, k)
        cflat_ref[:, k, :] = jnp.where(valid, cflat, 0)


RPB = 8


def _combine_body(rows_ref, oT_ref, dT_ref, a_ref, out_ref):
    oT = oT_ref[...]
    dT = dT_ref[...]
    o = [oT[:, dim, :] for dim in range(3)]
    d = [dT[:, dim, :] for dim in range(3)]
    iota_i = lax.broadcasted_iota(jnp.int32, (NPAD, RPB), 0)
    iota_f = iota_i.astype(jnp.float32)
    r = RADIUS_C
    start = None
    for dim in range(3):
        off_pos = (r - o[dim]) / d[dim]
        off_neg = (-r - o[dim]) / d[dim]
        off_in = jnp.minimum(off_pos, off_neg)
        start = off_in if start is None else jnp.maximum(start, off_in)
    it = start + iota_f * STEP_C
    g = []
    inside = None
    for dim in range(3):
        pt = o[dim] + it * d[dim]
        ok = (pt > -r) & (pt < r)
        inside = ok if inside is None else (inside & ok)
        g.append((pt + r) / FINE_VOXEL)
    valid = inside & (iota_i < NSAMP)
    wk = []
    fk = []
    for k in range(8):
        w, fflat, _ = _neighbor(g, k)
        wk.append(jnp.where(valid, w, 0.0))
        fk.append(fflat)
    fcol16 = lax.broadcasted_iota(jnp.int32, (NPAD, 128), 1) // 16
    x = dT[:, 0, :]
    y = dT[:, 1, :]
    z = dT[:, 2, :]
    sig_cols = []
    s_cols = [[], [], []]
    for ri in range(RPB):
        p = jnp.dot(rows_ref[ri], a_ref[...],
                    preferred_element_type=jnp.float32)
        dr = None
        for k in range(8):
            slab = p[:, k * 128:(k + 1) * 128]
            sel = jnp.where(fk[k][:, ri:ri + 1] == fcol16, slab, 0.0)
            t = sel[:, :64] + sel[:, 64:]
            t = t[:, :32] + t[:, 32:]
            t = t[:, :16] + t[:, 16:]
            term = wk[k][:, ri:ri + 1] * t
            dr = term if dr is None else (dr + term)
        sig_cols.append(dr[:, 12:13])
        for c in range(3):
            sc = (C0_C * dr[:, 4 * c:4 * c + 1]
                  - C1_C * y[:, ri:ri + 1] * dr[:, 4 * c + 1:4 * c + 2]
                  + C1_C * z[:, ri:ri + 1] * dr[:, 4 * c + 2:4 * c + 3]
                  - C1_C * x[:, ri:ri + 1] * dr[:, 4 * c + 3:4 * c + 4])
            s_cols[c].append(sc)
    sigma = jnp.maximum(jnp.concatenate(sig_cols, axis=1), 0.0)
    alpha = 1.0 - jnp.exp(-sigma * STEP_C)
    t = 1.0 - alpha + 1e-10
    s = 1
    while s < NPAD:
        shifted = jnp.concatenate(
            [jnp.ones((s, RPB), jnp.float32), t[: NPAD - s]], axis=0)
        t = t * shifted
        s *= 2
    trans = jnp.concatenate(
        [jnp.ones((1, RPB), jnp.float32), t[: NPAD - 1]], axis=0)
    wgt = alpha * trans
    outs = []
    for c in range(3):
        sc = jnp.concatenate(s_cols[c], axis=1)
        rgb = 1.0 / (1.0 + jnp.exp(-sc))
        outs.append(jnp.sum(wgt * rgb, axis=0, keepdims=True))
    outs.append(jnp.zeros((1, RPB), jnp.float32))
    out_ref[...] = jnp.concatenate(outs, axis=0).reshape(1, 4, RPB)


SC_PIPE = 4


def _sc_gather_body(table_hbm, idx_hbm, out_hbm, idx_v, rows_v, semg, semw):
    wid = lax.axis_index("s") * SC_NC + lax.axis_index("c")
    pltpu.sync_copy(idx_hbm.at[pl.ds(wid * NCHUNK, NCHUNK)], idx_v)

    def body(g, carry):
        base_c = g * SC_PIPE
        cps = [
            pltpu.async_copy(
                table_hbm.at[idx_v.at[base_c + b]], rows_v.at[b], semg)
            for b in range(SC_PIPE)
        ]
        for cp in cps:
            cp.wait()
        wps = [
            pltpu.async_copy(
                rows_v.at[b],
                out_hbm.at[pl.ds(
                    wid * ROWS_PER_W + (base_c + b) * CHUNK, CHUNK)],
                semw)
            for b in range(SC_PIPE)
        ]
        for wp in wps:
            wp.wait()
        return carry

    lax.fori_loop(0, NCHUNK // SC_PIPE, body, 0)


@functools.cache
def _sc_gather():
    return pl.kernel(
        _sc_gather_body,
        mesh=plsc.VectorSubcoreMesh(
            core_axis_name="c", subcore_axis_name="s", num_cores=SC_NC),
        out_type=jax.ShapeDtypeStruct((TOTAL_ROWS, NUM_ATOMS_C), jnp.bfloat16),
        compiler_params=pltpu.CompilerParams(use_tc_tiling_on_sc=False),
        scratch_types=[
            pltpu.VMEM((NCHUNK, CHUNK), jnp.int32),
            pltpu.VMEM((SC_PIPE, CHUNK, NUM_ATOMS_C), jnp.bfloat16),
            pltpu.SemaphoreType.DMA,
            pltpu.SemaphoreType.DMA,
        ],
    )


def kernel(rays_o, rays_d, grid, atoms, grid_id):
    del grid_id
    o3 = rays_o.reshape(NB, 1, 3)
    d3 = rays_d.reshape(NB, 1, 3)

    cflat = pl.pallas_call(
        _prep_body,
        out_shape=jax.ShapeDtypeStruct((NB, 8, NPAD), jnp.int32),
        in_specs=[
            pl.BlockSpec((NB, 1, 3), lambda: (0, 0, 0)),
            pl.BlockSpec((NB, 1, 3), lambda: (0, 0, 0)),
        ],
        out_specs=pl.BlockSpec((NB, 8, NPAD), lambda: (0, 0, 0)),
    )(o3, d3)

    table = grid.reshape(COARSE_C * COARSE_C * COARSE_C,
                         NUM_ATOMS_C).astype(jnp.bfloat16)
    idx2d = cflat.transpose(0, 2, 1).reshape(TOTAL_ROWS // CHUNK, CHUNK)
    rows_flat = _sc_gather()(table, idx2d)
    rows4 = rows_flat.reshape(NB, NPAD, 8 * NUM_ATOMS_C)

    a_flat = atoms.reshape(8, NUM_ATOMS_C, DATA_DIM_C).transpose(1, 0, 2)
    a_all = jnp.zeros((NUM_ATOMS_C, 8, 16), jnp.float32)
    a_all = a_all.at[:, :, :DATA_DIM_C].set(a_flat).reshape(NUM_ATOMS_C, 128)
    eye8 = jnp.eye(8, dtype=jnp.float32)
    a_big = (eye8[:, None, :, None] * a_all[None, :, None, :]).reshape(
        8 * NUM_ATOMS_C, 8 * 128).astype(jnp.bfloat16)

    oT = rays_o.reshape(NB // RPB, RPB, 3).transpose(0, 2, 1)
    dT = rays_d.reshape(NB // RPB, RPB, 3).transpose(0, 2, 1)
    out = pl.pallas_call(
        _combine_body,
        grid=(NB // RPB,),
        out_shape=jax.ShapeDtypeStruct((NB // RPB, 4, RPB), jnp.float32),
        in_specs=[
            pl.BlockSpec((RPB, NPAD, 8 * NUM_ATOMS_C),
                         lambda b: (b, 0, 0)),
            pl.BlockSpec((1, 3, RPB), lambda b: (b, 0, 0)),
            pl.BlockSpec((1, 3, RPB), lambda b: (b, 0, 0)),
            pl.BlockSpec((8 * NUM_ATOMS_C, 8 * 128), lambda b: (0, 0)),
        ],
        out_specs=pl.BlockSpec((1, 4, RPB), lambda b: (b, 0, 0)),
    )(rows4, oT, dT, a_big)

    return out.transpose(0, 2, 1).reshape(NB, 4)[:, :3]

# --- scband reference (transcript-rebuilt; emitter-appended) ---
"""Pipeline reference for scband-dict-plenoxels-84061099917635 (READ-ONLY COPY).

The authoritative reference and input builder live on the scoring server;
editing this copy changes nothing except your own understanding.
"""

import jax, jax.numpy as jnp
import numpy as np
import math

RADIUS = 1.3
COARSE = 64
FINE = 2
NUM_ATOMS = 32
SH_DEG = 1
SH_DIM = (SH_DEG + 1) ** 2
DATA_DIM = SH_DIM * 3 + 1
B = 128
_fine_voxel = (RADIUS * 2.0 / COARSE) / FINE
STEP = _fine_voxel / 2.0
N_INT = int(math.sqrt(3.0) * RADIUS * 2.0 / STEP) - 1
C0 = 0.28209479177387814
C1 = 0.4886025119029199
OFFSETS_3D = jnp.array([[-1,-1,-1],[-1,-1,1],[-1,1,-1],[-1,1,1],[1,-1,-1],[1,-1,1],[1,1,-1],[1,1,1]], dtype=jnp.float32)


def setup_inputs(seed: int = 0):
    key = jax.random.key(seed)
    k1, k2, k3, k4 = jax.random.split(key, 4)
    rays_o = jax.random.normal(k1, (B, 3), dtype=jnp.float32) * 0.5
    rd = jax.random.normal(k2, (B, 3), dtype=jnp.float32)
    rays_d = rd / jnp.linalg.norm(rd, axis=-1, keepdims=True)
    grid = jax.random.normal(k3, (COARSE, COARSE, COARSE, NUM_ATOMS), dtype=jnp.float32) * 0.01
    a_feat = jax.random.uniform(k4, (FINE, FINE, FINE, NUM_ATOMS, DATA_DIM - 1), dtype=jnp.float32)
    atoms = jnp.concatenate([a_feat, jnp.full((FINE, FINE, FINE, NUM_ATOMS, 1), 0.01, dtype=jnp.float32)], axis=-1)
    return {"rays_o": rays_o, "rays_d": rays_d, "grid": grid, "atoms": atoms, "grid_id": 0}


def reference(rays_o, rays_d, grid, atoms, grid_id):
    # sample_proposal
    off_pos = (RADIUS - rays_o) / rays_d
    off_neg = (-RADIUS - rays_o) / rays_d
    off_in = jnp.minimum(off_pos, off_neg)
    start = jnp.max(off_in, axis=-1, keepdims=True)
    steps = jnp.arange(N_INT, dtype=rays_o.dtype)[None, :]
    intersections = start + steps * STEP
    it = intersections[:, :-1]  # [B, N_INT-1]
    pts = rays_o[:, None, :] + it[..., None] * rays_d[:, None, :]  # [B, N_INT-1, 3]
    mask = jnp.all((-RADIUS < pts) & (pts < RADIUS), axis=-1)  # [B, N_INT-1]
    P = pts.reshape(-1, 3)
    mflat = mask.reshape(-1)
    # normalizegrid: world -> 0..coarse*fine
    pts_g = (P + RADIUS) / _fine_voxel
    # get_neighbors
    pre_floor = pts_g[:, None, :] + OFFSETS_3D[None, :, :] / 2.0
    post_floor = jnp.clip(jnp.floor(pre_floor), 0.0, COARSE * FINE - 1)
    dist = jnp.abs(pts_g[:, None, :] - (post_floor + 0.5))  # [P,8,3]
    idx = post_floor.astype(jnp.int32)  # [P,8,3]
    w = jnp.prod(jnp.clip(1.0 - dist, 0.0, None), axis=-1)  # [P,8]
    cidx = idx // FINE
    fidx = idx % FINE
    data = jnp.zeros((P.shape[0], DATA_DIM), dtype=jnp.float32)
    for k in range(8):
        coeff = grid[cidx[:, k, 0], cidx[:, k, 1], cidx[:, k, 2]]  # [P, A]
        atom = atoms[fidx[:, k, 0], fidx[:, k, 1], fidx[:, k, 2]]  # [P, A, D]
        data = data + w[:, k:k + 1] * jnp.einsum('pa,pad->pd', coeff, atom)
    data = jnp.where(mflat[:, None], data, 0.0)
    data = data.reshape(B, N_INT - 1, DATA_DIM)
    sigma = jax.nn.relu(data[..., -1])  # [B, n]
    sh = data[..., :-1].reshape(B, N_INT - 1, 3, SH_DIM)
    x, y, z = rays_d[:, 0], rays_d[:, 1], rays_d[:, 2]
    basis = jnp.stack([C0 * jnp.ones_like(x), -C1 * y, C1 * z, -C1 * x], axis=-1)  # [B, 4]
    rgb = jax.nn.sigmoid(jnp.sum(sh * basis[:, None, None, :], axis=-1))  # [B, n, 3]
    alpha = 1.0 - jnp.exp(-sigma * STEP)
    trans = jnp.cumprod(1.0 - alpha + 1e-10, axis=-1)
    trans = jnp.concatenate([jnp.ones_like(trans[:, :1]), trans[:, :-1]], axis=-1)
    weights = alpha * trans  # [B, n]
    rgb_out = jnp.sum(weights[..., None] * rgb, axis=1)  # [B, 3]
    return rgb_out


if False:  # reference __main__ guard neutralized (emitter)
    out = reference(**setup_inputs())
    print(out.shape, out.dtype)

if __name__ == "__main__":
    import jax
    _d = setup_inputs()
    print(jax.jit(kernel)(*tuple(_d.values())))

</pallas_src>

<mosaic_0001>
#map = affine_map<(d0, d1) -> (0, 0)>
module attributes {stable_mosaic.version = 14 : i64} {
  func.func @_sc_gather_body(%arg0: i32, %arg1: i32, %arg2: memref<262144x32xbf16, #tpu.memory_space<hbm>>, %arg3: memref<896x512xi32, #tpu.memory_space<hbm>>, %arg4: memref<458752x32xbf16, #tpu.memory_space<hbm>>, %arg5: memref<28x512xi32, #tpu.memory_space<vmem>>, %arg6: memref<4x512x32xbf16, #tpu.memory_space<vmem>>, %arg7: memref<!tpu.dma_semaphore, #tpu.memory_space<semaphore_mem>>, %arg8: memref<!tpu.dma_semaphore, #tpu.memory_space<semaphore_mem>>) attributes {dimension_semantics = [#tpu.dimension_semantics<core_parallel>, #tpu.dimension_semantics<subcore_parallel>], iteration_bounds = array<i64: 2, 16>, scalar_prefetch = 0 : i64, scratch_operands = 4 : i64, tpu.core_type = #tpu.core_type<sc_vector_subcore>, window_params = [{transform_indices = #map}, {transform_indices = #map}, {transform_indices = #map}]} {
    %mul3A = arith.constant 2 : i32
    %mul3A_0 = arith.muli %arg1, %mul3A : i32
    %add3A = arith.addi %mul3A_0, %arg0 : i32
    %mul3A_1 = arith.constant 28 : i32
    %mul3A_2 = arith.muli %add3A, %mul3A_1 : i32
    "tpu.region"() ({
      %run_scoped3A = tpu.sem_alloc : memref<!tpu.dma_semaphore, #tpu.memory_space<semaphore_mem>>
      %dma_start3A = arith.constant 0 : i32
      %dma_start3A_8 = tpu.memref_slice %arg3[%mul3A_2, %dma_start3A] : memref<896x512xi32, #tpu.memory_space<hbm>> -> memref<28x512xi32, #tpu.memory_space<hbm>>
      %dma_start3A_9 = arith.constant 0 : i32
      %dma_start3A_10 = tpu.memref_slice %arg3[%mul3A_2, %dma_start3A_9] : memref<896x512xi32, #tpu.memory_space<hbm>> -> memref<28x512xi32, #tpu.memory_space<hbm>>
      tpu.enqueue_dma source(%dma_start3A_10 : memref<28x512xi32, #tpu.memory_space<hbm>>) target(%arg5 : memref<28x512xi32, #tpu.memory_space<vmem>>) target_semaphore(%run_scoped3A : memref<!tpu.dma_semaphore, #tpu.memory_space<semaphore_mem>>)
      %dma_wait3A = arith.constant 0 : i32
      %dma_wait3A_11 = tpu.memref_slice %arg3[%mul3A_2, %dma_wait3A] : memref<896x512xi32, #tpu.memory_space<hbm>> -> memref<28x512xi32, #tpu.memory_space<hbm>>
      %dma_wait3A_12 = arith.constant 0 : i32
      %dma_wait3A_13 = tpu.memref_slice %arg3[%mul3A_2, %dma_wait3A_12] : memref<896x512xi32, #tpu.memory_space<hbm>> -> memref<28x512xi32, #tpu.memory_space<hbm>>
      tpu.wait_dma2 semaphore(%run_scoped3A : memref<!tpu.dma_semaphore, #tpu.memory_space<semaphore_mem>>) src(%dma_wait3A_13 : memref<28x512xi32, #tpu.memory_space<hbm>>) dst(%arg5 : memref<28x512xi32, #tpu.memory_space<vmem>>)
      tpu.yield
    }) : () -> ()
    %scan3A = arith.constant 0 : i32
    %scan3A_3 = arith.constant 0 : i32
    %scan3A_4 = arith.constant 7 : i32
    %scan3A_5 = arith.addi %scan3A_3, %scan3A_4 : i32
    %scan3A_6 = arith.constant 1 : i32
    scf.for %scan3A_8 = %scan3A_3 to %scan3A_5 step %scan3A_6  : i32 {
      %mul3A_9 = arith.constant 4 : i32
      %mul3A_10 = arith.muli %scan3A_8, %mul3A_9 : i32
      %add3A_11 = arith.constant 0 : i32
      %add3A_12 = arith.addi %mul3A_10, %add3A_11 : i32
      %dma_start3A = arith.constant 0 : i32
      %dma_start3A_13 = arith.constant 0 : i32
      %dma_start3A_14 = arith.constant 0 : i32
      %dma_start3A_15 = tpu.memref_slice %arg6[%dma_start3A, %dma_start3A_13, %dma_start3A_14] : memref<4x512x32xbf16, #tpu.memory_space<vmem>> -> memref<1x512x32xbf16, #tpu.memory_space<vmem>>
      %dma_start3A_16 = tpu.memref_squeeze %dma_start3A_15 : memref<1x512x32xbf16, #tpu.memory_space<vmem>> -> memref<512x32xbf16, #tpu.memory_space<vmem>>
      %dma_start3A_17 = arith.constant 0 : i32
      %dma_start3A_18 = tpu.memref_slice %arg5[%add3A_12, %dma_start3A_17] : memref<28x512xi32, #tpu.memory_space<vmem>> -> memref<1x512xi32, #tpu.memory_space<vmem>>
      %dma_start3A_19 = tpu.memref_squeeze %dma_start3A_18 : memref<1x512xi32, #tpu.memory_space<vmem>> -> memref<512xi32, #tpu.memory_space<vmem>>
      %dma_start3A_20 = arith.constant 0 : i32
      %dma_start3A_21 = arith.constant 0 : i32
      %dma_start3A_22 = tpu.memref_slice %arg2[%dma_start3A_20, %dma_start3A_21] : memref<262144x32xbf16, #tpu.memory_space<hbm>> -> memref<262144x32xbf16, #tpu.memory_space<hbm>>
      tpu.enqueue_indirect_dma source(%dma_start3A_22 : memref<262144x32xbf16, #tpu.memory_space<hbm>>) target(%dma_start3A_16 : memref<512x32xbf16, #tpu.memory_space<vmem>>) offsets(%dma_start3A_19 : memref<512xi32, #tpu.memory_space<vmem>>) semaphore(%arg7 : memref<!tpu.dma_semaphore, #tpu.memory_space<semaphore_mem>>)
      %add3A_23 = arith.constant 1 : i32
      %add3A_24 = arith.addi %mul3A_10, %add3A_23 : i32
      %dma_start3A_25 = arith.constant 1 : i32
      %dma_start3A_26 = arith.constant 0 : i32
      %dma_start3A_27 = arith.constant 0 : i32
      %dma_start3A_28 = tpu.memref_slice %arg6[%dma_start3A_25, %dma_start3A_26, %dma_start3A_27] : memref<4x512x32xbf16, #tpu.memory_space<vmem>> -> memref<1x512x32xbf16, #tpu.memory_space<vmem>>
      %dma_start3A_29 = tpu.memref_squeeze %dma_start3A_28 : memref<1x512x32xbf16, #tpu.memory_space<vmem>> -> memref<512x32xbf16, #tpu.memory_space<vmem>>
      %dma_start3A_30 = arith.constant 0 : i32
      %dma_start3A_31 = tpu.memref_slice %arg5[%add3A_24, %dma_start3A_30] : memref<28x512xi32, #tpu.memory_space<vmem>> -> memref<1x512xi32, #tpu.memory_space<vmem>>
      %dma_start3A_32 = tpu.memref_squeeze %dma_start3A_31 : memref<1x512xi32, #tpu.memory_space<vmem>> -> memref<512xi32, #tpu.memory_space<vmem>>
      %dma_start3A_33 = arith.constant 0 : i32
      %dma_start3A_34 = arith.constant 0 : i32
      %dma_start3A_35 = tpu.memref_slice %arg2[%dma_start3A_33, %dma_start3A_34] : memref<262144x32xbf16, #tpu.memory_space<hbm>> -> memref<262144x32xbf16, #tpu.memory_space<hbm>>
      tpu.enqueue_indirect_dma source(%dma_start3A_35 : memref<262144x32xbf16, #tpu.memory_space<hbm>>) target(%dma_start3A_29 : memref<512x32xbf16, #tpu.memory_space<vmem>>) offsets(%dma_start3A_32 : memref<512xi32, #tpu.memory_space<vmem>>) semaphore(%arg7 : memref<!tpu.dma_semaphore, #tpu.memory_space<semaphore_mem>>)
      %add3A_36 = arith.constant 2 : i32
      %add3A_37 = arith.addi %mul3A_10, %add3A_36 : i32
      %dma_start3A_38 = arith.constant 2 : i32
      %dma_start3A_39 = arith.constant 0 : i32
      %dma_start3A_40 = arith.constant 0 : i32
      %dma_start3A_41 = tpu.memref_slice %arg6[%dma_start3A_38, %dma_start3A_39, %dma_start3A_40] : memref<4x512x32xbf16, #tpu.memory_space<vmem>> -> memref<1x512x32xbf16, #tpu.memory_space<vmem>>
      %dma_start3A_42 = tpu.memref_squeeze %dma_start3A_41 : memref<1x512x32xbf16, #tpu.memory_space<vmem>> -> memref<512x32xbf16, #tpu.memory_space<vmem>>
      %dma_start3A_43 = arith.constant 0 : i32
      %dma_start3A_44 = tpu.memref_slice %arg5[%add3A_37, %dma_start3A_43] : memref<28x512xi32, #tpu.memory_space<vmem>> -> memref<1x512xi32, #tpu.memory_space<vmem>>
      %dma_start3A_45 = tpu.memref_squeeze %dma_start3A_44 : memref<1x512xi32, #tpu.memory_space<vmem>> -> memref<512xi32, #tpu.memory_space<vmem>>
      %dma_start3A_46 = arith.constant 0 : i32
      %dma_start3A_47 = arith.constant 0 : i32
      %dma_start3A_48 = tpu.memref_slice %arg2[%dma_start3A_46, %dma_start3A_47] : memref<262144x32xbf16, #tpu.memory_space<hbm>> -> memref<262144x32xbf16, #tpu.memory_space<hbm>>
      tpu.enqueue_indirect_dma source(%dma_start3A_48 : memref<262144x32xbf16, #tpu.memory_space<hbm>>) target(%dma_start3A_42 : memref<512x32xbf16, #tpu.memory_space<vmem>>) offsets(%dma_start3A_45 : memref<512xi32, #tpu.memory_space<vmem>>) semaphore(%arg7 : memref<!tpu.dma_semaphore, #tpu.memory_space<semaphore_mem>>)
      %add3A_49 = arith.constant 3 : i32
      %add3A_50 = arith.addi %mul3A_10, %add3A_49 : i32
      %dma_start3A_51 = arith.constant 3 : i32
      %dma_start3A_52 = arith.constant 0 : i32
      %dma_start3A_53 = arith.constant 0 : i32
      %dma_start3A_54 = tpu.memref_slice %arg6[%dma_start3A_51, %dma_start3A_52, %dma_start3A_53] : memref<4x512x32xbf16, #tpu.memory_space<vmem>> -> memref<1x512x32xbf16, #tpu.memory_space<vmem>>
      %dma_start3A_55 = tpu.memref_squeeze %dma_start3A_54 : memref<1x512x32xbf16, #tpu.memory_space<vmem>> -> memref<512x32xbf16, #tpu.memory_space<vmem>>
      %dma_start3A_56 = arith.constant 0 : i32
      %dma_start3A_57 = tpu.memref_slice %arg5[%add3A_50, %dma_start3A_56] : memref<28x512xi32, #tpu.memory_space<vmem>> -> memref<1x512xi32, #tpu.memory_space<vmem>>
      %dma_start3A_58 = tpu.memref_squeeze %dma_start3A_57 : memref<1x512xi32, #tpu.memory_space<vmem>> -> memref<512xi32, #tpu.memory_space<vmem>>
      %dma_start3A_59 = arith.constant 0 : i32
      %dma_start3A_60 = arith.constant 0 : i32
      %dma_start3A_61 = tpu.memref_slice %arg2[%dma_start3A_59, %dma_start3A_60] : memref<262144x32xbf16, #tpu.memory_space<hbm>> -> memref<262144x32xbf16, #tpu.memory_space<hbm>>
      tpu.enqueue_indirect_dma source(%dma_start3A_61 : memref<262144x32xbf16, #tpu.memory_space<hbm>>) target(%dma_start3A_55 : memref<512x32xbf16, #tpu.memory_space<vmem>>) offsets(%dma_start3A_58 : memref<512xi32, #tpu.memory_space<vmem>>) semaphore(%arg7 : memref<!tpu.dma_semaphore, #tpu.memory_space<semaphore_mem>>)
      %dma_wait3A = arith.constant 0 : i32
      %dma_wait3A_62 = arith.constant 0 : i32
      %dma_wait3A_63 = arith.constant 0 : i32
      %dma_wait3A_64 = tpu.memref_slice %arg6[%dma_wait3A, %dma_wait3A_62, %dma_wait3A_63] : memref<4x512x32xbf16, #tpu.memory_space<vmem>> -> memref<1x512x32xbf16, #tpu.memory_space<vmem>>
      %dma_wait3A_65 = tpu.memref_squeeze %dma_wait3A_64 : memref<1x512x32xbf16, #tpu.memory_space<vmem>> -> memref<512x32xbf16, #tpu.memory_space<vmem>>
      %dma_wait3A_66 = arith.constant 0 : i32
      %dma_wait3A_67 = tpu.memref_slice %arg5[%add3A_12, %dma_wait3A_66] : memref<28x512xi32, #tpu.memory_space<vmem>> -> memref<1x512xi32, #tpu.memory_space<vmem>>
      %dma_wait3A_68 = tpu.memref_squeeze %dma_wait3A_67 : memref<1x512xi32, #tpu.memory_space<vmem>> -> memref<512xi32, #tpu.memory_space<vmem>>
      %dma_wait3A_69 = arith.constant 0 : i32
      %dma_wait3A_70 = arith.constant 0 : i32
      %dma_wait3A_71 = tpu.memref_slice %arg2[%dma_wait3A_69, %dma_wait3A_70] : memref<262144x32xbf16, #tpu.memory_space<hbm>> -> memref<262144x32xbf16, #tpu.memory_space<hbm>>
      tpu.wait_indirect_dma semaphore(%arg7 : memref<!tpu.dma_semaphore, #tpu.memory_space<semaphore_mem>>) src(%dma_wait3A_71 : memref<262144x32xbf16, #tpu.memory_space<hbm>>) dst(%dma_wait3A_65 : memref<512x32xbf16, #tpu.memory_space<vmem>>)
      %dma_wait3A_72 = arith.constant 1 : i32
      %dma_wait3A_73 = arith.constant 0 : i32
      %dma_wait3A_74 = arith.constant 0 : i32
      %dma_wait3A_75 = tpu.memref_slice %arg6[%dma_wait3A_72, %dma_wait3A_73, %dma_wait3A_74] : memref<4x512x32xbf16, #tpu.memory_space<vmem>> -> memref<1x512x32xbf16, #tpu.memory_space<vmem>>
      %dma_wait3A_76 = tpu.memref_squeeze %dma_wait3A_75 : memref<1x512x32xbf16, #tpu.memory_space<vmem>> -> memref<512x32xbf16, #tpu.memory_space<vmem>>
      %dma_wait3A_77 = arith.constant 0 : i32
      %dma_wait3A_78 = tpu.memref_slice %arg5[%add3A_24, %dma_wait3A_77] : memref<28x512xi32, #tpu.memory_space<vmem>> -> memref<1x512xi32, #tpu.memory_space<vmem>>
      %dma_wait3A_79 = tpu.memref_squeeze %dma_wait3A_78 : memref<1x512xi32, #tpu.memory_space<vmem>> -> memref<512xi32, #tpu.memory_space<vmem>>
      %dma_wait3A_80 = arith.constant 0 : i32
      %dma_wait3A_81 = arith.constant 0 : i32
      %dma_wait3A_82 = tpu.memref_slice %arg2[%dma_wait3A_80, %dma_wait3A_81] : memref<262144x32xbf16, #tpu.memory_space<hbm>> -> memref<262144x32xbf16, #tpu.memory_space<hbm>>
      tpu.wait_indirect_dma semaphore(%arg7 : memref<!tpu.dma_semaphore, #tpu.memory_space<semaphore_mem>>) src(%dma_wait3A_82 : memref<262144x32xbf16, #tpu.memory_space<hbm>>) dst(%dma_wait3A_76 : memref<512x32xbf16, #tpu.memory_space<vmem>>)
      %dma_wait3A_83 = arith.constant 2 : i32
      %dma_wait3A_84 = arith.constant 0 : i32
      %dma_wait3A_85 = arith.constant 0 : i32
      %dma_wait3A_86 = tpu.memref_slice %arg6[%dma_wait3A_83, %dma_wait3A_84, %dma_wait3A_85] : memref<4x512x32xbf16, #tpu.memory_space<vmem>> -> memref<1x512x32xbf16, #tpu.memory_space<vmem>>
      %dma_wait3A_87 = tpu.memref_squeeze %dma_wait3A_86 : memref<1x512x32xbf16, #tpu.memory_space<vmem>> -> memref<512x32xbf16, #tpu.memory_space<vmem>>
      %dma_wait3A_88 = arith.constant 0 : i32
      %dma_wait3A_89 = tpu.memref_slice %arg5[%add3A_37, %dma_wait3A_88] : memref<28x512xi32, #tpu.memory_space<vmem>> -> memref<1x512xi32, #tpu.memory_space<vmem>>
      %dma_wait3A_90 = tpu.memref_squeeze %dma_wait3A_89 : memref<1x512xi32, #tpu.memory_space<vmem>> -> memref<512xi32, #tpu.memory_space<vmem>>
      %dma_wait3A_91 = arith.constant 0 : i32
      %dma_wait3A_92 = arith.constant 0 : i32
      %dma_wait3A_93 = tpu.memref_slice %arg2[%dma_wait3A_91, %dma_wait3A_92] : memref<262144x32xbf16, #tpu.memory_space<hbm>> -> memref<262144x32xbf16, #tpu.memory_space<hbm>>
      tpu.wait_indirect_dma semaphore(%arg7 : memref<!tpu.dma_semaphore, #tpu.memory_space<semaphore_mem>>) src(%dma_wait3A_93 : memref<262144x32xbf16, #tpu.memory_space<hbm>>) dst(%dma_wait3A_87 : memref<512x32xbf16, #tpu.memory_space<vmem>>)
      %dma_wait3A_94 = arith.constant 3 : i32
      %dma_wait3A_95 = arith.constant 0 : i32
      %dma_wait3A_96 = arith.constant 0 : i32
      %dma_wait3A_97 = tpu.memref_slice %arg6[%dma_wait3A_94, %dma_wait3A_95, %dma_wait3A_96] : memref<4x512x32xbf16, #tpu.memory_space<vmem>> -> memref<1x512x32xbf16, #tpu.memory_space<vmem>>
      %dma_wait3A_98 = tpu.memref_squeeze %dma_wait3A_97 : memref<1x512x32xbf16, #tpu.memory_space<vmem>> -> memref<512x32xbf16, #tpu.memory_space<vmem>>
      %dma_wait3A_99 = arith.constant 0 : i32
      %dma_wait3A_100 = tpu.memref_slice %arg5[%add3A_50, %dma_wait3A_99] : memref<28x512xi32, #tpu.memory_space<vmem>> -> memref<1x512xi32, #tpu.memory_space<vmem>>
      %dma_wait3A_101 = tpu.memref_squeeze %dma_wait3A_100 : memref<1x512xi32, #tpu.memory_space<vmem>> -> memref<512xi32, #tpu.memory_space<vmem>>
      %dma_wait3A_102 = arith.constant 0 : i32
      %dma_wait3A_103 = arith.constant 0 : i32
      %dma_wait3A_104 = tpu.memref_slice %arg2[%dma_wait3A_102, %dma_wait3A_103] : memref<262144x32xbf16, #tpu.memory_space<hbm>> -> memref<262144x32xbf16, #tpu.memory_space<hbm>>
      tpu.wait_indirect_dma semaphore(%arg7 : memref<!tpu.dma_semaphore, #tpu.memory_space<semaphore_mem>>) src(%dma_wait3A_104 : memref<262144x32xbf16, #tpu.memory_space<hbm>>) dst(%dma_wait3A_98 : memref<512x32xbf16, #tpu.memory_space<vmem>>)
      %mul3A_105 = arith.constant 14336 : i32
      %mul3A_106 = arith.muli %add3A, %mul3A_105 : i32
      %add3A_107 = arith.constant 0 : i32
      %add3A_108 = arith.addi %mul3A_10, %add3A_107 : i32
      %mul3A_109 = arith.constant 512 : i32
      %mul3A_110 = arith.muli %add3A_108, %mul3A_109 : i32
      %add3A_111 = arith.addi %mul3A_106, %mul3A_110 : i32
      %dma_start3A_112 = arith.constant 0 : i32
      %dma_start3A_113 = arith.constant 0 : i32
      %dma_start3A_114 = arith.constant 0 : i32
      %dma_start3A_115 = tpu.memref_slice %arg6[%dma_start3A_112, %dma_start3A_113, %dma_start3A_114] : memref<4x512x32xbf16, #tpu.memory_space<vmem>> -> memref<1x512x32xbf16, #tpu.memory_space<vmem>>
      %dma_start3A_116 = tpu.memref_squeeze %dma_start3A_115 : memref<1x512x32xbf16, #tpu.memory_space<vmem>> -> memref<512x32xbf16, #tpu.memory_space<vmem>>
      %dma_start3A_117 = arith.constant 0 : i32
      %dma_start3A_118 = tpu.memref_slice %arg4[%add3A_111, %dma_start3A_117] : memref<458752x32xbf16, #tpu.memory_space<hbm>> -> memref<512x32xbf16, #tpu.memory_space<hbm>>
      %dma_start3A_119 = arith.constant 0 : i32
      %dma_start3A_120 = tpu.memref_slice %arg4[%add3A_111, %dma_start3A_119] : memref<458752x32xbf16, #tpu.memory_space<hbm>> -> memref<512x32xbf16, #tpu.memory_space<hbm>>
      %dma_start3A_121 = arith.constant 0 : i32
      %dma_start3A_122 = arith.constant 0 : i32
      %dma_start3A_123 = tpu.memref_slice %arg6[%dma_start3A_112, %dma_start3A_121, %dma_start3A_122] : memref<4x512x32xbf16, #tpu.memory_space<vmem>> -> memref<1x512x32xbf16, #tpu.memory_space<vmem>>
      %dma_start3A_124 = tpu.memref_squeeze %dma_start3A_123 : memref<1x512x32xbf16, #tpu.memory_space<vmem>> -> memref<512x32xbf16, #tpu.memory_space<vmem>>
      tpu.enqueue_dma source(%dma_start3A_124 : memref<512x32xbf16, #tpu.memory_space<vmem>>) target(%dma_start3A_120 : memref<512x32xbf16, #tpu.memory_space<hbm>>) target_semaphore(%arg8 : memref<!tpu.dma_semaphore, #tpu.memory_space<semaphore_mem>>)
      %mul3A_125 = arith.constant 14336 : i32
      %mul3A_126 = arith.muli %add3A, %mul3A_125 : i32
      %add3A_127 = arith.constant 1 : i32
      %add3A_128 = arith.addi %mul3A_10, %add3A_127 : i32
      %mul3A_129 = arith.constant 512 : i32
      %mul3A_130 = arith.muli %add3A_128, %mul3A_129 : i32
      %add3A_131 = arith.addi %mul3A_126, %mul3A_130 : i32
      %dma_start3A_132 = arith.constant 1 : i32
      %dma_start3A_133 = arith.constant 0 : i32
      %dma_start3A_134 = arith.constant 0 : i32
      %dma_start3A_135 = tpu.memref_slice %arg6[%dma_start3A_132, %dma_start3A_133, %dma_start3A_134] : memref<4x512x32xbf16, #tpu.memory_space<vmem>> -> memref<1x512x32xbf16, #tpu.memory_space<vmem>>
      %dma_start3A_136 = tpu.memref_squeeze %dma_start3A_135 : memref<1x512x32xbf16, #tpu.memory_space<vmem>> -> memref<512x32xbf16, #tpu.memory_space<vmem>>
      %dma_start3A_137 = arith.constant 0 : i32
      %dma_start3A_138 = tpu.memref_slice %arg4[%add3A_131, %dma_start3A_137] : memref<458752x32xbf16, #tpu.memory_space<hbm>> -> memref<512x32xbf16, #tpu.memory_space<hbm>>
      %dma_start3A_139 = arith.constant 0 : i32
      %dma_start3A_140 = tpu.memref_slice %arg4[%add3A_131, %dma_start3A_139] : memref<458752x32xbf16, #tpu.memory_space<hbm>> -> memref<512x32xbf16, #tpu.memory_space<hbm>>
      %dma_start3A_141 = arith.constant 0 : i32
      %dma_start3A_142 = arith.constant 0 : i32
      %dma_start3A_143 = tpu.memref_slice %arg6[%dma_start3A_132, %dma_start3A_141, %dma_start3A_142] : memref<4x512x32xbf16, #tpu.memory_space<vmem>> -> memref<1x512x32xbf16, #tpu.memory_space<vmem>>
      %dma_start3A_144 = tpu.memref_squeeze %dma_start3A_143 : memref<1x512x32xbf16, #tpu.memory_space<vmem>> -> memref<512x32xbf16, #tpu.memory_space<vmem>>
      tpu.enqueue_dma source(%dma_start3A_144 : memref<512x32xbf16, #tpu.memory_space<vmem>>) target(%dma_start3A_140 : memref<512x32xbf16, #tpu.memory_space<hbm>>) target_semaphore(%arg8 : memref<!tpu.dma_semaphore, #tpu.memory_space<semaphore_mem>>)
      %mul3A_145 = arith.constant 14336 : i32
      %mul3A_146 = arith.muli %add3A, %mul3A_145 : i32
      %add3A_147 = arith.constant 2 : i32
      %add3A_148 = arith.addi %mul3A_10, %add3A_147 : i32
      %mul3A_149 = arith.constant 512 : i32
      %mul3A_150 = arith.muli %add3A_148, %mul3A_149 : i32
      %add3A_151 = arith.addi %mul3A_146, %mul3A_150 : i32
      %dma_start3A_152 = arith.constant 2 : i32
      %dma_start3A_153 = arith.constant 0 : i32
      %dma_start3A_154 = arith.constant 0 : i32
      %dma_start3A_155 = tpu.memref_slice %arg6[%dma_start3A_152, %dma_start3A_153, %dma_start3A_154] : memref<4x512x32xbf16, #tpu.memory_space<vmem>> -> memref<1x512x32xbf16, #tpu.memory_space<vmem>>
      %dma_start3A_156 = tpu.memref_squeeze %dma_start3A_155 : memref<1x512x32xbf16, #tpu.memory_space<vmem>> -> memref<512x32xbf16, #tpu.memory_space<vmem>>
      %dma_start3A_157 = arith.constant 0 : i32
      %dma_start3A_158 = tpu.memref_slice %arg4[%add3A_151, %dma_start3A_157] : memref<458752x32xbf16, #tpu.memory_space<hbm>> -> memref<512x32xbf16, #tpu.memory_space<hbm>>
      %dma_start3A_159 = arith.constant 0 : i32
      %dma_start3A_160 = tpu.memref_slice %arg4[%add3A_151, %dma_start3A_159] : memref<458752x32xbf16, #tpu.memory_space<hbm>> -> memref<512x32xbf16, #tpu.memory_space<hbm>>
      %dma_start3A_161 = arith.constant 0 : i32
      %dma_start3A_162 = arith.constant 0 : i32
      %dma_start3A_163 = tpu.memref_slice %arg6[%dma_start3A_152, %dma_start3A_161, %dma_start3A_162] : memref<4x512x32xbf16, #tpu.memory_space<vmem>> -> memref<1x512x32xbf16, #tpu.memory_space<vmem>>
      %dma_start3A_164 = tpu.memref_squeeze %dma_start3A_163 : memref<1x512x32xbf16, #tpu.memory_space<vmem>> -> memref<512x32xbf16, #tpu.memory_space<vmem>>
      tpu.enqueue_dma source(%dma_start3A_164 : memref<512x32xbf16, #tpu.memory_space<vmem>>) target(%dma_start3A_160 : memref<512x32xbf16, #tpu.memory_space<hbm>>) target_semaphore(%arg8 : memref<!tpu.dma_semaphore, #tpu.memory_space<semaphore_mem>>)
      %mul3A_165 = arith.constant 14336 : i32
      %mul3A_166 = arith.muli %add3A, %mul3A_165 : i32
      %add3A_167 = arith.constant 3 : i32
      %add3A_168 = arith.addi %mul3A_10, %add3A_167 : i32
      %mul3A_169 = arith.constant 512 : i32
      %mul3A_170 = arith.muli %add3A_168, %mul3A_169 : i32
      %add3A_171 = arith.addi %mul3A_166, %mul3A_170 : i32
      %dma_start3A_172 = arith.constant 3 : i32
      %dma_start3A_173 = arith.constant 0 : i32
      %dma_start3A_174 = arith.constant 0 : i32
      %dma_start3A_175 = tpu.memref_slice %arg6[%dma_start3A_172, %dma_start3A_173, %dma_start3A_174] : memref<4x512x32xbf16, #tpu.memory_space<vmem>> -> memref<1x512x32xbf16, #tpu.memory_space<vmem>>
      %dma_start3A_176 = tpu.memref_squeeze %dma_start3A_175 : memref<1x512x32xbf16, #tpu.memory_space<vmem>> -> memref<512x32xbf16, #tpu.memory_space<vmem>>
      %dma_start3A_177 = arith.constant 0 : i32
      %dma_start3A_178 = tpu.memref_slice %arg4[%add3A_171, %dma_start3A_177] : memref<458752x32xbf16, #tpu.memory_space<hbm>> -> memref<512x32xbf16, #tpu.memory_space<hbm>>
      %dma_start3A_179 = arith.constant 0 : i32
      %dma_start3A_180 = tpu.memref_slice %arg4[%add3A_171, %dma_start3A_179] : memref<458752x32xbf16, #tpu.memory_space<hbm>> -> memref<512x32xbf16, #tpu.memory_space<hbm>>
      %dma_start3A_181 = arith.constant 0 : i32
      %dma_start3A_182 = arith.constant 0 : i32
      %dma_start3A_183 = tpu.memref_slice %arg6[%dma_start3A_172, %dma_start3A_181, %dma_start3A_182] : memref<4x512x32xbf16, #tpu.memory_space<vmem>> -> memref<1x512x32xbf16, #tpu.memory_space<vmem>>
      %dma_start3A_184 = tpu.memref_squeeze %dma_start3A_183 : memref<1x512x32xbf16, #tpu.memory_space<vmem>> -> memref<512x32xbf16, #tpu.memory_space<vmem>>
      tpu.enqueue_dma source(%dma_start3A_184 : memref<512x32xbf16, #tpu.memory_space<vmem>>) target(%dma_start3A_180 : memref<512x32xbf16, #tpu.memory_space<hbm>>) target_semaphore(%arg8 : memref<!tpu.dma_semaphore, #tpu.memory_space<semaphore_mem>>)
      %dma_wait3A_185 = arith.constant 0 : i32
      %dma_wait3A_186 = arith.constant 0 : i32
      %dma_wait3A_187 = arith.constant 0 : i32
      %dma_wait3A_188 = tpu.memref_slice %arg6[%dma_wait3A_185, %dma_wait3A_186, %dma_wait3A_187] : memref<4x512x32xbf16, #tpu.memory_space<vmem>> -> memref<1x512x32xbf16, #tpu.memory_space<vmem>>
      %dma_wait3A_189 = tpu.memref_squeeze %dma_wait3A_188 : memref<1x512x32xbf16, #tpu.memory_space<vmem>> -> memref<512x32xbf16, #tpu.memory_space<vmem>>
      %dma_wait3A_190 = arith.constant 0 : i32
      %dma_wait3A_191 = tpu.memref_slice %arg4[%add3A_111, %dma_wait3A_190] : memref<458752x32xbf16, #tpu.memory_space<hbm>> -> memref<512x32xbf16, #tpu.memory_space<hbm>>
      %dma_wait3A_192 = arith.constant 0 : i32
      %dma_wait3A_193 = tpu.memref_slice %arg4[%add3A_111, %dma_wait3A_192] : memref<458752x32xbf16, #tpu.memory_space<hbm>> -> memref<512x32xbf16, #tpu.memory_space<hbm>>
      %dma_wait3A_194 = arith.constant 0 : i32
      %dma_wait3A_195 = arith.constant 0 : i32
      %dma_wait3A_196 = tpu.memref_slice %arg6[%dma_wait3A_185, %dma_wait3A_194, %dma_wait3A_195] : memref<4x512x32xbf16, #tpu.memory_space<vmem>> -> memref<1x512x32xbf16, #tpu.memory_space<vmem>>
      %dma_wait3A_197 = tpu.memref_squeeze %dma_wait3A_196 : memref<1x512x32xbf16, #tpu.memory_space<vmem>> -> memref<512x32xbf16, #tpu.memory_space<vmem>>
      tpu.wait_dma2 semaphore(%arg8 : memref<!tpu.dma_semaphore, #tpu.memory_space<semaphore_mem>>) src(%dma_wait3A_197 : memref<512x32xbf16, #tpu.memory_space<vmem>>) dst(%dma_wait3A_193 : memref<512x32xbf16, #tpu.memory_space<hbm>>)
      %dma_wait3A_198 = arith.constant 1 : i32
      %dma_wait3A_199 = arith.constant 0 : i32
      %dma_wait3A_200 = arith.constant 0 : i32
      %dma_wait3A_201 = tpu.memref_slice %arg6[%dma_wait3A_198, %dma_wait3A_199, %dma_wait3A_200] : memref<4x512x32xbf16, #tpu.memory_space<vmem>> -> memref<1x512x32xbf16, #tpu.memory_space<vmem>>
      %dma_wait3A_202 = tpu.memref_squeeze %dma_wait3A_201 : memref<1x512x32xbf16, #tpu.memory_space<vmem>> -> memref<512x32xbf16, #tpu.memory_space<vmem>>
      %dma_wait3A_203 = arith.constant 0 : i32
      %dma_wait3A_204 = tpu.memref_slice %arg4[%add3A_131, %dma_wait3A_203] : memref<458752x32xbf16, #tpu.memory_space<hbm>> -> memref<512x32xbf16, #tpu.memory_space<hbm>>
      %dma_wait3A_205 = arith.constant 0 : i32
      %dma_wait3A_206 = tpu.memref_slice %arg4[%add3A_131, %dma_wait3A_205] : memref<458752x32xbf16, #tpu.memory_space<hbm>> -> memref<512x32xbf16, #tpu.memory_space<hbm>>
      %dma_wait3A_207 = arith.constant 0 : i32
      %dma_wait3A_208 = arith.constant 0 : i32
      %dma_wait3A_209 = tpu.memref_slice %arg6[%dma_wait3A_198, %dma_wait3A_207, %dma_wait3A_208] : memref<4x512x32xbf16, #tpu.memory_space<vmem>> -> memref<1x512x32xbf16, #tpu.memory_space<vmem>>
      %dma_wait3A_210 = tpu.memref_squeeze %dma_wait3A_209 : memref<1x512x32xbf16, #tpu.memory_space<vmem>> -> memref<512x32xbf16, #tpu.memory_space<vmem>>
      tpu.wait_dma2 semaphore(%arg8 : memref<!tpu.dma_semaphore, #tpu.memory_space<semaphore_mem>>) src(%dma_wait3A_210 : memref<512x32xbf16, #tpu.memory_space<vmem>>) dst(%dma_wait3A_206 : memref<512x32xbf16, #tpu.memory_space<hbm>>)
      %dma_wait3A_211 = arith.constant 2 : i32
      %dma_wait3A_212 = arith.constant 0 : i32
      %dma_wait3A_213 = arith.constant 0 : i32
      %dma_wait3A_214 = tpu.memref_slice %arg6[%dma_wait3A_211, %dma_wait3A_212, %dma_wait3A_213] : memref<4x512x32xbf16, #tpu.memory_space<vmem>> -> memref<1x512x32xbf16, #tpu.memory_space<vmem>>
      %dma_wait3A_215 = tpu.memref_squeeze %dma_wait3A_214 : memref<1x512x32xbf16, #tpu.memory_space<vmem>> -> memref<512x32xbf16, #tpu.memory_space<vmem>>
      %dma_wait3A_216 = arith.constant 0 : i32
      %dma_wait3A_217 = tpu.memref_slice %arg4[%add3A_151, %dma_wait3A_216] : memref<458752x32xbf16, #tpu.memory_space<hbm>> -> memref<512x32xbf16, #tpu.memory_space<hbm>>
      %dma_wait3A_218 = arith.constant 0 : i32
      %dma_wait3A_219 = tpu.memref_slice %arg4[%add3A_151, %dma_wait3A_218] : memref<458752x32xbf16, #tpu.memory_space<hbm>> -> memref<512x32xbf16, #tpu.memory_space<hbm>>
      %dma_wait3A_220 = arith.constant 0 : i32
      %dma_wait3A_221 = arith.constant 0 : i32
      %dma_wait3A_222 = tpu.memref_slice %arg6[%dma_wait3A_211, %dma_wait3A_220, %dma_wait3A_221] : memref<4x512x32xbf16, #tpu.memory_space<vmem>> -> memref<1x512x32xbf16, #tpu.memory_space<vmem>>
      %dma_wait3A_223 = tpu.memref_squeeze %dma_wait3A_222 : memref<1x512x32xbf16, #tpu.memory_space<vmem>> -> memref<512x32xbf16, #tpu.memory_space<vmem>>
      tpu.wait_dma2 semaphore(%arg8 : memref<!tpu.dma_semaphore, #tpu.memory_space<semaphore_mem>>) src(%dma_wait3A_223 : memref<512x32xbf16, #tpu.memory_space<vmem>>) dst(%dma_wait3A_219 : memref<512x32xbf16, #tpu.memory_space<hbm>>)
      %dma_wait3A_224 = arith.constant 3 : i32
      %dma_wait3A_225 = arith.constant 0 : i32
      %dma_wait3A_226 = arith.constant 0 : i32
      %dma_wait3A_227 = tpu.memref_slice %arg6[%dma_wait3A_224, %dma_wait3A_225, %dma_wait3A_226] : memref<4x512x32xbf16, #tpu.memory_space<vmem>> -> memref<1x512x32xbf16, #tpu.memory_space<vmem>>
      %dma_wait3A_228 = tpu.memref_squeeze %dma_wait3A_227 : memref<1x512x32xbf16, #tpu.memory_space<vmem>> -> memref<512x32xbf16, #tpu.memory_space<vmem>>
      %dma_wait3A_229 = arith.constant 0 : i32
      %dma_wait3A_230 = tpu.memref_slice %arg4[%add3A_171, %dma_wait3A_229] : memref<458752x32xbf16, #tpu.memory_space<hbm>> -> memref<512x32xbf16, #tpu.memory_space<hbm>>
      %dma_wait3A_231 = arith.constant 0 : i32
      %dma_wait3A_232 = tpu.memref_slice %arg4[%add3A_171, %dma_wait3A_231] : memref<458752x32xbf16, #tpu.memory_space<hbm>> -> memref<512x32xbf16, #tpu.memory_space<hbm>>
      %dma_wait3A_233 = arith.constant 0 : i32
      %dma_wait3A_234 = arith.constant 0 : i32
      %dma_wait3A_235 = tpu.memref_slice %arg6[%dma_wait3A_224, %dma_wait3A_233, %dma_wait3A_234] : memref<4x512x32xbf16, #tpu.memory_space<vmem>> -> memref<1x512x32xbf16, #tpu.memory_space<vmem>>
      %dma_wait3A_236 = tpu.memref_squeeze %dma_wait3A_235 : memref<1x512x32xbf16, #tpu.memory_space<vmem>> -> memref<512x32xbf16, #tpu.memory_space<vmem>>
      tpu.wait_dma2 semaphore(%arg8 : memref<!tpu.dma_semaphore, #tpu.memory_space<semaphore_mem>>) src(%dma_wait3A_236 : memref<512x32xbf16, #tpu.memory_space<vmem>>) dst(%dma_wait3A_232 : memref<512x32xbf16, #tpu.memory_space<hbm>>)
    }
    %scan3A_7 = arith.constant 7 : i32
    return
  }
}

module attributes {stable_mosaic.version = 14 : i64} {
  func.func @_prep_body(%arg0: memref<128x1x3xf32, #tpu.memory_space<vmem>>, %arg1: memref<128x1x3xf32, #tpu.memory_space<vmem>>, %arg2: memref<128x8x448xi32, #tpu.memory_space<vmem>>) attributes {dimension_semantics = [], scalar_prefetch = 0 : i64, scratch_operands = 0 : i64, tpu.core_type = #tpu.core_type<tc>} {
    %get3A = arith.constant 0 : index
    %get3A_0 = arith.constant 0 : index
    %get3A_1 = arith.constant 0 : index
    %get3A_2 = vector.load %arg0[%get3A, %get3A_0, %get3A_1] : memref<128x1x3xf32, #tpu.memory_space<vmem>>, vector<128x1x3xf32>
    %reshape3A = vector.shape_cast %get3A_2 : vector<128x1x3xf32> to vector<128x3xf32>
    %get3A_3 = arith.constant 0 : index
    %get3A_4 = arith.constant 0 : index
    %get3A_5 = arith.constant 0 : index
    %get3A_6 = vector.load %arg1[%get3A_3, %get3A_4, %get3A_5] : memref<128x1x3xf32, #tpu.memory_space<vmem>>, vector<128x1x3xf32>
    %reshape3A_7 = vector.shape_cast %get3A_6 : vector<128x1x3xf32> to vector<128x3xf32>
    %iota3A = tpu.iota {dimensions = array<i32: 1>} : vector<128x448xi32>
    %convert_element_type3A = arith.sitofp %iota3A : vector<128x448xi32> to vector<128x448xf32>
    %slice3A = vector.extract_strided_slice %reshape3A {offsets = [0, 0], sizes = [128, 1], strides = [1, 1]} : vector<128x3xf32> to vector<128x1xf32>
    %slice3A_8 = vector.extract_strided_slice %reshape3A_7 {offsets = [0, 0], sizes = [128, 1], strides = [1, 1]} : vector<128x3xf32> to vector<128x1xf32>
    %sub3A = arith.constant 1.300000e+00 : f32
    %sub3A_9 = vector.broadcast %sub3A : f32 to vector<128x1xf32>
    %sub3A_10 = arith.subf %sub3A_9, %slice3A : vector<128x1xf32>
    %div3A = arith.divf %sub3A_10, %slice3A_8 : vector<128x1xf32>
    %sub3A_11 = arith.constant -1.300000e+00 : f32
    %sub3A_12 = vector.broadcast %sub3A_11 : f32 to vector<128x1xf32>
    %sub3A_13 = arith.subf %sub3A_12, %slice3A : vector<128x1xf32>
    %div3A_14 = arith.divf %sub3A_13, %slice3A_8 : vector<128x1xf32>
    %min3A = arith.minimumf %div3A, %div3A_14 : vector<128x1xf32>
    %slice3A_15 = vector.extract_strided_slice %reshape3A {offsets = [0, 1], sizes = [128, 1], strides = [1, 1]} : vector<128x3xf32> to vector<128x1xf32>
    %slice3A_16 = vector.extract_strided_slice %reshape3A_7 {offsets = [0, 1], sizes = [128, 1], strides = [1, 1]} : vector<128x3xf32> to vector<128x1xf32>
    %sub3A_17 = arith.constant 1.300000e+00 : f32
    %sub3A_18 = vector.broadcast %sub3A_17 : f32 to vector<128x1xf32>
    %sub3A_19 = arith.subf %sub3A_18, %slice3A_15 : vector<128x1xf32>
    %div3A_20 = arith.divf %sub3A_19, %slice3A_16 : vector<128x1xf32>
    %sub3A_21 = arith.constant -1.300000e+00 : f32
    %sub3A_22 = vector.broadcast %sub3A_21 : f32 to vector<128x1xf32>
    %sub3A_23 = arith.subf %sub3A_22, %slice3A_15 : vector<128x1xf32>
    %div3A_24 = arith.divf %sub3A_23, %slice3A_16 : vector<128x1xf32>
    %min3A_25 = arith.minimumf %div3A_20, %div3A_24 : vector<128x1xf32>
    %max3A = arith.maximumf %min3A, %min3A_25 : vector<128x1xf32>
    %slice3A_26 = vector.extract_strided_slice %reshape3A {offsets = [0, 2], sizes = [128, 1], strides = [1, 1]} : vector<128x3xf32> to vector<128x1xf32>
    %slice3A_27 = vector.extract_strided_slice %reshape3A_7 {offsets = [0, 2], sizes = [128, 1], strides = [1, 1]} : vector<128x3xf32> to vector<128x1xf32>
    %sub3A_28 = arith.constant 1.300000e+00 : f32
    %sub3A_29 = vector.broadcast %sub3A_28 : f32 to vector<128x1xf32>
    %sub3A_30 = arith.subf %sub3A_29, %slice3A_26 : vector<128x1xf32>
    %div3A_31 = arith.divf %sub3A_30, %slice3A_27 : vector<128x1xf32>
    %sub3A_32 = arith.constant -1.300000e+00 : f32
    %sub3A_33 = vector.broadcast %sub3A_32 : f32 to vector<128x1xf32>
    %sub3A_34 = arith.subf %sub3A_33, %slice3A_26 : vector<128x1xf32>
    %div3A_35 = arith.divf %sub3A_34, %slice3A_27 : vector<128x1xf32>
    %min3A_36 = arith.minimumf %div3A_31, %div3A_35 : vector<128x1xf32>
    %max3A_37 = arith.maximumf %max3A, %min3A_36 : vector<128x1xf32>
    %mul3A = arith.constant 0.0101562496 : f32
    %mul3A_38 = vector.broadcast %mul3A : f32 to vector<128x448xf32>
    %mul3A_39 = arith.mulf %convert_element_type3A, %mul3A_38 : vector<128x448xf32>
    %add3A = vector.broadcast %max3A_37 : vector<128x1xf32> to vector<128x448xf32>
    %add3A_40 = arith.addf %add3A, %mul3A_39 : vector<128x448xf32>
    %slice3A_41 = vector.extract_strided_slice %reshape3A {offsets = [0, 0], sizes = [128, 1], strides = [1, 1]} : vector<128x3xf32> to vector<128x1xf32>
    %slice3A_42 = vector.extract_strided_slice %reshape3A_7 {offsets = [0, 0], sizes = [128, 1], strides = [1, 1]} : vector<128x3xf32> to vector<128x1xf32>
    %mul3A_43 = vector.broadcast %slice3A_42 : vector<128x1xf32> to vector<128x448xf32>
    %mul3A_44 = arith.mulf %add3A_40, %mul3A_43 : vector<128x448xf32>
    %add3A_45 = vector.broadcast %slice3A_41 : vector<128x1xf32> to vector<128x448xf32>
    %add3A_46 = arith.addf %add3A_45, %mul3A_44 : vector<128x448xf32>
    %gt3A = arith.constant -1.300000e+00 : f32
    %gt3A_47 = vector.broadcast %gt3A : f32 to vector<128x448xf32>
    %gt3A_48 = arith.cmpf ogt, %add3A_46, %gt3A_47 : vector<128x448xf32>
    %lt3A = arith.constant 1.300000e+00 : f32
    %lt3A_49 = vector.broadcast %lt3A : f32 to vector<128x448xf32>
    %lt3A_50 = arith.cmpf olt, %add3A_46, %lt3A_49 : vector<128x448xf32>
    %and3A = arith.andi %gt3A_48, %lt3A_50 : vector<128x448xi1>
    %add3A_51 = arith.constant 1.300000e+00 : f32
    %add3A_52 = vector.broadcast %add3A_51 : f32 to vector<128x448xf32>
    %add3A_53 = arith.addf %add3A_46, %add3A_52 : vector<128x448xf32>
    %div3A_54 = arith.constant 2.031250e-02 : f32
    %div3A_55 = vector.broadcast %div3A_54 : f32 to vector<128x448xf32>
    %div3A_56 = arith.divf %add3A_53, %div3A_55 : vector<128x448xf32>
    %slice3A_57 = vector.extract_strided_slice %reshape3A {offsets = [0, 1], sizes = [128, 1], strides = [1, 1]} : vector<128x3xf32> to vector<128x1xf32>
    %slice3A_58 = vector.extract_strided_slice %reshape3A_7 {offsets = [0, 1], sizes = [128, 1], strides = [1, 1]} : vector<128x3xf32> to vector<128x1xf32>
    %mul3A_59 = vector.broadcast %slice3A_58 : vector<128x1xf32> to vector<128x448xf32>
    %mul3A_60 = arith.mulf %add3A_40, %mul3A_59 : vector<128x448xf32>
    %add3A_61 = vector.broadcast %slice3A_57 : vector<128x1xf32> to vector<128x448xf32>
    %add3A_62 = arith.addf %add3A_61, %mul3A_60 : vector<128x448xf32>
    %gt3A_63 = arith.constant -1.300000e+00 : f32
    %gt3A_64 = vector.broadcast %gt3A_63 : f32 to vector<128x448xf32>
    %gt3A_65 = arith.cmpf ogt, %add3A_62, %gt3A_64 : vector<128x448xf32>
    %lt3A_66 = arith.constant 1.300000e+00 : f32
    %lt3A_67 = vector.broadcast %lt3A_66 : f32 to vector<128x448xf32>
    %lt3A_68 = arith.cmpf olt, %add3A_62, %lt3A_67 : vector<128x448xf32>
    %and3A_69 = arith.andi %gt3A_65, %lt3A_68 : vector<128x448xi1>
    %and3A_70 = arith.andi %and3A, %and3A_69 : vector<128x448xi1>
    %add3A_71 = arith.constant 1.300000e+00 : f32
    %add3A_72 = vector.broadcast %add3A_71 : f32 to vector<128x448xf32>
    %add3A_73 = arith.addf %add3A_62, %add3A_72 : vector<128x448xf32>
    %div3A_74 = arith.constant 2.031250e-02 : f32
    %div3A_75 = vector.broadcast %div3A_74 : f32 to vector<128x448xf32>
    %div3A_76 = arith.divf %add3A_73, %div3A_75 : vector<128x448xf32>
    %slice3A_77 = vector.extract_strided_slice %reshape3A {offsets = [0, 2], sizes = [128, 1], strides = [1, 1]} : vector<128x3xf32> to vector<128x1xf32>
    %slice3A_78 = vector.extract_strided_slice %reshape3A_7 {offsets = [0, 2], sizes = [128, 1], strides = [1, 1]} : vector<128x3xf32> to vector<128x1xf32>
    %mul3A_79 = vector.broadcast %slice3A_78 : vector<128x1xf32> to vector<128x448xf32>
    %mul3A_80 = arith.mulf %add3A_40, %mul3A_79 : vector<128x448xf32>
    %add3A_81 = vector.broadcast %slice3A_77 : vector<128x1xf32> to vector<128x448xf32>
    %add3A_82 = arith.addf %add3A_81, %mul3A_80 : vector<128x448xf32>
    %gt3A_83 = arith.constant -1.300000e+00 : f32
    %gt3A_84 = vector.broadcast %gt3A_83 : f32 to vector<128x448xf32>
    %gt3A_85 = arith.cmpf ogt, %add3A_82, %gt3A_84 : vector<128x448xf32>
    %lt3A_86 = arith.constant 1.300000e+00 : f32
    %lt3A_87 = vector.broadcast %lt3A_86 : f32 to vector<128x448xf32>
    %lt3A_88 = arith.cmpf olt, %add3A_82, %lt3A_87 : vector<128x448xf32>
    %and3A_89 = arith.andi %gt3A_85, %lt3A_88 : vector<128x448xi1>
    %and3A_90 = arith.andi %and3A_70, %and3A_89 : vector<128x448xi1>
    %add3A_91 = arith.constant 1.300000e+00 : f32
    %add3A_92 = vector.broadcast %add3A_91 : f32 to vector<128x448xf32>
    %add3A_93 = arith.addf %add3A_82, %add3A_92 : vector<128x448xf32>
    %div3A_94 = arith.constant 2.031250e-02 : f32
    %div3A_95 = vector.broadcast %div3A_94 : f32 to vector<128x448xf32>
    %div3A_96 = arith.divf %add3A_93, %div3A_95 : vector<128x448xf32>
    %lt3A_97 = arith.constant 441 : i32
    %lt3A_98 = vector.broadcast %lt3A_97 : i32 to vector<128x448xi32>
    %lt3A_99 = arith.cmpi slt, %iota3A, %lt3A_98 : vector<128x448xi32>
    %and3A_100 = arith.andi %and3A_90, %lt3A_99 : vector<128x448xi1>
    %add3A_101 = arith.constant -5.000000e-01 : f32
    %add3A_102 = vector.broadcast %add3A_101 : f32 to vector<128x448xf32>
    %add3A_103 = arith.addf %div3A_56, %add3A_102 : vector<128x448xf32>
    %floor3A = math.floor %add3A_103 : vector<128x448xf32>
    %jit3A = arith.constant 0.000000e+00 : f32
    %jit3A_104 = arith.constant 1.270000e+02 : f32
    %max3A_105 = vector.broadcast %jit3A : f32 to vector<128x448xf32>
    %max3A_106 = arith.maximumf %max3A_105, %floor3A : vector<128x448xf32>
    %min3A_107 = vector.broadcast %jit3A_104 : f32 to vector<128x448xf32>
    %min3A_108 = arith.minimumf %min3A_107, %max3A_106 : vector<128x448xf32>
    %convert_element_type3A_109 = arith.fptosi %min3A_108 : vector<128x448xf32> to vector<128x448xi32>
    %shift_right_arithmetic3A = arith.constant 1 : i32
    %shift_right_arithmetic3A_110 = vector.broadcast %shift_right_arithmetic3A : i32 to vector<128x448xi32>
    %shift_right_arithmetic3A_111 = arith.shrsi %convert_element_type3A_109, %shift_right_arithmetic3A_110 : vector<128x448xi32>
    %add3A_112 = arith.constant -5.000000e-01 : f32
    %add3A_113 = vector.broadcast %add3A_112 : f32 to vector<128x448xf32>
    %add3A_114 = arith.addf %div3A_76, %add3A_113 : vector<128x448xf32>
    %floor3A_115 = math.floor %add3A_114 : vector<128x448xf32>
    %jit3A_116 = arith.constant 0.000000e+00 : f32
    %jit3A_117 = arith.constant 1.270000e+02 : f32
    %max3A_118 = vector.broadcast %jit3A_116 : f32 to vector<128x448xf32>
    %max3A_119 = arith.maximumf %max3A_118, %floor3A_115 : vector<128x448xf32>
    %min3A_120 = vector.broadcast %jit3A_117 : f32 to vector<128x448xf32>
    %min3A_121 = arith.minimumf %min3A_120, %max3A_119 : vector<128x448xf32>
    %convert_element_type3A_122 = arith.fptosi %min3A_121 : vector<128x448xf32> to vector<128x448xi32>
    %shift_right_arithmetic3A_123 = arith.constant 1 : i32
    %shift_right_arithmetic3A_124 = vector.broadcast %shift_right_arithmetic3A_123 : i32 to vector<128x448xi32>
    %shift_right_arithmetic3A_125 = arith.shrsi %convert_element_type3A_122, %shift_right_arithmetic3A_124 : vector<128x448xi32>
    %add3A_126 = arith.constant -5.000000e-01 : f32
    %add3A_127 = vector.broadcast %add3A_126 : f32 to vector<128x448xf32>
    %add3A_128 = arith.addf %div3A_96, %add3A_127 : vector<128x448xf32>
    %floor3A_129 = math.floor %add3A_128 : vector<128x448xf32>
    %jit3A_130 = arith.constant 0.000000e+00 : f32
    %jit3A_131 = arith.constant 1.270000e+02 : f32
    %max3A_132 = vector.broadcast %jit3A_130 : f32 to vector<128x448xf32>
    %max3A_133 = arith.maximumf %max3A_132, %floor3A_129 : vector<128x448xf32>
    %min3A_134 = vector.broadcast %jit3A_131 : f32 to vector<128x448xf32>
    %min3A_135 = arith.minimumf %min3A_134, %max3A_133 : vector<128x448xf32>
    %convert_element_type3A_136 = arith.fptosi %min3A_135 : vector<128x448xf32> to vector<128x448xi32>
    %shift_right_arithmetic3A_137 = arith.constant 1 : i32
    %shift_right_arithmetic3A_138 = vector.broadcast %shift_right_arithmetic3A_137 : i32 to vector<128x448xi32>
    %shift_right_arithmetic3A_139 = arith.shrsi %convert_element_type3A_136, %shift_right_arithmetic3A_138 : vector<128x448xi32>
    %mul3A_140 = arith.constant 64 : i32
    %mul3A_141 = vector.broadcast %mul3A_140 : i32 to vector<128x448xi32>
    %mul3A_142 = arith.muli %shift_right_arithmetic3A_111, %mul3A_141 : vector<128x448xi32>
    %add3A_143 = arith.addi %mul3A_142, %shift_right_arithmetic3A_125 : vector<128x448xi32>
    %mul3A_144 = arith.constant 64 : i32
    %mul3A_145 = vector.broadcast %mul3A_144 : i32 to vector<128x448xi32>
    %mul3A_146 = arith.muli %add3A_143, %mul3A_145 : vector<128x448xi32>
    %add3A_147 = arith.addi %mul3A_146, %shift_right_arithmetic3A_139 : vector<128x448xi32>
    %jit3A_148 = arith.constant 0 : i32
    %broadcast_in_dim3A = vector.broadcast %jit3A_148 : i32 to vector<128x448xi32>
    %select_n3A = arith.select %and3A_100, %add3A_147, %broadcast_in_dim3A : vector<128x448xi1>, vector<128x448xi32>
    %swap3A = arith.constant 0 : index
    %swap3A_149 = arith.constant 0 : index
    %swap3A_150 = arith.constant 0 : index
    %swap3A_151 = vector.load %arg2[%swap3A, %swap3A_149, %swap3A_150] : memref<128x8x448xi32, #tpu.memory_space<vmem>>, vector<128x1x448xi32>
    %swap3A_152 = vector.shape_cast %swap3A_151 : vector<128x1x448xi32> to vector<128x448xi32>
    %swap3A_153 = vector.shape_cast %select_n3A : vector<128x448xi32> to vector<128x1x448xi32>
    tpu.vector_store %arg2[%swap3A, %swap3A_149, %swap3A_150], %swap3A_153 {strides = array<i32>} : memref<128x8x448xi32, #tpu.memory_space<vmem>>, vector<128x1x448xi32>,
    %add3A_154 = arith.constant -5.000000e-01 : f32
    %add3A_155 = vector.broadcast %add3A_154 : f32 to vector<128x448xf32>
    %add3A_156 = arith.addf %div3A_56, %add3A_155 : vector<128x448xf32>
    %floor3A_157 = math.floor %add3A_156 : vector<128x448xf32>
    %jit3A_158 = arith.constant 0.000000e+00 : f32
    %jit3A_159 = arith.constant 1.270000e+02 : f32
    %max3A_160 = vector.broadcast %jit3A_158 : f32 to vector<128x448xf32>
    %max3A_161 = arith.maximumf %max3A_160, %floor3A_157 : vector<128x448xf32>
    %min3A_162 = vector.broadcast %jit3A_159 : f32 to vector<128x448xf32>
    %min3A_163 = arith.minimumf %min3A_162, %max3A_161 : vector<128x448xf32>
    %convert_element_type3A_164 = arith.fptosi %min3A_163 : vector<128x448xf32> to vector<128x448xi32>
    %shift_right_arithmetic3A_165 = arith.constant 1 : i32
    %shift_right_arithmetic3A_166 = vector.broadcast %shift_right_arithmetic3A_165 : i32 to vector<128x448xi32>
    %shift_right_arithmetic3A_167 = arith.shrsi %convert_element_type3A_164, %shift_right_arithmetic3A_166 : vector<128x448xi32>
    %add3A_168 = arith.constant -5.000000e-01 : f32
    %add3A_169 = vector.broadcast %add3A_168 : f32 to vector<128x448xf32>
    %add3A_170 = arith.addf %div3A_76, %add3A_169 : vector<128x448xf32>
    %floor3A_171 = math.floor %add3A_170 : vector<128x448xf32>
    %jit3A_172 = arith.constant 0.000000e+00 : f32
    %jit3A_173 = arith.constant 1.270000e+02 : f32
    %max3A_174 = vector.broadcast %jit3A_172 : f32 to vector<128x448xf32>
    %max3A_175 = arith.maximumf %max3A_174, %floor3A_171 : vector<128x448xf32>
    %min3A_176 = vector.broadcast %jit3A_173 : f32 to vector<128x448xf32>
    %min3A_177 = arith.minimumf %min3A_176, %max3A_175 : vector<128x448xf32>
    %convert_element_type3A_178 = arith.fptosi %min3A_177 : vector<128x448xf32> to vector<128x448xi32>
    %shift_right_arithmetic3A_179 = arith.constant 1 : i32
    %shift_right_arithmetic3A_180 = vector.broadcast %shift_right_arithmetic3A_179 : i32 to vector<128x448xi32>
    %shift_right_arithmetic3A_181 = arith.shrsi %convert_element_type3A_178, %shift_right_arithmetic3A_180 : vector<128x448xi32>
    %add3A_182 = arith.constant 5.000000e-01 : f32
    %add3A_183 = vector.broadcast %add3A_182 : f32 to vector<128x448xf32>
    %add3A_184 = arith.addf %div3A_96, %add3A_183 : vector<128x448xf32>
    %floor3A_185 = math.floor %add3A_184 : vector<128x448xf32>
    %jit3A_186 = arith.constant 0.000000e+00 : f32
    %jit3A_187 = arith.constant 1.270000e+02 : f32
    %max3A_188 = vector.broadcast %jit3A_186 : f32 to vector<128x448xf32>
    %max3A_189 = arith.maximumf %max3A_188, %floor3A_185 : vector<128x448xf32>
    %min3A_190 = vector.broadcast %jit3A_187 : f32 to vector<128x448xf32>
    %min3A_191 = arith.minimumf %min3A_190, %max3A_189 : vector<128x448xf32>
    %convert_element_type3A_192 = arith.fptosi %min3A_191 : vector<128x448xf32> to vector<128x448xi32>
    %shift_right_arithmetic3A_193 = arith.constant 1 : i32
    %shift_right_arithmetic3A_194 = vector.broadcast %shift_right_arithmetic3A_193 : i32 to vector<128x448xi32>
    %shift_right_arithmetic3A_195 = arith.shrsi %convert_element_type3A_192, %shift_right_arithmetic3A_194 : vector<128x448xi32>
    %mul3A_196 = arith.constant 64 : i32
    %mul3A_197 = vector.broadcast %mul3A_196 : i32 to vector<128x448xi32>
    %mul3A_198 = arith.muli %shift_right_arithmetic3A_167, %mul3A_197 : vector<128x448xi32>
    %add3A_199 = arith.addi %mul3A_198, %shift_right_arithmetic3A_181 : vector<128x448xi32>
    %mul3A_200 = arith.constant 64 : i32
    %mul3A_201 = vector.broadcast %mul3A_200 : i32 to vector<128x448xi32>
    %mul3A_202 = arith.muli %add3A_199, %mul3A_201 : vector<128x448xi32>
    %add3A_203 = arith.addi %mul3A_202, %shift_right_arithmetic3A_195 : vector<128x448xi32>
    %jit3A_204 = arith.constant 0 : i32
    %broadcast_in_dim3A_205 = vector.broadcast %jit3A_204 : i32 to vector<128x448xi32>
    %select_n3A_206 = arith.select %and3A_100, %add3A_203, %broadcast_in_dim3A_205 : vector<128x448xi1>, vector<128x448xi32>
    %swap3A_207 = arith.constant 0 : index
    %swap3A_208 = arith.constant 1 : index
    %swap3A_209 = arith.constant 0 : index
    %swap3A_210 = vector.load %arg2[%swap3A_207, %swap3A_208, %swap3A_209] : memref<128x8x448xi32, #tpu.memory_space<vmem>>, vector<128x1x448xi32>
    %swap3A_211 = vector.shape_cast %swap3A_210 : vector<128x1x448xi32> to vector<128x448xi32>
    %swap3A_212 = vector.shape_cast %select_n3A_206 : vector<128x448xi32> to vector<128x1x448xi32>
    tpu.vector_store %arg2[%swap3A_207, %swap3A_208, %swap3A_209], %swap3A_212 {strides = array<i32>} : memref<128x8x448xi32, #tpu.memory_space<vmem>>, vector<128x1x448xi32>,
    %add3A_213 = arith.constant -5.000000e-01 : f32
    %add3A_214 = vector.broadcast %add3A_213 : f32 to vector<128x448xf32>
    %add3A_215 = arith.addf %div3A_56, %add3A_214 : vector<128x448xf32>
    %floor3A_216 = math.floor %add3A_215 : vector<128x448xf32>
    %jit3A_217 = arith.constant 0.000000e+00 : f32
    %jit3A_218 = arith.constant 1.270000e+02 : f32
    %max3A_219 = vector.broadcast %jit3A_217 : f32 to vector<128x448xf32>
    %max3A_220 = arith.maximumf %max3A_219, %floor3A_216 : vector<128x448xf32>
    %min3A_221 = vector.broadcast %jit3A_218 : f32 to vector<128x448xf32>
    %min3A_222 = arith.minimumf %min3A_221, %max3A_220 : vector<128x448xf32>
    %convert_element_type3A_223 = arith.fptosi %min3A_222 : vector<128x448xf32> to vector<128x448xi32>
    %shift_right_arithmetic3A_224 = arith.constant 1 : i32
    %shift_right_arithmetic3A_225 = vector.broadcast %shift_right_arithmetic3A_224 : i32 to vector<128x448xi32>
    %shift_right_arithmetic3A_226 = arith.shrsi %convert_element_type3A_223, %shift_right_arithmetic3A_225 : vector<128x448xi32>
    %add3A_227 = arith.constant 5.000000e-01 : f32
    %add3A_228 = vector.broadcast %add3A_227 : f32 to vector<128x448xf32>
    %add3A_229 = arith.addf %div3A_76, %add3A_228 : vector<128x448xf32>
    %floor3A_230 = math.floor %add3A_229 : vector<128x448xf32>
    %jit3A_231 = arith.constant 0.000000e+00 : f32
    %jit3A_232 = arith.constant 1.270000e+02 : f32
    %max3A_233 = vector.broadcast %jit3A_231 : f32 to vector<128x448xf32>
    %max3A_234 = arith.maximumf %max3A_233, %floor3A_230 : vector<128x448xf32>
    %min3A_235 = vector.broadcast %jit3A_232 : f32 to vector<128x448xf32>
    %min3A_236 = arith.minimumf %min3A_235, %max3A_234 : vector<128x448xf32>
    %convert_element_type3A_237 = arith.fptosi %min3A_236 : vector<128x448xf32> to vector<128x448xi32>
    %shift_right_arithmetic3A_238 = arith.constant 1 : i32
    %shift_right_arithmetic3A_239 = vector.broadcast %shift_right_arithmetic3A_238 : i32 to vector<128x448xi32>
    %shift_right_arithmetic3A_240 = arith.shrsi %convert_element_type3A_237, %shift_right_arithmetic3A_239 : vector<128x448xi32>
    %add3A_241 = arith.constant -5.000000e-01 : f32
    %add3A_242 = vector.broadcast %add3A_241 : f32 to vector<128x448xf32>
    %add3A_243 = arith.addf %div3A_96, %add3A_242 : vector<128x448xf32>
    %floor3A_244 = math.floor %add3A_243 : vector<128x448xf32>
    %jit3A_245 = arith.constant 0.000000e+00 : f32
    %jit3A_246 = arith.constant 1.270000e+02 : f32
    %max3A_247 = vector.broadcast %jit3A_245 : f32 to vector<128x448xf32>
    %max3A_248 = arith.maximumf %max3A_247, %floor3A_244 : vector<128x448xf32>
    %min3A_249 = vector.broadcast %jit3A_246 : f32 to vector<128x448xf32>
    %min3A_250 = arith.minimumf %min3A_249, %max3A_248 : vector<128x448xf32>
    %convert_element_type3A_251 = arith.fptosi %min3A_250 : vector<128x448xf32> to vector<128x448xi32>
    %shift_right_arithmetic3A_252 = arith.constant 1 : i32
    %shift_right_arithmetic3A_253 = vector.broadcast %shift_right_arithmetic3A_252 : i32 to vector<128x448xi32>
    %shift_right_arithmetic3A_254 = arith.shrsi %convert_element_type3A_251, %shift_right_arithmetic3A_253 : vector<128x448xi32>
    %mul3A_255 = arith.constant 64 : i32
    %mul3A_256 = vector.broadcast %mul3A_255 : i32 to vector<128x448xi32>
    %mul3A_257 = arith.muli %shift_right_arithmetic3A_226, %mul3A_256 : vector<128x448xi32>
    %add3A_258 = arith.addi %mul3A_257, %shift_right_arithmetic3A_240 : vector<128x448xi32>
    %mul3A_259 = arith.constant 64 : i32
    %mul3A_260 = vector.broadcast %mul3A_259 : i32 to vector<128x448xi32>
    %mul3A_261 = arith.muli %add3A_258, %mul3A_260 : vector<128x448xi32>
    %add3A_262 = arith.addi %mul3A_261, %shift_right_arithmetic3A_254 : vector<128x448xi32>
    %jit3A_263 = arith.constant 0 : i32
    %broadcast_in_dim3A_264 = vector.broadcast %jit3A_263 : i32 to vector<128x448xi32>
    %select_n3A_265 = arith.select %and3A_100, %add3A_262, %broadcast_in_dim3A_264 : vector<128x448xi1>, vector<128x448xi32>
    %swap3A_266 = arith.constant 0 : index
    %swap3A_267 = arith.constant 2 : index
    %swap3A_268 = arith.constant 0 : index
    %swap3A_269 = vector.load %arg2[%swap3A_266, %swap3A_267, %swap3A_268] : memref<128x8x448xi32, #tpu.memory_space<vmem>>, vector<128x1x448xi32>
    %swap3A_270 = vector.shape_cast %swap3A_269 : vector<128x1x448xi32> to vector<128x448xi32>
    %swap3A_271 = vector.shape_cast %select_n3A_265 : vector<128x448xi32> to vector<128x1x448xi32>
    tpu.vector_store %arg2[%swap3A_266, %swap3A_267, %swap3A_268], %swap3A_271 {strides = array<i32>} : memref<128x8x448xi32, #tpu.memory_space<vmem>>, vector<128x1x448xi32>,
    %add3A_272 = arith.constant -5.000000e-01 : f32
    %add3A_273 = vector.broadcast %add3A_272 : f32 to vector<128x448xf32>
    %add3A_274 = arith.addf %div3A_56, %add3A_273 : vector<128x448xf32>
    %floor3A_275 = math.floor %add3A_274 : vector<128x448xf32>
    %jit3A_276 = arith.constant 0.000000e+00 : f32
    %jit3A_277 = arith.constant 1.270000e+02 : f32
    %max3A_278 = vector.broadcast %jit3A_276 : f32 to vector<128x448xf32>
    %max3A_279 = arith.maximumf %max3A_278, %floor3A_275 : vector<128x448xf32>
    %min3A_280 = vector.broadcast %jit3A_277 : f32 to vector<128x448xf32>
    %min3A_281 = arith.minimumf %min3A_280, %max3A_279 : vector<128x448xf32>
    %convert_element_type3A_282 = arith.fptosi %min3A_281 : vector<128x448xf32> to vector<128x448xi32>
    %shift_right_arithmetic3A_283 = arith.constant 1 : i32
    %shift_right_arithmetic3A_284 = vector.broadcast %shift_right_arithmetic3A_283 : i32 to vector<128x448xi32>
    %shift_right_arithmetic3A_285 = arith.shrsi %convert_element_type3A_282, %shift_right_arithmetic3A_284 : vector<128x448xi32>
    %add3A_286 = arith.constant 5.000000e-01 : f32
    %add3A_287 = vector.broadcast %add3A_286 : f32 to vector<128x448xf32>
    %add3A_288 = arith.addf %div3A_76, %add3A_287 : vector<128x448xf32>
    %floor3A_289 = math.floor %add3A_288 : vector<128x448xf32>
    %jit3A_290 = arith.constant 0.000000e+00 : f32
    %jit3A_291 = arith.constant 1.270000e+02 : f32
    %max3A_292 = vector.broadcast %jit3A_290 : f32 to vector<128x448xf32>
    %max3A_293 = arith.maximumf %max3A_292, %floor3A_289 : vector<128x448xf32>
    %min3A_294 = vector.broadcast %jit3A_291 : f32 to vector<128x448xf32>
    %min3A_295 = arith.minimumf %min3A_294, %max3A_293 : vector<128x448xf32>
    %convert_element_type3A_296 = arith.fptosi %min3A_295 : vector<128x448xf32> to vector<128x448xi32>
    %shift_right_arithmetic3A_297 = arith.constant 1 : i32
    %shift_right_arithmetic3A_298 = vector.broadcast %shift_right_arithmetic3A_297 : i32 to vector<128x448xi32>
    %shift_right_arithmetic3A_299 = arith.shrsi %convert_element_type3A_296, %shift_right_arithmetic3A_298 : vector<128x448xi32>
    %add3A_300 = arith.constant 5.000000e-01 : f32
    %add3A_301 = vector.broadcast %add3A_300 : f32 to vector<128x448xf32>
    %add3A_302 = arith.addf %div3A_96, %add3A_301 : vector<128x448xf32>
    %floor3A_303 = math.floor %add3A_302 : vector<128x448xf32>
    %jit3A_304 = arith.constant 0.000000e+00 : f32
    %jit3A_305 = arith.constant 1.270000e+02 : f32
    %max3A_306 = vector.broadcast %jit3A_304 : f32 to vector<128x448xf32>
    %max3A_307 = arith.maximumf %max3A_306, %floor3A_303 : vector<128x448xf32>
    %min3A_308 = vector.broadcast %jit3A_305 : f32 to vector<128x448xf32>
    %min3A_309 = arith.minimumf %min3A_308, %max3A_307 : vector<128x448xf32>
    %convert_element_type3A_310 = arith.fptosi %min3A_309 : vector<128x448xf32> to vector<128x448xi32>
    %shift_right_arithmetic3A_311 = arith.constant 1 : i32
    %shift_right_arithmetic3A_312 = vector.broadcast %shift_right_arithmetic3A_311 : i32 to vector<128x448xi32>
    %shift_right_arithmetic3A_313 = arith.shrsi %convert_element_type3A_310, %shift_right_arithmetic3A_312 : vector<128x448xi32>
    %mul3A_314 = arith.constant 64 : i32
    %mul3A_315 = vector.broadcast %mul3A_314 : i32 to vector<128x448xi32>
    %mul3A_316 = arith.muli %shift_right_arithmetic3A_285, %mul3A_315 : vector<128x448xi32>
    %add3A_317 = arith.addi %mul3A_316, %shift_right_arithmetic3A_299 : vector<128x448xi32>
    %mul3A_318 = arith.constant 64 : i32
    %mul3A_319 = vector.broadcast %mul3A_318 : i32 to vector<128x448xi32>
    %mul3A_320 = arith.muli %add3A_317, %mul3A_319 : vector<128x448xi32>
    %add3A_321 = arith.addi %mul3A_320, %shift_right_arithmetic3A_313 : vector<128x448xi32>
    %jit3A_322 = arith.constant 0 : i32
    %broadcast_in_dim3A_323 = vector.broadcast %jit3A_322 : i32 to vector<128x448xi32>
    %select_n3A_324 = arith.select %and3A_100, %add3A_321, %broadcast_in_dim3A_323 : vector<128x448xi1>, vector<128x448xi32>
    %swap3A_325 = arith.constant 0 : index
    %swap3A_326 = arith.constant 3 : index
    %swap3A_327 = arith.constant 0 : index
    %swap3A_328 = vector.load %arg2[%swap3A_325, %swap3A_326, %swap3A_327] : memref<128x8x448xi32, #tpu.memory_space<vmem>>, vector<128x1x448xi32>
    %swap3A_329 = vector.shape_cast %swap3A_328 : vector<128x1x448xi32> to vector<128x448xi32>
    %swap3A_330 = vector.shape_cast %select_n3A_324 : vector<128x448xi32> to vector<128x1x448xi32>
    tpu.vector_store %arg2[%swap3A_325, %swap3A_326, %swap3A_327], %swap3A_330 {strides = array<i32>} : memref<128x8x448xi32, #tpu.memory_space<vmem>>, vector<128x1x448xi32>,
    %add3A_331 = arith.constant 5.000000e-01 : f32
    %add3A_332 = vector.broadcast %add3A_331 : f32 to vector<128x448xf32>
    %add3A_333 = arith.addf %div3A_56, %add3A_332 : vector<128x448xf32>
    %floor3A_334 = math.floor %add3A_333 : vector<128x448xf32>
    %jit3A_335 = arith.constant 0.000000e+00 : f32
    %jit3A_336 = arith.constant 1.270000e+02 : f32
    %max3A_337 = vector.broadcast %jit3A_335 : f32 to vector<128x448xf32>
    %max3A_338 = arith.maximumf %max3A_337, %floor3A_334 : vector<128x448xf32>
    %min3A_339 = vector.broadcast %jit3A_336 : f32 to vector<128x448xf32>
    %min3A_340 = arith.minimumf %min3A_339, %max3A_338 : vector<128x448xf32>
    %convert_element_type3A_341 = arith.fptosi %min3A_340 : vector<128x448xf32> to vector<128x448xi32>
    %shift_right_arithmetic3A_342 = arith.constant 1 : i32
    %shift_right_arithmetic3A_343 = vector.broadcast %shift_right_arithmetic3A_342 : i32 to vector<128x448xi32>
    %shift_right_arithmetic3A_344 = arith.shrsi %convert_element_type3A_341, %shift_right_arithmetic3A_343 : vector<128x448xi32>
    %add3A_345 = arith.constant -5.000000e-01 : f32
    %add3A_346 = vector.broadcast %add3A_345 : f32 to vector<128x448xf32>
    %add3A_347 = arith.addf %div3A_76, %add3A_346 : vector<128x448xf32>
    %floor3A_348 = math.floor %add3A_347 : vector<128x448xf32>
    %jit3A_349 = arith.constant 0.000000e+00 : f32
    %jit3A_350 = arith.constant 1.270000e+02 : f32
    %max3A_351 = vector.broadcast %jit3A_349 : f32 to vector<128x448xf32>
    %max3A_352 = arith.maximumf %max3A_351, %floor3A_348 : vector<128x448xf32>
    %min3A_353 = vector.broadcast %jit3A_350 : f32 to vector<128x448xf32>
    %min3A_354 = arith.minimumf %min3A_353, %max3A_352 : vector<128x448xf32>
    %convert_element_type3A_355 = arith.fptosi %min3A_354 : vector<128x448xf32> to vector<128x448xi32>
    %shift_right_arithmetic3A_356 = arith.constant 1 : i32
    %shift_right_arithmetic3A_357 = vector.broadcast %shift_right_arithmetic3A_356 : i32 to vector<128x448xi32>
    %shift_right_arithmetic3A_358 = arith.shrsi %convert_element_type3A_355, %shift_right_arithmetic3A_357 : vector<128x448xi32>
    %add3A_359 = arith.constant -5.000000e-01 : f32
    %add3A_360 = vector.broadcast %add3A_359 : f32 to vector<128x448xf32>
    %add3A_361 = arith.addf %div3A_96, %add3A_360 : vector<128x448xf32>
    %floor3A_362 = math.floor %add3A_361 : vector<128x448xf32>
    %jit3A_363 = arith.constant 0.000000e+00 : f32
    %jit3A_364 = arith.constant 1.270000e+02 : f32
    %max3A_365 = vector.broadcast %jit3A_363 : f32 to vector<128x448xf32>
    %max3A_366 = arith.maximumf %max3A_365, %floor3A_362 : vector<128x448xf32>
    %min3A_367 = vector.broadcast %jit3A_364 : f32 to vector<128x448xf32>
    %min3A_368 = arith.minimumf %min3A_367, %max3A_366 : vector<128x448xf32>
    %convert_element_type3A_369 = arith.fptosi %min3A_368 : vector<128x448xf32> to vector<128x448xi32>
    %shift_right_arithmetic3A_370 = arith.constant 1 : i32
    %shift_right_arithmetic3A_371 = vector.broadcast %shift_right_arithmetic3A_370 : i32 to vector<128x448xi32>
    %shift_right_arithmetic3A_372 = arith.shrsi %convert_element_type3A_369, %shift_right_arithmetic3A_371 : vector<128x448xi32>
    %mul3A_373 = arith.constant 64 : i32
    %mul3A_374 = vector.broadcast %mul3A_373 : i32 to vector<128x448xi32>
    %mul3A_375 = arith.muli %shift_right_arithmetic3A_344, %mul3A_374 : vector<128x448xi32>
    %add3A_376 = arith.addi %mul3A_375, %shift_right_arithmetic3A_358 : vector<128x448xi32>
    %mul3A_377 = arith.constant 64 : i32
    %mul3A_378 = vector.broadcast %mul3A_377 : i32 to vector<128x448xi32>
    %mul3A_379 = arith.muli %add3A_376, %mul3A_378 : vector<128x448xi32>
    %add3A_380 = arith.addi %mul3A_379, %shift_right_arithmetic3A_372 : vector<128x448xi32>
    %jit3A_381 = arith.constant 0 : i32
    %broadcast_in_dim3A_382 = vector.broadcast %jit3A_381 : i32 to vector<128x448xi32>
    %select_n3A_383 = arith.select %and3A_100, %add3A_380, %broadcast_in_dim3A_382 : vector<128x448xi1>, vector<128x448xi32>
    %swap3A_384 = arith.constant 0 : index
    %swap3A_385 = arith.constant 4 : index
    %swap3A_386 = arith.constant 0 : index
    %swap3A_387 = vector.load %arg2[%swap3A_384, %swap3A_385, %swap3A_386] : memref<128x8x448xi32, #tpu.memory_space<vmem>>, vector<128x1x448xi32>
    %swap3A_388 = vector.shape_cast %swap3A_387 : vector<128x1x448xi32> to vector<128x448xi32>
    %swap3A_389 = vector.shape_cast %select_n3A_383 : vector<128x448xi32> to vector<128x1x448xi32>
    tpu.vector_store %arg2[%swap3A_384, %swap3A_385, %swap3A_386], %swap3A_389 {strides = array<i32>} : memref<128x8x448xi32, #tpu.memory_space<vmem>>, vector<128x1x448xi32>,
    %add3A_390 = arith.constant 5.000000e-01 : f32
    %add3A_391 = vector.broadcast %add3A_390 : f32 to vector<128x448xf32>
    %add3A_392 = arith.addf %div3A_56, %add3A_391 : vector<128x448xf32>
    %floor3A_393 = math.floor %add3A_392 : vector<128x448xf32>
    %jit3A_394 = arith.constant 0.000000e+00 : f32
    %jit3A_395 = arith.constant 1.270000e+02 : f32
    %max3A_396 = vector.broadcast %jit3A_394 : f32 to vector<128x448xf32>
    %max3A_397 = arith.maximumf %max3A_396, %floor3A_393 : vector<128x448xf32>
    %min3A_398 = vector.broadcast %jit3A_395 : f32 to vector<128x448xf32>
    %min3A_399 = arith.minimumf %min3A_398, %max3A_397 : vector<128x448xf32>
    %convert_element_type3A_400 = arith.fptosi %min3A_399 : vector<128x448xf32> to vector<128x448xi32>
    %shift_right_arithmetic3A_401 = arith.constant 1 : i32
    %shift_right_arithmetic3A_402 = vector.broadcast %shift_right_arithmetic3A_401 : i32 to vector<128x448xi32>
    %shift_right_arithmetic3A_403 = arith.shrsi %convert_element_type3A_400, %shift_right_arithmetic3A_402 : vector<128x448xi32>
    %add3A_404 = arith.constant -5.000000e-01 : f32
    %add3A_405 = vector.broadcast %add3A_404 : f32 to vector<128x448xf32>
    %add3A_406 = arith.addf %div3A_76, %add3A_405 : vector<128x448xf32>
    %floor3A_407 = math.floor %add3A_406 : vector<128x448xf32>
    %jit3A_408 = arith.constant 0.000000e+00 : f32
    %jit3A_409 = arith.constant 1.270000e+02 : f32
    %max3A_410 = vector.broadcast %jit3A_408 : f32 to vector<128x448xf32>
    %max3A_411 = arith.maximumf %max3A_410, %floor3A_407 : vector<128x448xf32>
    %min3A_412 = vector.broadcast %jit3A_409 : f32 to vector<128x448xf32>
    %min3A_413 = arith.minimumf %min3A_412, %max3A_411 : vector<128x448xf32>
    %convert_element_type3A_414 = arith.fptosi %min3A_413 : vector<128x448xf32> to vector<128x448xi32>
    %shift_right_arithmetic3A_415 = arith.constant 1 : i32
    %shift_right_arithmetic3A_416 = vector.broadcast %shift_right_arithmetic3A_415 : i32 to vector<128x448xi32>
    %shift_right_arithmetic3A_417 = arith.shrsi %convert_element_type3A_414, %shift_right_arithmetic3A_416 : vector<128x448xi32>
    %add3A_418 = arith.constant 5.000000e-01 : f32
    %add3A_419 = vector.broadcast %add3A_418 : f32 to vector<128x448xf32>
    %add3A_420 = arith.addf %div3A_96, %add3A_419 : vector<128x448xf32>
    %floor3A_421 = math.floor %add3A_420 : vector<128x448xf32>
    %jit3A_422 = arith.constant 0.000000e+00 : f32
    %jit3A_423 = arith.constant 1.270000e+02 : f32
    %max3A_424 = vector.broadcast %jit3A_422 : f32 to vector<128x448xf32>
    %max3A_425 = arith.maximumf %max3A_424, %floor3A_421 : vector<128x448xf32>
    %min3A_426 = vector.broadcast %jit3A_423 : f32 to vector<128x448xf32>
    %min3A_427 = arith.minimumf %min3A_426, %max3A_425 : vector<128x448xf32>
    %convert_element_type3A_428 = arith.fptosi %min3A_427 : vector<128x448xf32> to vector<128x448xi32>
    %shift_right_arithmetic3A_429 = arith.constant 1 : i32
    %shift_right_arithmetic3A_430 = vector.broadcast %shift_right_arithmetic3A_429 : i32 to vector<128x448xi32>
    %shift_right_arithmetic3A_431 = arith.shrsi %convert_element_type3A_428, %shift_right_arithmetic3A_430 : vector<128x448xi32>
    %mul3A_432 = arith.constant 64 : i32
    %mul3A_433 = vector.broadcast %mul3A_432 : i32 to vector<128x448xi32>
    %mul3A_434 = arith.muli %shift_right_arithmetic3A_403, %mul3A_433 : vector<128x448xi32>
    %add3A_435 = arith.addi %mul3A_434, %shift_right_arithmetic3A_417 : vector<128x448xi32>
    %mul3A_436 = arith.constant 64 : i32
    %mul3A_437 = vector.broadcast %mul3A_436 : i32 to vector<128x448xi32>
    %mul3A_438 = arith.muli %add3A_435, %mul3A_437 : vector<128x448xi32>
    %add3A_439 = arith.addi %mul3A_438, %shift_right_arithmetic3A_431 : vector<128x448xi32>
    %jit3A_440 = arith.constant 0 : i32
    %broadcast_in_dim3A_441 = vector.broadcast %jit3A_440 : i32 to vector<128x448xi32>
    %select_n3A_442 = arith.select %and3A_100, %add3A_439, %broadcast_in_dim3A_441 : vector<128x448xi1>, vector<128x448xi32>
    %swap3A_443 = arith.constant 0 : index
    %swap3A_444 = arith.constant 5 : index
    %swap3A_445 = arith.constant 0 : index
    %swap3A_446 = vector.load %arg2[%swap3A_443, %swap3A_444, %swap3A_445] : memref<128x8x448xi32, #tpu.memory_space<vmem>>, vector<128x1x448xi32>
    %swap3A_447 = vector.shape_cast %swap3A_446 : vector<128x1x448xi32> to vector<128x448xi32>
    %swap3A_448 = vector.shape_cast %select_n3A_442 : vector<128x448xi32> to vector<128x1x448xi32>
    tpu.vector_store %arg2[%swap3A_443, %swap3A_444, %swap3A_445], %swap3A_448 {strides = array<i32>} : memref<128x8x448xi32, #tpu.memory_space<vmem>>, vector<128x1x448xi32>,
    %add3A_449 = arith.constant 5.000000e-01 : f32
    %add3A_450 = vector.broadcast %add3A_449 : f32 to vector<128x448xf32>
    %add3A_451 = arith.addf %div3A_56, %add3A_450 : vector<128x448xf32>
    %floor3A_452 = math.floor %add3A_451 : vector<128x448xf32>
    %jit3A_453 = arith.constant 0.000000e+00 : f32
    %jit3A_454 = arith.constant 1.270000e+02 : f32
    %max3A_455 = vector.broadcast %jit3A_453 : f32 to vector<128x448xf32>
    %max3A_456 = arith.maximumf %max3A_455, %floor3A_452 : vector<128x448xf32>
    %min3A_457 = vector.broadcast %jit3A_454 : f32 to vector<128x448xf32>
    %min3A_458 = arith.minimumf %min3A_457, %max3A_456 : vector<128x448xf32>
    %convert_element_type3A_459 = arith.fptosi %min3A_458 : vector<128x448xf32> to vector<128x448xi32>
    %shift_right_arithmetic3A_460 = arith.constant 1 : i32
    %shift_right_arithmetic3A_461 = vector.broadcast %shift_right_arithmetic3A_460 : i32 to vector<128x448xi32>
    %shift_right_arithmetic3A_462 = arith.shrsi %convert_element_type3A_459, %shift_right_arithmetic3A_461 : vector<128x448xi32>
    %add3A_463 = arith.constant 5.000000e-01 : f32
    %add3A_464 = vector.broadcast %add3A_463 : f32 to vector<128x448xf32>
    %add3A_465 = arith.addf %div3A_76, %add3A_464 : vector<128x448xf32>
    %floor3A_466 = math.floor %add3A_465 : vector<128x448xf32>
    %jit3A_467 = arith.constant 0.000000e+00 : f32
    %jit3A_468 = arith.constant 1.270000e+02 : f32
    %max3A_469 = vector.broadcast %jit3A_467 : f32 to vector<128x448xf32>
    %max3A_470 = arith.maximumf %max3A_469, %floor3A_466 : vector<128x448xf32>
    %min3A_471 = vector.broadcast %jit3A_468 : f32 to vector<128x448xf32>
    %min3A_472 = arith.minimumf %min3A_471, %max3A_470 : vector<128x448xf32>
    %convert_element_type3A_473 = arith.fptosi %min3A_472 : vector<128x448xf32> to vector<128x448xi32>
    %shift_right_arithmetic3A_474 = arith.constant 1 : i32
    %shift_right_arithmetic3A_475 = vector.broadcast %shift_right_arithmetic3A_474 : i32 to vector<128x448xi32>
    %shift_right_arithmetic3A_476 = arith.shrsi %convert_element_type3A_473, %shift_right_arithmetic3A_475 : vector<128x448xi32>
    %add3A_477 = arith.constant -5.000000e-01 : f32
    %add3A_478 = vector.broadcast %add3A_477 : f32 to vector<128x448xf32>
    %add3A_479 = arith.addf %div3A_96, %add3A_478 : vector<128x448xf32>
    %floor3A_480 = math.floor %add3A_479 : vector<128x448xf32>
    %jit3A_481 = arith.constant 0.000000e+00 : f32
    %jit3A_482 = arith.constant 1.270000e+02 : f32
    %max3A_483 = vector.broadcast %jit3A_481 : f32 to vector<128x448xf32>
    %max3A_484 = arith.maximumf %max3A_483, %floor3A_480 : vector<128x448xf32>
    %min3A_485 = vector.broadcast %jit3A_482 : f32 to vector<128x448xf32>
    %min3A_486 = arith.minimumf %min3A_485, %max3A_484 : vector<128x448xf32>
    %convert_element_type3A_487 = arith.fptosi %min3A_486 : vector<128x448xf32> to vector<128x448xi32>
    %shift_right_arithmetic3A_488 = arith.constant 1 : i32
    %shift_right_arithmetic3A_489 = vector.broadcast %shift_right_arithmetic3A_488 : i32 to vector<128x448xi32>
    %shift_right_arithmetic3A_490 = arith.shrsi %convert_element_type3A_487, %shift_right_arithmetic3A_489 : vector<128x448xi32>
    %mul3A_491 = arith.constant 64 : i32
    %mul3A_492 = vector.broadcast %mul3A_491 : i32 to vector<128x448xi32>
    %mul3A_493 = arith.muli %shift_right_arithmetic3A_462, %mul3A_492 : vector<128x448xi32>
    %add3A_494 = arith.addi %mul3A_493, %shift_right_arithmetic3A_476 : vector<128x448xi32>
    %mul3A_495 = arith.constant 64 : i32
    %mul3A_496 = vector.broadcast %mul3A_495 : i32 to vector<128x448xi32>
    %mul3A_497 = arith.muli %add3A_494, %mul3A_496 : vector<128x448xi32>
    %add3A_498 = arith.addi %mul3A_497, %shift_right_arithmetic3A_490 : vector<128x448xi32>
    %jit3A_499 = arith.constant 0 : i32
    %broadcast_in_dim3A_500 = vector.broadcast %jit3A_499 : i32 to vector<128x448xi32>
    %select_n3A_501 = arith.select %and3A_100, %add3A_498, %broadcast_in_dim3A_500 : vector<128x448xi1>, vector<128x448xi32>
    %swap3A_502 = arith.constant 0 : index
    %swap3A_503 = arith.constant 6 : index
    %swap3A_504 = arith.constant 0 : index
    %swap3A_505 = vector.load %arg2[%swap3A_502, %swap3A_503, %swap3A_504] : memref<128x8x448xi32, #tpu.memory_space<vmem>>, vector<128x1x448xi32>
    %swap3A_506 = vector.shape_cast %swap3A_505 : vector<128x1x448xi32> to vector<128x448xi32>
    %swap3A_507 = vector.shape_cast %select_n3A_501 : vector<128x448xi32> to vector<128x1x448xi32>
    tpu.vector_store %arg2[%swap3A_502, %swap3A_503, %swap3A_504], %swap3A_507 {strides = array<i32>} : memref<128x8x448xi32, #tpu.memory_space<vmem>>, vector<128x1x448xi32>,
    %add3A_508 = arith.constant 5.000000e-01 : f32
    %add3A_509 = vector.broadcast %add3A_508 : f32 to vector<128x448xf32>
    %add3A_510 = arith.addf %div3A_56, %add3A_509 : vector<128x448xf32>
    %floor3A_511 = math.floor %add3A_510 : vector<128x448xf32>
    %jit3A_512 = arith.constant 0.000000e+00 : f32
    %jit3A_513 = arith.constant 1.270000e+02 : f32
    %max3A_514 = vector.broadcast %jit3A_512 : f32 to vector<128x448xf32>
    %max3A_515 = arith.maximumf %max3A_514, %floor3A_511 : vector<128x448xf32>
    %min3A_516 = vector.broadcast %jit3A_513 : f32 to vector<128x448xf32>
    %min3A_517 = arith.minimumf %min3A_516, %max3A_515 : vector<128x448xf32>
    %convert_element_type3A_518 = arith.fptosi %min3A_517 : vector<128x448xf32> to vector<128x448xi32>
    %shift_right_arithmetic3A_519 = arith.constant 1 : i32
    %shift_right_arithmetic3A_520 = vector.broadcast %shift_right_arithmetic3A_519 : i32 to vector<128x448xi32>
    %shift_right_arithmetic3A_521 = arith.shrsi %convert_element_type3A_518, %shift_right_arithmetic3A_520 : vector<128x448xi32>
    %add3A_522 = arith.constant 5.000000e-01 : f32
    %add3A_523 = vector.broadcast %add3A_522 : f32 to vector<128x448xf32>
    %add3A_524 = arith.addf %div3A_76, %add3A_523 : vector<128x448xf32>
    %floor3A_525 = math.floor %add3A_524 : vector<128x448xf32>
    %jit3A_526 = arith.constant 0.000000e+00 : f32
    %jit3A_527 = arith.constant 1.270000e+02 : f32
    %max3A_528 = vector.broadcast %jit3A_526 : f32 to vector<128x448xf32>
    %max3A_529 = arith.maximumf %max3A_528, %floor3A_525 : vector<128x448xf32>
    %min3A_530 = vector.broadcast %jit3A_527 : f32 to vector<128x448xf32>
    %min3A_531 = arith.minimumf %min3A_530, %max3A_529 : vector<128x448xf32>
    %convert_element_type3A_532 = arith.fptosi %min3A_531 : vector<128x448xf32> to vector<128x448xi32>
    %shift_right_arithmetic3A_533 = arith.constant 1 : i32
    %shift_right_arithmetic3A_534 = vector.broadcast %shift_right_arithmetic3A_533 : i32 to vector<128x448xi32>
    %shift_right_arithmetic3A_535 = arith.shrsi %convert_element_type3A_532, %shift_right_arithmetic3A_534 : vector<128x448xi32>
    %add3A_536 = arith.constant 5.000000e-01 : f32
    %add3A_537 = vector.broadcast %add3A_536 : f32 to vector<128x448xf32>
    %add3A_538 = arith.addf %div3A_96, %add3A_537 : vector<128x448xf32>
    %floor3A_539 = math.floor %add3A_538 : vector<128x448xf32>
    %jit3A_540 = arith.constant 0.000000e+00 : f32
    %jit3A_541 = arith.constant 1.270000e+02 : f32
    %max3A_542 = vector.broadcast %jit3A_540 : f32 to vector<128x448xf32>
    %max3A_543 = arith.maximumf %max3A_542, %floor3A_539 : vector<128x448xf32>
    %min3A_544 = vector.broadcast %jit3A_541 : f32 to vector<128x448xf32>
    %min3A_545 = arith.minimumf %min3A_544, %max3A_543 : vector<128x448xf32>
    %convert_element_type3A_546 = arith.fptosi %min3A_545 : vector<128x448xf32> to vector<128x448xi32>
    %shift_right_arithmetic3A_547 = arith.constant 1 : i32
    %shift_right_arithmetic3A_548 = vector.broadcast %shift_right_arithmetic3A_547 : i32 to vector<128x448xi32>
    %shift_right_arithmetic3A_549 = arith.shrsi %convert_element_type3A_546, %shift_right_arithmetic3A_548 : vector<128x448xi32>
    %mul3A_550 = arith.constant 64 : i32
    %mul3A_551 = vector.broadcast %mul3A_550 : i32 to vector<128x448xi32>
    %mul3A_552 = arith.muli %shift_right_arithmetic3A_521, %mul3A_551 : vector<128x448xi32>
    %add3A_553 = arith.addi %mul3A_552, %shift_right_arithmetic3A_535 : vector<128x448xi32>
    %mul3A_554 = arith.constant 64 : i32
    %mul3A_555 = vector.broadcast %mul3A_554 : i32 to vector<128x448xi32>
    %mul3A_556 = arith.muli %add3A_553, %mul3A_555 : vector<128x448xi32>
    %add3A_557 = arith.addi %mul3A_556, %shift_right_arithmetic3A_549 : vector<128x448xi32>
    %jit3A_558 = arith.constant 0 : i32
    %broadcast_in_dim3A_559 = vector.broadcast %jit3A_558 : i32 to vector<128x448xi32>
    %select_n3A_560 = arith.select %and3A_100, %add3A_557, %broadcast_in_dim3A_559 : vector<128x448xi1>, vector<128x448xi32>
    %swap3A_561 = arith.constant 0 : index
    %swap3A_562 = arith.constant 7 : index
    %swap3A_563 = arith.constant 0 : index
    %swap3A_564 = vector.load %arg2[%swap3A_561, %swap3A_562, %swap3A_563] : memref<128x8x448xi32, #tpu.memory_space<vmem>>, vector<128x1x448xi32>
    %swap3A_565 = vector.shape_cast %swap3A_564 : vector<128x1x448xi32> to vector<128x448xi32>
    %swap3A_566 = vector.shape_cast %select_n3A_560 : vector<128x448xi32> to vector<128x1x448xi32>
    tpu.vector_store %arg2[%swap3A_561, %swap3A_562, %swap3A_563], %swap3A_566 {strides = array<i32>} : memref<128x8x448xi32, #tpu.memory_space<vmem>>, vector<128x1x448xi32>,
    return
  }
}

module attributes {stable_mosaic.version = 14 : i64} {
  func.func @_combine_body(%arg0: i32, %arg1: memref<8x448x256xbf16, #tpu.memory_space<vmem>>, %arg2: memref<1x3x8xf32, #tpu.memory_space<vmem>>, %arg3: memref<1x3x8xf32, #tpu.memory_space<vmem>>, %arg4: memref<256x1024xbf16, #tpu.memory_space<vmem>>, %arg5: memref<1x4x8xf32, #tpu.memory_space<vmem>>) attributes {dimension_semantics = [#tpu.dimension_semantics<arbitrary>], iteration_bounds = array<i64: 16>, scalar_prefetch = 0 : i64, scratch_operands = 0 : i64, tpu.core_type = #tpu.core_type<tc>, window_params = [{transform_indices = @transform_0, window_bounds = array<i64: 8, 448, 256>}, {transform_indices = @transform_1, window_bounds = array<i64: 1, 3, 8>}, {transform_indices = @transform_2, window_bounds = array<i64: 1, 3, 8>}, {pipeline_mode = #tpu.pipeline_mode<synchronous>, transform_indices = @transform_3, window_bounds = array<i64: 256, 1024>}, {transform_indices = @transform_4, window_bounds = array<i64: 1, 4, 8>}]} {
    %get3A = arith.constant 0 : index
    %get3A_0 = arith.constant 0 : index
    %get3A_1 = arith.constant 0 : index
    %get3A_2 = vector.load %arg2[%get3A, %get3A_0, %get3A_1] : memref<1x3x8xf32, #tpu.memory_space<vmem>>, vector<1x3x8xf32>
    %get3A_3 = arith.constant 0 : index
    %get3A_4 = arith.constant 0 : index
    %get3A_5 = arith.constant 0 : index
    %get3A_6 = vector.load %arg3[%get3A_3, %get3A_4, %get3A_5] : memref<1x3x8xf32, #tpu.memory_space<vmem>>, vector<1x3x8xf32>
    %slice3A = vector.extract_strided_slice %get3A_2 {offsets = [0, 0, 0], sizes = [1, 1, 8], strides = [1, 1, 1]} : vector<1x3x8xf32> to vector<1x1x8xf32>
    %squeeze3A = vector.shape_cast %slice3A : vector<1x1x8xf32> to vector<1x8xf32>
    %slice3A_7 = vector.extract_strided_slice %get3A_2 {offsets = [0, 1, 0], sizes = [1, 1, 8], strides = [1, 1, 1]} : vector<1x3x8xf32> to vector<1x1x8xf32>
    %squeeze3A_8 = vector.shape_cast %slice3A_7 : vector<1x1x8xf32> to vector<1x8xf32>
    %slice3A_9 = vector.extract_strided_slice %get3A_2 {offsets = [0, 2, 0], sizes = [1, 1, 8], strides = [1, 1, 1]} : vector<1x3x8xf32> to vector<1x1x8xf32>
    %squeeze3A_10 = vector.shape_cast %slice3A_9 : vector<1x1x8xf32> to vector<1x8xf32>
    %slice3A_11 = vector.extract_strided_slice %get3A_6 {offsets = [0, 0, 0], sizes = [1, 1, 8], strides = [1, 1, 1]} : vector<1x3x8xf32> to vector<1x1x8xf32>
    %squeeze3A_12 = vector.shape_cast %slice3A_11 : vector<1x1x8xf32> to vector<1x8xf32>
    %slice3A_13 = vector.extract_strided_slice %get3A_6 {offsets = [0, 1, 0], sizes = [1, 1, 8], strides = [1, 1, 1]} : vector<1x3x8xf32> to vector<1x1x8xf32>
    %squeeze3A_14 = vector.shape_cast %slice3A_13 : vector<1x1x8xf32> to vector<1x8xf32>
    %slice3A_15 = vector.extract_strided_slice %get3A_6 {offsets = [0, 2, 0], sizes = [1, 1, 8], strides = [1, 1, 1]} : vector<1x3x8xf32> to vector<1x1x8xf32>
    %squeeze3A_16 = vector.shape_cast %slice3A_15 : vector<1x1x8xf32> to vector<1x8xf32>
    %iota3A = tpu.iota {dimensions = array<i32: 0>} : vector<448x8xi32>
    %convert_element_type3A = arith.sitofp %iota3A : vector<448x8xi32> to vector<448x8xf32>
    %sub3A = arith.constant 1.300000e+00 : f32
    %sub3A_17 = vector.broadcast %sub3A : f32 to vector<1x8xf32>
    %sub3A_18 = arith.subf %sub3A_17, %squeeze3A : vector<1x8xf32>
    %div3A = arith.divf %sub3A_18, %squeeze3A_12 : vector<1x8xf32>
    %sub3A_19 = arith.constant -1.300000e+00 : f32
    %sub3A_20 = vector.broadcast %sub3A_19 : f32 to vector<1x8xf32>
    %sub3A_21 = arith.subf %sub3A_20, %squeeze3A : vector<1x8xf32>
    %div3A_22 = arith.divf %sub3A_21, %squeeze3A_12 : vector<1x8xf32>
    %min3A = arith.minimumf %div3A, %div3A_22 : vector<1x8xf32>
    %sub3A_23 = arith.constant 1.300000e+00 : f32
    %sub3A_24 = vector.broadcast %sub3A_23 : f32 to vector<1x8xf32>
    %sub3A_25 = arith.subf %sub3A_24, %squeeze3A_8 : vector<1x8xf32>
    %div3A_26 = arith.divf %sub3A_25, %squeeze3A_14 : vector<1x8xf32>
    %sub3A_27 = arith.constant -1.300000e+00 : f32
    %sub3A_28 = vector.broadcast %sub3A_27 : f32 to vector<1x8xf32>
    %sub3A_29 = arith.subf %sub3A_28, %squeeze3A_8 : vector<1x8xf32>
    %div3A_30 = arith.divf %sub3A_29, %squeeze3A_14 : vector<1x8xf32>
    %min3A_31 = arith.minimumf %div3A_26, %div3A_30 : vector<1x8xf32>
    %max3A = arith.maximumf %min3A, %min3A_31 : vector<1x8xf32>
    %sub3A_32 = arith.constant 1.300000e+00 : f32
    %sub3A_33 = vector.broadcast %sub3A_32 : f32 to vector<1x8xf32>
    %sub3A_34 = arith.subf %sub3A_33, %squeeze3A_10 : vector<1x8xf32>
    %div3A_35 = arith.divf %sub3A_34, %squeeze3A_16 : vector<1x8xf32>
    %sub3A_36 = arith.constant -1.300000e+00 : f32
    %sub3A_37 = vector.broadcast %sub3A_36 : f32 to vector<1x8xf32>
    %sub3A_38 = arith.subf %sub3A_37, %squeeze3A_10 : vector<1x8xf32>
    %div3A_39 = arith.divf %sub3A_38, %squeeze3A_16 : vector<1x8xf32>
    %min3A_40 = arith.minimumf %div3A_35, %div3A_39 : vector<1x8xf32>
    %max3A_41 = arith.maximumf %max3A, %min3A_40 : vector<1x8xf32>
    %mul3A = arith.constant 0.0101562496 : f32
    %mul3A_42 = vector.broadcast %mul3A : f32 to vector<448x8xf32>
    %mul3A_43 = arith.mulf %convert_element_type3A, %mul3A_42 : vector<448x8xf32>
    %add3A = vector.broadcast %max3A_41 : vector<1x8xf32> to vector<448x8xf32>
    %add3A_44 = arith.addf %add3A, %mul3A_43 : vector<448x8xf32>
    %mul3A_45 = vector.broadcast %squeeze3A_12 : vector<1x8xf32> to vector<448x8xf32>
    %mul3A_46 = arith.mulf %add3A_44, %mul3A_45 : vector<448x8xf32>
    %add3A_47 = vector.broadcast %squeeze3A : vector<1x8xf32> to vector<448x8xf32>
    %add3A_48 = arith.addf %add3A_47, %mul3A_46 : vector<448x8xf32>
    %gt3A = arith.constant -1.300000e+00 : f32
    %gt3A_49 = vector.broadcast %gt3A : f32 to vector<448x8xf32>
    %gt3A_50 = arith.cmpf ogt, %add3A_48, %gt3A_49 : vector<448x8xf32>
    %lt3A = arith.constant 1.300000e+00 : f32
    %lt3A_51 = vector.broadcast %lt3A : f32 to vector<448x8xf32>
    %lt3A_52 = arith.cmpf olt, %add3A_48, %lt3A_51 : vector<448x8xf32>
    %and3A = arith.andi %gt3A_50, %lt3A_52 : vector<448x8xi1>
    %add3A_53 = arith.constant 1.300000e+00 : f32
    %add3A_54 = vector.broadcast %add3A_53 : f32 to vector<448x8xf32>
    %add3A_55 = arith.addf %add3A_48, %add3A_54 : vector<448x8xf32>
    %div3A_56 = arith.constant 2.031250e-02 : f32
    %div3A_57 = vector.broadcast %div3A_56 : f32 to vector<448x8xf32>
    %div3A_58 = arith.divf %add3A_55, %div3A_57 : vector<448x8xf32>
    %mul3A_59 = vector.broadcast %squeeze3A_14 : vector<1x8xf32> to vector<448x8xf32>
    %mul3A_60 = arith.mulf %add3A_44, %mul3A_59 : vector<448x8xf32>
    %add3A_61 = vector.broadcast %squeeze3A_8 : vector<1x8xf32> to vector<448x8xf32>
    %add3A_62 = arith.addf %add3A_61, %mul3A_60 : vector<448x8xf32>
    %gt3A_63 = arith.constant -1.300000e+00 : f32
    %gt3A_64 = vector.broadcast %gt3A_63 : f32 to vector<448x8xf32>
    %gt3A_65 = arith.cmpf ogt, %add3A_62, %gt3A_64 : vector<448x8xf32>
    %lt3A_66 = arith.constant 1.300000e+00 : f32
    %lt3A_67 = vector.broadcast %lt3A_66 : f32 to vector<448x8xf32>
    %lt3A_68 = arith.cmpf olt, %add3A_62, %lt3A_67 : vector<448x8xf32>
    %and3A_69 = arith.andi %gt3A_65, %lt3A_68 : vector<448x8xi1>
    %and3A_70 = arith.andi %and3A, %and3A_69 : vector<448x8xi1>
    %add3A_71 = arith.constant 1.300000e+00 : f32
    %add3A_72 = vector.broadcast %add3A_71 : f32 to vector<448x8xf32>
    %add3A_73 = arith.addf %add3A_62, %add3A_72 : vector<448x8xf32>
    %div3A_74 = arith.constant 2.031250e-02 : f32
    %div3A_75 = vector.broadcast %div3A_74 : f32 to vector<448x8xf32>
    %div3A_76 = arith.divf %add3A_73, %div3A_75 : vector<448x8xf32>
    %mul3A_77 = vector.broadcast %squeeze3A_16 : vector<1x8xf32> to vector<448x8xf32>
    %mul3A_78 = arith.mulf %add3A_44, %mul3A_77 : vector<448x8xf32>
    %add3A_79 = vector.broadcast %squeeze3A_10 : vector<1x8xf32> to vector<448x8xf32>
    %add3A_80 = arith.addf %add3A_79, %mul3A_78 : vector<448x8xf32>
    %gt3A_81 = arith.constant -1.300000e+00 : f32
    %gt3A_82 = vector.broadcast %gt3A_81 : f32 to vector<448x8xf32>
    %gt3A_83 = arith.cmpf ogt, %add3A_80, %gt3A_82 : vector<448x8xf32>
    %lt3A_84 = arith.constant 1.300000e+00 : f32
    %lt3A_85 = vector.broadcast %lt3A_84 : f32 to vector<448x8xf32>
    %lt3A_86 = arith.cmpf olt, %add3A_80, %lt3A_85 : vector<448x8xf32>
    %and3A_87 = arith.andi %gt3A_83, %lt3A_86 : vector<448x8xi1>
    %and3A_88 = arith.andi %and3A_70, %and3A_87 : vector<448x8xi1>
    %add3A_89 = arith.constant 1.300000e+00 : f32
    %add3A_90 = vector.broadcast %add3A_89 : f32 to vector<448x8xf32>
    %add3A_91 = arith.addf %add3A_80, %add3A_90 : vector<448x8xf32>
    %div3A_92 = arith.constant 2.031250e-02 : f32
    %div3A_93 = vector.broadcast %div3A_92 : f32 to vector<448x8xf32>
    %div3A_94 = arith.divf %add3A_91, %div3A_93 : vector<448x8xf32>
    %lt3A_95 = arith.constant 441 : i32
    %lt3A_96 = vector.broadcast %lt3A_95 : i32 to vector<448x8xi32>
    %lt3A_97 = arith.cmpi slt, %iota3A, %lt3A_96 : vector<448x8xi32>
    %and3A_98 = arith.andi %and3A_88, %lt3A_97 : vector<448x8xi1>
    %add3A_99 = arith.constant -5.000000e-01 : f32
    %add3A_100 = vector.broadcast %add3A_99 : f32 to vector<448x8xf32>
    %add3A_101 = arith.addf %div3A_58, %add3A_100 : vector<448x8xf32>
    %floor3A = math.floor %add3A_101 : vector<448x8xf32>
    %jit3A = arith.constant 0.000000e+00 : f32
    %jit3A_102 = arith.constant 1.270000e+02 : f32
    %max3A_103 = vector.broadcast %jit3A : f32 to vector<448x8xf32>
    %max3A_104 = arith.maximumf %max3A_103, %floor3A : vector<448x8xf32>
    %min3A_105 = vector.broadcast %jit3A_102 : f32 to vector<448x8xf32>
    %min3A_106 = arith.minimumf %min3A_105, %max3A_104 : vector<448x8xf32>
    %add3A_107 = arith.constant 5.000000e-01 : f32
    %add3A_108 = vector.broadcast %add3A_107 : f32 to vector<448x8xf32>
    %add3A_109 = arith.addf %min3A_106, %add3A_108 : vector<448x8xf32>
    %sub3A_110 = arith.subf %div3A_58, %add3A_109 : vector<448x8xf32>
    %abs3A = math.absf %sub3A_110 : vector<448x8xf32>
    %sub3A_111 = arith.constant 1.000000e+00 : f32
    %sub3A_112 = vector.broadcast %sub3A_111 : f32 to vector<448x8xf32>
    %sub3A_113 = arith.subf %sub3A_112, %abs3A : vector<448x8xf32>
    %jit3A_114 = arith.constant 0.000000e+00 : f32
    %max3A_115 = vector.broadcast %jit3A_114 : f32 to vector<448x8xf32>
    %max3A_116 = arith.maximumf %max3A_115, %sub3A_113 : vector<448x8xf32>
    %convert_element_type3A_117 = arith.fptosi %min3A_106 : vector<448x8xf32> to vector<448x8xi32>
    %and3A_118 = arith.constant 1 : i32
    %and3A_119 = vector.broadcast %and3A_118 : i32 to vector<448x8xi32>
    %and3A_120 = arith.andi %convert_element_type3A_117, %and3A_119 : vector<448x8xi32>
    %add3A_121 = arith.constant -5.000000e-01 : f32
    %add3A_122 = vector.broadcast %add3A_121 : f32 to vector<448x8xf32>
    %add3A_123 = arith.addf %div3A_76, %add3A_122 : vector<448x8xf32>
    %floor3A_124 = math.floor %add3A_123 : vector<448x8xf32>
    %jit3A_125 = arith.constant 0.000000e+00 : f32
    %jit3A_126 = arith.constant 1.270000e+02 : f32
    %max3A_127 = vector.broadcast %jit3A_125 : f32 to vector<448x8xf32>
    %max3A_128 = arith.maximumf %max3A_127, %floor3A_124 : vector<448x8xf32>
    %min3A_129 = vector.broadcast %jit3A_126 : f32 to vector<448x8xf32>
    %min3A_130 = arith.minimumf %min3A_129, %max3A_128 : vector<448x8xf32>
    %add3A_131 = arith.constant 5.000000e-01 : f32
    %add3A_132 = vector.broadcast %add3A_131 : f32 to vector<448x8xf32>
    %add3A_133 = arith.addf %min3A_130, %add3A_132 : vector<448x8xf32>
    %sub3A_134 = arith.subf %div3A_76, %add3A_133 : vector<448x8xf32>
    %abs3A_135 = math.absf %sub3A_134 : vector<448x8xf32>
    %sub3A_136 = arith.constant 1.000000e+00 : f32
    %sub3A_137 = vector.broadcast %sub3A_136 : f32 to vector<448x8xf32>
    %sub3A_138 = arith.subf %sub3A_137, %abs3A_135 : vector<448x8xf32>
    %jit3A_139 = arith.constant 0.000000e+00 : f32
    %max3A_140 = vector.broadcast %jit3A_139 : f32 to vector<448x8xf32>
    %max3A_141 = arith.maximumf %max3A_140, %sub3A_138 : vector<448x8xf32>
    %mul3A_142 = arith.mulf %max3A_116, %max3A_141 : vector<448x8xf32>
    %convert_element_type3A_143 = arith.fptosi %min3A_130 : vector<448x8xf32> to vector<448x8xi32>
    %and3A_144 = arith.constant 1 : i32
    %and3A_145 = vector.broadcast %and3A_144 : i32 to vector<448x8xi32>
    %and3A_146 = arith.andi %convert_element_type3A_143, %and3A_145 : vector<448x8xi32>
    %mul3A_147 = arith.constant 2 : i32
    %mul3A_148 = vector.broadcast %mul3A_147 : i32 to vector<448x8xi32>
    %mul3A_149 = arith.muli %and3A_120, %mul3A_148 : vector<448x8xi32>
    %add3A_150 = arith.addi %mul3A_149, %and3A_146 : vector<448x8xi32>
    %add3A_151 = arith.constant -5.000000e-01 : f32
    %add3A_152 = vector.broadcast %add3A_151 : f32 to vector<448x8xf32>
    %add3A_153 = arith.addf %div3A_94, %add3A_152 : vector<448x8xf32>
    %floor3A_154 = math.floor %add3A_153 : vector<448x8xf32>
    %jit3A_155 = arith.constant 0.000000e+00 : f32
    %jit3A_156 = arith.constant 1.270000e+02 : f32
    %max3A_157 = vector.broadcast %jit3A_155 : f32 to vector<448x8xf32>
    %max3A_158 = arith.maximumf %max3A_157, %floor3A_154 : vector<448x8xf32>
    %min3A_159 = vector.broadcast %jit3A_156 : f32 to vector<448x8xf32>
    %min3A_160 = arith.minimumf %min3A_159, %max3A_158 : vector<448x8xf32>
    %add3A_161 = arith.constant 5.000000e-01 : f32
    %add3A_162 = vector.broadcast %add3A_161 : f32 to vector<448x8xf32>
    %add3A_163 = arith.addf %min3A_160, %add3A_162 : vector<448x8xf32>
    %sub3A_164 = arith.subf %div3A_94, %add3A_163 : vector<448x8xf32>
    %abs3A_165 = math.absf %sub3A_164 : vector<448x8xf32>
    %sub3A_166 = arith.constant 1.000000e+00 : f32
    %sub3A_167 = vector.broadcast %sub3A_166 : f32 to vector<448x8xf32>
    %sub3A_168 = arith.subf %sub3A_167, %abs3A_165 : vector<448x8xf32>
    %jit3A_169 = arith.constant 0.000000e+00 : f32
    %max3A_170 = vector.broadcast %jit3A_169 : f32 to vector<448x8xf32>
    %max3A_171 = arith.maximumf %max3A_170, %sub3A_168 : vector<448x8xf32>
    %mul3A_172 = arith.mulf %mul3A_142, %max3A_171 : vector<448x8xf32>
    %convert_element_type3A_173 = arith.fptosi %min3A_160 : vector<448x8xf32> to vector<448x8xi32>
    %and3A_174 = arith.constant 1 : i32
    %and3A_175 = vector.broadcast %and3A_174 : i32 to vector<448x8xi32>
    %and3A_176 = arith.andi %convert_element_type3A_173, %and3A_175 : vector<448x8xi32>
    %mul3A_177 = arith.constant 2 : i32
    %mul3A_178 = vector.broadcast %mul3A_177 : i32 to vector<448x8xi32>
    %mul3A_179 = arith.muli %add3A_150, %mul3A_178 : vector<448x8xi32>
    %add3A_180 = arith.addi %mul3A_179, %and3A_176 : vector<448x8xi32>
    %jit3A_181 = arith.constant 0.000000e+00 : f32
    %broadcast_in_dim3A = vector.broadcast %jit3A_181 : f32 to vector<448x8xf32>
    %select_n3A = arith.select %and3A_98, %mul3A_172, %broadcast_in_dim3A : vector<448x8xi1>, vector<448x8xf32>
    %add3A_182 = arith.constant -5.000000e-01 : f32
    %add3A_183 = vector.broadcast %add3A_182 : f32 to vector<448x8xf32>
    %add3A_184 = arith.addf %div3A_58, %add3A_183 : vector<448x8xf32>
    %floor3A_185 = math.floor %add3A_184 : vector<448x8xf32>
    %jit3A_186 = arith.constant 0.000000e+00 : f32
    %jit3A_187 = arith.constant 1.270000e+02 : f32
    %max3A_188 = vector.broadcast %jit3A_186 : f32 to vector<448x8xf32>
    %max3A_189 = arith.maximumf %max3A_188, %floor3A_185 : vector<448x8xf32>
    %min3A_190 = vector.broadcast %jit3A_187 : f32 to vector<448x8xf32>
    %min3A_191 = arith.minimumf %min3A_190, %max3A_189 : vector<448x8xf32>
    %add3A_192 = arith.constant 5.000000e-01 : f32
    %add3A_193 = vector.broadcast %add3A_192 : f32 to vector<448x8xf32>
    %add3A_194 = arith.addf %min3A_191, %add3A_193 : vector<448x8xf32>
    %sub3A_195 = arith.subf %div3A_58, %add3A_194 : vector<448x8xf32>
    %abs3A_196 = math.absf %sub3A_195 : vector<448x8xf32>
    %sub3A_197 = arith.constant 1.000000e+00 : f32
    %sub3A_198 = vector.broadcast %sub3A_197 : f32 to vector<448x8xf32>
    %sub3A_199 = arith.subf %sub3A_198, %abs3A_196 : vector<448x8xf32>
    %jit3A_200 = arith.constant 0.000000e+00 : f32
    %max3A_201 = vector.broadcast %jit3A_200 : f32 to vector<448x8xf32>
    %max3A_202 = arith.maximumf %max3A_201, %sub3A_199 : vector<448x8xf32>
    %convert_element_type3A_203 = arith.fptosi %min3A_191 : vector<448x8xf32> to vector<448x8xi32>
    %and3A_204 = arith.constant 1 : i32
    %and3A_205 = vector.broadcast %and3A_204 : i32 to vector<448x8xi32>
    %and3A_206 = arith.andi %convert_element_type3A_203, %and3A_205 : vector<448x8xi32>
    %add3A_207 = arith.constant -5.000000e-01 : f32
    %add3A_208 = vector.broadcast %add3A_207 : f32 to vector<448x8xf32>
    %add3A_209 = arith.addf %div3A_76, %add3A_208 : vector<448x8xf32>
    %floor3A_210 = math.floor %add3A_209 : vector<448x8xf32>
    %jit3A_211 = arith.constant 0.000000e+00 : f32
    %jit3A_212 = arith.constant 1.270000e+02 : f32
    %max3A_213 = vector.broadcast %jit3A_211 : f32 to vector<448x8xf32>
    %max3A_214 = arith.maximumf %max3A_213, %floor3A_210 : vector<448x8xf32>
    %min3A_215 = vector.broadcast %jit3A_212 : f32 to vector<448x8xf32>
    %min3A_216 = arith.minimumf %min3A_215, %max3A_214 : vector<448x8xf32>
    %add3A_217 = arith.constant 5.000000e-01 : f32
    %add3A_218 = vector.broadcast %add3A_217 : f32 to vector<448x8xf32>
    %add3A_219 = arith.addf %min3A_216, %add3A_218 : vector<448x8xf32>
    %sub3A_220 = arith.subf %div3A_76, %add3A_219 : vector<448x8xf32>
    %abs3A_221 = math.absf %sub3A_220 : vector<448x8xf32>
    %sub3A_222 = arith.constant 1.000000e+00 : f32
    %sub3A_223 = vector.broadcast %sub3A_222 : f32 to vector<448x8xf32>
    %sub3A_224 = arith.subf %sub3A_223, %abs3A_221 : vector<448x8xf32>
    %jit3A_225 = arith.constant 0.000000e+00 : f32
    %max3A_226 = vector.broadcast %jit3A_225 : f32 to vector<448x8xf32>
    %max3A_227 = arith.maximumf %max3A_226, %sub3A_224 : vector<448x8xf32>
    %mul3A_228 = arith.mulf %max3A_202, %max3A_227 : vector<448x8xf32>
    %convert_element_type3A_229 = arith.fptosi %min3A_216 : vector<448x8xf32> to vector<448x8xi32>
    %and3A_230 = arith.constant 1 : i32
    %and3A_231 = vector.broadcast %and3A_230 : i32 to vector<448x8xi32>
    %and3A_232 = arith.andi %convert_element_type3A_229, %and3A_231 : vector<448x8xi32>
    %mul3A_233 = arith.constant 2 : i32
    %mul3A_234 = vector.broadcast %mul3A_233 : i32 to vector<448x8xi32>
    %mul3A_235 = arith.muli %and3A_206, %mul3A_234 : vector<448x8xi32>
    %add3A_236 = arith.addi %mul3A_235, %and3A_232 : vector<448x8xi32>
    %add3A_237 = arith.constant 5.000000e-01 : f32
    %add3A_238 = vector.broadcast %add3A_237 : f32 to vector<448x8xf32>
    %add3A_239 = arith.addf %div3A_94, %add3A_238 : vector<448x8xf32>
    %floor3A_240 = math.floor %add3A_239 : vector<448x8xf32>
    %jit3A_241 = arith.constant 0.000000e+00 : f32
    %jit3A_242 = arith.constant 1.270000e+02 : f32
    %max3A_243 = vector.broadcast %jit3A_241 : f32 to vector<448x8xf32>
    %max3A_244 = arith.maximumf %max3A_243, %floor3A_240 : vector<448x8xf32>
    %min3A_245 = vector.broadcast %jit3A_242 : f32 to vector<448x8xf32>
    %min3A_246 = arith.minimumf %min3A_245, %max3A_244 : vector<448x8xf32>
    %add3A_247 = arith.constant 5.000000e-01 : f32
    %add3A_248 = vector.broadcast %add3A_247 : f32 to vector<448x8xf32>
    %add3A_249 = arith.addf %min3A_246, %add3A_248 : vector<448x8xf32>
    %sub3A_250 = arith.subf %div3A_94, %add3A_249 : vector<448x8xf32>
    %abs3A_251 = math.absf %sub3A_250 : vector<448x8xf32>
    %sub3A_252 = arith.constant 1.000000e+00 : f32
    %sub3A_253 = vector.broadcast %sub3A_252 : f32 to vector<448x8xf32>
    %sub3A_254 = arith.subf %sub3A_253, %abs3A_251 : vector<448x8xf32>
    %jit3A_255 = arith.constant 0.000000e+00 : f32
    %max3A_256 = vector.broadcast %jit3A_255 : f32 to vector<448x8xf32>
    %max3A_257 = arith.maximumf %max3A_256, %sub3A_254 : vector<448x8xf32>
    %mul3A_258 = arith.mulf %mul3A_228, %max3A_257 : vector<448x8xf32>
    %convert_element_type3A_259 = arith.fptosi %min3A_246 : vector<448x8xf32> to vector<448x8xi32>
    %and3A_260 = arith.constant 1 : i32
    %and3A_261 = vector.broadcast %and3A_260 : i32 to vector<448x8xi32>
    %and3A_262 = arith.andi %convert_element_type3A_259, %and3A_261 : vector<448x8xi32>
    %mul3A_263 = arith.constant 2 : i32
    %mul3A_264 = vector.broadcast %mul3A_263 : i32 to vector<448x8xi32>
    %mul3A_265 = arith.muli %add3A_236, %mul3A_264 : vector<448x8xi32>
    %add3A_266 = arith.addi %mul3A_265, %and3A_262 : vector<448x8xi32>
    %jit3A_267 = arith.constant 0.000000e+00 : f32
    %broadcast_in_dim3A_268 = vector.broadcast %jit3A_267 : f32 to vector<448x8xf32>
    %select_n3A_269 = arith.select %and3A_98, %mul3A_258, %broadcast_in_dim3A_268 : vector<448x8xi1>, vector<448x8xf32>
    %add3A_270 = arith.constant -5.000000e-01 : f32
    %add3A_271 = vector.broadcast %add3A_270 : f32 to vector<448x8xf32>
    %add3A_272 = arith.addf %div3A_58, %add3A_271 : vector<448x8xf32>
    %floor3A_273 = math.floor %add3A_272 : vector<448x8xf32>
    %jit3A_274 = arith.constant 0.000000e+00 : f32
    %jit3A_275 = arith.constant 1.270000e+02 : f32
    %max3A_276 = vector.broadcast %jit3A_274 : f32 to vector<448x8xf32>
    %max3A_277 = arith.maximumf %max3A_276, %floor3A_273 : vector<448x8xf32>
    %min3A_278 = vector.broadcast %jit3A_275 : f32 to vector<448x8xf32>
    %min3A_279 = arith.minimumf %min3A_278, %max3A_277 : vector<448x8xf32>
    %add3A_280 = arith.constant 5.000000e-01 : f32
    %add3A_281 = vector.broadcast %add3A_280 : f32 to vector<448x8xf32>
    %add3A_282 = arith.addf %min3A_279, %add3A_281 : vector<448x8xf32>
    %sub3A_283 = arith.subf %div3A_58, %add3A_282 : vector<448x8xf32>
    %abs3A_284 = math.absf %sub3A_283 : vector<448x8xf32>
    %sub3A_285 = arith.constant 1.000000e+00 : f32
    %sub3A_286 = vector.broadcast %sub3A_285 : f32 to vector<448x8xf32>
    %sub3A_287 = arith.subf %sub3A_286, %abs3A_284 : vector<448x8xf32>
    %jit3A_288 = arith.constant 0.000000e+00 : f32
    %max3A_289 = vector.broadcast %jit3A_288 : f32 to vector<448x8xf32>
    %max3A_290 = arith.maximumf %max3A_289, %sub3A_287 : vector<448x8xf32>
    %convert_element_type3A_291 = arith.fptosi %min3A_279 : vector<448x8xf32> to vector<448x8xi32>
    %and3A_292 = arith.constant 1 : i32
    %and3A_293 = vector.broadcast %and3A_292 : i32 to vector<448x8xi32>
    %and3A_294 = arith.andi %convert_element_type3A_291, %and3A_293 : vector<448x8xi32>
    %add3A_295 = arith.constant 5.000000e-01 : f32
    %add3A_296 = vector.broadcast %add3A_295 : f32 to vector<448x8xf32>
    %add3A_297 = arith.addf %div3A_76, %add3A_296 : vector<448x8xf32>
    %floor3A_298 = math.floor %add3A_297 : vector<448x8xf32>
    %jit3A_299 = arith.constant 0.000000e+00 : f32
    %jit3A_300 = arith.constant 1.270000e+02 : f32
    %max3A_301 = vector.broadcast %jit3A_299 : f32 to vector<448x8xf32>
    %max3A_302 = arith.maximumf %max3A_301, %floor3A_298 : vector<448x8xf32>
    %min3A_303 = vector.broadcast %jit3A_300 : f32 to vector<448x8xf32>
    %min3A_304 = arith.minimumf %min3A_303, %max3A_302 : vector<448x8xf32>
    %add3A_305 = arith.constant 5.000000e-01 : f32
    %add3A_306 = vector.broadcast %add3A_305 : f32 to vector<448x8xf32>
    %add3A_307 = arith.addf %min3A_304, %add3A_306 : vector<448x8xf32>
    %sub3A_308 = arith.subf %div3A_76, %add3A_307 : vector<448x8xf32>
    %abs3A_309 = math.absf %sub3A_308 : vector<448x8xf32>
    %sub3A_310 = arith.constant 1.000000e+00 : f32
    %sub3A_311 = vector.broadcast %sub3A_310 : f32 to vector<448x8xf32>
    %sub3A_312 = arith.subf %sub3A_311, %abs3A_309 : vector<448x8xf32>
    %jit3A_313 = arith.constant 0.000000e+00 : f32
    %max3A_314 = vector.broadcast %jit3A_313 : f32 to vector<448x8xf32>
    %max3A_315 = arith.maximumf %max3A_314, %sub3A_312 : vector<448x8xf32>
    %mul3A_316 = arith.mulf %max3A_290, %max3A_315 : vector<448x8xf32>
    %convert_element_type3A_317 = arith.fptosi %min3A_304 : vector<448x8xf32> to vector<448x8xi32>
    %and3A_318 = arith.constant 1 : i32
    %and3A_319 = vector.broadcast %and3A_318 : i32 to vector<448x8xi32>
    %and3A_320 = arith.andi %convert_element_type3A_317, %and3A_319 : vector<448x8xi32>
    %mul3A_321 = arith.constant 2 : i32
    %mul3A_322 = vector.broadcast %mul3A_321 : i32 to vector<448x8xi32>
    %mul3A_323 = arith.muli %and3A_294, %mul3A_322 : vector<448x8xi32>
    %add3A_324 = arith.addi %mul3A_323, %and3A_320 : vector<448x8xi32>
    %add3A_325 = arith.constant -5.000000e-01 : f32
    %add3A_326 = vector.broadcast %add3A_325 : f32 to vector<448x8xf32>
    %add3A_327 = arith.addf %div3A_94, %add3A_326 : vector<448x8xf32>
    %floor3A_328 = math.floor %add3A_327 : vector<448x8xf32>
    %jit3A_329 = arith.constant 0.000000e+00 : f32
    %jit3A_330 = arith.constant 1.270000e+02 : f32
    %max3A_331 = vector.broadcast %jit3A_329 : f32 to vector<448x8xf32>
    %max3A_332 = arith.maximumf %max3A_331, %floor3A_328 : vector<448x8xf32>
    %min3A_333 = vector.broadcast %jit3A_330 : f32 to vector<448x8xf32>
    %min3A_334 = arith.minimumf %min3A_333, %max3A_332 : vector<448x8xf32>
    %add3A_335 = arith.constant 5.000000e-01 : f32
    %add3A_336 = vector.broadcast %add3A_335 : f32 to vector<448x8xf32>
    %add3A_337 = arith.addf %min3A_334, %add3A_336 : vector<448x8xf32>
    %sub3A_338 = arith.subf %div3A_94, %add3A_337 : vector<448x8xf32>
    %abs3A_339 = math.absf %sub3A_338 : vector<448x8xf32>
    %sub3A_340 = arith.constant 1.000000e+00 : f32
    %sub3A_341 = vector.broadcast %sub3A_340 : f32 to vector<448x8xf32>
    %sub3A_342 = arith.subf %sub3A_341, %abs3A_339 : vector<448x8xf32>
    %jit3A_343 = arith.constant 0.000000e+00 : f32
    %max3A_344 = vector.broadcast %jit3A_343 : f32 to vector<448x8xf32>
    %max3A_345 = arith.maximumf %max3A_344, %sub3A_342 : vector<448x8xf32>
    %mul3A_346 = arith.mulf %mul3A_316, %max3A_345 : vector<448x8xf32>
    %convert_element_type3A_347 = arith.fptosi %min3A_334 : vector<448x8xf32> to vector<448x8xi32>
    %and3A_348 = arith.constant 1 : i32
    %and3A_349 = vector.broadcast %and3A_348 : i32 to vector<448x8xi32>
    %and3A_350 = arith.andi %convert_element_type3A_347, %and3A_349 : vector<448x8xi32>
    %mul3A_351 = arith.constant 2 : i32
    %mul3A_352 = vector.broadcast %mul3A_351 : i32 to vector<448x8xi32>
    %mul3A_353 = arith.muli %add3A_324, %mul3A_352 : vector<448x8xi32>
    %add3A_354 = arith.addi %mul3A_353, %and3A_350 : vector<448x8xi32>
    %jit3A_355 = arith.constant 0.000000e+00 : f32
    %broadcast_in_dim3A_356 = vector.broadcast %jit3A_355 : f32 to vector<448x8xf32>
    %select_n3A_357 = arith.select %and3A_98, %mul3A_346, %broadcast_in_dim3A_356 : vector<448x8xi1>, vector<448x8xf32>
    %add3A_358 = arith.constant -5.000000e-01 : f32
    %add3A_359 = vector.broadcast %add3A_358 : f32 to vector<448x8xf32>
    %add3A_360 = arith.addf %div3A_58, %add3A_359 : vector<448x8xf32>
    %floor3A_361 = math.floor %add3A_360 : vector<448x8xf32>
    %jit3A_362 = arith.constant 0.000000e+00 : f32
    %jit3A_363 = arith.constant 1.270000e+02 : f32
    %max3A_364 = vector.broadcast %jit3A_362 : f32 to vector<448x8xf32>
    %max3A_365 = arith.maximumf %max3A_364, %floor3A_361 : vector<448x8xf32>
    %min3A_366 = vector.broadcast %jit3A_363 : f32 to vector<448x8xf32>
    %min3A_367 = arith.minimumf %min3A_366, %max3A_365 : vector<448x8xf32>
    %add3A_368 = arith.constant 5.000000e-01 : f32
    %add3A_369 = vector.broadcast %add3A_368 : f32 to vector<448x8xf32>
    %add3A_370 = arith.addf %min3A_367, %add3A_369 : vector<448x8xf32>
    %sub3A_371 = arith.subf %div3A_58, %add3A_370 : vector<448x8xf32>
    %abs3A_372 = math.absf %sub3A_371 : vector<448x8xf32>
    %sub3A_373 = arith.constant 1.000000e+00 : f32
    %sub3A_374 = vector.broadcast %sub3A_373 : f32 to vector<448x8xf32>
    %sub3A_375 = arith.subf %sub3A_374, %abs3A_372 : vector<448x8xf32>
    %jit3A_376 = arith.constant 0.000000e+00 : f32
    %max3A_377 = vector.broadcast %jit3A_376 : f32 to vector<448x8xf32>
    %max3A_378 = arith.maximumf %max3A_377, %sub3A_375 : vector<448x8xf32>
    %convert_element_type3A_379 = arith.fptosi %min3A_367 : vector<448x8xf32> to vector<448x8xi32>
    %and3A_380 = arith.constant 1 : i32
    %and3A_381 = vector.broadcast %and3A_380 : i32 to vector<448x8xi32>
    %and3A_382 = arith.andi %convert_element_type3A_379, %and3A_381 : vector<448x8xi32>
    %add3A_383 = arith.constant 5.000000e-01 : f32
    %add3A_384 = vector.broadcast %add3A_383 : f32 to vector<448x8xf32>
    %add3A_385 = arith.addf %div3A_76, %add3A_384 : vector<448x8xf32>
    %floor3A_386 = math.floor %add3A_385 : vector<448x8xf32>
    %jit3A_387 = arith.constant 0.000000e+00 : f32
    %jit3A_388 = arith.constant 1.270000e+02 : f32
    %max3A_389 = vector.broadcast %jit3A_387 : f32 to vector<448x8xf32>
    %max3A_390 = arith.maximumf %max3A_389, %floor3A_386 : vector<448x8xf32>
    %min3A_391 = vector.broadcast %jit3A_388 : f32 to vector<448x8xf32>
    %min3A_392 = arith.minimumf %min3A_391, %max3A_390 : vector<448x8xf32>
    %add3A_393 = arith.constant 5.000000e-01 : f32
    %add3A_394 = vector.broadcast %add3A_393 : f32 to vector<448x8xf32>
    %add3A_395 = arith.addf %min3A_392, %add3A_394 : vector<448x8xf32>
    %sub3A_396 = arith.subf %div3A_76, %add3A_395 : vector<448x8xf32>
    %abs3A_397 = math.absf %sub3A_396 : vector<448x8xf32>
    %sub3A_398 = arith.constant 1.000000e+00 : f32
    %sub3A_399 = vector.broadcast %sub3A_398 : f32 to vector<448x8xf32>
    %sub3A_400 = arith.subf %sub3A_399, %abs3A_397 : vector<448x8xf32>
    %jit3A_401 = arith.constant 0.000000e+00 : f32
    %max3A_402 = vector.broadcast %jit3A_401 : f32 to vector<448x8xf32>
    %max3A_403 = arith.maximumf %max3A_402, %sub3A_400 : vector<448x8xf32>
    %mul3A_404 = arith.mulf %max3A_378, %max3A_403 : vector<448x8xf32>
    %convert_element_type3A_405 = arith.fptosi %min3A_392 : vector<448x8xf32> to vector<448x8xi32>
    %and3A_406 = arith.constant 1 : i32
    %and3A_407 = vector.broadcast %and3A_406 : i32 to vector<448x8xi32>
    %and3A_408 = arith.andi %convert_element_type3A_405, %and3A_407 : vector<448x8xi32>
    %mul3A_409 = arith.constant 2 : i32
    %mul3A_410 = vector.broadcast %mul3A_409 : i32 to vector<448x8xi32>
    %mul3A_411 = arith.muli %and3A_382, %mul3A_410 : vector<448x8xi32>
    %add3A_412 = arith.addi %mul3A_411, %and3A_408 : vector<448x8xi32>
    %add3A_413 = arith.constant 5.000000e-01 : f32
    %add3A_414 = vector.broadcast %add3A_413 : f32 to vector<448x8xf32>
    %add3A_415 = arith.addf %div3A_94, %add3A_414 : vector<448x8xf32>
    %floor3A_416 = math.floor %add3A_415 : vector<448x8xf32>
    %jit3A_417 = arith.constant 0.000000e+00 : f32
    %jit3A_418 = arith.constant 1.270000e+02 : f32
    %max3A_419 = vector.broadcast %jit3A_417 : f32 to vector<448x8xf32>
    %max3A_420 = arith.maximumf %max3A_419, %floor3A_416 : vector<448x8xf32>
    %min3A_421 = vector.broadcast %jit3A_418 : f32 to vector<448x8xf32>
    %min3A_422 = arith.minimumf %min3A_421, %max3A_420 : vector<448x8xf32>
    %add3A_423 = arith.constant 5.000000e-01 : f32
    %add3A_424 = vector.broadcast %add3A_423 : f32 to vector<448x8xf32>
    %add3A_425 = arith.addf %min3A_422, %add3A_424 : vector<448x8xf32>
    %sub3A_426 = arith.subf %div3A_94, %add3A_425 : vector<448x8xf32>
    %abs3A_427 = math.absf %sub3A_426 : vector<448x8xf32>
    %sub3A_428 = arith.constant 1.000000e+00 : f32
    %sub3A_429 = vector.broadcast %sub3A_428 : f32 to vector<448x8xf32>
    %sub3A_430 = arith.subf %sub3A_429, %abs3A_427 : vector<448x8xf32>
    %jit3A_431 = arith.constant 0.000000e+00 : f32
    %max3A_432 = vector.broadcast %jit3A_431 : f32 to vector<448x8xf32>
    %max3A_433 = arith.maximumf %max3A_432, %sub3A_430 : vector<448x8xf32>
    %mul3A_434 = arith.mulf %mul3A_404, %max3A_433 : vector<448x8xf32>
    %convert_element_type3A_435 = arith.fptosi %min3A_422 : vector<448x8xf32> to vector<448x8xi32>
    %and3A_436 = arith.constant 1 : i32
    %and3A_437 = vector.broadcast %and3A_436 : i32 to vector<448x8xi32>
    %and3A_438 = arith.andi %convert_element_type3A_435, %and3A_437 : vector<448x8xi32>
    %mul3A_439 = arith.constant 2 : i32
    %mul3A_440 = vector.broadcast %mul3A_439 : i32 to vector<448x8xi32>
    %mul3A_441 = arith.muli %add3A_412, %mul3A_440 : vector<448x8xi32>
    %add3A_442 = arith.addi %mul3A_441, %and3A_438 : vector<448x8xi32>
    %jit3A_443 = arith.constant 0.000000e+00 : f32
    %broadcast_in_dim3A_444 = vector.broadcast %jit3A_443 : f32 to vector<448x8xf32>
    %select_n3A_445 = arith.select %and3A_98, %mul3A_434, %broadcast_in_dim3A_444 : vector<448x8xi1>, vector<448x8xf32>
    %add3A_446 = arith.constant 5.000000e-01 : f32
    %add3A_447 = vector.broadcast %add3A_446 : f32 to vector<448x8xf32>
    %add3A_448 = arith.addf %div3A_58, %add3A_447 : vector<448x8xf32>
    %floor3A_449 = math.floor %add3A_448 : vector<448x8xf32>
    %jit3A_450 = arith.constant 0.000000e+00 : f32
    %jit3A_451 = arith.constant 1.270000e+02 : f32
    %max3A_452 = vector.broadcast %jit3A_450 : f32 to vector<448x8xf32>
    %max3A_453 = arith.maximumf %max3A_452, %floor3A_449 : vector<448x8xf32>
    %min3A_454 = vector.broadcast %jit3A_451 : f32 to vector<448x8xf32>
    %min3A_455 = arith.minimumf %min3A_454, %max3A_453 : vector<448x8xf32>
    %add3A_456 = arith.constant 5.000000e-01 : f32
    %add3A_457 = vector.broadcast %add3A_456 : f32 to vector<448x8xf32>
    %add3A_458 = arith.addf %min3A_455, %add3A_457 : vector<448x8xf32>
    %sub3A_459 = arith.subf %div3A_58, %add3A_458 : vector<448x8xf32>
    %abs3A_460 = math.absf %sub3A_459 : vector<448x8xf32>
    %sub3A_461 = arith.constant 1.000000e+00 : f32
    %sub3A_462 = vector.broadcast %sub3A_461 : f32 to vector<448x8xf32>
    %sub3A_463 = arith.subf %sub3A_462, %abs3A_460 : vector<448x8xf32>
    %jit3A_464 = arith.constant 0.000000e+00 : f32
    %max3A_465 = vector.broadcast %jit3A_464 : f32 to vector<448x8xf32>
    %max3A_466 = arith.maximumf %max3A_465, %sub3A_463 : vector<448x8xf32>
    %convert_element_type3A_467 = arith.fptosi %min3A_455 : vector<448x8xf32> to vector<448x8xi32>
    %and3A_468 = arith.constant 1 : i32
    %and3A_469 = vector.broadcast %and3A_468 : i32 to vector<448x8xi32>
    %and3A_470 = arith.andi %convert_element_type3A_467, %and3A_469 : vector<448x8xi32>
    %add3A_471 = arith.constant -5.000000e-01 : f32
    %add3A_472 = vector.broadcast %add3A_471 : f32 to vector<448x8xf32>
    %add3A_473 = arith.addf %div3A_76, %add3A_472 : vector<448x8xf32>
    %floor3A_474 = math.floor %add3A_473 : vector<448x8xf32>
    %jit3A_475 = arith.constant 0.000000e+00 : f32
    %jit3A_476 = arith.constant 1.270000e+02 : f32
    %max3A_477 = vector.broadcast %jit3A_475 : f32 to vector<448x8xf32>
    %max3A_478 = arith.maximumf %max3A_477, %floor3A_474 : vector<448x8xf32>
    %min3A_479 = vector.broadcast %jit3A_476 : f32 to vector<448x8xf32>
    %min3A_480 = arith.minimumf %min3A_479, %max3A_478 : vector<448x8xf32>
    %add3A_481 = arith.constant 5.000000e-01 : f32
    %add3A_482 = vector.broadcast %add3A_481 : f32 to vector<448x8xf32>
    %add3A_483 = arith.addf %min3A_480, %add3A_482 : vector<448x8xf32>
    %sub3A_484 = arith.subf %div3A_76, %add3A_483 : vector<448x8xf32>
    %abs3A_485 = math.absf %sub3A_484 : vector<448x8xf32>
    %sub3A_486 = arith.constant 1.000000e+00 : f32
    %sub3A_487 = vector.broadcast %sub3A_486 : f32 to vector<448x8xf32>
    %sub3A_488 = arith.subf %sub3A_487, %abs3A_485 : vector<448x8xf32>
    %jit3A_489 = arith.constant 0.000000e+00 : f32
    %max3A_490 = vector.broadcast %jit3A_489 : f32 to vector<448x8xf32>
    %max3A_491 = arith.maximumf %max3A_490, %sub3A_488 : vector<448x8xf32>
    %mul3A_492 = arith.mulf %max3A_466, %max3A_491 : vector<448x8xf32>
    %convert_element_type3A_493 = arith.fptosi %min3A_480 : vector<448x8xf32> to vector<448x8xi32>
    %and3A_494 = arith.constant 1 : i32
    %and3A_495 = vector.broadcast %and3A_494 : i32 to vector<448x8xi32>
    %and3A_496 = arith.andi %convert_element_type3A_493, %and3A_495 : vector<448x8xi32>
    %mul3A_497 = arith.constant 2 : i32
    %mul3A_498 = vector.broadcast %mul3A_497 : i32 to vector<448x8xi32>
    %mul3A_499 = arith.muli %and3A_470, %mul3A_498 : vector<448x8xi32>
    %add3A_500 = arith.addi %mul3A_499, %and3A_496 : vector<448x8xi32>
    %add3A_501 = arith.constant -5.000000e-01 : f32
    %add3A_502 = vector.broadcast %add3A_501 : f32 to vector<448x8xf32>
    %add3A_503 = arith.addf %div3A_94, %add3A_502 : vector<448x8xf32>
    %floor3A_504 = math.floor %add3A_503 : vector<448x8xf32>
    %jit3A_505 = arith.constant 0.000000e+00 : f32
    %jit3A_506 = arith.constant 1.270000e+02 : f32
    %max3A_507 = vector.broadcast %jit3A_505 : f32 to vector<448x8xf32>
    %max3A_508 = arith.maximumf %max3A_507, %floor3A_504 : vector<448x8xf32>
    %min3A_509 = vector.broadcast %jit3A_506 : f32 to vector<448x8xf32>
    %min3A_510 = arith.minimumf %min3A_509, %max3A_508 : vector<448x8xf32>
    %add3A_511 = arith.constant 5.000000e-01 : f32
    %add3A_512 = vector.broadcast %add3A_511 : f32 to vector<448x8xf32>
    %add3A_513 = arith.addf %min3A_510, %add3A_512 : vector<448x8xf32>
    %sub3A_514 = arith.subf %div3A_94, %add3A_513 : vector<448x8xf32>
    %abs3A_515 = math.absf %sub3A_514 : vector<448x8xf32>
    %sub3A_516 = arith.constant 1.000000e+00 : f32
    %sub3A_517 = vector.broadcast %sub3A_516 : f32 to vector<448x8xf32>
    %sub3A_518 = arith.subf %sub3A_517, %abs3A_515 : vector<448x8xf32>
    %jit3A_519 = arith.constant 0.000000e+00 : f32
    %max3A_520 = vector.broadcast %jit3A_519 : f32 to vector<448x8xf32>
    %max3A_521 = arith.maximumf %max3A_520, %sub3A_518 : vector<448x8xf32>
    %mul3A_522 = arith.mulf %mul3A_492, %max3A_521 : vector<448x8xf32>
    %convert_element_type3A_523 = arith.fptosi %min3A_510 : vector<448x8xf32> to vector<448x8xi32>
    %and3A_524 = arith.constant 1 : i32
    %and3A_525 = vector.broadcast %and3A_524 : i32 to vector<448x8xi32>
    %and3A_526 = arith.andi %convert_element_type3A_523, %and3A_525 : vector<448x8xi32>
    %mul3A_527 = arith.constant 2 : i32
    %mul3A_528 = vector.broadcast %mul3A_527 : i32 to vector<448x8xi32>
    %mul3A_529 = arith.muli %add3A_500, %mul3A_528 : vector<448x8xi32>
    %add3A_530 = arith.addi %mul3A_529, %and3A_526 : vector<448x8xi32>
    %jit3A_531 = arith.constant 0.000000e+00 : f32
    %broadcast_in_dim3A_532 = vector.broadcast %jit3A_531 : f32 to vector<448x8xf32>
    %select_n3A_533 = arith.select %and3A_98, %mul3A_522, %broadcast_in_dim3A_532 : vector<448x8xi1>, vector<448x8xf32>
    %add3A_534 = arith.constant 5.000000e-01 : f32
    %add3A_535 = vector.broadcast %add3A_534 : f32 to vector<448x8xf32>
    %add3A_536 = arith.addf %div3A_58, %add3A_535 : vector<448x8xf32>
    %floor3A_537 = math.floor %add3A_536 : vector<448x8xf32>
    %jit3A_538 = arith.constant 0.000000e+00 : f32
    %jit3A_539 = arith.constant 1.270000e+02 : f32
    %max3A_540 = vector.broadcast %jit3A_538 : f32 to vector<448x8xf32>
    %max3A_541 = arith.maximumf %max3A_540, %floor3A_537 : vector<448x8xf32>
    %min3A_542 = vector.broadcast %jit3A_539 : f32 to vector<448x8xf32>
    %min3A_543 = arith.minimumf %min3A_542, %max3A_541 : vector<448x8xf32>
    %add3A_544 = arith.constant 5.000000e-01 : f32
    %add3A_545 = vector.broadcast %add3A_544 : f32 to vector<448x8xf32>
    %add3A_546 = arith.addf %min3A_543, %add3A_545 : vector<448x8xf32>
    %sub3A_547 = arith.subf %div3A_58, %add3A_546 : vector<448x8xf32>
    %abs3A_548 = math.absf %sub3A_547 : vector<448x8xf32>
    %sub3A_549 = arith.constant 1.000000e+00 : f32
    %sub3A_550 = vector.broadcast %sub3A_549 : f32 to vector<448x8xf32>
    %sub3A_551 = arith.subf %sub3A_550, %abs3A_548 : vector<448x8xf32>
    %jit3A_552 = arith.constant 0.000000e+00 : f32
    %max3A_553 = vector.broadcast %jit3A_552 : f32 to vector<448x8xf32>
    %max3A_554 = arith.maximumf %max3A_553, %sub3A_551 : vector<448x8xf32>
    %convert_element_type3A_555 = arith.fptosi %min3A_543 : vector<448x8xf32> to vector<448x8xi32>
    %and3A_556 = arith.constant 1 : i32
    %and3A_557 = vector.broadcast %and3A_556 : i32 to vector<448x8xi32>
    %and3A_558 = arith.andi %convert_element_type3A_555, %and3A_557 : vector<448x8xi32>
    %add3A_559 = arith.constant -5.000000e-01 : f32
    %add3A_560 = vector.broadcast %add3A_559 : f32 to vector<448x8xf32>
    %add3A_561 = arith.addf %div3A_76, %add3A_560 : vector<448x8xf32>
    %floor3A_562 = math.floor %add3A_561 : vector<448x8xf32>
    %jit3A_563 = arith.constant 0.000000e+00 : f32
    %jit3A_564 = arith.constant 1.270000e+02 : f32
    %max3A_565 = vector.broadcast %jit3A_563 : f32 to vector<448x8xf32>
    %max3A_566 = arith.maximumf %max3A_565, %floor3A_562 : vector<448x8xf32>
    %min3A_567 = vector.broadcast %jit3A_564 : f32 to vector<448x8xf32>
    %min3A_568 = arith.minimumf %min3A_567, %max3A_566 : vector<448x8xf32>
    %add3A_569 = arith.constant 5.000000e-01 : f32
    %add3A_570 = vector.broadcast %add3A_569 : f32 to vector<448x8xf32>
    %add3A_571 = arith.addf %min3A_568, %add3A_570 : vector<448x8xf32>
    %sub3A_572 = arith.subf %div3A_76, %add3A_571 : vector<448x8xf32>
    %abs3A_573 = math.absf %sub3A_572 : vector<448x8xf32>
    %sub3A_574 = arith.constant 1.000000e+00 : f32
    %sub3A_575 = vector.broadcast %sub3A_574 : f32 to vector<448x8xf32>
    %sub3A_576 = arith.subf %sub3A_575, %abs3A_573 : vector<448x8xf32>
    %jit3A_577 = arith.constant 0.000000e+00 : f32
    %max3A_578 = vector.broadcast %jit3A_577 : f32 to vector<448x8xf32>
    %max3A_579 = arith.maximumf %max3A_578, %sub3A_576 : vector<448x8xf32>
    %mul3A_580 = arith.mulf %max3A_554, %max3A_579 : vector<448x8xf32>
    %convert_element_type3A_581 = arith.fptosi %min3A_568 : vector<448x8xf32> to vector<448x8xi32>
    %and3A_582 = arith.constant 1 : i32
    %and3A_583 = vector.broadcast %and3A_582 : i32 to vector<448x8xi32>
    %and3A_584 = arith.andi %convert_element_type3A_581, %and3A_583 : vector<448x8xi32>
    %mul3A_585 = arith.constant 2 : i32
    %mul3A_586 = vector.broadcast %mul3A_585 : i32 to vector<448x8xi32>
    %mul3A_587 = arith.muli %and3A_558, %mul3A_586 : vector<448x8xi32>
    %add3A_588 = arith.addi %mul3A_587, %and3A_584 : vector<448x8xi32>
    %add3A_589 = arith.constant 5.000000e-01 : f32
    %add3A_590 = vector.broadcast %add3A_589 : f32 to vector<448x8xf32>
    %add3A_591 = arith.addf %div3A_94, %add3A_590 : vector<448x8xf32>
    %floor3A_592 = math.floor %add3A_591 : vector<448x8xf32>
    %jit3A_593 = arith.constant 0.000000e+00 : f32
    %jit3A_594 = arith.constant 1.270000e+02 : f32
    %max3A_595 = vector.broadcast %jit3A_593 : f32 to vector<448x8xf32>
    %max3A_596 = arith.maximumf %max3A_595, %floor3A_592 : vector<448x8xf32>
    %min3A_597 = vector.broadcast %jit3A_594 : f32 to vector<448x8xf32>
    %min3A_598 = arith.minimumf %min3A_597, %max3A_596 : vector<448x8xf32>
    %add3A_599 = arith.constant 5.000000e-01 : f32
    %add3A_600 = vector.broadcast %add3A_599 : f32 to vector<448x8xf32>
    %add3A_601 = arith.addf %min3A_598, %add3A_600 : vector<448x8xf32>
    %sub3A_602 = arith.subf %div3A_94, %add3A_601 : vector<448x8xf32>
    %abs3A_603 = math.absf %sub3A_602 : vector<448x8xf32>
    %sub3A_604 = arith.constant 1.000000e+00 : f32
    %sub3A_605 = vector.broadcast %sub3A_604 : f32 to vector<448x8xf32>
    %sub3A_606 = arith.subf %sub3A_605, %abs3A_603 : vector<448x8xf32>
    %jit3A_607 = arith.constant 0.000000e+00 : f32
    %max3A_608 = vector.broadcast %jit3A_607 : f32 to vector<448x8xf32>
    %max3A_609 = arith.maximumf %max3A_608, %sub3A_606 : vector<448x8xf32>
    %mul3A_610 = arith.mulf %mul3A_580, %max3A_609 : vector<448x8xf32>
    %convert_element_type3A_611 = arith.fptosi %min3A_598 : vector<448x8xf32> to vector<448x8xi32>
    %and3A_612 = arith.constant 1 : i32
    %and3A_613 = vector.broadcast %and3A_612 : i32 to vector<448x8xi32>
    %and3A_614 = arith.andi %convert_element_type3A_611, %and3A_613 : vector<448x8xi32>
    %mul3A_615 = arith.constant 2 : i32
    %mul3A_616 = vector.broadcast %mul3A_615 : i32 to vector<448x8xi32>
    %mul3A_617 = arith.muli %add3A_588, %mul3A_616 : vector<448x8xi32>
    %add3A_618 = arith.addi %mul3A_617, %and3A_614 : vector<448x8xi32>
    %jit3A_619 = arith.constant 0.000000e+00 : f32
    %broadcast_in_dim3A_620 = vector.broadcast %jit3A_619 : f32 to vector<448x8xf32>
    %select_n3A_621 = arith.select %and3A_98, %mul3A_610, %broadcast_in_dim3A_620 : vector<448x8xi1>, vector<448x8xf32>
    %add3A_622 = arith.constant 5.000000e-01 : f32
    %add3A_623 = vector.broadcast %add3A_622 : f32 to vector<448x8xf32>
    %add3A_624 = arith.addf %div3A_58, %add3A_623 : vector<448x8xf32>
    %floor3A_625 = math.floor %add3A_624 : vector<448x8xf32>
    %jit3A_626 = arith.constant 0.000000e+00 : f32
    %jit3A_627 = arith.constant 1.270000e+02 : f32
    %max3A_628 = vector.broadcast %jit3A_626 : f32 to vector<448x8xf32>
    %max3A_629 = arith.maximumf %max3A_628, %floor3A_625 : vector<448x8xf32>
    %min3A_630 = vector.broadcast %jit3A_627 : f32 to vector<448x8xf32>
    %min3A_631 = arith.minimumf %min3A_630, %max3A_629 : vector<448x8xf32>
    %add3A_632 = arith.constant 5.000000e-01 : f32
    %add3A_633 = vector.broadcast %add3A_632 : f32 to vector<448x8xf32>
    %add3A_634 = arith.addf %min3A_631, %add3A_633 : vector<448x8xf32>
    %sub3A_635 = arith.subf %div3A_58, %add3A_634 : vector<448x8xf32>
    %abs3A_636 = math.absf %sub3A_635 : vector<448x8xf32>
    %sub3A_637 = arith.constant 1.000000e+00 : f32
    %sub3A_638 = vector.broadcast %sub3A_637 : f32 to vector<448x8xf32>
    %sub3A_639 = arith.subf %sub3A_638, %abs3A_636 : vector<448x8xf32>
    %jit3A_640 = arith.constant 0.000000e+00 : f32
    %max3A_641 = vector.broadcast %jit3A_640 : f32 to vector<448x8xf32>
    %max3A_642 = arith.maximumf %max3A_641, %sub3A_639 : vector<448x8xf32>
    %convert_element_type3A_643 = arith.fptosi %min3A_631 : vector<448x8xf32> to vector<448x8xi32>
    %and3A_644 = arith.constant 1 : i32
    %and3A_645 = vector.broadcast %and3A_644 : i32 to vector<448x8xi32>
    %and3A_646 = arith.andi %convert_element_type3A_643, %and3A_645 : vector<448x8xi32>
    %add3A_647 = arith.constant 5.000000e-01 : f32
    %add3A_648 = vector.broadcast %add3A_647 : f32 to vector<448x8xf32>
    %add3A_649 = arith.addf %div3A_76, %add3A_648 : vector<448x8xf32>
    %floor3A_650 = math.floor %add3A_649 : vector<448x8xf32>
    %jit3A_651 = arith.constant 0.000000e+00 : f32
    %jit3A_652 = arith.constant 1.270000e+02 : f32
    %max3A_653 = vector.broadcast %jit3A_651 : f32 to vector<448x8xf32>
    %max3A_654 = arith.maximumf %max3A_653, %floor3A_650 : vector<448x8xf32>
    %min3A_655 = vector.broadcast %jit3A_652 : f32 to vector<448x8xf32>
    %min3A_656 = arith.minimumf %min3A_655, %max3A_654 : vector<448x8xf32>
    %add3A_657 = arith.constant 5.000000e-01 : f32
    %add3A_658 = vector.broadcast %add3A_657 : f32 to vector<448x8xf32>
    %add3A_659 = arith.addf %min3A_656, %add3A_658 : vector<448x8xf32>
    %sub3A_660 = arith.subf %div3A_76, %add3A_659 : vector<448x8xf32>
    %abs3A_661 = math.absf %sub3A_660 : vector<448x8xf32>
    %sub3A_662 = arith.constant 1.000000e+00 : f32
    %sub3A_663 = vector.broadcast %sub3A_662 : f32 to vector<448x8xf32>
    %sub3A_664 = arith.subf %sub3A_663, %abs3A_661 : vector<448x8xf32>
    %jit3A_665 = arith.constant 0.000000e+00 : f32
    %max3A_666 = vector.broadcast %jit3A_665 : f32 to vector<448x8xf32>
    %max3A_667 = arith.maximumf %max3A_666, %sub3A_664 : vector<448x8xf32>
    %mul3A_668 = arith.mulf %max3A_642, %max3A_667 : vector<448x8xf32>
    %convert_element_type3A_669 = arith.fptosi %min3A_656 : vector<448x8xf32> to vector<448x8xi32>
    %and3A_670 = arith.constant 1 : i32
    %and3A_671 = vector.broadcast %and3A_670 : i32 to vector<448x8xi32>
    %and3A_672 = arith.andi %convert_element_type3A_669, %and3A_671 : vector<448x8xi32>
    %mul3A_673 = arith.constant 2 : i32
    %mul3A_674 = vector.broadcast %mul3A_673 : i32 to vector<448x8xi32>
    %mul3A_675 = arith.muli %and3A_646, %mul3A_674 : vector<448x8xi32>
    %add3A_676 = arith.addi %mul3A_675, %and3A_672 : vector<448x8xi32>
    %add3A_677 = arith.constant -5.000000e-01 : f32
    %add3A_678 = vector.broadcast %add3A_677 : f32 to vector<448x8xf32>
    %add3A_679 = arith.addf %div3A_94, %add3A_678 : vector<448x8xf32>
    %floor3A_680 = math.floor %add3A_679 : vector<448x8xf32>
    %jit3A_681 = arith.constant 0.000000e+00 : f32
    %jit3A_682 = arith.constant 1.270000e+02 : f32
    %max3A_683 = vector.broadcast %jit3A_681 : f32 to vector<448x8xf32>
    %max3A_684 = arith.maximumf %max3A_683, %floor3A_680 : vector<448x8xf32>
    %min3A_685 = vector.broadcast %jit3A_682 : f32 to vector<448x8xf32>
    %min3A_686 = arith.minimumf %min3A_685, %max3A_684 : vector<448x8xf32>
    %add3A_687 = arith.constant 5.000000e-01 : f32
    %add3A_688 = vector.broadcast %add3A_687 : f32 to vector<448x8xf32>
    %add3A_689 = arith.addf %min3A_686, %add3A_688 : vector<448x8xf32>
    %sub3A_690 = arith.subf %div3A_94, %add3A_689 : vector<448x8xf32>
    %abs3A_691 = math.absf %sub3A_690 : vector<448x8xf32>
    %sub3A_692 = arith.constant 1.000000e+00 : f32
    %sub3A_693 = vector.broadcast %sub3A_692 : f32 to vector<448x8xf32>
    %sub3A_694 = arith.subf %sub3A_693, %abs3A_691 : vector<448x8xf32>
    %jit3A_695 = arith.constant 0.000000e+00 : f32
    %max3A_696 = vector.broadcast %jit3A_695 : f32 to vector<448x8xf32>
    %max3A_697 = arith.maximumf %max3A_696, %sub3A_694 : vector<448x8xf32>
    %mul3A_698 = arith.mulf %mul3A_668, %max3A_697 : vector<448x8xf32>
    %convert_element_type3A_699 = arith.fptosi %min3A_686 : vector<448x8xf32> to vector<448x8xi32>
    %and3A_700 = arith.constant 1 : i32
    %and3A_701 = vector.broadcast %and3A_700 : i32 to vector<448x8xi32>
    %and3A_702 = arith.andi %convert_element_type3A_699, %and3A_701 : vector<448x8xi32>
    %mul3A_703 = arith.constant 2 : i32
    %mul3A_704 = vector.broadcast %mul3A_703 : i32 to vector<448x8xi32>
    %mul3A_705 = arith.muli %add3A_676, %mul3A_704 : vector<448x8xi32>
    %add3A_706 = arith.addi %mul3A_705, %and3A_702 : vector<448x8xi32>
    %jit3A_707 = arith.constant 0.000000e+00 : f32
    %broadcast_in_dim3A_708 = vector.broadcast %jit3A_707 : f32 to vector<448x8xf32>
    %select_n3A_709 = arith.select %and3A_98, %mul3A_698, %broadcast_in_dim3A_708 : vector<448x8xi1>, vector<448x8xf32>
    %add3A_710 = arith.constant 5.000000e-01 : f32
    %add3A_711 = vector.broadcast %add3A_710 : f32 to vector<448x8xf32>
    %add3A_712 = arith.addf %div3A_58, %add3A_711 : vector<448x8xf32>
    %floor3A_713 = math.floor %add3A_712 : vector<448x8xf32>
    %jit3A_714 = arith.constant 0.000000e+00 : f32
    %jit3A_715 = arith.constant 1.270000e+02 : f32
    %max3A_716 = vector.broadcast %jit3A_714 : f32 to vector<448x8xf32>
    %max3A_717 = arith.maximumf %max3A_716, %floor3A_713 : vector<448x8xf32>
    %min3A_718 = vector.broadcast %jit3A_715 : f32 to vector<448x8xf32>
    %min3A_719 = arith.minimumf %min3A_718, %max3A_717 : vector<448x8xf32>
    %add3A_720 = arith.constant 5.000000e-01 : f32
    %add3A_721 = vector.broadcast %add3A_720 : f32 to vector<448x8xf32>
    %add3A_722 = arith.addf %min3A_719, %add3A_721 : vector<448x8xf32>
    %sub3A_723 = arith.subf %div3A_58, %add3A_722 : vector<448x8xf32>
    %abs3A_724 = math.absf %sub3A_723 : vector<448x8xf32>
    %sub3A_725 = arith.constant 1.000000e+00 : f32
    %sub3A_726 = vector.broadcast %sub3A_725 : f32 to vector<448x8xf32>
    %sub3A_727 = arith.subf %sub3A_726, %abs3A_724 : vector<448x8xf32>
    %jit3A_728 = arith.constant 0.000000e+00 : f32
    %max3A_729 = vector.broadcast %jit3A_728 : f32 to vector<448x8xf32>
    %max3A_730 = arith.maximumf %max3A_729, %sub3A_727 : vector<448x8xf32>
    %convert_element_type3A_731 = arith.fptosi %min3A_719 : vector<448x8xf32> to vector<448x8xi32>
    %and3A_732 = arith.constant 1 : i32
    %and3A_733 = vector.broadcast %and3A_732 : i32 to vector<448x8xi32>
    %and3A_734 = arith.andi %convert_element_type3A_731, %and3A_733 : vector<448x8xi32>
    %add3A_735 = arith.constant 5.000000e-01 : f32
    %add3A_736 = vector.broadcast %add3A_735 : f32 to vector<448x8xf32>
    %add3A_737 = arith.addf %div3A_76, %add3A_736 : vector<448x8xf32>
    %floor3A_738 = math.floor %add3A_737 : vector<448x8xf32>
    %jit3A_739 = arith.constant 0.000000e+00 : f32
    %jit3A_740 = arith.constant 1.270000e+02 : f32
    %max3A_741 = vector.broadcast %jit3A_739 : f32 to vector<448x8xf32>
    %max3A_742 = arith.maximumf %max3A_741, %floor3A_738 : vector<448x8xf32>
    %min3A_743 = vector.broadcast %jit3A_740 : f32 to vector<448x8xf32>
    %min3A_744 = arith.minimumf %min3A_743, %max3A_742 : vector<448x8xf32>
    %add3A_745 = arith.constant 5.000000e-01 : f32
    %add3A_746 = vector.broadcast %add3A_745 : f32 to vector<448x8xf32>
    %add3A_747 = arith.addf %min3A_744, %add3A_746 : vector<448x8xf32>
    %sub3A_748 = arith.subf %div3A_76, %add3A_747 : vector<448x8xf32>
    %abs3A_749 = math.absf %sub3A_748 : vector<448x8xf32>
    %sub3A_750 = arith.constant 1.000000e+00 : f32
    %sub3A_751 = vector.broadcast %sub3A_750 : f32 to vector<448x8xf32>
    %sub3A_752 = arith.subf %sub3A_751, %abs3A_749 : vector<448x8xf32>
    %jit3A_753 = arith.constant 0.000000e+00 : f32
    %max3A_754 = vector.broadcast %jit3A_753 : f32 to vector<448x8xf32>
    %max3A_755 = arith.maximumf %max3A_754, %sub3A_752 : vector<448x8xf32>
    %mul3A_756 = arith.mulf %max3A_730, %max3A_755 : vector<448x8xf32>
    %convert_element_type3A_757 = arith.fptosi %min3A_744 : vector<448x8xf32> to vector<448x8xi32>
    %and3A_758 = arith.constant 1 : i32
    %and3A_759 = vector.broadcast %and3A_758 : i32 to vector<448x8xi32>
    %and3A_760 = arith.andi %convert_element_type3A_757, %and3A_759 : vector<448x8xi32>
    %mul3A_761 = arith.constant 2 : i32
    %mul3A_762 = vector.broadcast %mul3A_761 : i32 to vector<448x8xi32>
    %mul3A_763 = arith.muli %and3A_734, %mul3A_762 : vector<448x8xi32>
    %add3A_764 = arith.addi %mul3A_763, %and3A_760 : vector<448x8xi32>
    %add3A_765 = arith.constant 5.000000e-01 : f32
    %add3A_766 = vector.broadcast %add3A_765 : f32 to vector<448x8xf32>
    %add3A_767 = arith.addf %div3A_94, %add3A_766 : vector<448x8xf32>
    %floor3A_768 = math.floor %add3A_767 : vector<448x8xf32>
    %jit3A_769 = arith.constant 0.000000e+00 : f32
    %jit3A_770 = arith.constant 1.270000e+02 : f32
    %max3A_771 = vector.broadcast %jit3A_769 : f32 to vector<448x8xf32>
    %max3A_772 = arith.maximumf %max3A_771, %floor3A_768 : vector<448x8xf32>
    %min3A_773 = vector.broadcast %jit3A_770 : f32 to vector<448x8xf32>
    %min3A_774 = arith.minimumf %min3A_773, %max3A_772 : vector<448x8xf32>
    %add3A_775 = arith.constant 5.000000e-01 : f32
    %add3A_776 = vector.broadcast %add3A_775 : f32 to vector<448x8xf32>
    %add3A_777 = arith.addf %min3A_774, %add3A_776 : vector<448x8xf32>
    %sub3A_778 = arith.subf %div3A_94, %add3A_777 : vector<448x8xf32>
    %abs3A_779 = math.absf %sub3A_778 : vector<448x8xf32>
    %sub3A_780 = arith.constant 1.000000e+00 : f32
    %sub3A_781 = vector.broadcast %sub3A_780 : f32 to vector<448x8xf32>
    %sub3A_782 = arith.subf %sub3A_781, %abs3A_779 : vector<448x8xf32>
    %jit3A_783 = arith.constant 0.000000e+00 : f32
    %max3A_784 = vector.broadcast %jit3A_783 : f32 to vector<448x8xf32>
    %max3A_785 = arith.maximumf %max3A_784, %sub3A_782 : vector<448x8xf32>
    %mul3A_786 = arith.mulf %mul3A_756, %max3A_785 : vector<448x8xf32>
    %convert_element_type3A_787 = arith.fptosi %min3A_774 : vector<448x8xf32> to vector<448x8xi32>
    %and3A_788 = arith.constant 1 : i32
    %and3A_789 = vector.broadcast %and3A_788 : i32 to vector<448x8xi32>
    %and3A_790 = arith.andi %convert_element_type3A_787, %and3A_789 : vector<448x8xi32>
    %mul3A_791 = arith.constant 2 : i32
    %mul3A_792 = vector.broadcast %mul3A_791 : i32 to vector<448x8xi32>
    %mul3A_793 = arith.muli %add3A_764, %mul3A_792 : vector<448x8xi32>
    %add3A_794 = arith.addi %mul3A_793, %and3A_790 : vector<448x8xi32>
    %jit3A_795 = arith.constant 0.000000e+00 : f32
    %broadcast_in_dim3A_796 = vector.broadcast %jit3A_795 : f32 to vector<448x8xf32>
    %select_n3A_797 = arith.select %and3A_98, %mul3A_786, %broadcast_in_dim3A_796 : vector<448x8xi1>, vector<448x8xf32>
    %iota3A_798 = tpu.iota {dimensions = array<i32: 1>} : vector<448x128xi32>
    %jit3A_799 = arith.constant 16 : i32
    %div3A_800 = vector.broadcast %jit3A_799 : i32 to vector<448x128xi32>
    %div3A_801 = arith.divsi %iota3A_798, %div3A_800 : vector<448x128xi32>
    %sign3A = arith.constant 0 : i32
    %sign3A_802 = vector.broadcast %sign3A : i32 to vector<448x128xi32>
    %sign3A_803 = arith.cmpi sgt, %iota3A_798, %sign3A_802 : vector<448x128xi32>
    %sign3A_804 = arith.extui %sign3A_803 : vector<448x128xi1> to vector<448x128xi32>
    %sign3A_805 = arith.constant 0 : i32
    %sign3A_806 = vector.broadcast %sign3A_805 : i32 to vector<448x128xi32>
    %sign3A_807 = arith.cmpi slt, %iota3A_798, %sign3A_806 : vector<448x128xi32>
    %sign3A_808 = arith.extui %sign3A_807 : vector<448x128xi1> to vector<448x128xi32>
    %sign3A_809 = arith.subi %sign3A_804, %sign3A_808 : vector<448x128xi32>
    %sign3A_810 = arith.constant 0 : i32
    %sign3A_811 = arith.cmpi sgt, %jit3A_799, %sign3A_810 : i32
    %sign3A_812 = arith.extui %sign3A_811 : i1 to i32
    %sign3A_813 = arith.constant 0 : i32
    %sign3A_814 = arith.cmpi slt, %jit3A_799, %sign3A_813 : i32
    %sign3A_815 = arith.extui %sign3A_814 : i1 to i32
    %sign3A_816 = arith.subi %sign3A_812, %sign3A_815 : i32
    %ne3A = vector.broadcast %sign3A_816 : i32 to vector<448x128xi32>
    %ne3A_817 = arith.cmpi ne, %sign3A_809, %ne3A : vector<448x128xi32>
    %rem3A = vector.broadcast %jit3A_799 : i32 to vector<448x128xi32>
    %rem3A_818 = arith.remsi %iota3A_798, %rem3A : vector<448x128xi32>
    %ne3A_819 = arith.constant 0 : i32
    %ne3A_820 = vector.broadcast %ne3A_819 : i32 to vector<448x128xi32>
    %ne3A_821 = arith.cmpi ne, %rem3A_818, %ne3A_820 : vector<448x128xi32>
    %and3A_822 = arith.andi %ne3A_817, %ne3A_821 : vector<448x128xi1>
    %sub3A_823 = arith.constant 1 : i32
    %sub3A_824 = vector.broadcast %sub3A_823 : i32 to vector<448x128xi32>
    %sub3A_825 = arith.subi %div3A_801, %sub3A_824 : vector<448x128xi32>
    %select_n3A_826 = arith.select %and3A_822, %sub3A_825, %div3A_801 : vector<448x128xi1>, vector<448x128xi32>
    %slice3A_827 = vector.extract_strided_slice %get3A_6 {offsets = [0, 0, 0], sizes = [1, 1, 8], strides = [1, 1, 1]} : vector<1x3x8xf32> to vector<1x1x8xf32>
    %squeeze3A_828 = vector.shape_cast %slice3A_827 : vector<1x1x8xf32> to vector<1x8xf32>
    %slice3A_829 = vector.extract_strided_slice %get3A_6 {offsets = [0, 1, 0], sizes = [1, 1, 8], strides = [1, 1, 1]} : vector<1x3x8xf32> to vector<1x1x8xf32>
    %squeeze3A_830 = vector.shape_cast %slice3A_829 : vector<1x1x8xf32> to vector<1x8xf32>
    %slice3A_831 = vector.extract_strided_slice %get3A_6 {offsets = [0, 2, 0], sizes = [1, 1, 8], strides = [1, 1, 1]} : vector<1x3x8xf32> to vector<1x1x8xf32>
    %squeeze3A_832 = vector.shape_cast %slice3A_831 : vector<1x1x8xf32> to vector<1x8xf32>
    %get3A_833 = arith.constant 0 : index
    %get3A_834 = arith.constant 0 : index
    %get3A_835 = arith.constant 0 : index
    %get3A_836 = vector.load %arg1[%get3A_833, %get3A_834, %get3A_835] : memref<8x448x256xbf16, #tpu.memory_space<vmem>>, vector<1x448x256xbf16>
    %get3A_837 = vector.shape_cast %get3A_836 : vector<1x448x256xbf16> to vector<448x256xbf16>
    %get3A_838 = arith.constant 0 : index
    %get3A_839 = arith.constant 0 : index
    %get3A_840 = vector.load %arg4[%get3A_838, %get3A_839] : memref<256x1024xbf16, #tpu.memory_space<vmem>>, vector<256x1024xbf16>
    %dot_general3A = arith.constant dense<0.000000e+00> : vector<448x1024xf32>
    %dot_general3A_841 = tpu.matmul %get3A_837, %get3A_840, %dot_general3A {dimension_numbers = #tpu.dot_dimension_numbers<[1], [0], [0], [1], [0, 0, 1, 1], [], []>, transpose_lhs_hint = false} : vector<448x256xbf16>, vector<256x1024xbf16>, vector<448x1024xf32> -> vector<448x1024xf32>
    %slice3A_842 = vector.extract_strided_slice %dot_general3A_841 {offsets = [0, 0], sizes = [448, 128], strides = [1, 1]} : vector<448x1024xf32> to vector<448x128xf32>
    %slice3A_843 = vector.extract_strided_slice %add3A_180 {offsets = [0, 0], sizes = [448, 1], strides = [1, 1]} : vector<448x8xi32> to vector<448x1xi32>
    %eq3A = vector.broadcast %slice3A_843 : vector<448x1xi32> to vector<448x128xi32>
    %eq3A_844 = arith.cmpi eq, %eq3A, %select_n3A_826 : vector<448x128xi32>
    %jit3A_845 = arith.constant 0.000000e+00 : f32
    %broadcast_in_dim3A_846 = vector.broadcast %jit3A_845 : f32 to vector<448x128xf32>
    %select_n3A_847 = arith.select %eq3A_844, %slice3A_842, %broadcast_in_dim3A_846 : vector<448x128xi1>, vector<448x128xf32>
    %slice3A_848 = vector.extract_strided_slice %select_n3A_847 {offsets = [0, 0], sizes = [448, 64], strides = [1, 1]} : vector<448x128xf32> to vector<448x64xf32>
    %slice3A_849 = vector.extract_strided_slice %select_n3A_847 {offsets = [0, 64], sizes = [448, 64], strides = [1, 1]} : vector<448x128xf32> to vector<448x64xf32>
    %add3A_850 = arith.addf %slice3A_848, %slice3A_849 : vector<448x64xf32>
    %slice3A_851 = vector.extract_strided_slice %add3A_850 {offsets = [0, 0], sizes = [448, 32], strides = [1, 1]} : vector<448x64xf32> to vector<448x32xf32>
    %slice3A_852 = vector.extract_strided_slice %add3A_850 {offsets = [0, 32], sizes = [448, 32], strides = [1, 1]} : vector<448x64xf32> to vector<448x32xf32>
    %add3A_853 = arith.addf %slice3A_851, %slice3A_852 : vector<448x32xf32>
    %slice3A_854 = vector.extract_strided_slice %add3A_853 {offsets = [0, 0], sizes = [448, 16], strides = [1, 1]} : vector<448x32xf32> to vector<448x16xf32>
    %slice3A_855 = vector.extract_strided_slice %add3A_853 {offsets = [0, 16], sizes = [448, 16], strides = [1, 1]} : vector<448x32xf32> to vector<448x16xf32>
    %add3A_856 = arith.addf %slice3A_854, %slice3A_855 : vector<448x16xf32>
    %slice3A_857 = vector.extract_strided_slice %select_n3A {offsets = [0, 0], sizes = [448, 1], strides = [1, 1]} : vector<448x8xf32> to vector<448x1xf32>
    %mul3A_858 = vector.broadcast %slice3A_857 : vector<448x1xf32> to vector<448x16xf32>
    %mul3A_859 = arith.mulf %mul3A_858, %add3A_856 : vector<448x16xf32>
    %slice3A_860 = vector.extract_strided_slice %dot_general3A_841 {offsets = [0, 128], sizes = [448, 128], strides = [1, 1]} : vector<448x1024xf32> to vector<448x128xf32>
    %slice3A_861 = vector.extract_strided_slice %add3A_266 {offsets = [0, 0], sizes = [448, 1], strides = [1, 1]} : vector<448x8xi32> to vector<448x1xi32>
    %eq3A_862 = vector.broadcast %slice3A_861 : vector<448x1xi32> to vector<448x128xi32>
    %eq3A_863 = arith.cmpi eq, %eq3A_862, %select_n3A_826 : vector<448x128xi32>
    %jit3A_864 = arith.constant 0.000000e+00 : f32
    %broadcast_in_dim3A_865 = vector.broadcast %jit3A_864 : f32 to vector<448x128xf32>
    %select_n3A_866 = arith.select %eq3A_863, %slice3A_860, %broadcast_in_dim3A_865 : vector<448x128xi1>, vector<448x128xf32>
    %slice3A_867 = vector.extract_strided_slice %select_n3A_866 {offsets = [0, 0], sizes = [448, 64], strides = [1, 1]} : vector<448x128xf32> to vector<448x64xf32>
    %slice3A_868 = vector.extract_strided_slice %select_n3A_866 {offsets = [0, 64], sizes = [448, 64], strides = [1, 1]} : vector<448x128xf32> to vector<448x64xf32>
    %add3A_869 = arith.addf %slice3A_867, %slice3A_868 : vector<448x64xf32>
    %slice3A_870 = vector.extract_strided_slice %add3A_869 {offsets = [0, 0], sizes = [448, 32], strides = [1, 1]} : vector<448x64xf32> to vector<448x32xf32>
    %slice3A_871 = vector.extract_strided_slice %add3A_869 {offsets = [0, 32], sizes = [448, 32], strides = [1, 1]} : vector<448x64xf32> to vector<448x32xf32>
    %add3A_872 = arith.addf %slice3A_870, %slice3A_871 : vector<448x32xf32>
    %slice3A_873 = vector.extract_strided_slice %add3A_872 {offsets = [0, 0], sizes = [448, 16], strides = [1, 1]} : vector<448x32xf32> to vector<448x16xf32>
    %slice3A_874 = vector.extract_strided_slice %add3A_872 {offsets = [0, 16], sizes = [448, 16], strides = [1, 1]} : vector<448x32xf32> to vector<448x16xf32>
    %add3A_875 = arith.addf %slice3A_873, %slice3A_874 : vector<448x16xf32>
    %slice3A_876 = vector.extract_strided_slice %select_n3A_269 {offsets = [0, 0], sizes = [448, 1], strides = [1, 1]} : vector<448x8xf32> to vector<448x1xf32>
    %mul3A_877 = vector.broadcast %slice3A_876 : vector<448x1xf32> to vector<448x16xf32>
    %mul3A_878 = arith.mulf %mul3A_877, %add3A_875 : vector<448x16xf32>
    %add3A_879 = arith.addf %mul3A_859, %mul3A_878 : vector<448x16xf32>
    %slice3A_880 = vector.extract_strided_slice %dot_general3A_841 {offsets = [0, 256], sizes = [448, 128], strides = [1, 1]} : vector<448x1024xf32> to vector<448x128xf32>
    %slice3A_881 = vector.extract_strided_slice %add3A_354 {offsets = [0, 0], sizes = [448, 1], strides = [1, 1]} : vector<448x8xi32> to vector<448x1xi32>
    %eq3A_882 = vector.broadcast %slice3A_881 : vector<448x1xi32> to vector<448x128xi32>
    %eq3A_883 = arith.cmpi eq, %eq3A_882, %select_n3A_826 : vector<448x128xi32>
    %jit3A_884 = arith.constant 0.000000e+00 : f32
    %broadcast_in_dim3A_885 = vector.broadcast %jit3A_884 : f32 to vector<448x128xf32>
    %select_n3A_886 = arith.select %eq3A_883, %slice3A_880, %broadcast_in_dim3A_885 : vector<448x128xi1>, vector<448x128xf32>
    %slice3A_887 = vector.extract_strided_slice %select_n3A_886 {offsets = [0, 0], sizes = [448, 64], strides = [1, 1]} : vector<448x128xf32> to vector<448x64xf32>
    %slice3A_888 = vector.extract_strided_slice %select_n3A_886 {offsets = [0, 64], sizes = [448, 64], strides = [1, 1]} : vector<448x128xf32> to vector<448x64xf32>
    %add3A_889 = arith.addf %slice3A_887, %slice3A_888 : vector<448x64xf32>
    %slice3A_890 = vector.extract_strided_slice %add3A_889 {offsets = [0, 0], sizes = [448, 32], strides = [1, 1]} : vector<448x64xf32> to vector<448x32xf32>
    %slice3A_891 = vector.extract_strided_slice %add3A_889 {offsets = [0, 32], sizes = [448, 32], strides = [1, 1]} : vector<448x64xf32> to vector<448x32xf32>
    %add3A_892 = arith.addf %slice3A_890, %slice3A_891 : vector<448x32xf32>
    %slice3A_893 = vector.extract_strided_slice %add3A_892 {offsets = [0, 0], sizes = [448, 16], strides = [1, 1]} : vector<448x32xf32> to vector<448x16xf32>
    %slice3A_894 = vector.extract_strided_slice %add3A_892 {offsets = [0, 16], sizes = [448, 16], strides = [1, 1]} : vector<448x32xf32> to vector<448x16xf32>
    %add3A_895 = arith.addf %slice3A_893, %slice3A_894 : vector<448x16xf32>
    %slice3A_896 = vector.extract_strided_slice %select_n3A_357 {offsets = [0, 0], sizes = [448, 1], strides = [1, 1]} : vector<448x8xf32> to vector<448x1xf32>
    %mul3A_897 = vector.broadcast %slice3A_896 : vector<448x1xf32> to vector<448x16xf32>
    %mul3A_898 = arith.mulf %mul3A_897, %add3A_895 : vector<448x16xf32>
    %add3A_899 = arith.addf %add3A_879, %mul3A_898 : vector<448x16xf32>
    %slice3A_900 = vector.extract_strided_slice %dot_general3A_841 {offsets = [0, 384], sizes = [448, 128], strides = [1, 1]} : vector<448x1024xf32> to vector<448x128xf32>
    %slice3A_901 = vector.extract_strided_slice %add3A_442 {offsets = [0, 0], sizes = [448, 1], strides = [1, 1]} : vector<448x8xi32> to vector<448x1xi32>
    %eq3A_902 = vector.broadcast %slice3A_901 : vector<448x1xi32> to vector<448x128xi32>
    %eq3A_903 = arith.cmpi eq, %eq3A_902, %select_n3A_826 : vector<448x128xi32>
    %jit3A_904 = arith.constant 0.000000e+00 : f32
    %broadcast_in_dim3A_905 = vector.broadcast %jit3A_904 : f32 to vector<448x128xf32>
    %select_n3A_906 = arith.select %eq3A_903, %slice3A_900, %broadcast_in_dim3A_905 : vector<448x128xi1>, vector<448x128xf32>
    %slice3A_907 = vector.extract_strided_slice %select_n3A_906 {offsets = [0, 0], sizes = [448, 64], strides = [1, 1]} : vector<448x128xf32> to vector<448x64xf32>
    %slice3A_908 = vector.extract_strided_slice %select_n3A_906 {offsets = [0, 64], sizes = [448, 64], strides = [1, 1]} : vector<448x128xf32> to vector<448x64xf32>
    %add3A_909 = arith.addf %slice3A_907, %slice3A_908 : vector<448x64xf32>
    %slice3A_910 = vector.extract_strided_slice %add3A_909 {offsets = [0, 0], sizes = [448, 32], strides = [1, 1]} : vector<448x64xf32> to vector<448x32xf32>
    %slice3A_911 = vector.extract_strided_slice %add3A_909 {offsets = [0, 32], sizes = [448, 32], strides = [1, 1]} : vector<448x64xf32> to vector<448x32xf32>
    %add3A_912 = arith.addf %slice3A_910, %slice3A_911 : vector<448x32xf32>
    %slice3A_913 = vector.extract_strided_slice %add3A_912 {offsets = [0, 0], sizes = [448, 16], strides = [1, 1]} : vector<448x32xf32> to vector<448x16xf32>
    %slice3A_914 = vector.extract_strided_slice %add3A_912 {offsets = [0, 16], sizes = [448, 16], strides = [1, 1]} : vector<448x32xf32> to vector<448x16xf32>
    %add3A_915 = arith.addf %slice3A_913, %slice3A_914 : vector<448x16xf32>
    %slice3A_916 = vector.extract_strided_slice %select_n3A_445 {offsets = [0, 0], sizes = [448, 1], strides = [1, 1]} : vector<448x8xf32> to vector<448x1xf32>
    %mul3A_917 = vector.broadcast %slice3A_916 : vector<448x1xf32> to vector<448x16xf32>
    %mul3A_918 = arith.mulf %mul3A_917, %add3A_915 : vector<448x16xf32>
    %add3A_919 = arith.addf %add3A_899, %mul3A_918 : vector<448x16xf32>
    %slice3A_920 = vector.extract_strided_slice %dot_general3A_841 {offsets = [0, 512], sizes = [448, 128], strides = [1, 1]} : vector<448x1024xf32> to vector<448x128xf32>
    %slice3A_921 = vector.extract_strided_slice %add3A_530 {offsets = [0, 0], sizes = [448, 1], strides = [1, 1]} : vector<448x8xi32> to vector<448x1xi32>
    %eq3A_922 = vector.broadcast %slice3A_921 : vector<448x1xi32> to vector<448x128xi32>
    %eq3A_923 = arith.cmpi eq, %eq3A_922, %select_n3A_826 : vector<448x128xi32>
    %jit3A_924 = arith.constant 0.000000e+00 : f32
    %broadcast_in_dim3A_925 = vector.broadcast %jit3A_924 : f32 to vector<448x128xf32>
    %select_n3A_926 = arith.select %eq3A_923, %slice3A_920, %broadcast_in_dim3A_925 : vector<448x128xi1>, vector<448x128xf32>
    %slice3A_927 = vector.extract_strided_slice %select_n3A_926 {offsets = [0, 0], sizes = [448, 64], strides = [1, 1]} : vector<448x128xf32> to vector<448x64xf32>
    %slice3A_928 = vector.extract_strided_slice %select_n3A_926 {offsets = [0, 64], sizes = [448, 64], strides = [1, 1]} : vector<448x128xf32> to vector<448x64xf32>
    %add3A_929 = arith.addf %slice3A_927, %slice3A_928 : vector<448x64xf32>
    %slice3A_930 = vector.extract_strided_slice %add3A_929 {offsets = [0, 0], sizes = [448, 32], strides = [1, 1]} : vector<448x64xf32> to vector<448x32xf32>
    %slice3A_931 = vector.extract_strided_slice %add3A_929 {offsets = [0, 32], sizes = [448, 32], strides = [1, 1]} : vector<448x64xf32> to vector<448x32xf32>
    %add3A_932 = arith.addf %slice3A_930, %slice3A_931 : vector<448x32xf32>
    %slice3A_933 = vector.extract_strided_slice %add3A_932 {offsets = [0, 0], sizes = [448, 16], strides = [1, 1]} : vector<448x32xf32> to vector<448x16xf32>
    %slice3A_934 = vector.extract_strided_slice %add3A_932 {offsets = [0, 16], sizes = [448, 16], strides = [1, 1]} : vector<448x32xf32> to vector<448x16xf32>
    %add3A_935 = arith.addf %slice3A_933, %slice3A_934 : vector<448x16xf32>
    %slice3A_936 = vector.extract_strided_slice %select_n3A_533 {offsets = [0, 0], sizes = [448, 1], strides = [1, 1]} : vector<448x8xf32> to vector<448x1xf32>
    %mul3A_937 = vector.broadcast %slice3A_936 : vector<448x1xf32> to vector<448x16xf32>
    %mul3A_938 = arith.mulf %mul3A_937, %add3A_935 : vector<448x16xf32>
    %add3A_939 = arith.addf %add3A_919, %mul3A_938 : vector<448x16xf32>
    %slice3A_940 = vector.extract_strided_slice %dot_general3A_841 {offsets = [0, 640], sizes = [448, 128], strides = [1, 1]} : vector<448x1024xf32> to vector<448x128xf32>
    %slice3A_941 = vector.extract_strided_slice %add3A_618 {offsets = [0, 0], sizes = [448, 1], strides = [1, 1]} : vector<448x8xi32> to vector<448x1xi32>
    %eq3A_942 = vector.broadcast %slice3A_941 : vector<448x1xi32> to vector<448x128xi32>
    %eq3A_943 = arith.cmpi eq, %eq3A_942, %select_n3A_826 : vector<448x128xi32>
    %jit3A_944 = arith.constant 0.000000e+00 : f32
    %broadcast_in_dim3A_945 = vector.broadcast %jit3A_944 : f32 to vector<448x128xf32>
    %select_n3A_946 = arith.select %eq3A_943, %slice3A_940, %broadcast_in_dim3A_945 : vector<448x128xi1>, vector<448x128xf32>
    %slice3A_947 = vector.extract_strided_slice %select_n3A_946 {offsets = [0, 0], sizes = [448, 64], strides = [1, 1]} : vector<448x128xf32> to vector<448x64xf32>
    %slice3A_948 = vector.extract_strided_slice %select_n3A_946 {offsets = [0, 64], sizes = [448, 64], strides = [1, 1]} : vector<448x128xf32> to vector<448x64xf32>
    %add3A_949 = arith.addf %slice3A_947, %slice3A_948 : vector<448x64xf32>
    %slice3A_950 = vector.extract_strided_slice %add3A_949 {offsets = [0, 0], sizes = [448, 32], strides = [1, 1]} : vector<448x64xf32> to vector<448x32xf32>
    %slice3A_951 = vector.extract_strided_slice %add3A_949 {offsets = [0, 32], sizes = [448, 32], strides = [1, 1]} : vector<448x64xf32> to vector<448x32xf32>
    %add3A_952 = arith.addf %slice3A_950, %slice3A_951 : vector<448x32xf32>
    %slice3A_953 = vector.extract_strided_slice %add3A_952 {offsets = [0, 0], sizes = [448, 16], strides = [1, 1]} : vector<448x32xf32> to vector<448x16xf32>
    %slice3A_954 = vector.extract_strided_slice %add3A_952 {offsets = [0, 16], sizes = [448, 16], strides = [1, 1]} : vector<448x32xf32> to vector<448x16xf32>
    %add3A_955 = arith.addf %slice3A_953, %slice3A_954 : vector<448x16xf32>
    %slice3A_956 = vector.extract_strided_slice %select_n3A_621 {offsets = [0, 0], sizes = [448, 1], strides = [1, 1]} : vector<448x8xf32> to vector<448x1xf32>
    %mul3A_957 = vector.broadcast %slice3A_956 : vector<448x1xf32> to vector<448x16xf32>
    %mul3A_958 = arith.mulf %mul3A_957, %add3A_955 : vector<448x16xf32>
    %add3A_959 = arith.addf %add3A_939, %mul3A_958 : vector<448x16xf32>
    %slice3A_960 = vector.extract_strided_slice %dot_general3A_841 {offsets = [0, 768], sizes = [448, 128], strides = [1, 1]} : vector<448x1024xf32> to vector<448x128xf32>
    %slice3A_961 = vector.extract_strided_slice %add3A_706 {offsets = [0, 0], sizes = [448, 1], strides = [1, 1]} : vector<448x8xi32> to vector<448x1xi32>
    %eq3A_962 = vector.broadcast %slice3A_961 : vector<448x1xi32> to vector<448x128xi32>
    %eq3A_963 = arith.cmpi eq, %eq3A_962, %select_n3A_826 : vector<448x128xi32>
    %jit3A_964 = arith.constant 0.000000e+00 : f32
    %broadcast_in_dim3A_965 = vector.broadcast %jit3A_964 : f32 to vector<448x128xf32>
    %select_n3A_966 = arith.select %eq3A_963, %slice3A_960, %broadcast_in_dim3A_965 : vector<448x128xi1>, vector<448x128xf32>
    %slice3A_967 = vector.extract_strided_slice %select_n3A_966 {offsets = [0, 0], sizes = [448, 64], strides = [1, 1]} : vector<448x128xf32> to vector<448x64xf32>
    %slice3A_968 = vector.extract_strided_slice %select_n3A_966 {offsets = [0, 64], sizes = [448, 64], strides = [1, 1]} : vector<448x128xf32> to vector<448x64xf32>
    %add3A_969 = arith.addf %slice3A_967, %slice3A_968 : vector<448x64xf32>
    %slice3A_970 = vector.extract_strided_slice %add3A_969 {offsets = [0, 0], sizes = [448, 32], strides = [1, 1]} : vector<448x64xf32> to vector<448x32xf32>
    %slice3A_971 = vector.extract_strided_slice %add3A_969 {offsets = [0, 32], sizes = [448, 32], strides = [1, 1]} : vector<448x64xf32> to vector<448x32xf32>
    %add3A_972 = arith.addf %slice3A_970, %slice3A_971 : vector<448x32xf32>
    %slice3A_973 = vector.extract_strided_slice %add3A_972 {offsets = [0, 0], sizes = [448, 16], strides = [1, 1]} : vector<448x32xf32> to vector<448x16xf32>
    %slice3A_974 = vector.extract_strided_slice %add3A_972 {offsets = [0, 16], sizes = [448, 16], strides = [1, 1]} : vector<448x32xf32> to vector<448x16xf32>
    %add3A_975 = arith.addf %slice3A_973, %slice3A_974 : vector<448x16xf32>
    %slice3A_976 = vector.extract_strided_slice %select_n3A_709 {offsets = [0, 0], sizes = [448, 1], strides = [1, 1]} : vector<448x8xf32> to vector<448x1xf32>
    %mul3A_977 = vector.broadcast %slice3A_976 : vector<448x1xf32> to vector<448x16xf32>
    %mul3A_978 = arith.mulf %mul3A_977, %add3A_975 : vector<448x16xf32>
    %add3A_979 = arith.addf %add3A_959, %mul3A_978 : vector<448x16xf32>
    %slice3A_980 = vector.extract_strided_slice %dot_general3A_841 {offsets = [0, 896], sizes = [448, 128], strides = [1, 1]} : vector<448x1024xf32> to vector<448x128xf32>
    %slice3A_981 = vector.extract_strided_slice %add3A_794 {offsets = [0, 0], sizes = [448, 1], strides = [1, 1]} : vector<448x8xi32> to vector<448x1xi32>
    %eq3A_982 = vector.broadcast %slice3A_981 : vector<448x1xi32> to vector<448x128xi32>
    %eq3A_983 = arith.cmpi eq, %eq3A_982, %select_n3A_826 : vector<448x128xi32>
    %jit3A_984 = arith.constant 0.000000e+00 : f32
    %broadcast_in_dim3A_985 = vector.broadcast %jit3A_984 : f32 to vector<448x128xf32>
    %select_n3A_986 = arith.select %eq3A_983, %slice3A_980, %broadcast_in_dim3A_985 : vector<448x128xi1>, vector<448x128xf32>
    %slice3A_987 = vector.extract_strided_slice %select_n3A_986 {offsets = [0, 0], sizes = [448, 64], strides = [1, 1]} : vector<448x128xf32> to vector<448x64xf32>
    %slice3A_988 = vector.extract_strided_slice %select_n3A_986 {offsets = [0, 64], sizes = [448, 64], strides = [1, 1]} : vector<448x128xf32> to vector<448x64xf32>
    %add3A_989 = arith.addf %slice3A_987, %slice3A_988 : vector<448x64xf32>
    %slice3A_990 = vector.extract_strided_slice %add3A_989 {offsets = [0, 0], sizes = [448, 32], strides = [1, 1]} : vector<448x64xf32> to vector<448x32xf32>
    %slice3A_991 = vector.extract_strided_slice %add3A_989 {offsets = [0, 32], sizes = [448, 32], strides = [1, 1]} : vector<448x64xf32> to vector<448x32xf32>
    %add3A_992 = arith.addf %slice3A_990, %slice3A_991 : vector<448x32xf32>
    %slice3A_993 = vector.extract_strided_slice %add3A_992 {offsets = [0, 0], sizes = [448, 16], strides = [1, 1]} : vector<448x32xf32> to vector<448x16xf32>
    %slice3A_994 = vector.extract_strided_slice %add3A_992 {offsets = [0, 16], sizes = [448, 16], strides = [1, 1]} : vector<448x32xf32> to vector<448x16xf32>
    %add3A_995 = arith.addf %slice3A_993, %slice3A_994 : vector<448x16xf32>
    %slice3A_996 = vector.extract_strided_slice %select_n3A_797 {offsets = [0, 0], sizes = [448, 1], strides = [1, 1]} : vector<448x8xf32> to vector<448x1xf32>
    %mul3A_997 = vector.broadcast %slice3A_996 : vector<448x1xf32> to vector<448x16xf32>
    %mul3A_998 = arith.mulf %mul3A_997, %add3A_995 : vector<448x16xf32>
    %add3A_999 = arith.addf %add3A_979, %mul3A_998 : vector<448x16xf32>
    %slice3A_1000 = vector.extract_strided_slice %add3A_999 {offsets = [0, 12], sizes = [448, 1], strides = [1, 1]} : vector<448x16xf32> to vector<448x1xf32>
    %slice3A_1001 = vector.extract_strided_slice %add3A_999 {offsets = [0, 0], sizes = [448, 1], strides = [1, 1]} : vector<448x16xf32> to vector<448x1xf32>
    %mul3A_1002 = arith.constant 0.282094806 : f32
    %mul3A_1003 = vector.broadcast %mul3A_1002 : f32 to vector<448x1xf32>
    %mul3A_1004 = arith.mulf %mul3A_1003, %slice3A_1001 : vector<448x1xf32>
    %slice3A_1005 = vector.extract_strided_slice %squeeze3A_830 {offsets = [0, 0], sizes = [1, 1], strides = [1, 1]} : vector<1x8xf32> to vector<1x1xf32>
    %mul3A_1006 = arith.constant 0.488602519 : f32
    %mul3A_1007 = vector.broadcast %mul3A_1006 : f32 to vector<1x1xf32>
    %mul3A_1008 = arith.mulf %mul3A_1007, %slice3A_1005 : vector<1x1xf32>
    %slice3A_1009 = vector.extract_strided_slice %add3A_999 {offsets = [0, 1], sizes = [448, 1], strides = [1, 1]} : vector<448x16xf32> to vector<448x1xf32>
    %mul3A_1010 = vector.broadcast %mul3A_1008 : vector<1x1xf32> to vector<448x1xf32>
    %mul3A_1011 = arith.mulf %mul3A_1010, %slice3A_1009 : vector<448x1xf32>
    %sub3A_1012 = arith.subf %mul3A_1004, %mul3A_1011 : vector<448x1xf32>
    %slice3A_1013 = vector.extract_strided_slice %squeeze3A_832 {offsets = [0, 0], sizes = [1, 1], strides = [1, 1]} : vector<1x8xf32> to vector<1x1xf32>
    %mul3A_1014 = arith.constant 0.488602519 : f32
    %mul3A_1015 = vector.broadcast %mul3A_1014 : f32 to vector<1x1xf32>
    %mul3A_1016 = arith.mulf %mul3A_1015, %slice3A_1013 : vector<1x1xf32>
    %slice3A_1017 = vector.extract_strided_slice %add3A_999 {offsets = [0, 2], sizes = [448, 1], strides = [1, 1]} : vector<448x16xf32> to vector<448x1xf32>
    %mul3A_1018 = vector.broadcast %mul3A_1016 : vector<1x1xf32> to vector<448x1xf32>
    %mul3A_1019 = arith.mulf %mul3A_1018, %slice3A_1017 : vector<448x1xf32>
    %add3A_1020 = arith.addf %sub3A_1012, %mul3A_1019 : vector<448x1xf32>
    %slice3A_1021 = vector.extract_strided_slice %squeeze3A_828 {offsets = [0, 0], sizes = [1, 1], strides = [1, 1]} : vector<1x8xf32> to vector<1x1xf32>
    %mul3A_1022 = arith.constant 0.488602519 : f32
    %mul3A_1023 = vector.broadcast %mul3A_1022 : f32 to vector<1x1xf32>
    %mul3A_1024 = arith.mulf %mul3A_1023, %slice3A_1021 : vector<1x1xf32>
    %slice3A_1025 = vector.extract_strided_slice %add3A_999 {offsets = [0, 3], sizes = [448, 1], strides = [1, 1]} : vector<448x16xf32> to vector<448x1xf32>
    %mul3A_1026 = vector.broadcast %mul3A_1024 : vector<1x1xf32> to vector<448x1xf32>
    %mul3A_1027 = arith.mulf %mul3A_1026, %slice3A_1025 : vector<448x1xf32>
    %sub3A_1028 = arith.subf %add3A_1020, %mul3A_1027 : vector<448x1xf32>
    %slice3A_1029 = vector.extract_strided_slice %add3A_999 {offsets = [0, 4], sizes = [448, 1], strides = [1, 1]} : vector<448x16xf32> to vector<448x1xf32>
    %mul3A_1030 = arith.constant 0.282094806 : f32
    %mul3A_1031 = vector.broadcast %mul3A_1030 : f32 to vector<448x1xf32>
    %mul3A_1032 = arith.mulf %mul3A_1031, %slice3A_1029 : vector<448x1xf32>
    %slice3A_1033 = vector.extract_strided_slice %squeeze3A_830 {offsets = [0, 0], sizes = [1, 1], strides = [1, 1]} : vector<1x8xf32> to vector<1x1xf32>
    %mul3A_1034 = arith.constant 0.488602519 : f32
    %mul3A_1035 = vector.broadcast %mul3A_1034 : f32 to vector<1x1xf32>
    %mul3A_1036 = arith.mulf %mul3A_1035, %slice3A_1033 : vector<1x1xf32>
    %slice3A_1037 = vector.extract_strided_slice %add3A_999 {offsets = [0, 5], sizes = [448, 1], strides = [1, 1]} : vector<448x16xf32> to vector<448x1xf32>
    %mul3A_1038 = vector.broadcast %mul3A_1036 : vector<1x1xf32> to vector<448x1xf32>
    %mul3A_1039 = arith.mulf %mul3A_1038, %slice3A_1037 : vector<448x1xf32>
    %sub3A_1040 = arith.subf %mul3A_1032, %mul3A_1039 : vector<448x1xf32>
    %slice3A_1041 = vector.extract_strided_slice %squeeze3A_832 {offsets = [0, 0], sizes = [1, 1], strides = [1, 1]} : vector<1x8xf32> to vector<1x1xf32>
    %mul3A_1042 = arith.constant 0.488602519 : f32
    %mul3A_1043 = vector.broadcast %mul3A_1042 : f32 to vector<1x1xf32>
    %mul3A_1044 = arith.mulf %mul3A_1043, %slice3A_1041 : vector<1x1xf32>
    %slice3A_1045 = vector.extract_strided_slice %add3A_999 {offsets = [0, 6], sizes = [448, 1], strides = [1, 1]} : vector<448x16xf32> to vector<448x1xf32>
    %mul3A_1046 = vector.broadcast %mul3A_1044 : vector<1x1xf32> to vector<448x1xf32>
    %mul3A_1047 = arith.mulf %mul3A_1046, %slice3A_1045 : vector<448x1xf32>
    %add3A_1048 = arith.addf %sub3A_1040, %mul3A_1047 : vector<448x1xf32>
    %slice3A_1049 = vector.extract_strided_slice %squeeze3A_828 {offsets = [0, 0], sizes = [1, 1], strides = [1, 1]} : vector<1x8xf32> to vector<1x1xf32>
    %mul3A_1050 = arith.constant 0.488602519 : f32
    %mul3A_1051 = vector.broadcast %mul3A_1050 : f32 to vector<1x1xf32>
    %mul3A_1052 = arith.mulf %mul3A_1051, %slice3A_1049 : vector<1x1xf32>
    %slice3A_1053 = vector.extract_strided_slice %add3A_999 {offsets = [0, 7], sizes = [448, 1], strides = [1, 1]} : vector<448x16xf32> to vector<448x1xf32>
    %mul3A_1054 = vector.broadcast %mul3A_1052 : vector<1x1xf32> to vector<448x1xf32>
    %mul3A_1055 = arith.mulf %mul3A_1054, %slice3A_1053 : vector<448x1xf32>
    %sub3A_1056 = arith.subf %add3A_1048, %mul3A_1055 : vector<448x1xf32>
    %slice3A_1057 = vector.extract_strided_slice %add3A_999 {offsets = [0, 8], sizes = [448, 1], strides = [1, 1]} : vector<448x16xf32> to vector<448x1xf32>
    %mul3A_1058 = arith.constant 0.282094806 : f32
    %mul3A_1059 = vector.broadcast %mul3A_1058 : f32 to vector<448x1xf32>
    %mul3A_1060 = arith.mulf %mul3A_1059, %slice3A_1057 : vector<448x1xf32>
    %slice3A_1061 = vector.extract_strided_slice %squeeze3A_830 {offsets = [0, 0], sizes = [1, 1], strides = [1, 1]} : vector<1x8xf32> to vector<1x1xf32>
    %mul3A_1062 = arith.constant 0.488602519 : f32
    %mul3A_1063 = vector.broadcast %mul3A_1062 : f32 to vector<1x1xf32>
    %mul3A_1064 = arith.mulf %mul3A_1063, %slice3A_1061 : vector<1x1xf32>
    %slice3A_1065 = vector.extract_strided_slice %add3A_999 {offsets = [0, 9], sizes = [448, 1], strides = [1, 1]} : vector<448x16xf32> to vector<448x1xf32>
    %mul3A_1066 = vector.broadcast %mul3A_1064 : vector<1x1xf32> to vector<448x1xf32>
    %mul3A_1067 = arith.mulf %mul3A_1066, %slice3A_1065 : vector<448x1xf32>
    %sub3A_1068 = arith.subf %mul3A_1060, %mul3A_1067 : vector<448x1xf32>
    %slice3A_1069 = vector.extract_strided_slice %squeeze3A_832 {offsets = [0, 0], sizes = [1, 1], strides = [1, 1]} : vector<1x8xf32> to vector<1x1xf32>
    %mul3A_1070 = arith.constant 0.488602519 : f32
    %mul3A_1071 = vector.broadcast %mul3A_1070 : f32 to vector<1x1xf32>
    %mul3A_1072 = arith.mulf %mul3A_1071, %slice3A_1069 : vector<1x1xf32>
    %slice3A_1073 = vector.extract_strided_slice %add3A_999 {offsets = [0, 10], sizes = [448, 1], strides = [1, 1]} : vector<448x16xf32> to vector<448x1xf32>
    %mul3A_1074 = vector.broadcast %mul3A_1072 : vector<1x1xf32> to vector<448x1xf32>
    %mul3A_1075 = arith.mulf %mul3A_1074, %slice3A_1073 : vector<448x1xf32>
    %add3A_1076 = arith.addf %sub3A_1068, %mul3A_1075 : vector<448x1xf32>
    %slice3A_1077 = vector.extract_strided_slice %squeeze3A_828 {offsets = [0, 0], sizes = [1, 1], strides = [1, 1]} : vector<1x8xf32> to vector<1x1xf32>
    %mul3A_1078 = arith.constant 0.488602519 : f32
    %mul3A_1079 = vector.broadcast %mul3A_1078 : f32 to vector<1x1xf32>
    %mul3A_1080 = arith.mulf %mul3A_1079, %slice3A_1077 : vector<1x1xf32>
    %slice3A_1081 = vector.extract_strided_slice %add3A_999 {offsets = [0, 11], sizes = [448, 1], strides = [1, 1]} : vector<448x16xf32> to vector<448x1xf32>
    %mul3A_1082 = vector.broadcast %mul3A_1080 : vector<1x1xf32> to vector<448x1xf32>
    %mul3A_1083 = arith.mulf %mul3A_1082, %slice3A_1081 : vector<448x1xf32>
    %sub3A_1084 = arith.subf %add3A_1076, %mul3A_1083 : vector<448x1xf32>
    %get3A_1085 = arith.constant 1 : index
    %get3A_1086 = arith.constant 0 : index
    %get3A_1087 = arith.constant 0 : index
    %get3A_1088 = vector.load %arg1[%get3A_1085, %get3A_1086, %get3A_1087] : memref<8x448x256xbf16, #tpu.memory_space<vmem>>, vector<1x448x256xbf16>
    %get3A_1089 = vector.shape_cast %get3A_1088 : vector<1x448x256xbf16> to vector<448x256xbf16>
    %get3A_1090 = arith.constant 0 : index
    %get3A_1091 = arith.constant 0 : index
    %get3A_1092 = vector.load %arg4[%get3A_1090, %get3A_1091] : memref<256x1024xbf16, #tpu.memory_space<vmem>>, vector<256x1024xbf16>
    %dot_general3A_1093 = arith.constant dense<0.000000e+00> : vector<448x1024xf32>
    %dot_general3A_1094 = tpu.matmul %get3A_1089, %get3A_1092, %dot_general3A_1093 {dimension_numbers = #tpu.dot_dimension_numbers<[1], [0], [0], [1], [0, 0, 1, 1], [], []>, transpose_lhs_hint = false} : vector<448x256xbf16>, vector<256x1024xbf16>, vector<448x1024xf32> -> vector<448x1024xf32>
    %slice3A_1095 = vector.extract_strided_slice %dot_general3A_1094 {offsets = [0, 0], sizes = [448, 128], strides = [1, 1]} : vector<448x1024xf32> to vector<448x128xf32>
    %slice3A_1096 = vector.extract_strided_slice %add3A_180 {offsets = [0, 1], sizes = [448, 1], strides = [1, 1]} : vector<448x8xi32> to vector<448x1xi32>
    %eq3A_1097 = vector.broadcast %slice3A_1096 : vector<448x1xi32> to vector<448x128xi32>
    %eq3A_1098 = arith.cmpi eq, %eq3A_1097, %select_n3A_826 : vector<448x128xi32>
    %jit3A_1099 = arith.constant 0.000000e+00 : f32
    %broadcast_in_dim3A_1100 = vector.broadcast %jit3A_1099 : f32 to vector<448x128xf32>
    %select_n3A_1101 = arith.select %eq3A_1098, %slice3A_1095, %broadcast_in_dim3A_1100 : vector<448x128xi1>, vector<448x128xf32>
    %slice3A_1102 = vector.extract_strided_slice %select_n3A_1101 {offsets = [0, 0], sizes = [448, 64], strides = [1, 1]} : vector<448x128xf32> to vector<448x64xf32>
    %slice3A_1103 = vector.extract_strided_slice %select_n3A_1101 {offsets = [0, 64], sizes = [448, 64], strides = [1, 1]} : vector<448x128xf32> to vector<448x64xf32>
    %add3A_1104 = arith.addf %slice3A_1102, %slice3A_1103 : vector<448x64xf32>
    %slice3A_1105 = vector.extract_strided_slice %add3A_1104 {offsets = [0, 0], sizes = [448, 32], strides = [1, 1]} : vector<448x64xf32> to vector<448x32xf32>
    %slice3A_1106 = vector.extract_strided_slice %add3A_1104 {offsets = [0, 32], sizes = [448, 32], strides = [1, 1]} : vector<448x64xf32> to vector<448x32xf32>
    %add3A_1107 = arith.addf %slice3A_1105, %slice3A_1106 : vector<448x32xf32>
    %slice3A_1108 = vector.extract_strided_slice %add3A_1107 {offsets = [0, 0], sizes = [448, 16], strides = [1, 1]} : vector<448x32xf32> to vector<448x16xf32>
    %slice3A_1109 = vector.extract_strided_slice %add3A_1107 {offsets = [0, 16], sizes = [448, 16], strides = [1, 1]} : vector<448x32xf32> to vector<448x16xf32>
    %add3A_1110 = arith.addf %slice3A_1108, %slice3A_1109 : vector<448x16xf32>
    %slice3A_1111 = vector.extract_strided_slice %select_n3A {offsets = [0, 1], sizes = [448, 1], strides = [1, 1]} : vector<448x8xf32> to vector<448x1xf32>
    %mul3A_1112 = vector.broadcast %slice3A_1111 : vector<448x1xf32> to vector<448x16xf32>
    %mul3A_1113 = arith.mulf %mul3A_1112, %add3A_1110 : vector<448x16xf32>
    %slice3A_1114 = vector.extract_strided_slice %dot_general3A_1094 {offsets = [0, 128], sizes = [448, 128], strides = [1, 1]} : vector<448x1024xf32> to vector<448x128xf32>
    %slice3A_1115 = vector.extract_strided_slice %add3A_266 {offsets = [0, 1], sizes = [448, 1], strides = [1, 1]} : vector<448x8xi32> to vector<448x1xi32>
    %eq3A_1116 = vector.broadcast %slice3A_1115 : vector<448x1xi32> to vector<448x128xi32>
    %eq3A_1117 = arith.cmpi eq, %eq3A_1116, %select_n3A_826 : vector<448x128xi32>
    %jit3A_1118 = arith.constant 0.000000e+00 : f32
    %broadcast_in_dim3A_1119 = vector.broadcast %jit3A_1118 : f32 to vector<448x128xf32>
    %select_n3A_1120 = arith.select %eq3A_1117, %slice3A_1114, %broadcast_in_dim3A_1119 : vector<448x128xi1>, vector<448x128xf32>
    %slice3A_1121 = vector.extract_strided_slice %select_n3A_1120 {offsets = [0, 0], sizes = [448, 64], strides = [1, 1]} : vector<448x128xf32> to vector<448x64xf32>
    %slice3A_1122 = vector.extract_strided_slice %select_n3A_1120 {offsets = [0, 64], sizes = [448, 64], strides = [1, 1]} : vector<448x128xf32> to vector<448x64xf32>
    %add3A_1123 = arith.addf %slice3A_1121, %slice3A_1122 : vector<448x64xf32>
    %slice3A_1124 = vector.extract_strided_slice %add3A_1123 {offsets = [0, 0], sizes = [448, 32], strides = [1, 1]} : vector<448x64xf32> to vector<448x32xf32>
    %slice3A_1125 = vector.extract_strided_slice %add3A_1123 {offsets = [0, 32], sizes = [448, 32], strides = [1, 1]} : vector<448x64xf32> to vector<448x32xf32>
    %add3A_1126 = arith.addf %slice3A_1124, %slice3A_1125 : vector<448x32xf32>
    %slice3A_1127 = vector.extract_strided_slice %add3A_1126 {offsets = [0, 0], sizes = [448, 16], strides = [1, 1]} : vector<448x32xf32> to vector<448x16xf32>
    %slice3A_1128 = vector.extract_strided_slice %add3A_1126 {offsets = [0, 16], sizes = [448, 16], strides = [1, 1]} : vector<448x32xf32> to vector<448x16xf32>
    %add3A_1129 = arith.addf %slice3A_1127, %slice3A_1128 : vector<448x16xf32>
    %slice3A_1130 = vector.extract_strided_slice %select_n3A_269 {offsets = [0, 1], sizes = [448, 1], strides = [1, 1]} : vector<448x8xf32> to vector<448x1xf32>
    %mul3A_1131 = vector.broadcast %slice3A_1130 : vector<448x1xf32> to vector<448x16xf32>
    %mul3A_1132 = arith.mulf %mul3A_1131, %add3A_1129 : vector<448x16xf32>
    %add3A_1133 = arith.addf %mul3A_1113, %mul3A_1132 : vector<448x16xf32>
    %slice3A_1134 = vector.extract_strided_slice %dot_general3A_1094 {offsets = [0, 256], sizes = [448, 128], strides = [1, 1]} : vector<448x1024xf32> to vector<448x128xf32>
    %slice3A_1135 = vector.extract_strided_slice %add3A_354 {offsets = [0, 1], sizes = [448, 1], strides = [1, 1]} : vector<448x8xi32> to vector<448x1xi32>
    %eq3A_1136 = vector.broadcast %slice3A_1135 : vector<448x1xi32> to vector<448x128xi32>
    %eq3A_1137 = arith.cmpi eq, %eq3A_1136, %select_n3A_826 : vector<448x128xi32>
    %jit3A_1138 = arith.constant 0.000000e+00 : f32
    %broadcast_in_dim3A_1139 = vector.broadcast %jit3A_1138 : f32 to vector<448x128xf32>
    %select_n3A_1140 = arith.select %eq3A_1137, %slice3A_1134, %broadcast_in_dim3A_1139 : vector<448x128xi1>, vector<448x128xf32>
    %slice3A_1141 = vector.extract_strided_slice %select_n3A_1140 {offsets = [0, 0], sizes = [448, 64], strides = [1, 1]} : vector<448x128xf32> to vector<448x64xf32>
    %slice3A_1142 = vector.extract_strided_slice %select_n3A_1140 {offsets = [0, 64], sizes = [448, 64], strides = [1, 1]} : vector<448x128xf32> to vector<448x64xf32>
    %add3A_1143 = arith.addf %slice3A_1141, %slice3A_1142 : vector<448x64xf32>
    %slice3A_1144 = vector.extract_strided_slice %add3A_1143 {offsets = [0, 0], sizes = [448, 32], strides = [1, 1]} : vector<448x64xf32> to vector<448x32xf32>
    %slice3A_1145 = vector.extract_strided_slice %add3A_1143 {offsets = [0, 32], sizes = [448, 32], strides = [1, 1]} : vector<448x64xf32> to vector<448x32xf32>
    %add3A_1146 = arith.addf %slice3A_1144, %slice3A_1145 : vector<448x32xf32>
    %slice3A_1147 = vector.extract_strided_slice %add3A_1146 {offsets = [0, 0], sizes = [448, 16], strides = [1, 1]} : vector<448x32xf32> to vector<448x16xf32>
    %slice3A_1148 = vector.extract_strided_slice %add3A_1146 {offsets = [0, 16], sizes = [448, 16], strides = [1, 1]} : vector<448x32xf32> to vector<448x16xf32>
    %add3A_1149 = arith.addf %slice3A_1147, %slice3A_1148 : vector<448x16xf32>
    %slice3A_1150 = vector.extract_strided_slice %select_n3A_357 {offsets = [0, 1], sizes = [448, 1], strides = [1, 1]} : vector<448x8xf32> to vector<448x1xf32>
    %mul3A_1151 = vector.broadcast %slice3A_1150 : vector<448x1xf32> to vector<448x16xf32>
    %mul3A_1152 = arith.mulf %mul3A_1151, %add3A_1149 : vector<448x16xf32>
    %add3A_1153 = arith.addf %add3A_1133, %mul3A_1152 : vector<448x16xf32>
    %slice3A_1154 = vector.extract_strided_slice %dot_general3A_1094 {offsets = [0, 384], sizes = [448, 128], strides = [1, 1]} : vector<448x1024xf32> to vector<448x128xf32>
    %slice3A_1155 = vector.extract_strided_slice %add3A_442 {offsets = [0, 1], sizes = [448, 1], strides = [1, 1]} : vector<448x8xi32> to vector<448x1xi32>
    %eq3A_1156 = vector.broadcast %slice3A_1155 : vector<448x1xi32> to vector<448x128xi32>
    %eq3A_1157 = arith.cmpi eq, %eq3A_1156, %select_n3A_826 : vector<448x128xi32>
    %jit3A_1158 = arith.constant 0.000000e+00 : f32
    %broadcast_in_dim3A_1159 = vector.broadcast %jit3A_1158 : f32 to vector<448x128xf32>
    %select_n3A_1160 = arith.select %eq3A_1157, %slice3A_1154, %broadcast_in_dim3A_1159 : vector<448x128xi1>, vector<448x128xf32>
    %slice3A_1161 = vector.extract_strided_slice %select_n3A_1160 {offsets = [0, 0], sizes = [448, 64], strides = [1, 1]} : vector<448x128xf32> to vector<448x64xf32>
    %slice3A_1162 = vector.extract_strided_slice %select_n3A_1160 {offsets = [0, 64], sizes = [448, 64], strides = [1, 1]} : vector<448x128xf32> to vector<448x64xf32>
    %add3A_1163 = arith.addf %slice3A_1161, %slice3A_1162 : vector<448x64xf32>
    %slice3A_1164 = vector.extract_strided_slice %add3A_1163 {offsets = [0, 0], sizes = [448, 32], strides = [1, 1]} : vector<448x64xf32> to vector<448x32xf32>
    %slice3A_1165 = vector.extract_strided_slice %add3A_1163 {offsets = [0, 32], sizes = [448, 32], strides = [1, 1]} : vector<448x64xf32> to vector<448x32xf32>
    %add3A_1166 = arith.addf %slice3A_1164, %slice3A_1165 : vector<448x32xf32>
    %slice3A_1167 = vector.extract_strided_slice %add3A_1166 {offsets = [0, 0], sizes = [448, 16], strides = [1, 1]} : vector<448x32xf32> to vector<448x16xf32>
    %slice3A_1168 = vector.extract_strided_slice %add3A_1166 {offsets = [0, 16], sizes = [448, 16], strides = [1, 1]} : vector<448x32xf32> to vector<448x16xf32>
    %add3A_1169 = arith.addf %slice3A_1167, %slice3A_1168 : vector<448x16xf32>
    %slice3A_1170 = vector.extract_strided_slice %select_n3A_445 {offsets = [0, 1], sizes = [448, 1], strides = [1, 1]} : vector<448x8xf32> to vector<448x1xf32>
    %mul3A_1171 = vector.broadcast %slice3A_1170 : vector<448x1xf32> to vector<448x16xf32>
    %mul3A_1172 = arith.mulf %mul3A_1171, %add3A_1169 : vector<448x16xf32>
    %add3A_1173 = arith.addf %add3A_1153, %mul3A_1172 : vector<448x16xf32>
    %slice3A_1174 = vector.extract_strided_slice %dot_general3A_1094 {offsets = [0, 512], sizes = [448, 128], strides = [1, 1]} : vector<448x1024xf32> to vector<448x128xf32>
    %slice3A_1175 = vector.extract_strided_slice %add3A_530 {offsets = [0, 1], sizes = [448, 1], strides = [1, 1]} : vector<448x8xi32> to vector<448x1xi32>
    %eq3A_1176 = vector.broadcast %slice3A_1175 : vector<448x1xi32> to vector<448x128xi32>
    %eq3A_1177 = arith.cmpi eq, %eq3A_1176, %select_n3A_826 : vector<448x128xi32>
    %jit3A_1178 = arith.constant 0.000000e+00 : f32
    %broadcast_in_dim3A_1179 = vector.broadcast %jit3A_1178 : f32 to vector<448x128xf32>
    %select_n3A_1180 = arith.select %eq3A_1177, %slice3A_1174, %broadcast_in_dim3A_1179 : vector<448x128xi1>, vector<448x128xf32>
    %slice3A_1181 = vector.extract_strided_slice %select_n3A_1180 {offsets = [0, 0], sizes = [448, 64], strides = [1, 1]} : vector<448x128xf32> to vector<448x64xf32>
    %slice3A_1182 = vector.extract_strided_slice %select_n3A_1180 {offsets = [0, 64], sizes = [448, 64], strides = [1, 1]} : vector<448x128xf32> to vector<448x64xf32>
    %add3A_1183 = arith.addf %slice3A_1181, %slice3A_1182 : vector<448x64xf32>
    %slice3A_1184 = vector.extract_strided_slice %add3A_1183 {offsets = [0, 0], sizes = [448, 32], strides = [1, 1]} : vector<448x64xf32> to vector<448x32xf32>
    %slice3A_1185 = vector.extract_strided_slice %add3A_1183 {offsets = [0, 32], sizes = [448, 32], strides = [1, 1]} : vector<448x64xf32> to vector<448x32xf32>
    %add3A_1186 = arith.addf %slice3A_1184, %slice3A_1185 : vector<448x32xf32>
    %slice3A_1187 = vector.extract_strided_slice %add3A_1186 {offsets = [0, 0], sizes = [448, 16], strides = [1, 1]} : vector<448x32xf32> to vector<448x16xf32>
    %slice3A_1188 = vector.extract_strided_slice %add3A_1186 {offsets = [0, 16], sizes = [448, 16], strides = [1, 1]} : vector<448x32xf32> to vector<448x16xf32>
    %add3A_1189 = arith.addf %slice3A_1187, %slice3A_1188 : vector<448x16xf32>
    %slice3A_1190 = vector.extract_strided_slice %select_n3A_533 {offsets = [0, 1], sizes = [448, 1], strides = [1, 1]} : vector<448x8xf32> to vector<448x1xf32>
    %mul3A_1191 = vector.broadcast %slice3A_1190 : vector<448x1xf32> to vector<448x16xf32>
    %mul3A_1192 = arith.mulf %mul3A_1191, %add3A_1189 : vector<448x16xf32>
    %add3A_1193 = arith.addf %add3A_1173, %mul3A_1192 : vector<448x16xf32>
    %slice3A_1194 = vector.extract_strided_slice %dot_general3A_1094 {offsets = [0, 640], sizes = [448, 128], strides = [1, 1]} : vector<448x1024xf32> to vector<448x128xf32>
    %slice3A_1195 = vector.extract_strided_slice %add3A_618 {offsets = [0, 1], sizes = [448, 1], strides = [1, 1]} : vector<448x8xi32> to vector<448x1xi32>
    %eq3A_1196 = vector.broadcast %slice3A_1195 : vector<448x1xi32> to vector<448x128xi32>
    %eq3A_1197 = arith.cmpi eq, %eq3A_1196, %select_n3A_826 : vector<448x128xi32>
    %jit3A_1198 = arith.constant 0.000000e+00 : f32
    %broadcast_in_dim3A_1199 = vector.broadcast %jit3A_1198 : f32 to vector<448x128xf32>
    %select_n3A_1200 = arith.select %eq3A_1197, %slice3A_1194, %broadcast_in_dim3A_1199 : vector<448x128xi1>, vector<448x128xf32>
    %slice3A_1201 = vector.extract_strided_slice %select_n3A_1200 {offsets = [0, 0], sizes = [448, 64], strides = [1, 1]} : vector<448x128xf32> to vector<448x64xf32>
    %slice3A_1202 = vector.extract_strided_slice %select_n3A_1200 {offsets = [0, 64], sizes = [448, 64], strides = [1, 1]} : vector<448x128xf32> to vector<448x64xf32>
    %add3A_1203 = arith.addf %slice3A_1201, %slice3A_1202 : vector<448x64xf32>
    %slice3A_1204 = vector.extract_strided_slice %add3A_1203 {offsets = [0, 0], sizes = [448, 32], strides = [1, 1]} : vector<448x64xf32> to vector<448x32xf32>
    %slice3A_1205 = vector.extract_strided_slice %add3A_1203 {offsets = [0, 32], sizes = [448, 32], strides = [1, 1]} : vector<448x64xf32> to vector<448x32xf32>
    %add3A_1206 = arith.addf %slice3A_1204, %slice3A_1205 : vector<448x32xf32>
    %slice3A_1207 = vector.extract_strided_slice %add3A_1206 {offsets = [0, 0], sizes = [448, 16], strides = [1, 1]} : vector<448x32xf32> to vector<448x16xf32>
    %slice3A_1208 = vector.extract_strided_slice %add3A_1206 {offsets = [0, 16], sizes = [448, 16], strides = [1, 1]} : vector<448x32xf32> to vector<448x16xf32>
    %add3A_1209 = arith.addf %slice3A_1207, %slice3A_1208 : vector<448x16xf32>
    %slice3A_1210 = vector.extract_strided_slice %select_n3A_621 {offsets = [0, 1], sizes = [448, 1], strides = [1, 1]} : vector<448x8xf32> to vector<448x1xf32>
    %mul3A_1211 = vector.broadcast %slice3A_1210 : vector<448x1xf32> to vector<448x16xf32>
    %mul3A_1212 = arith.mulf %mul3A_1211, %add3A_1209 : vector<448x16xf32>
    %add3A_1213 = arith.addf %add3A_1193, %mul3A_1212 : vector<448x16xf32>
    %slice3A_1214 = vector.extract_strided_slice %dot_general3A_1094 {offsets = [0, 768], sizes = [448, 128], strides = [1, 1]} : vector<448x1024xf32> to vector<448x128xf32>
    %slice3A_1215 = vector.extract_strided_slice %add3A_706 {offsets = [0, 1], sizes = [448, 1], strides = [1, 1]} : vector<448x8xi32> to vector<448x1xi32>
    %eq3A_1216 = vector.broadcast %slice3A_1215 : vector<448x1xi32> to vector<448x128xi32>
    %eq3A_1217 = arith.cmpi eq, %eq3A_1216, %select_n3A_826 : vector<448x128xi32>
    %jit3A_1218 = arith.constant 0.000000e+00 : f32
    %broadcast_in_dim3A_1219 = vector.broadcast %jit3A_1218 : f32 to vector<448x128xf32>
    %select_n3A_1220 = arith.select %eq3A_1217, %slice3A_1214, %broadcast_in_dim3A_1219 : vector<448x128xi1>, vector<448x128xf32>
    %slice3A_1221 = vector.extract_strided_slice %select_n3A_1220 {offsets = [0, 0], sizes = [448, 64], strides = [1, 1]} : vector<448x128xf32> to vector<448x64xf32>
    %slice3A_1222 = vector.extract_strided_slice %select_n3A_1220 {offsets = [0, 64], sizes = [448, 64], strides = [1, 1]} : vector<448x128xf32> to vector<448x64xf32>
    %add3A_1223 = arith.addf %slice3A_1221, %slice3A_1222 : vector<448x64xf32>
    %slice3A_1224 = vector.extract_strided_slice %add3A_1223 {offsets = [0, 0], sizes = [448, 32], strides = [1, 1]} : vector<448x64xf32> to vector<448x32xf32>
    %slice3A_1225 = vector.extract_strided_slice %add3A_1223 {offsets = [0, 32], sizes = [448, 32], strides = [1, 1]} : vector<448x64xf32> to vector<448x32xf32>
    %add3A_1226 = arith.addf %slice3A_1224, %slice3A_1225 : vector<448x32xf32>
    %slice3A_1227 = vector.extract_strided_slice %add3A_1226 {offsets = [0, 0], sizes = [448, 16], strides = [1, 1]} : vector<448x32xf32> to vector<448x16xf32>
    %slice3A_1228 = vector.extract_strided_slice %add3A_1226 {offsets = [0, 16], sizes = [448, 16], strides = [1, 1]} : vector<448x32xf32> to vector<448x16xf32>
    %add3A_1229 = arith.addf %slice3A_1227, %slice3A_1228 : vector<448x16xf32>
    %slice3A_1230 = vector.extract_strided_slice %select_n3A_709 {offsets = [0, 1], sizes = [448, 1], strides = [1, 1]} : vector<448x8xf32> to vector<448x1xf32>
    %mul3A_1231 = vector.broadcast %slice3A_1230 : vector<448x1xf32> to vector<448x16xf32>
    %mul3A_1232 = arith.mulf %mul3A_1231, %add3A_1229 : vector<448x16xf32>
    %add3A_1233 = arith.addf %add3A_1213, %mul3A_1232 : vector<448x16xf32>
    %slice3A_1234 = vector.extract_strided_slice %dot_general3A_1094 {offsets = [0, 896], sizes = [448, 128], strides = [1, 1]} : vector<448x1024xf32> to vector<448x128xf32>
    %slice3A_1235 = vector.extract_strided_slice %add3A_794 {offsets = [0, 1], sizes = [448, 1], strides = [1, 1]} : vector<448x8xi32> to vector<448x1xi32>
    %eq3A_1236 = vector.broadcast %slice3A_1235 : vector<448x1xi32> to vector<448x128xi32>
    %eq3A_1237 = arith.cmpi eq, %eq3A_1236, %select_n3A_826 : vector<448x128xi32>
    %jit3A_1238 = arith.constant 0.000000e+00 : f32
    %broadcast_in_dim3A_1239 = vector.broadcast %jit3A_1238 : f32 to vector<448x128xf32>
    %select_n3A_1240 = arith.select %eq3A_1237, %slice3A_1234, %broadcast_in_dim3A_1239 : vector<448x128xi1>, vector<448x128xf32>
    %slice3A_1241 = vector.extract_strided_slice %select_n3A_1240 {offsets = [0, 0], sizes = [448, 64], strides = [1, 1]} : vector<448x128xf32> to vector<448x64xf32>
    %slice3A_1242 = vector.extract_strided_slice %select_n3A_1240 {offsets = [0, 64], sizes = [448, 64], strides = [1, 1]} : vector<448x128xf32> to vector<448x64xf32>
    %add3A_1243 = arith.addf %slice3A_1241, %slice3A_1242 : vector<448x64xf32>
    %slice3A_1244 = vector.extract_strided_slice %add3A_1243 {offsets = [0, 0], sizes = [448, 32], strides = [1, 1]} : vector<448x64xf32> to vector<448x32xf32>
    %slice3A_1245 = vector.extract_strided_slice %add3A_1243 {offsets = [0, 32], sizes = [448, 32], strides = [1, 1]} : vector<448x64xf32> to vector<448x32xf32>
    %add3A_1246 = arith.addf %slice3A_1244, %slice3A_1245 : vector<448x32xf32>
    %slice3A_1247 = vector.extract_strided_slice %add3A_1246 {offsets = [0, 0], sizes = [448, 16], strides = [1, 1]} : vector<448x32xf32> to vector<448x16xf32>
    %slice3A_1248 = vector.extract_strided_slice %add3A_1246 {offsets = [0, 16], sizes = [448, 16], strides = [1, 1]} : vector<448x32xf32> to vector<448x16xf32>
    %add3A_1249 = arith.addf %slice3A_1247, %slice3A_1248 : vector<448x16xf32>
    %slice3A_1250 = vector.extract_strided_slice %select_n3A_797 {offsets = [0, 1], sizes = [448, 1], strides = [1, 1]} : vector<448x8xf32> to vector<448x1xf32>
    %mul3A_1251 = vector.broadcast %slice3A_1250 : vector<448x1xf32> to vector<448x16xf32>
    %mul3A_1252 = arith.mulf %mul3A_1251, %add3A_1249 : vector<448x16xf32>
    %add3A_1253 = arith.addf %add3A_1233, %mul3A_1252 : vector<448x16xf32>
    %slice3A_1254 = vector.extract_strided_slice %add3A_1253 {offsets = [0, 12], sizes = [448, 1], strides = [1, 1]} : vector<448x16xf32> to vector<448x1xf32>
    %slice3A_1255 = vector.extract_strided_slice %add3A_1253 {offsets = [0, 0], sizes = [448, 1], strides = [1, 1]} : vector<448x16xf32> to vector<448x1xf32>
    %mul3A_1256 = arith.constant 0.282094806 : f32
    %mul3A_1257 = vector.broadcast %mul3A_1256 : f32 to vector<448x1xf32>
    %mul3A_1258 = arith.mulf %mul3A_1257, %slice3A_1255 : vector<448x1xf32>
    %slice3A_1259 = vector.extract_strided_slice %squeeze3A_830 {offsets = [0, 1], sizes = [1, 1], strides = [1, 1]} : vector<1x8xf32> to vector<1x1xf32>
    %mul3A_1260 = arith.constant 0.488602519 : f32
    %mul3A_1261 = vector.broadcast %mul3A_1260 : f32 to vector<1x1xf32>
    %mul3A_1262 = arith.mulf %mul3A_1261, %slice3A_1259 : vector<1x1xf32>
    %slice3A_1263 = vector.extract_strided_slice %add3A_1253 {offsets = [0, 1], sizes = [448, 1], strides = [1, 1]} : vector<448x16xf32> to vector<448x1xf32>
    %mul3A_1264 = vector.broadcast %mul3A_1262 : vector<1x1xf32> to vector<448x1xf32>
    %mul3A_1265 = arith.mulf %mul3A_1264, %slice3A_1263 : vector<448x1xf32>
    %sub3A_1266 = arith.subf %mul3A_1258, %mul3A_1265 : vector<448x1xf32>
    %slice3A_1267 = vector.extract_strided_slice %squeeze3A_832 {offsets = [0, 1], sizes = [1, 1], strides = [1, 1]} : vector<1x8xf32> to vector<1x1xf32>
    %mul3A_1268 = arith.constant 0.488602519 : f32
    %mul3A_1269 = vector.broadcast %mul3A_1268 : f32 to vector<1x1xf32>
    %mul3A_1270 = arith.mulf %mul3A_1269, %slice3A_1267 : vector<1x1xf32>
    %slice3A_1271 = vector.extract_strided_slice %add3A_1253 {offsets = [0, 2], sizes = [448, 1], strides = [1, 1]} : vector<448x16xf32> to vector<448x1xf32>
    %mul3A_1272 = vector.broadcast %mul3A_1270 : vector<1x1xf32> to vector<448x1xf32>
    %mul3A_1273 = arith.mulf %mul3A_1272, %slice3A_1271 : vector<448x1xf32>
    %add3A_1274 = arith.addf %sub3A_1266, %mul3A_1273 : vector<448x1xf32>
    %slice3A_1275 = vector.extract_strided_slice %squeeze3A_828 {offsets = [0, 1], sizes = [1, 1], strides = [1, 1]} : vector<1x8xf32> to vector<1x1xf32>
    %mul3A_1276 = arith.constant 0.488602519 : f32
    %mul3A_1277 = vector.broadcast %mul3A_1276 : f32 to vector<1x1xf32>
    %mul3A_1278 = arith.mulf %mul3A_1277, %slice3A_1275 : vector<1x1xf32>
    %slice3A_1279 = vector.extract_strided_slice %add3A_1253 {offsets = [0, 3], sizes = [448, 1], strides = [1, 1]} : vector<448x16xf32> to vector<448x1xf32>
    %mul3A_1280 = vector.broadcast %mul3A_1278 : vector<1x1xf32> to vector<448x1xf32>
    %mul3A_1281 = arith.mulf %mul3A_1280, %slice3A_1279 : vector<448x1xf32>
    %sub3A_1282 = arith.subf %add3A_1274, %mul3A_1281 : vector<448x1xf32>
    %slice3A_1283 = vector.extract_strided_slice %add3A_1253 {offsets = [0, 4], sizes = [448, 1], strides = [1, 1]} : vector<448x16xf32> to vector<448x1xf32>
    %mul3A_1284 = arith.constant 0.282094806 : f32
    %mul3A_1285 = vector.broadcast %mul3A_1284 : f32 to vector<448x1xf32>
    %mul3A_1286 = arith.mulf %mul3A_1285, %slice3A_1283 : vector<448x1xf32>
    %slice3A_1287 = vector.extract_strided_slice %squeeze3A_830 {offsets = [0, 1], sizes = [1, 1], strides = [1, 1]} : vector<1x8xf32> to vector<1x1xf32>
    %mul3A_1288 = arith.constant 0.488602519 : f32
    %mul3A_1289 = vector.broadcast %mul3A_1288 : f32 to vector<1x1xf32>
    %mul3A_1290 = arith.mulf %mul3A_1289, %slice3A_1287 : vector<1x1xf32>
    %slice3A_1291 = vector.extract_strided_slice %add3A_1253 {offsets = [0, 5], sizes = [448, 1], strides = [1, 1]} : vector<448x16xf32> to vector<448x1xf32>
    %mul3A_1292 = vector.broadcast %mul3A_1290 : vector<1x1xf32> to vector<448x1xf32>
    %mul3A_1293 = arith.mulf %mul3A_1292, %slice3A_1291 : vector<448x1xf32>
    %sub3A_1294 = arith.subf %mul3A_1286, %mul3A_1293 : vector<448x1xf32>
    %slice3A_1295 = vector.extract_strided_slice %squeeze3A_832 {offsets = [0, 1], sizes = [1, 1], strides = [1, 1]} : vector<1x8xf32> to vector<1x1xf32>
    %mul3A_1296 = arith.constant 0.488602519 : f32
    %mul3A_1297 = vector.broadcast %mul3A_1296 : f32 to vector<1x1xf32>
    %mul3A_1298 = arith.mulf %mul3A_1297, %slice3A_1295 : vector<1x1xf32>
    %slice3A_1299 = vector.extract_strided_slice %add3A_1253 {offsets = [0, 6], sizes = [448, 1], strides = [1, 1]} : vector<448x16xf32> to vector<448x1xf32>
    %mul3A_1300 = vector.broadcast %mul3A_1298 : vector<1x1xf32> to vector<448x1xf32>
    %mul3A_1301 = arith.mulf %mul3A_1300, %slice3A_1299 : vector<448x1xf32>
    %add3A_1302 = arith.addf %sub3A_1294, %mul3A_1301 : vector<448x1xf32>
    %slice3A_1303 = vector.extract_strided_slice %squeeze3A_828 {offsets = [0, 1], sizes = [1, 1], strides = [1, 1]} : vector<1x8xf32> to vector<1x1xf32>
    %mul3A_1304 = arith.constant 0.488602519 : f32
    %mul3A_1305 = vector.broadcast %mul3A_1304 : f32 to vector<1x1xf32>
    %mul3A_1306 = arith.mulf %mul3A_1305, %slice3A_1303 : vector<1x1xf32>
    %slice3A_1307 = vector.extract_strided_slice %add3A_1253 {offsets = [0, 7], sizes = [448, 1], strides = [1, 1]} : vector<448x16xf32> to vector<448x1xf32>
    %mul3A_1308 = vector.broadcast %mul3A_1306 : vector<1x1xf32> to vector<448x1xf32>
    %mul3A_1309 = arith.mulf %mul3A_1308, %slice3A_1307 : vector<448x1xf32>
    %sub3A_1310 = arith.subf %add3A_1302, %mul3A_1309 : vector<448x1xf32>
    %slice3A_1311 = vector.extract_strided_slice %add3A_1253 {offsets = [0, 8], sizes = [448, 1], strides = [1, 1]} : vector<448x16xf32> to vector<448x1xf32>
    %mul3A_1312 = arith.constant 0.282094806 : f32
    %mul3A_1313 = vector.broadcast %mul3A_1312 : f32 to vector<448x1xf32>
    %mul3A_1314 = arith.mulf %mul3A_1313, %slice3A_1311 : vector<448x1xf32>
    %slice3A_1315 = vector.extract_strided_slice %squeeze3A_830 {offsets = [0, 1], sizes = [1, 1], strides = [1, 1]} : vector<1x8xf32> to vector<1x1xf32>
    %mul3A_1316 = arith.constant 0.488602519 : f32
    %mul3A_1317 = vector.broadcast %mul3A_1316 : f32 to vector<1x1xf32>
    %mul3A_1318 = arith.mulf %mul3A_1317, %slice3A_1315 : vector<1x1xf32>
    %slice3A_1319 = vector.extract_strided_slice %add3A_1253 {offsets = [0, 9], sizes = [448, 1], strides = [1, 1]} : vector<448x16xf32> to vector<448x1xf32>
    %mul3A_1320 = vector.broadcast %mul3A_1318 : vector<1x1xf32> to vector<448x1xf32>
    %mul3A_1321 = arith.mulf %mul3A_1320, %slice3A_1319 : vector<448x1xf32>
    %sub3A_1322 = arith.subf %mul3A_1314, %mul3A_1321 : vector<448x1xf32>
    %slice3A_1323 = vector.extract_strided_slice %squeeze3A_832 {offsets = [0, 1], sizes = [1, 1], strides = [1, 1]} : vector<1x8xf32> to vector<1x1xf32>
    %mul3A_1324 = arith.constant 0.488602519 : f32
    %mul3A_1325 = vector.broadcast %mul3A_1324 : f32 to vector<1x1xf32>
    %mul3A_1326 = arith.mulf %mul3A_1325, %slice3A_1323 : vector<1x1xf32>
    %slice3A_1327 = vector.extract_strided_slice %add3A_1253 {offsets = [0, 10], sizes = [448, 1], strides = [1, 1]} : vector<448x16xf32> to vector<448x1xf32>
    %mul3A_1328 = vector.broadcast %mul3A_1326 : vector<1x1xf32> to vector<448x1xf32>
    %mul3A_1329 = arith.mulf %mul3A_1328, %slice3A_1327 : vector<448x1xf32>
    %add3A_1330 = arith.addf %sub3A_1322, %mul3A_1329 : vector<448x1xf32>
    %slice3A_1331 = vector.extract_strided_slice %squeeze3A_828 {offsets = [0, 1], sizes = [1, 1], strides = [1, 1]} : vector<1x8xf32> to vector<1x1xf32>
    %mul3A_1332 = arith.constant 0.488602519 : f32
    %mul3A_1333 = vector.broadcast %mul3A_1332 : f32 to vector<1x1xf32>
    %mul3A_1334 = arith.mulf %mul3A_1333, %slice3A_1331 : vector<1x1xf32>
    %slice3A_1335 = vector.extract_strided_slice %add3A_1253 {offsets = [0, 11], sizes = [448, 1], strides = [1, 1]} : vector<448x16xf32> to vector<448x1xf32>
    %mul3A_1336 = vector.broadcast %mul3A_1334 : vector<1x1xf32> to vector<448x1xf32>
    %mul3A_1337 = arith.mulf %mul3A_1336, %slice3A_1335 : vector<448x1xf32>
    %sub3A_1338 = arith.subf %add3A_1330, %mul3A_1337 : vector<448x1xf32>
    %get3A_1339 = arith.constant 2 : index
    %get3A_1340 = arith.constant 0 : index
    %get3A_1341 = arith.constant 0 : index
    %get3A_1342 = vector.load %arg1[%get3A_1339, %get3A_1340, %get3A_1341] : memref<8x448x256xbf16, #tpu.memory_space<vmem>>, vector<1x448x256xbf16>
    %get3A_1343 = vector.shape_cast %get3A_1342 : vector<1x448x256xbf16> to vector<448x256xbf16>
    %get3A_1344 = arith.constant 0 : index
    %get3A_1345 = arith.constant 0 : index
    %get3A_1346 = vector.load %arg4[%get3A_1344, %get3A_1345] : memref<256x1024xbf16, #tpu.memory_space<vmem>>, vector<256x1024xbf16>
    %dot_general3A_1347 = arith.constant dense<0.000000e+00> : vector<448x1024xf32>
    %dot_general3A_1348 = tpu.matmul %get3A_1343, %get3A_1346, %dot_general3A_1347 {dimension_numbers = #tpu.dot_dimension_numbers<[1], [0], [0], [1], [0, 0, 1, 1], [], []>, transpose_lhs_hint = false} : vector<448x256xbf16>, vector<256x1024xbf16>, vector<448x1024xf32> -> vector<448x1024xf32>
    %slice3A_1349 = vector.extract_strided_slice %dot_general3A_1348 {offsets = [0, 0], sizes = [448, 128], strides = [1, 1]} : vector<448x1024xf32> to vector<448x128xf32>
    %slice3A_1350 = vector.extract_strided_slice %add3A_180 {offsets = [0, 2], sizes = [448, 1], strides = [1, 1]} : vector<448x8xi32> to vector<448x1xi32>
    %eq3A_1351 = vector.broadcast %slice3A_1350 : vector<448x1xi32> to vector<448x128xi32>
    %eq3A_1352 = arith.cmpi eq, %eq3A_1351, %select_n3A_826 : vector<448x128xi32>
    %jit3A_1353 = arith.constant 0.000000e+00 : f32
    %broadcast_in_dim3A_1354 = vector.broadcast %jit3A_1353 : f32 to vector<448x128xf32>
    %select_n3A_1355 = arith.select %eq3A_1352, %slice3A_1349, %broadcast_in_dim3A_1354 : vector<448x128xi1>, vector<448x128xf32>
    %slice3A_1356 = vector.extract_strided_slice %select_n3A_1355 {offsets = [0, 0], sizes = [448, 64], strides = [1, 1]} : vector<448x128xf32> to vector<448x64xf32>
    %slice3A_1357 = vector.extract_strided_slice %select_n3A_1355 {offsets = [0, 64], sizes = [448, 64], strides = [1, 1]} : vector<448x128xf32> to vector<448x64xf32>
    %add3A_1358 = arith.addf %slice3A_1356, %slice3A_1357 : vector<448x64xf32>
    %slice3A_1359 = vector.extract_strided_slice %add3A_1358 {offsets = [0, 0], sizes = [448, 32], strides = [1, 1]} : vector<448x64xf32> to vector<448x32xf32>
    %slice3A_1360 = vector.extract_strided_slice %add3A_1358 {offsets = [0, 32], sizes = [448, 32], strides = [1, 1]} : vector<448x64xf32> to vector<448x32xf32>
    %add3A_1361 = arith.addf %slice3A_1359, %slice3A_1360 : vector<448x32xf32>
    %slice3A_1362 = vector.extract_strided_slice %add3A_1361 {offsets = [0, 0], sizes = [448, 16], strides = [1, 1]} : vector<448x32xf32> to vector<448x16xf32>
    %slice3A_1363 = vector.extract_strided_slice %add3A_1361 {offsets = [0, 16], sizes = [448, 16], strides = [1, 1]} : vector<448x32xf32> to vector<448x16xf32>
    %add3A_1364 = arith.addf %slice3A_1362, %slice3A_1363 : vector<448x16xf32>
    %slice3A_1365 = vector.extract_strided_slice %select_n3A {offsets = [0, 2], sizes = [448, 1], strides = [1, 1]} : vector<448x8xf32> to vector<448x1xf32>
    %mul3A_1366 = vector.broadcast %slice3A_1365 : vector<448x1xf32> to vector<448x16xf32>
    %mul3A_1367 = arith.mulf %mul3A_1366, %add3A_1364 : vector<448x16xf32>
    %slice3A_1368 = vector.extract_strided_slice %dot_general3A_1348 {offsets = [0, 128], sizes = [448, 128], strides = [1, 1]} : vector<448x1024xf32> to vector<448x128xf32>
    %slice3A_1369 = vector.extract_strided_slice %add3A_266 {offsets = [0, 2], sizes = [448, 1], strides = [1, 1]} : vector<448x8xi32> to vector<448x1xi32>
    %eq3A_1370 = vector.broadcast %slice3A_1369 : vector<448x1xi32> to vector<448x128xi32>
    %eq3A_1371 = arith.cmpi eq, %eq3A_1370, %select_n3A_826 : vector<448x128xi32>
    %jit3A_1372 = arith.constant 0.000000e+00 : f32
    %broadcast_in_dim3A_1373 = vector.broadcast %jit3A_1372 : f32 to vector<448x128xf32>
    %select_n3A_1374 = arith.select %eq3A_1371, %slice3A_1368, %broadcast_in_dim3A_1373 : vector<448x128xi1>, vector<448x128xf32>
    %slice3A_1375 = vector.extract_strided_slice %select_n3A_1374 {offsets = [0, 0], sizes = [448, 64], strides = [1, 1]} : vector<448x128xf32> to vector<448x64xf32>
    %slice3A_1376 = vector.extract_strided_slice %select_n3A_1374 {offsets = [0, 64], sizes = [448, 64], strides = [1, 1]} : vector<448x128xf32> to vector<448x64xf32>
    %add3A_1377 = arith.addf %slice3A_1375, %slice3A_1376 : vector<448x64xf32>
    %slice3A_1378 = vector.extract_strided_slice %add3A_1377 {offsets = [0, 0], sizes = [448, 32], strides = [1, 1]} : vector<448x64xf32> to vector<448x32xf32>
    %slice3A_1379 = vector.extract_strided_slice %add3A_1377 {offsets = [0, 32], sizes = [448, 32], strides = [1, 1]} : vector<448x64xf32> to vector<448x32xf32>
    %add3A_1380 = arith.addf %slice3A_1378, %slice3A_1379 : vector<448x32xf32>
    %slice3A_1381 = vector.extract_strided_slice %add3A_1380 {offsets = [0, 0], sizes = [448, 16], strides = [1, 1]} : vector<448x32xf32> to vector<448x16xf32>
    %slice3A_1382 = vector.extract_strided_slice %add3A_1380 {offsets = [0, 16], sizes = [448, 16], strides = [1, 1]} : vector<448x32xf32> to vector<448x16xf32>
    %add3A_1383 = arith.addf %slice3A_1381, %slice3A_1382 : vector<448x16xf32>
    %slice3A_1384 = vector.extract_strided_slice %select_n3A_269 {offsets = [0, 2], sizes = [448, 1], strides = [1, 1]} : vector<448x8xf32> to vector<448x1xf32>
    %mul3A_1385 = vector.broadcast %slice3A_1384 : vector<448x1xf32> to vector<448x16xf32>
    %mul3A_1386 = arith.mulf %mul3A_1385, %add3A_1383 : vector<448x16xf32>
    %add3A_1387 = arith.addf %mul3A_1367, %mul3A_1386 : vector<448x16xf32>
    %slice3A_1388 = vector.extract_strided_slice %dot_general3A_1348 {offsets = [0, 256], sizes = [448, 128], strides = [1, 1]} : vector<448x1024xf32> to vector<448x128xf32>
    %slice3A_1389 = vector.extract_strided_slice %add3A_354 {offsets = [0, 2], sizes = [448, 1], strides = [1, 1]} : vector<448x8xi32> to vector<448x1xi32>
    %eq3A_1390 = vector.broadcast %slice3A_1389 : vector<448x1xi32> to vector<448x128xi32>
    %eq3A_1391 = arith.cmpi eq, %eq3A_1390, %select_n3A_826 : vector<448x128xi32>
    %jit3A_1392 = arith.constant 0.000000e+00 : f32
    %broadcast_in_dim3A_1393 = vector.broadcast %jit3A_1392 : f32 to vector<448x128xf32>
    %select_n3A_1394 = arith.select %eq3A_1391, %slice3A_1388, %broadcast_in_dim3A_1393 : vector<448x128xi1>, vector<448x128xf32>
    %slice3A_1395 = vector.extract_strided_slice %select_n3A_1394 {offsets = [0, 0], sizes = [448, 64], strides = [1, 1]} : vector<448x128xf32> to vector<448x64xf32>
    %slice3A_1396 = vector.extract_strided_slice %select_n3A_1394 {offsets = [0, 64], sizes = [448, 64], strides = [1, 1]} : vector<448x128xf32> to vector<448x64xf32>
    %add3A_1397 = arith.addf %slice3A_1395, %slice3A_1396 : vector<448x64xf32>
    %slice3A_1398 = vector.extract_strided_slice %add3A_1397 {offsets = [0, 0], sizes = [448, 32], strides = [1, 1]} : vector<448x64xf32> to vector<448x32xf32>
    %slice3A_1399 = vector.extract_strided_slice %add3A_1397 {offsets = [0, 32], sizes = [448, 32], strides = [1, 1]} : vector<448x64xf32> to vector<448x32xf32>
    %add3A_1400 = arith.addf %slice3A_1398, %slice3A_1399 : vector<448x32xf32>
    %slice3A_1401 = vector.extract_strided_slice %add3A_1400 {offsets = [0, 0], sizes = [448, 16], strides = [1, 1]} : vector<448x32xf32> to vector<448x16xf32>
    %slice3A_1402 = vector.extract_strided_slice %add3A_1400 {offsets = [0, 16], sizes = [448, 16], strides = [1, 1]} : vector<448x32xf32> to vector<448x16xf32>
    %add3A_1403 = arith.addf %slice3A_1401, %slice3A_1402 : vector<448x16xf32>
    %slice3A_1404 = vector.extract_strided_slice %select_n3A_357 {offsets = [0, 2], sizes = [448, 1], strides = [1, 1]} : vector<448x8xf32> to vector<448x1xf32>
    %mul3A_1405 = vector.broadcast %slice3A_1404 : vector<448x1xf32> to vector<448x16xf32>
    %mul3A_1406 = arith.mulf %mul3A_1405, %add3A_1403 : vector<448x16xf32>
    %add3A_1407 = arith.addf %add3A_1387, %mul3A_1406 : vector<448x16xf32>
    %slice3A_1408 = vector.extract_strided_slice %dot_general3A_1348 {offsets = [0, 384], sizes = [448, 128], strides = [1, 1]} : vector<448x1024xf32> to vector<448x128xf32>
    %slice3A_1409 = vector.extract_strided_slice %add3A_442 {offsets = [0, 2], sizes = [448, 1], strides = [1, 1]} : vector<448x8xi32> to vector<448x1xi32>
    %eq3A_1410 = vector.broadcast %slice3A_1409 : vector<448x1xi32> to vector<448x128xi32>
    %eq3A_1411 = arith.cmpi eq, %eq3A_1410, %select_n3A_826 : vector<448x128xi32>
    %jit3A_1412 = arith.constant 0.000000e+00 : f32
    %broadcast_in_dim3A_1413 = vector.broadcast %jit3A_1412 : f32 to vector<448x128xf32>
    %select_n3A_1414 = arith.select %eq3A_1411, %slice3A_1408, %broadcast_in_dim3A_1413 : vector<448x128xi1>, vector<448x128xf32>
    %slice3A_1415 = vector.extract_strided_slice %select_n3A_1414 {offsets = [0, 0], sizes = [448, 64], strides = [1, 1]} : vector<448x128xf32> to vector<448x64xf32>
    %slice3A_1416 = vector.extract_strided_slice %select_n3A_1414 {offsets = [0, 64], sizes = [448, 64], strides = [1, 1]} : vector<448x128xf32> to vector<448x64xf32>
    %add3A_1417 = arith.addf %slice3A_1415, %slice3A_1416 : vector<448x64xf32>
    %slice3A_1418 = vector.extract_strided_slice %add3A_1417 {offsets = [0, 0], sizes = [448, 32], strides = [1, 1]} : vector<448x64xf32> to vector<448x32xf32>
    %slice3A_1419 = vector.extract_strided_slice %add3A_1417 {offsets = [0, 32], sizes = [448, 32], strides = [1, 1]} : vector<448x64xf32> to vector<448x32xf32>
    %add3A_1420 = arith.addf %slice3A_1418, %slice3A_1419 : vector<448x32xf32>
    %slice3A_1421 = vector.extract_strided_slice %add3A_1420 {offsets = [0, 0], sizes = [448, 16], strides = [1, 1]} : vector<448x32xf32> to vector<448x16xf32>
    %slice3A_1422 = vector.extract_strided_slice %add3A_1420 {offsets = [0, 16], sizes = [448, 16], strides = [1, 1]} : vector<448x32xf32> to vector<448x16xf32>
    %add3A_1423 = arith.addf %slice3A_1421, %slice3A_1422 : vector<448x16xf32>
    %slice3A_1424 = vector.extract_strided_slice %select_n3A_445 {offsets = [0, 2], sizes = [448, 1], strides = [1, 1]} : vector<448x8xf32> to vector<448x1xf32>
    %mul3A_1425 = vector.broadcast %slice3A_1424 : vector<448x1xf32> to vector<448x16xf32>
    %mul3A_1426 = arith.mulf %mul3A_1425, %add3A_1423 : vector<448x16xf32>
    %add3A_1427 = arith.addf %add3A_1407, %mul3A_1426 : vector<448x16xf32>
    %slice3A_1428 = vector.extract_strided_slice %dot_general3A_1348 {offsets = [0, 512], sizes = [448, 128], strides = [1, 1]} : vector<448x1024xf32> to vector<448x128xf32>
    %slice3A_1429 = vector.extract_strided_slice %add3A_530 {offsets = [0, 2], sizes = [448, 1], strides = [1, 1]} : vector<448x8xi32> to vector<448x1xi32>
    %eq3A_1430 = vector.broadcast %slice3A_1429 : vector<448x1xi32> to vector<448x128xi32>
    %eq3A_1431 = arith.cmpi eq, %eq3A_1430, %select_n3A_826 : vector<448x128xi32>
    %jit3A_1432 = arith.constant 0.000000e+00 : f32
    %broadcast_in_dim3A_1433 = vector.broadcast %jit3A_1432 : f32 to vector<448x128xf32>
    %select_n3A_1434 = arith.select %eq3A_1431, %slice3A_1428, %broadcast_in_dim3A_1433 : vector<448x128xi1>, vector<448x128xf32>
    %slice3A_1435 = vector.extract_strided_slice %select_n3A_1434 {offsets = [0, 0], sizes = [448, 64], strides = [1, 1]} : vector<448x128xf32> to vector<448x64xf32>
    %slice3A_1436 = vector.extract_strided_slice %select_n3A_1434 {offsets = [0, 64], sizes = [448, 64], strides = [1, 1]} : vector<448x128xf32> to vector<448x64xf32>
    %add3A_1437 = arith.addf %slice3A_1435, %slice3A_1436 : vector<448x64xf32>
    %slice3A_1438 = vector.extract_strided_slice %add3A_1437 {offsets = [0, 0], sizes = [448, 32], strides = [1, 1]} : vector<448x64xf32> to vector<448x32xf32>
    %slice3A_1439 = vector.extract_strided_slice %add3A_1437 {offsets = [0, 32], sizes = [448, 32], strides = [1, 1]} : vector<448x64xf32> to vector<448x32xf32>
    %add3A_1440 = arith.addf %slice3A_1438, %slice3A_1439 : vector<448x32xf32>
    %slice3A_1441 = vector.extract_strided_slice %add3A_1440 {offsets = [0, 0], sizes = [448, 16], strides = [1, 1]} : vector<448x32xf32> to vector<448x16xf32>
    %slice3A_1442 = vector.extract_strided_slice %add3A_1440 {offsets = [0, 16], sizes = [448, 16], strides = [1, 1]} : vector<448x32xf32> to vector<448x16xf32>
    %add3A_1443 = arith.addf %slice3A_1441, %slice3A_1442 : vector<448x16xf32>
    %slice3A_1444 = vector.extract_strided_slice %select_n3A_533 {offsets = [0, 2], sizes = [448, 1], strides = [1, 1]} : vector<448x8xf32> to vector<448x1xf32>
    %mul3A_1445 = vector.broadcast %slice3A_1444 : vector<448x1xf32> to vector<448x16xf32>
    %mul3A_1446 = arith.mulf %mul3A_1445, %add3A_1443 : vector<448x16xf32>
    %add3A_1447 = arith.addf %add3A_1427, %mul3A_1446 : vector<448x16xf32>
    %slice3A_1448 = vector.extract_strided_slice %dot_general3A_1348 {offsets = [0, 640], sizes = [448, 128], strides = [1, 1]} : vector<448x1024xf32> to vector<448x128xf32>
    %slice3A_1449 = vector.extract_strided_slice %add3A_618 {offsets = [0, 2], sizes = [448, 1], strides = [1, 1]} : vector<448x8xi32> to vector<448x1xi32>
    %eq3A_1450 = vector.broadcast %slice3A_1449 : vector<448x1xi32> to vector<448x128xi32>
    %eq3A_1451 = arith.cmpi eq, %eq3A_1450, %select_n3A_826 : vector<448x128xi32>
    %jit3A_1452 = arith.constant 0.000000e+00 : f32
    %broadcast_in_dim3A_1453 = vector.broadcast %jit3A_1452 : f32 to vector<448x128xf32>
    %select_n3A_1454 = arith.select %eq3A_1451, %slice3A_1448, %broadcast_in_dim3A_1453 : vector<448x128xi1>, vector<448x128xf32>
    %slice3A_1455 = vector.extract_strided_slice %select_n3A_1454 {offsets = [0, 0], sizes = [448, 64], strides = [1, 1]} : vector<448x128xf32> to vector<448x64xf32>
    %slice3A_1456 = vector.extract_strided_slice %select_n3A_1454 {offsets = [0, 64], sizes = [448, 64], strides = [1, 1]} : vector<448x128xf32> to vector<448x64xf32>
    %add3A_1457 = arith.addf %slice3A_1455, %slice3A_1456 : vector<448x64xf32>
    %slice3A_1458 = vector.extract_strided_slice %add3A_1457 {offsets = [0, 0], sizes = [448, 32], strides = [1, 1]} : vector<448x64xf32> to vector<448x32xf32>
    %slice3A_1459 = vector.extract_strided_slice %add3A_1457 {offsets = [0, 32], sizes = [448, 32], strides = [1, 1]} : vector<448x64xf32> to vector<448x32xf32>
    %add3A_1460 = arith.addf %slice3A_1458, %slice3A_1459 : vector<448x32xf32>
    %slice3A_1461 = vector.extract_strided_slice %add3A_1460 {offsets = [0, 0], sizes = [448, 16], strides = [1, 1]} : vector<448x32xf32> to vector<448x16xf32>
    %slice3A_1462 = vector.extract_strided_slice %add3A_1460 {offsets = [0, 16], sizes = [448, 16], strides = [1, 1]} : vector<448x32xf32> to vector<448x16xf32>
    %add3A_1463 = arith.addf %slice3A_1461, %slice3A_1462 : vector<448x16xf32>
    %slice3A_1464 = vector.extract_strided_slice %select_n3A_621 {offsets = [0, 2], sizes = [448, 1], strides = [1, 1]} : vector<448x8xf32> to vector<448x1xf32>
    %mul3A_1465 = vector.broadcast %slice3A_1464 : vector<448x1xf32> to vector<448x16xf32>
    %mul3A_1466 = arith.mulf %mul3A_1465, %add3A_1463 : vector<448x16xf32>
    %add3A_1467 = arith.addf %add3A_1447, %mul3A_1466 : vector<448x16xf32>
    %slice3A_1468 = vector.extract_strided_slice %dot_general3A_1348 {offsets = [0, 768], sizes = [448, 128], strides = [1, 1]} : vector<448x1024xf32> to vector<448x128xf32>
    %slice3A_1469 = vector.extract_strided_slice %add3A_706 {offsets = [0, 2], sizes = [448, 1], strides = [1, 1]} : vector<448x8xi32> to vector<448x1xi32>
    %eq3A_1470 = vector.broadcast %slice3A_1469 : vector<448x1xi32> to vector<448x128xi32>
    %eq3A_1471 = arith.cmpi eq, %eq3A_1470, %select_n3A_826 : vector<448x128xi32>
    %jit3A_1472 = arith.constant 0.000000e+00 : f32
    %broadcast_in_dim3A_1473 = vector.broadcast %jit3A_1472 : f32 to vector<448x128xf32>
    %select_n3A_1474 = arith.select %eq3A_1471, %slice3A_1468, %broadcast_in_dim3A_1473 : vector<448x128xi1>, vector<448x128xf32>
    %slice3A_1475 = vector.extract_strided_slice %select_n3A_1474 {offsets = [0, 0], sizes = [448, 64], strides = [1, 1]} : vector<448x128xf32> to vector<448x64xf32>
    %slice3A_1476 = vector.extract_strided_slice %select_n3A_1474 {offsets = [0, 64], sizes = [448, 64], strides = [1, 1]} : vector<448x128xf32> to vector<448x64xf32>
    %add3A_1477 = arith.addf %slice3A_1475, %slice3A_1476 : vector<448x64xf32>
    %slice3A_1478 = vector.extract_strided_slice %add3A_1477 {offsets = [0, 0], sizes = [448, 32], strides = [1, 1]} : vector<448x64xf32> to vector<448x32xf32>
    %slice3A_1479 = vector.extract_strided_slice %add3A_1477 {offsets = [0, 32], sizes = [448, 32], strides = [1, 1]} : vector<448x64xf32> to vector<448x32xf32>
    %add3A_1480 = arith.addf %slice3A_1478, %slice3A_1479 : vector<448x32xf32>
    %slice3A_1481 = vector.extract_strided_slice %add3A_1480 {offsets = [0, 0], sizes = [448, 16], strides = [1, 1]} : vector<448x32xf32> to vector<448x16xf32>
    %slice3A_1482 = vector.extract_strided_slice %add3A_1480 {offsets = [0, 16], sizes = [448, 16], strides = [1, 1]} : vector<448x32xf32> to vector<448x16xf32>
    %add3A_1483 = arith.addf %slice3A_1481, %slice3A_1482 : vector<448x16xf32>
    %slice3A_1484 = vector.extract_strided_slice %select_n3A_709 {offsets = [0, 2], sizes = [448, 1], strides = [1, 1]} : vector<448x8xf32> to vector<448x1xf32>
    %mul3A_1485 = vector.broadcast %slice3A_1484 : vector<448x1xf32> to vector<448x16xf32>
    %mul3A_1486 = arith.mulf %mul3A_1485, %add3A_1483 : vector<448x16xf32>
    %add3A_1487 = arith.addf %add3A_1467, %mul3A_1486 : vector<448x16xf32>
    %slice3A_1488 = vector.extract_strided_slice %dot_general3A_1348 {offsets = [0, 896], sizes = [448, 128], strides = [1, 1]} : vector<448x1024xf32> to vector<448x128xf32>
    %slice3A_1489 = vector.extract_strided_slice %add3A_794 {offsets = [0, 2], sizes = [448, 1], strides = [1, 1]} : vector<448x8xi32> to vector<448x1xi32>
    %eq3A_1490 = vector.broadcast %slice3A_1489 : vector<448x1xi32> to vector<448x128xi32>
    %eq3A_1491 = arith.cmpi eq, %eq3A_1490, %select_n3A_826 : vector<448x128xi32>
    %jit3A_1492 = arith.constant 0.000000e+00 : f32
    %broadcast_in_dim3A_1493 = vector.broadcast %jit3A_1492 : f32 to vector<448x128xf32>
    %select_n3A_1494 = arith.select %eq3A_1491, %slice3A_1488, %broadcast_in_dim3A_1493 : vector<448x128xi1>, vector<448x128xf32>
    %slice3A_1495 = vector.extract_strided_slice %select_n3A_1494 {offsets = [0, 0], sizes = [448, 64], strides = [1, 1]} : vector<448x128xf32> to vector<448x64xf32>
    %slice3A_1496 = vector.extract_strided_slice %select_n3A_1494 {offsets = [0, 64], sizes = [448, 64], strides = [1, 1]} : vector<448x128xf32> to vector<448x64xf32>
    %add3A_1497 = arith.addf %slice3A_1495, %slice3A_1496 : vector<448x64xf32>
    %slice3A_1498 = vector.extract_strided_slice %add3A_1497 {offsets = [0, 0], sizes = [448, 32], strides = [1, 1]} : vector<448x64xf32> to vector<448x32xf32>
    %slice3A_1499 = vector.extract_strided_slice %add3A_1497 {offsets = [0, 32], sizes = [448, 32], strides = [1, 1]} : vector<448x64xf32> to vector<448x32xf32>
    %add3A_1500 = arith.addf %slice3A_1498, %slice3A_1499 : vector<448x32xf32>
    %slice3A_1501 = vector.extract_strided_slice %add3A_1500 {offsets = [0, 0], sizes = [448, 16], strides = [1, 1]} : vector<448x32xf32> to vector<448x16xf32>
    %slice3A_1502 = vector.extract_strided_slice %add3A_1500 {offsets = [0, 16], sizes = [448, 16], strides = [1, 1]} : vector<448x32xf32> to vector<448x16xf32>
    %add3A_1503 = arith.addf %slice3A_1501, %slice3A_1502 : vector<448x16xf32>
    %slice3A_1504 = vector.extract_strided_slice %select_n3A_797 {offsets = [0, 2], sizes = [448, 1], strides = [1, 1]} : vector<448x8xf32> to vector<448x1xf32>
    %mul3A_1505 = vector.broadcast %slice3A_1504 : vector<448x1xf32> to vector<448x16xf32>
    %mul3A_1506 = arith.mulf %mul3A_1505, %add3A_1503 : vector<448x16xf32>
    %add3A_1507 = arith.addf %add3A_1487, %mul3A_1506 : vector<448x16xf32>
    %slice3A_1508 = vector.extract_strided_slice %add3A_1507 {offsets = [0, 12], sizes = [448, 1], strides = [1, 1]} : vector<448x16xf32> to vector<448x1xf32>
    %slice3A_1509 = vector.extract_strided_slice %add3A_1507 {offsets = [0, 0], sizes = [448, 1], strides = [1, 1]} : vector<448x16xf32> to vector<448x1xf32>
    %mul3A_1510 = arith.constant 0.282094806 : f32
    %mul3A_1511 = vector.broadcast %mul3A_1510 : f32 to vector<448x1xf32>
    %mul3A_1512 = arith.mulf %mul3A_1511, %slice3A_1509 : vector<448x1xf32>
    %slice3A_1513 = vector.extract_strided_slice %squeeze3A_830 {offsets = [0, 2], sizes = [1, 1], strides = [1, 1]} : vector<1x8xf32> to vector<1x1xf32>
    %mul3A_1514 = arith.constant 0.488602519 : f32
    %mul3A_1515 = vector.broadcast %mul3A_1514 : f32 to vector<1x1xf32>
    %mul3A_1516 = arith.mulf %mul3A_1515, %slice3A_1513 : vector<1x1xf32>
    %slice3A_1517 = vector.extract_strided_slice %add3A_1507 {offsets = [0, 1], sizes = [448, 1], strides = [1, 1]} : vector<448x16xf32> to vector<448x1xf32>
    %mul3A_1518 = vector.broadcast %mul3A_1516 : vector<1x1xf32> to vector<448x1xf32>
    %mul3A_1519 = arith.mulf %mul3A_1518, %slice3A_1517 : vector<448x1xf32>
    %sub3A_1520 = arith.subf %mul3A_1512, %mul3A_1519 : vector<448x1xf32>
    %slice3A_1521 = vector.extract_strided_slice %squeeze3A_832 {offsets = [0, 2], sizes = [1, 1], strides = [1, 1]} : vector<1x8xf32> to vector<1x1xf32>
    %mul3A_1522 = arith.constant 0.488602519 : f32
    %mul3A_1523 = vector.broadcast %mul3A_1522 : f32 to vector<1x1xf32>
    %mul3A_1524 = arith.mulf %mul3A_1523, %slice3A_1521 : vector<1x1xf32>
    %slice3A_1525 = vector.extract_strided_slice %add3A_1507 {offsets = [0, 2], sizes = [448, 1], strides = [1, 1]} : vector<448x16xf32> to vector<448x1xf32>
    %mul3A_1526 = vector.broadcast %mul3A_1524 : vector<1x1xf32> to vector<448x1xf32>
    %mul3A_1527 = arith.mulf %mul3A_1526, %slice3A_1525 : vector<448x1xf32>
    %add3A_1528 = arith.addf %sub3A_1520, %mul3A_1527 : vector<448x1xf32>
    %slice3A_1529 = vector.extract_strided_slice %squeeze3A_828 {offsets = [0, 2], sizes = [1, 1], strides = [1, 1]} : vector<1x8xf32> to vector<1x1xf32>
    %mul3A_1530 = arith.constant 0.488602519 : f32
    %mul3A_1531 = vector.broadcast %mul3A_1530 : f32 to vector<1x1xf32>
    %mul3A_1532 = arith.mulf %mul3A_1531, %slice3A_1529 : vector<1x1xf32>
    %slice3A_1533 = vector.extract_strided_slice %add3A_1507 {offsets = [0, 3], sizes = [448, 1], strides = [1, 1]} : vector<448x16xf32> to vector<448x1xf32>
    %mul3A_1534 = vector.broadcast %mul3A_1532 : vector<1x1xf32> to vector<448x1xf32>
    %mul3A_1535 = arith.mulf %mul3A_1534, %slice3A_1533 : vector<448x1xf32>
    %sub3A_1536 = arith.subf %add3A_1528, %mul3A_1535 : vector<448x1xf32>
    %slice3A_1537 = vector.extract_strided_slice %add3A_1507 {offsets = [0, 4], sizes = [448, 1], strides = [1, 1]} : vector<448x16xf32> to vector<448x1xf32>
    %mul3A_1538 = arith.constant 0.282094806 : f32
    %mul3A_1539 = vector.broadcast %mul3A_1538 : f32 to vector<448x1xf32>
    %mul3A_1540 = arith.mulf %mul3A_1539, %slice3A_1537 : vector<448x1xf32>
    %slice3A_1541 = vector.extract_strided_slice %squeeze3A_830 {offsets = [0, 2], sizes = [1, 1], strides = [1, 1]} : vector<1x8xf32> to vector<1x1xf32>
    %mul3A_1542 = arith.constant 0.488602519 : f32
    %mul3A_1543 = vector.broadcast %mul3A_1542 : f32 to vector<1x1xf32>
    %mul3A_1544 = arith.mulf %mul3A_1543, %slice3A_1541 : vector<1x1xf32>
    %slice3A_1545 = vector.extract_strided_slice %add3A_1507 {offsets = [0, 5], sizes = [448, 1], strides = [1, 1]} : vector<448x16xf32> to vector<448x1xf32>
    %mul3A_1546 = vector.broadcast %mul3A_1544 : vector<1x1xf32> to vector<448x1xf32>
    %mul3A_1547 = arith.mulf %mul3A_1546, %slice3A_1545 : vector<448x1xf32>
    %sub3A_1548 = arith.subf %mul3A_1540, %mul3A_1547 : vector<448x1xf32>
    %slice3A_1549 = vector.extract_strided_slice %squeeze3A_832 {offsets = [0, 2], sizes = [1, 1], strides = [1, 1]} : vector<1x8xf32> to vector<1x1xf32>
    %mul3A_1550 = arith.constant 0.488602519 : f32
    %mul3A_1551 = vector.broadcast %mul3A_1550 : f32 to vector<1x1xf32>
    %mul3A_1552 = arith.mulf %mul3A_1551, %slice3A_1549 : vector<1x1xf32>
    %slice3A_1553 = vector.extract_strided_slice %add3A_1507 {offsets = [0, 6], sizes = [448, 1], strides = [1, 1]} : vector<448x16xf32> to vector<448x1xf32>
    %mul3A_1554 = vector.broadcast %mul3A_1552 : vector<1x1xf32> to vector<448x1xf32>
    %mul3A_1555 = arith.mulf %mul3A_1554, %slice3A_1553 : vector<448x1xf32>
    %add3A_1556 = arith.addf %sub3A_1548, %mul3A_1555 : vector<448x1xf32>
    %slice3A_1557 = vector.extract_strided_slice %squeeze3A_828 {offsets = [0, 2], sizes = [1, 1], strides = [1, 1]} : vector<1x8xf32> to vector<1x1xf32>
    %mul3A_1558 = arith.constant 0.488602519 : f32
    %mul3A_1559 = vector.broadcast %mul3A_1558 : f32 to vector<1x1xf32>
    %mul3A_1560 = arith.mulf %mul3A_1559, %slice3A_1557 : vector<1x1xf32>
    %slice3A_1561 = vector.extract_strided_slice %add3A_1507 {offsets = [0, 7], sizes = [448, 1], strides = [1, 1]} : vector<448x16xf32> to vector<448x1xf32>
    %mul3A_1562 = vector.broadcast %mul3A_1560 : vector<1x1xf32> to vector<448x1xf32>
    %mul3A_1563 = arith.mulf %mul3A_1562, %slice3A_1561 : vector<448x1xf32>
    %sub3A_1564 = arith.subf %add3A_1556, %mul3A_1563 : vector<448x1xf32>
    %slice3A_1565 = vector.extract_strided_slice %add3A_1507 {offsets = [0, 8], sizes = [448, 1], strides = [1, 1]} : vector<448x16xf32> to vector<448x1xf32>
    %mul3A_1566 = arith.constant 0.282094806 : f32
    %mul3A_1567 = vector.broadcast %mul3A_1566 : f32 to vector<448x1xf32>
    %mul3A_1568 = arith.mulf %mul3A_1567, %slice3A_1565 : vector<448x1xf32>
    %slice3A_1569 = vector.extract_strided_slice %squeeze3A_830 {offsets = [0, 2], sizes = [1, 1], strides = [1, 1]} : vector<1x8xf32> to vector<1x1xf32>
    %mul3A_1570 = arith.constant 0.488602519 : f32
    %mul3A_1571 = vector.broadcast %mul3A_1570 : f32 to vector<1x1xf32>
    %mul3A_1572 = arith.mulf %mul3A_1571, %slice3A_1569 : vector<1x1xf32>
    %slice3A_1573 = vector.extract_strided_slice %add3A_1507 {offsets = [0, 9], sizes = [448, 1], strides = [1, 1]} : vector<448x16xf32> to vector<448x1xf32>
    %mul3A_1574 = vector.broadcast %mul3A_1572 : vector<1x1xf32> to vector<448x1xf32>
    %mul3A_1575 = arith.mulf %mul3A_1574, %slice3A_1573 : vector<448x1xf32>
    %sub3A_1576 = arith.subf %mul3A_1568, %mul3A_1575 : vector<448x1xf32>
    %slice3A_1577 = vector.extract_strided_slice %squeeze3A_832 {offsets = [0, 2], sizes = [1, 1], strides = [1, 1]} : vector<1x8xf32> to vector<1x1xf32>
    %mul3A_1578 = arith.constant 0.488602519 : f32
    %mul3A_1579 = vector.broadcast %mul3A_1578 : f32 to vector<1x1xf32>
    %mul3A_1580 = arith.mulf %mul3A_1579, %slice3A_1577 : vector<1x1xf32>
    %slice3A_1581 = vector.extract_strided_slice %add3A_1507 {offsets = [0, 10], sizes = [448, 1], strides = [1, 1]} : vector<448x16xf32> to vector<448x1xf32>
    %mul3A_1582 = vector.broadcast %mul3A_1580 : vector<1x1xf32> to vector<448x1xf32>
    %mul3A_1583 = arith.mulf %mul3A_1582, %slice3A_1581 : vector<448x1xf32>
    %add3A_1584 = arith.addf %sub3A_1576, %mul3A_1583 : vector<448x1xf32>
    %slice3A_1585 = vector.extract_strided_slice %squeeze3A_828 {offsets = [0, 2], sizes = [1, 1], strides = [1, 1]} : vector<1x8xf32> to vector<1x1xf32>
    %mul3A_1586 = arith.constant 0.488602519 : f32
    %mul3A_1587 = vector.broadcast %mul3A_1586 : f32 to vector<1x1xf32>
    %mul3A_1588 = arith.mulf %mul3A_1587, %slice3A_1585 : vector<1x1xf32>
    %slice3A_1589 = vector.extract_strided_slice %add3A_1507 {offsets = [0, 11], sizes = [448, 1], strides = [1, 1]} : vector<448x16xf32> to vector<448x1xf32>
    %mul3A_1590 = vector.broadcast %mul3A_1588 : vector<1x1xf32> to vector<448x1xf32>
    %mul3A_1591 = arith.mulf %mul3A_1590, %slice3A_1589 : vector<448x1xf32>
    %sub3A_1592 = arith.subf %add3A_1584, %mul3A_1591 : vector<448x1xf32>
    %get3A_1593 = arith.constant 3 : index
    %get3A_1594 = arith.constant 0 : index
    %get3A_1595 = arith.constant 0 : index
    %get3A_1596 = vector.load %arg1[%get3A_1593, %get3A_1594, %get3A_1595] : memref<8x448x256xbf16, #tpu.memory_space<vmem>>, vector<1x448x256xbf16>
    %get3A_1597 = vector.shape_cast %get3A_1596 : vector<1x448x256xbf16> to vector<448x256xbf16>
    %get3A_1598 = arith.constant 0 : index
    %get3A_1599 = arith.constant 0 : index
    %get3A_1600 = vector.load %arg4[%get3A_1598, %get3A_1599] : memref<256x1024xbf16, #tpu.memory_space<vmem>>, vector<256x1024xbf16>
    %dot_general3A_1601 = arith.constant dense<0.000000e+00> : vector<448x1024xf32>
    %dot_general3A_1602 = tpu.matmul %get3A_1597, %get3A_1600, %dot_general3A_1601 {dimension_numbers = #tpu.dot_dimension_numbers<[1], [0], [0], [1], [0, 0, 1, 1], [], []>, transpose_lhs_hint = false} : vector<448x256xbf16>, vector<256x1024xbf16>, vector<448x1024xf32> -> vector<448x1024xf32>
    %slice3A_1603 = vector.extract_strided_slice %dot_general3A_1602 {offsets = [0, 0], sizes = [448, 128], strides = [1, 1]} : vector<448x1024xf32> to vector<448x128xf32>
    %slice3A_1604 = vector.extract_strided_slice %add3A_180 {offsets = [0, 3], sizes = [448, 1], strides = [1, 1]} : vector<448x8xi32> to vector<448x1xi32>
    %eq3A_1605 = vector.broadcast %slice3A_1604 : vector<448x1xi32> to vector<448x128xi32>
    %eq3A_1606 = arith.cmpi eq, %eq3A_1605, %select_n3A_826 : vector<448x128xi32>
    %jit3A_1607 = arith.constant 0.000000e+00 : f32
    %broadcast_in_dim3A_1608 = vector.broadcast %jit3A_1607 : f32 to vector<448x128xf32>
    %select_n3A_1609 = arith.select %eq3A_1606, %slice3A_1603, %broadcast_in_dim3A_1608 : vector<448x128xi1>, vector<448x128xf32>
    %slice3A_1610 = vector.extract_strided_slice %select_n3A_1609 {offsets = [0, 0], sizes = [448, 64], strides = [1, 1]} : vector<448x128xf32> to vector<448x64xf32>
    %slice3A_1611 = vector.extract_strided_slice %select_n3A_1609 {offsets = [0, 64], sizes = [448, 64], strides = [1, 1]} : vector<448x128xf32> to vector<448x64xf32>
    %add3A_1612 = arith.addf %slice3A_1610, %slice3A_1611 : vector<448x64xf32>
    %slice3A_1613 = vector.extract_strided_slice %add3A_1612 {offsets = [0, 0], sizes = [448, 32], strides = [1, 1]} : vector<448x64xf32> to vector<448x32xf32>
    %slice3A_1614 = vector.extract_strided_slice %add3A_1612 {offsets = [0, 32], sizes = [448, 32], strides = [1, 1]} : vector<448x64xf32> to vector<448x32xf32>
    %add3A_1615 = arith.addf %slice3A_1613, %slice3A_1614 : vector<448x32xf32>
    %slice3A_1616 = vector.extract_strided_slice %add3A_1615 {offsets = [0, 0], sizes = [448, 16], strides = [1, 1]} : vector<448x32xf32> to vector<448x16xf32>
    %slice3A_1617 = vector.extract_strided_slice %add3A_1615 {offsets = [0, 16], sizes = [448, 16], strides = [1, 1]} : vector<448x32xf32> to vector<448x16xf32>
    %add3A_1618 = arith.addf %slice3A_1616, %slice3A_1617 : vector<448x16xf32>
    %slice3A_1619 = vector.extract_strided_slice %select_n3A {offsets = [0, 3], sizes = [448, 1], strides = [1, 1]} : vector<448x8xf32> to vector<448x1xf32>
    %mul3A_1620 = vector.broadcast %slice3A_1619 : vector<448x1xf32> to vector<448x16xf32>
    %mul3A_1621 = arith.mulf %mul3A_1620, %add3A_1618 : vector<448x16xf32>
    %slice3A_1622 = vector.extract_strided_slice %dot_general3A_1602 {offsets = [0, 128], sizes = [448, 128], strides = [1, 1]} : vector<448x1024xf32> to vector<448x128xf32>
    %slice3A_1623 = vector.extract_strided_slice %add3A_266 {offsets = [0, 3], sizes = [448, 1], strides = [1, 1]} : vector<448x8xi32> to vector<448x1xi32>
    %eq3A_1624 = vector.broadcast %slice3A_1623 : vector<448x1xi32> to vector<448x128xi32>
    %eq3A_1625 = arith.cmpi eq, %eq3A_1624, %select_n3A_826 : vector<448x128xi32>
    %jit3A_1626 = arith.constant 0.000000e+00 : f32
    %broadcast_in_dim3A_1627 = vector.broadcast %jit3A_1626 : f32 to vector<448x128xf32>
    %select_n3A_1628 = arith.select %eq3A_1625, %slice3A_1622, %broadcast_in_dim3A_1627 : vector<448x128xi1>, vector<448x128xf32>
    %slice3A_1629 = vector.extract_strided_slice %select_n3A_1628 {offsets = [0, 0], sizes = [448, 64], strides = [1, 1]} : vector<448x128xf32> to vector<448x64xf32>
    %slice3A_1630 = vector.extract_strided_slice %select_n3A_1628 {offsets = [0, 64], sizes = [448, 64], strides = [1, 1]} : vector<448x128xf32> to vector<448x64xf32>
    %add3A_1631 = arith.addf %slice3A_1629, %slice3A_1630 : vector<448x64xf32>
    %slice3A_1632 = vector.extract_strided_slice %add3A_1631 {offsets = [0, 0], sizes = [448, 32], strides = [1, 1]} : vector<448x64xf32> to vector<448x32xf32>
    %slice3A_1633 = vector.extract_strided_slice %add3A_1631 {offsets = [0, 32], sizes = [448, 32], strides = [1, 1]} : vector<448x64xf32> to vector<448x32xf32>
    %add3A_1634 = arith.addf %slice3A_1632, %slice3A_1633 : vector<448x32xf32>
    %slice3A_1635 = vector.extract_strided_slice %add3A_1634 {offsets = [0, 0], sizes = [448, 16], strides = [1, 1]} : vector<448x32xf32> to vector<448x16xf32>
    %slice3A_1636 = vector.extract_strided_slice %add3A_1634 {offsets = [0, 16], sizes = [448, 16], strides = [1, 1]} : vector<448x32xf32> to vector<448x16xf32>
    %add3A_1637 = arith.addf %slice3A_1635, %slice3A_1636 : vector<448x16xf32>
    %slice3A_1638 = vector.extract_strided_slice %select_n3A_269 {offsets = [0, 3], sizes = [448, 1], strides = [1, 1]} : vector<448x8xf32> to vector<448x1xf32>
    %mul3A_1639 = vector.broadcast %slice3A_1638 : vector<448x1xf32> to vector<448x16xf32>
    %mul3A_1640 = arith.mulf %mul3A_1639, %add3A_1637 : vector<448x16xf32>
    %add3A_1641 = arith.addf %mul3A_1621, %mul3A_1640 : vector<448x16xf32>
    %slice3A_1642 = vector.extract_strided_slice %dot_general3A_1602 {offsets = [0, 256], sizes = [448, 128], strides = [1, 1]} : vector<448x1024xf32> to vector<448x128xf32>
    %slice3A_1643 = vector.extract_strided_slice %add3A_354 {offsets = [0, 3], sizes = [448, 1], strides = [1, 1]} : vector<448x8xi32> to vector<448x1xi32>
    %eq3A_1644 = vector.broadcast %slice3A_1643 : vector<448x1xi32> to vector<448x128xi32>
    %eq3A_1645 = arith.cmpi eq, %eq3A_1644, %select_n3A_826 : vector<448x128xi32>
    %jit3A_1646 = arith.constant 0.000000e+00 : f32
    %broadcast_in_dim3A_1647 = vector.broadcast %jit3A_1646 : f32 to vector<448x128xf32>
    %select_n3A_1648 = arith.select %eq3A_1645, %slice3A_1642, %broadcast_in_dim3A_1647 : vector<448x128xi1>, vector<448x128xf32>
    %slice3A_1649 = vector.extract_strided_slice %select_n3A_1648 {offsets = [0, 0], sizes = [448, 64], strides = [1, 1]} : vector<448x128xf32> to vector<448x64xf32>
    %slice3A_1650 = vector.extract_strided_slice %select_n3A_1648 {offsets = [0, 64], sizes = [448, 64], strides = [1, 1]} : vector<448x128xf32> to vector<448x64xf32>
    %add3A_1651 = arith.addf %slice3A_1649, %slice3A_1650 : vector<448x64xf32>
    %slice3A_1652 = vector.extract_strided_slice %add3A_1651 {offsets = [0, 0], sizes = [448, 32], strides = [1, 1]} : vector<448x64xf32> to vector<448x32xf32>
    %slice3A_1653 = vector.extract_strided_slice %add3A_1651 {offsets = [0, 32], sizes = [448, 32], strides = [1, 1]} : vector<448x64xf32> to vector<448x32xf32>
    %add3A_1654 = arith.addf %slice3A_1652, %slice3A_1653 : vector<448x32xf32>
    %slice3A_1655 = vector.extract_strided_slice %add3A_1654 {offsets = [0, 0], sizes = [448, 16], strides = [1, 1]} : vector<448x32xf32> to vector<448x16xf32>
    %slice3A_1656 = vector.extract_strided_slice %add3A_1654 {offsets = [0, 16], sizes = [448, 16], strides = [1, 1]} : vector<448x32xf32> to vector<448x16xf32>
    %add3A_1657 = arith.addf %slice3A_1655, %slice3A_1656 : vector<448x16xf32>
    %slice3A_1658 = vector.extract_strided_slice %select_n3A_357 {offsets = [0, 3], sizes = [448, 1], strides = [1, 1]} : vector<448x8xf32> to vector<448x1xf32>
    %mul3A_1659 = vector.broadcast %slice3A_1658 : vector<448x1xf32> to vector<448x16xf32>
    %mul3A_1660 = arith.mulf %mul3A_1659, %add3A_1657 : vector<448x16xf32>
    %add3A_1661 = arith.addf %add3A_1641, %mul3A_1660 : vector<448x16xf32>
    %slice3A_1662 = vector.extract_strided_slice %dot_general3A_1602 {offsets = [0, 384], sizes = [448, 128], strides = [1, 1]} : vector<448x1024xf32> to vector<448x128xf32>
    %slice3A_1663 = vector.extract_strided_slice %add3A_442 {offsets = [0, 3], sizes = [448, 1], strides = [1, 1]} : vector<448x8xi32> to vector<448x1xi32>
    %eq3A_1664 = vector.broadcast %slice3A_1663 : vector<448x1xi32> to vector<448x128xi32>
    %eq3A_1665 = arith.cmpi eq, %eq3A_1664, %select_n3A_826 : vector<448x128xi32>
    %jit3A_1666 = arith.constant 0.000000e+00 : f32
    %broadcast_in_dim3A_1667 = vector.broadcast %jit3A_1666 : f32 to vector<448x128xf32>
    %select_n3A_1668 = arith.select %eq3A_1665, %slice3A_1662, %broadcast_in_dim3A_1667 : vector<448x128xi1>, vector<448x128xf32>
    %slice3A_1669 = vector.extract_strided_slice %select_n3A_1668 {offsets = [0, 0], sizes = [448, 64], strides = [1, 1]} : vector<448x128xf32> to vector<448x64xf32>
    %slice3A_1670 = vector.extract_strided_slice %select_n3A_1668 {offsets = [0, 64], sizes = [448, 64], strides = [1, 1]} : vector<448x128xf32> to vector<448x64xf32>
    %add3A_1671 = arith.addf %slice3A_1669, %slice3A_1670 : vector<448x64xf32>
    %slice3A_1672 = vector.extract_strided_slice %add3A_1671 {offsets = [0, 0], sizes = [448, 32], strides = [1, 1]} : vector<448x64xf32> to vector<448x32xf32>
    %slice3A_1673 = vector.extract_strided_slice %add3A_1671 {offsets = [0, 32], sizes = [448, 32], strides = [1, 1]} : vector<448x64xf32> to vector<448x32xf32>
    %add3A_1674 = arith.addf %slice3A_1672, %slice3A_1673 : vector<448x32xf32>
    %slice3A_1675 = vector.extract_strided_slice %add3A_1674 {offsets = [0, 0], sizes = [448, 16], strides = [1, 1]} : vector<448x32xf32> to vector<448x16xf32>
    %slice3A_1676 = vector.extract_strided_slice %add3A_1674 {offsets = [0, 16], sizes = [448, 16], strides = [1, 1]} : vector<448x32xf32> to vector<448x16xf32>
    %add3A_1677 = arith.addf %slice3A_1675, %slice3A_1676 : vector<448x16xf32>
    %slice3A_1678 = vector.extract_strided_slice %select_n3A_445 {offsets = [0, 3], sizes = [448, 1], strides = [1, 1]} : vector<448x8xf32> to vector<448x1xf32>
    %mul3A_1679 = vector.broadcast %slice3A_1678 : vector<448x1xf32> to vector<448x16xf32>
    %mul3A_1680 = arith.mulf %mul3A_1679, %add3A_1677 : vector<448x16xf32>
    %add3A_1681 = arith.addf %add3A_1661, %mul3A_1680 : vector<448x16xf32>
    %slice3A_1682 = vector.extract_strided_slice %dot_general3A_1602 {offsets = [0, 512], sizes = [448, 128], strides = [1, 1]} : vector<448x1024xf32> to vector<448x128xf32>
    %slice3A_1683 = vector.extract_strided_slice %add3A_530 {offsets = [0, 3], sizes = [448, 1], strides = [1, 1]} : vector<448x8xi32> to vector<448x1xi32>
    %eq3A_1684 = vector.broadcast %slice3A_1683 : vector<448x1xi32> to vector<448x128xi32>
    %eq3A_1685 = arith.cmpi eq, %eq3A_1684, %select_n3A_826 : vector<448x128xi32>
    %jit3A_1686 = arith.constant 0.000000e+00 : f32
    %broadcast_in_dim3A_1687 = vector.broadcast %jit3A_1686 : f32 to vector<448x128xf32>
    %select_n3A_1688 = arith.select %eq3A_1685, %slice3A_1682, %broadcast_in_dim3A_1687 : vector<448x128xi1>, vector<448x128xf32>
    %slice3A_1689 = vector.extract_strided_slice %select_n3A_1688 {offsets = [0, 0], sizes = [448, 64], strides = [1, 1]} : vector<448x128xf32> to vector<448x64xf32>
    %slice3A_1690 = vector.extract_strided_slice %select_n3A_1688 {offsets = [0, 64], sizes = [448, 64], strides = [1, 1]} : vector<448x128xf32> to vector<448x64xf32>
    %add3A_1691 = arith.addf %slice3A_1689, %slice3A_1690 : vector<448x64xf32>
    %slice3A_1692 = vector.extract_strided_slice %add3A_1691 {offsets = [0, 0], sizes = [448, 32], strides = [1, 1]} : vector<448x64xf32> to vector<448x32xf32>
    %slice3A_1693 = vector.extract_strided_slice %add3A_1691 {offsets = [0, 32], sizes = [448, 32], strides = [1, 1]} : vector<448x64xf32> to vector<448x32xf32>
    %add3A_1694 = arith.addf %slice3A_1692, %slice3A_1693 : vector<448x32xf32>
    %slice3A_1695 = vector.extract_strided_slice %add3A_1694 {offsets = [0, 0], sizes = [448, 16], strides = [1, 1]} : vector<448x32xf32> to vector<448x16xf32>
    %slice3A_1696 = vector.extract_strided_slice %add3A_1694 {offsets = [0, 16], sizes = [448, 16], strides = [1, 1]} : vector<448x32xf32> to vector<448x16xf32>
    %add3A_1697 = arith.addf %slice3A_1695, %slice3A_1696 : vector<448x16xf32>
    %slice3A_1698 = vector.extract_strided_slice %select_n3A_533 {offsets = [0, 3], sizes = [448, 1], strides = [1, 1]} : vector<448x8xf32> to vector<448x1xf32>
    %mul3A_1699 = vector.broadcast %slice3A_1698 : vector<448x1xf32> to vector<448x16xf32>
    %mul3A_1700 = arith.mulf %mul3A_1699, %add3A_1697 : vector<448x16xf32>
    %add3A_1701 = arith.addf %add3A_1681, %mul3A_1700 : vector<448x16xf32>
    %slice3A_1702 = vector.extract_strided_slice %dot_general3A_1602 {offsets = [0, 640], sizes = [448, 128], strides = [1, 1]} : vector<448x1024xf32> to vector<448x128xf32>
    %slice3A_1703 = vector.extract_strided_slice %add3A_618 {offsets = [0, 3], sizes = [448, 1], strides = [1, 1]} : vector<448x8xi32> to vector<448x1xi32>
    %eq3A_1704 = vector.broadcast %slice3A_1703 : vector<448x1xi32> to vector<448x128xi32>
    %eq3A_1705 = arith.cmpi eq, %eq3A_1704, %select_n3A_826 : vector<448x128xi32>
    %jit3A_1706 = arith.constant 0.000000e+00 : f32
    %broadcast_in_dim3A_1707 = vector.broadcast %jit3A_1706 : f32 to vector<448x128xf32>
    %select_n3A_1708 = arith.select %eq3A_1705, %slice3A_1702, %broadcast_in_dim3A_1707 : vector<448x128xi1>, vector<448x128xf32>
    %slice3A_1709 = vector.extract_strided_slice %select_n3A_1708 {offsets = [0, 0], sizes = [448, 64], strides = [1, 1]} : vector<448x128xf32> to vector<448x64xf32>
    %slice3A_1710 = vector.extract_strided_slice %select_n3A_1708 {offsets = [0, 64], sizes = [448, 64], strides = [1, 1]} : vector<448x128xf32> to vector<448x64xf32>
    %add3A_1711 = arith.addf %slice3A_1709, %slice3A_1710 : vector<448x64xf32>
    %slice3A_1712 = vector.extract_strided_slice %add3A_1711 {offsets = [0, 0], sizes = [448, 32], strides = [1, 1]} : vector<448x64xf32> to vector<448x32xf32>
    %slice3A_1713 = vector.extract_strided_slice %add3A_1711 {offsets = [0, 32], sizes = [448, 32], strides = [1, 1]} : vector<448x64xf32> to vector<448x32xf32>
    %add3A_1714 = arith.addf %slice3A_1712, %slice3A_1713 : vector<448x32xf32>
    %slice3A_1715 = vector.extract_strided_slice %add3A_1714 {offsets = [0, 0], sizes = [448, 16], strides = [1, 1]} : vector<448x32xf32> to vector<448x16xf32>
    %slice3A_1716 = vector.extract_strided_slice %add3A_1714 {offsets = [0, 16], sizes = [448, 16], strides = [1, 1]} : vector<448x32xf32> to vector<448x16xf32>
    %add3A_1717 = arith.addf %slice3A_1715, %slice3A_1716 : vector<448x16xf32>
    %slice3A_1718 = vector.extract_strided_slice %select_n3A_621 {offsets = [0, 3], sizes = [448, 1], strides = [1, 1]} : vector<448x8xf32> to vector<448x1xf32>
    %mul3A_1719 = vector.broadcast %slice3A_1718 : vector<448x1xf32> to vector<448x16xf32>
    %mul3A_1720 = arith.mulf %mul3A_1719, %add3A_1717 : vector<448x16xf32>
    %add3A_1721 = arith.addf %add3A_1701, %mul3A_1720 : vector<448x16xf32>
    %slice3A_1722 = vector.extract_strided_slice %dot_general3A_1602 {offsets = [0, 768], sizes = [448, 128], strides = [1, 1]} : vector<448x1024xf32> to vector<448x128xf32>
    %slice3A_1723 = vector.extract_strided_slice %add3A_706 {offsets = [0, 3], sizes = [448, 1], strides = [1, 1]} : vector<448x8xi32> to vector<448x1xi32>
    %eq3A_1724 = vector.broadcast %slice3A_1723 : vector<448x1xi32> to vector<448x128xi32>
    %eq3A_1725 = arith.cmpi eq, %eq3A_1724, %select_n3A_826 : vector<448x128xi32>
    %jit3A_1726 = arith.constant 0.000000e+00 : f32
    %broadcast_in_dim3A_1727 = vector.broadcast %jit3A_1726 : f32 to vector<448x128xf32>
    %select_n3A_1728 = arith.select %eq3A_1725, %slice3A_1722, %broadcast_in_dim3A_1727 : vector<448x128xi1>, vector<448x128xf32>
    %slice3A_1729 = vector.extract_strided_slice %select_n3A_1728 {offsets = [0, 0], sizes = [448, 64], strides = [1, 1]} : vector<448x128xf32> to vector<448x64xf32>
    %slice3A_1730 = vector.extract_strided_slice %select_n3A_1728 {offsets = [0, 64], sizes = [448, 64], strides = [1, 1]} : vector<448x128xf32> to vector<448x64xf32>
    %add3A_1731 = arith.addf %slice3A_1729, %slice3A_1730 : vector<448x64xf32>
    %slice3A_1732 = vector.extract_strided_slice %add3A_1731 {offsets = [0, 0], sizes = [448, 32], strides = [1, 1]} : vector<448x64xf32> to vector<448x32xf32>
    %slice3A_1733 = vector.extract_strided_slice %add3A_1731 {offsets = [0, 32], sizes = [448, 32], strides = [1, 1]} : vector<448x64xf32> to vector<448x32xf32>
    %add3A_1734 = arith.addf %slice3A_1732, %slice3A_1733 : vector<448x32xf32>
    %slice3A_1735 = vector.extract_strided_slice %add3A_1734 {offsets = [0, 0], sizes = [448, 16], strides = [1, 1]} : vector<448x32xf32> to vector<448x16xf32>
    %slice3A_1736 = vector.extract_strided_slice %add3A_1734 {offsets = [0, 16], sizes = [448, 16], strides = [1, 1]} : vector<448x32xf32> to vector<448x16xf32>
    %add3A_1737 = arith.addf %slice3A_1735, %slice3A_1736 : vector<448x16xf32>
    %slice3A_1738 = vector.extract_strided_slice %select_n3A_709 {offsets = [0, 3], sizes = [448, 1], strides = [1, 1]} : vector<448x8xf32> to vector<448x1xf32>
    %mul3A_1739 = vector.broadcast %slice3A_1738 : vector<448x1xf32> to vector<448x16xf32>
    %mul3A_1740 = arith.mulf %mul3A_1739, %add3A_1737 : vector<448x16xf32>
    %add3A_1741 = arith.addf %add3A_1721, %mul3A_1740 : vector<448x16xf32>
    %slice3A_1742 = vector.extract_strided_slice %dot_general3A_1602 {offsets = [0, 896], sizes = [448, 128], strides = [1, 1]} : vector<448x1024xf32> to vector<448x128xf32>
    %slice3A_1743 = vector.extract_strided_slice %add3A_794 {offsets = [0, 3], sizes = [448, 1], strides = [1, 1]} : vector<448x8xi32> to vector<448x1xi32>
    %eq3A_1744 = vector.broadcast %slice3A_1743 : vector<448x1xi32> to vector<448x128xi32>
    %eq3A_1745 = arith.cmpi eq, %eq3A_1744, %select_n3A_826 : vector<448x128xi32>
    %jit3A_1746 = arith.constant 0.000000e+00 : f32
    %broadcast_in_dim3A_1747 = vector.broadcast %jit3A_1746 : f32 to vector<448x128xf32>
    %select_n3A_1748 = arith.select %eq3A_1745, %slice3A_1742, %broadcast_in_dim3A_1747 : vector<448x128xi1>, vector<448x128xf32>
    %slice3A_1749 = vector.extract_strided_slice %select_n3A_1748 {offsets = [0, 0], sizes = [448, 64], strides = [1, 1]} : vector<448x128xf32> to vector<448x64xf32>
    %slice3A_1750 = vector.extract_strided_slice %select_n3A_1748 {offsets = [0, 64], sizes = [448, 64], strides = [1, 1]} : vector<448x128xf32> to vector<448x64xf32>
    %add3A_1751 = arith.addf %slice3A_1749, %slice3A_1750 : vector<448x64xf32>
    %slice3A_1752 = vector.extract_strided_slice %add3A_1751 {offsets = [0, 0], sizes = [448, 32], strides = [1, 1]} : vector<448x64xf32> to vector<448x32xf32>
    %slice3A_1753 = vector.extract_strided_slice %add3A_1751 {offsets = [0, 32], sizes = [448, 32], strides = [1, 1]} : vector<448x64xf32> to vector<448x32xf32>
    %add3A_1754 = arith.addf %slice3A_1752, %slice3A_1753 : vector<448x32xf32>
    %slice3A_1755 = vector.extract_strided_slice %add3A_1754 {offsets = [0, 0], sizes = [448, 16], strides = [1, 1]} : vector<448x32xf32> to vector<448x16xf32>
    %slice3A_1756 = vector.extract_strided_slice %add3A_1754 {offsets = [0, 16], sizes = [448, 16], strides = [1, 1]} : vector<448x32xf32> to vector<448x16xf32>
    %add3A_1757 = arith.addf %slice3A_1755, %slice3A_1756 : vector<448x16xf32>
    %slice3A_1758 = vector.extract_strided_slice %select_n3A_797 {offsets = [0, 3], sizes = [448, 1], strides = [1, 1]} : vector<448x8xf32> to vector<448x1xf32>
    %mul3A_1759 = vector.broadcast %slice3A_1758 : vector<448x1xf32> to vector<448x16xf32>
    %mul3A_1760 = arith.mulf %mul3A_1759, %add3A_1757 : vector<448x16xf32>
    %add3A_1761 = arith.addf %add3A_1741, %mul3A_1760 : vector<448x16xf32>
    %slice3A_1762 = vector.extract_strided_slice %add3A_1761 {offsets = [0, 12], sizes = [448, 1], strides = [1, 1]} : vector<448x16xf32> to vector<448x1xf32>
    %slice3A_1763 = vector.extract_strided_slice %add3A_1761 {offsets = [0, 0], sizes = [448, 1], strides = [1, 1]} : vector<448x16xf32> to vector<448x1xf32>
    %mul3A_1764 = arith.constant 0.282094806 : f32
    %mul3A_1765 = vector.broadcast %mul3A_1764 : f32 to vector<448x1xf32>
    %mul3A_1766 = arith.mulf %mul3A_1765, %slice3A_1763 : vector<448x1xf32>
    %slice3A_1767 = vector.extract_strided_slice %squeeze3A_830 {offsets = [0, 3], sizes = [1, 1], strides = [1, 1]} : vector<1x8xf32> to vector<1x1xf32>
    %mul3A_1768 = arith.constant 0.488602519 : f32
    %mul3A_1769 = vector.broadcast %mul3A_1768 : f32 to vector<1x1xf32>
    %mul3A_1770 = arith.mulf %mul3A_1769, %slice3A_1767 : vector<1x1xf32>
    %slice3A_1771 = vector.extract_strided_slice %add3A_1761 {offsets = [0, 1], sizes = [448, 1], strides = [1, 1]} : vector<448x16xf32> to vector<448x1xf32>
    %mul3A_1772 = vector.broadcast %mul3A_1770 : vector<1x1xf32> to vector<448x1xf32>
    %mul3A_1773 = arith.mulf %mul3A_1772, %slice3A_1771 : vector<448x1xf32>
    %sub3A_1774 = arith.subf %mul3A_1766, %mul3A_1773 : vector<448x1xf32>
    %slice3A_1775 = vector.extract_strided_slice %squeeze3A_832 {offsets = [0, 3], sizes = [1, 1], strides = [1, 1]} : vector<1x8xf32> to vector<1x1xf32>
    %mul3A_1776 = arith.constant 0.488602519 : f32
    %mul3A_1777 = vector.broadcast %mul3A_1776 : f32 to vector<1x1xf32>
    %mul3A_1778 = arith.mulf %mul3A_1777, %slice3A_1775 : vector<1x1xf32>
    %slice3A_1779 = vector.extract_strided_slice %add3A_1761 {offsets = [0, 2], sizes = [448, 1], strides = [1, 1]} : vector<448x16xf32> to vector<448x1xf32>
    %mul3A_1780 = vector.broadcast %mul3A_1778 : vector<1x1xf32> to vector<448x1xf32>
    %mul3A_1781 = arith.mulf %mul3A_1780, %slice3A_1779 : vector<448x1xf32>
    %add3A_1782 = arith.addf %sub3A_1774, %mul3A_1781 : vector<448x1xf32>
    %slice3A_1783 = vector.extract_strided_slice %squeeze3A_828 {offsets = [0, 3], sizes = [1, 1], strides = [1, 1]} : vector<1x8xf32> to vector<1x1xf32>
    %mul3A_1784 = arith.constant 0.488602519 : f32
    %mul3A_1785 = vector.broadcast %mul3A_1784 : f32 to vector<1x1xf32>
    %mul3A_1786 = arith.mulf %mul3A_1785, %slice3A_1783 : vector<1x1xf32>
    %slice3A_1787 = vector.extract_strided_slice %add3A_1761 {offsets = [0, 3], sizes = [448, 1], strides = [1, 1]} : vector<448x16xf32> to vector<448x1xf32>
    %mul3A_1788 = vector.broadcast %mul3A_1786 : vector<1x1xf32> to vector<448x1xf32>
    %mul3A_1789 = arith.mulf %mul3A_1788, %slice3A_1787 : vector<448x1xf32>
    %sub3A_1790 = arith.subf %add3A_1782, %mul3A_1789 : vector<448x1xf32>
    %slice3A_1791 = vector.extract_strided_slice %add3A_1761 {offsets = [0, 4], sizes = [448, 1], strides = [1, 1]} : vector<448x16xf32> to vector<448x1xf32>
    %mul3A_1792 = arith.constant 0.282094806 : f32
    %mul3A_1793 = vector.broadcast %mul3A_1792 : f32 to vector<448x1xf32>
    %mul3A_1794 = arith.mulf %mul3A_1793, %slice3A_1791 : vector<448x1xf32>
    %slice3A_1795 = vector.extract_strided_slice %squeeze3A_830 {offsets = [0, 3], sizes = [1, 1], strides = [1, 1]} : vector<1x8xf32> to vector<1x1xf32>
    %mul3A_1796 = arith.constant 0.488602519 : f32
    %mul3A_1797 = vector.broadcast %mul3A_1796 : f32 to vector<1x1xf32>
    %mul3A_1798 = arith.mulf %mul3A_1797, %slice3A_1795 : vector<1x1xf32>
    %slice3A_1799 = vector.extract_strided_slice %add3A_1761 {offsets = [0, 5], sizes = [448, 1], strides = [1, 1]} : vector<448x16xf32> to vector<448x1xf32>
    %mul3A_1800 = vector.broadcast %mul3A_1798 : vector<1x1xf32> to vector<448x1xf32>
    %mul3A_1801 = arith.mulf %mul3A_1800, %slice3A_1799 : vector<448x1xf32>
    %sub3A_1802 = arith.subf %mul3A_1794, %mul3A_1801 : vector<448x1xf32>
    %slice3A_1803 = vector.extract_strided_slice %squeeze3A_832 {offsets = [0, 3], sizes = [1, 1], strides = [1, 1]} : vector<1x8xf32> to vector<1x1xf32>
    %mul3A_1804 = arith.constant 0.488602519 : f32
    %mul3A_1805 = vector.broadcast %mul3A_1804 : f32 to vector<1x1xf32>
    %mul3A_1806 = arith.mulf %mul3A_1805, %slice3A_1803 : vector<1x1xf32>
    %slice3A_1807 = vector.extract_strided_slice %add3A_1761 {offsets = [0, 6], sizes = [448, 1], strides = [1, 1]} : vector<448x16xf32> to vector<448x1xf32>
    %mul3A_1808 = vector.broadcast %mul3A_1806 : vector<1x1xf32> to vector<448x1xf32>
    %mul3A_1809 = arith.mulf %mul3A_1808, %slice3A_1807 : vector<448x1xf32>
    %add3A_1810 = arith.addf %sub3A_1802, %mul3A_1809 : vector<448x1xf32>
    %slice3A_1811 = vector.extract_strided_slice %squeeze3A_828 {offsets = [0, 3], sizes = [1, 1], strides = [1, 1]} : vector<1x8xf32> to vector<1x1xf32>
    %mul3A_1812 = arith.constant 0.488602519 : f32
    %mul3A_1813 = vector.broadcast %mul3A_1812 : f32 to vector<1x1xf32>
    %mul3A_1814 = arith.mulf %mul3A_1813, %slice3A_1811 : vector<1x1xf32>
    %slice3A_1815 = vector.extract_strided_slice %add3A_1761 {offsets = [0, 7], sizes = [448, 1], strides = [1, 1]} : vector<448x16xf32> to vector<448x1xf32>
    %mul3A_1816 = vector.broadcast %mul3A_1814 : vector<1x1xf32> to vector<448x1xf32>
    %mul3A_1817 = arith.mulf %mul3A_1816, %slice3A_1815 : vector<448x1xf32>
    %sub3A_1818 = arith.subf %add3A_1810, %mul3A_1817 : vector<448x1xf32>
    %slice3A_1819 = vector.extract_strided_slice %add3A_1761 {offsets = [0, 8], sizes = [448, 1], strides = [1, 1]} : vector<448x16xf32> to vector<448x1xf32>
    %mul3A_1820 = arith.constant 0.282094806 : f32
    %mul3A_1821 = vector.broadcast %mul3A_1820 : f32 to vector<448x1xf32>
    %mul3A_1822 = arith.mulf %mul3A_1821, %slice3A_1819 : vector<448x1xf32>
    %slice3A_1823 = vector.extract_strided_slice %squeeze3A_830 {offsets = [0, 3], sizes = [1, 1], strides = [1, 1]} : vector<1x8xf32> to vector<1x1xf32>
    %mul3A_1824 = arith.constant 0.488602519 : f32
    %mul3A_1825 = vector.broadcast %mul3A_1824 : f32 to vector<1x1xf32>
    %mul3A_1826 = arith.mulf %mul3A_1825, %slice3A_1823 : vector<1x1xf32>
    %slice3A_1827 = vector.extract_strided_slice %add3A_1761 {offsets = [0, 9], sizes = [448, 1], strides = [1, 1]} : vector<448x16xf32> to vector<448x1xf32>
    %mul3A_1828 = vector.broadcast %mul3A_1826 : vector<1x1xf32> to vector<448x1xf32>
    %mul3A_1829 = arith.mulf %mul3A_1828, %slice3A_1827 : vector<448x1xf32>
    %sub3A_1830 = arith.subf %mul3A_1822, %mul3A_1829 : vector<448x1xf32>
    %slice3A_1831 = vector.extract_strided_slice %squeeze3A_832 {offsets = [0, 3], sizes = [1, 1], strides = [1, 1]} : vector<1x8xf32> to vector<1x1xf32>
    %mul3A_1832 = arith.constant 0.488602519 : f32
    %mul3A_1833 = vector.broadcast %mul3A_1832 : f32 to vector<1x1xf32>
    %mul3A_1834 = arith.mulf %mul3A_1833, %slice3A_1831 : vector<1x1xf32>
    %slice3A_1835 = vector.extract_strided_slice %add3A_1761 {offsets = [0, 10], sizes = [448, 1], strides = [1, 1]} : vector<448x16xf32> to vector<448x1xf32>
    %mul3A_1836 = vector.broadcast %mul3A_1834 : vector<1x1xf32> to vector<448x1xf32>
    %mul3A_1837 = arith.mulf %mul3A_1836, %slice3A_1835 : vector<448x1xf32>
    %add3A_1838 = arith.addf %sub3A_1830, %mul3A_1837 : vector<448x1xf32>
    %slice3A_1839 = vector.extract_strided_slice %squeeze3A_828 {offsets = [0, 3], sizes = [1, 1], strides = [1, 1]} : vector<1x8xf32> to vector<1x1xf32>
    %mul3A_1840 = arith.constant 0.488602519 : f32
    %mul3A_1841 = vector.broadcast %mul3A_1840 : f32 to vector<1x1xf32>
    %mul3A_1842 = arith.mulf %mul3A_1841, %slice3A_1839 : vector<1x1xf32>
    %slice3A_1843 = vector.extract_strided_slice %add3A_1761 {offsets = [0, 11], sizes = [448, 1], strides = [1, 1]} : vector<448x16xf32> to vector<448x1xf32>
    %mul3A_1844 = vector.broadcast %mul3A_1842 : vector<1x1xf32> to vector<448x1xf32>
    %mul3A_1845 = arith.mulf %mul3A_1844, %slice3A_1843 : vector<448x1xf32>
    %sub3A_1846 = arith.subf %add3A_1838, %mul3A_1845 : vector<448x1xf32>
    %get3A_1847 = arith.constant 4 : index
    %get3A_1848 = arith.constant 0 : index
    %get3A_1849 = arith.constant 0 : index
    %get3A_1850 = vector.load %arg1[%get3A_1847, %get3A_1848, %get3A_1849] : memref<8x448x256xbf16, #tpu.memory_space<vmem>>, vector<1x448x256xbf16>
    %get3A_1851 = vector.shape_cast %get3A_1850 : vector<1x448x256xbf16> to vector<448x256xbf16>
    %get3A_1852 = arith.constant 0 : index
    %get3A_1853 = arith.constant 0 : index
    %get3A_1854 = vector.load %arg4[%get3A_1852, %get3A_1853] : memref<256x1024xbf16, #tpu.memory_space<vmem>>, vector<256x1024xbf16>
    %dot_general3A_1855 = arith.constant dense<0.000000e+00> : vector<448x1024xf32>
    %dot_general3A_1856 = tpu.matmul %get3A_1851, %get3A_1854, %dot_general3A_1855 {dimension_numbers = #tpu.dot_dimension_numbers<[1], [0], [0], [1], [0, 0, 1, 1], [], []>, transpose_lhs_hint = false} : vector<448x256xbf16>, vector<256x1024xbf16>, vector<448x1024xf32> -> vector<448x1024xf32>
    %slice3A_1857 = vector.extract_strided_slice %dot_general3A_1856 {offsets = [0, 0], sizes = [448, 128], strides = [1, 1]} : vector<448x1024xf32> to vector<448x128xf32>
    %slice3A_1858 = vector.extract_strided_slice %add3A_180 {offsets = [0, 4], sizes = [448, 1], strides = [1, 1]} : vector<448x8xi32> to vector<448x1xi32>
    %eq3A_1859 = vector.broadcast %slice3A_1858 : vector<448x1xi32> to vector<448x128xi32>
    %eq3A_1860 = arith.cmpi eq, %eq3A_1859, %select_n3A_826 : vector<448x128xi32>
    %jit3A_1861 = arith.constant 0.000000e+00 : f32
    %broadcast_in_dim3A_1862 = vector.broadcast %jit3A_1861 : f32 to vector<448x128xf32>
    %select_n3A_1863 = arith.select %eq3A_1860, %slice3A_1857, %broadcast_in_dim3A_1862 : vector<448x128xi1>, vector<448x128xf32>
    %slice3A_1864 = vector.extract_strided_slice %select_n3A_1863 {offsets = [0, 0], sizes = [448, 64], strides = [1, 1]} : vector<448x128xf32> to vector<448x64xf32>
    %slice3A_1865 = vector.extract_strided_slice %select_n3A_1863 {offsets = [0, 64], sizes = [448, 64], strides = [1, 1]} : vector<448x128xf32> to vector<448x64xf32>
    %add3A_1866 = arith.addf %slice3A_1864, %slice3A_1865 : vector<448x64xf32>
    %slice3A_1867 = vector.extract_strided_slice %add3A_1866 {offsets = [0, 0], sizes = [448, 32], strides = [1, 1]} : vector<448x64xf32> to vector<448x32xf32>
    %slice3A_1868 = vector.extract_strided_slice %add3A_1866 {offsets = [0, 32], sizes = [448, 32], strides = [1, 1]} : vector<448x64xf32> to vector<448x32xf32>
    %add3A_1869 = arith.addf %slice3A_1867, %slice3A_1868 : vector<448x32xf32>
    %slice3A_1870 = vector.extract_strided_slice %add3A_1869 {offsets = [0, 0], sizes = [448, 16], strides = [1, 1]} : vector<448x32xf32> to vector<448x16xf32>
    %slice3A_1871 = vector.extract_strided_slice %add3A_1869 {offsets = [0, 16], sizes = [448, 16], strides = [1, 1]} : vector<448x32xf32> to vector<448x16xf32>
    %add3A_1872 = arith.addf %slice3A_1870, %slice3A_1871 : vector<448x16xf32>
    %slice3A_1873 = vector.extract_strided_slice %select_n3A {offsets = [0, 4], sizes = [448, 1], strides = [1, 1]} : vector<448x8xf32> to vector<448x1xf32>
    %mul3A_1874 = vector.broadcast %slice3A_1873 : vector<448x1xf32> to vector<448x16xf32>
    %mul3A_1875 = arith.mulf %mul3A_1874, %add3A_1872 : vector<448x16xf32>
    %slice3A_1876 = vector.extract_strided_slice %dot_general3A_1856 {offsets = [0, 128], sizes = [448, 128], strides = [1, 1]} : vector<448x1024xf32> to vector<448x128xf32>
    %slice3A_1877 = vector.extract_strided_slice %add3A_266 {offsets = [0, 4], sizes = [448, 1], strides = [1, 1]} : vector<448x8xi32> to vector<448x1xi32>
    %eq3A_1878 = vector.broadcast %slice3A_1877 : vector<448x1xi32> to vector<448x128xi32>
    %eq3A_1879 = arith.cmpi eq, %eq3A_1878, %select_n3A_826 : vector<448x128xi32>
    %jit3A_1880 = arith.constant 0.000000e+00 : f32
    %broadcast_in_dim3A_1881 = vector.broadcast %jit3A_1880 : f32 to vector<448x128xf32>
    %select_n3A_1882 = arith.select %eq3A_1879, %slice3A_1876, %broadcast_in_dim3A_1881 : vector<448x128xi1>, vector<448x128xf32>
    %slice3A_1883 = vector.extract_strided_slice %select_n3A_1882 {offsets = [0, 0], sizes = [448, 64], strides = [1, 1]} : vector<448x128xf32> to vector<448x64xf32>
    %slice3A_1884 = vector.extract_strided_slice %select_n3A_1882 {offsets = [0, 64], sizes = [448, 64], strides = [1, 1]} : vector<448x128xf32> to vector<448x64xf32>
    %add3A_1885 = arith.addf %slice3A_1883, %slice3A_1884 : vector<448x64xf32>
    %slice3A_1886 = vector.extract_strided_slice %add3A_1885 {offsets = [0, 0], sizes = [448, 32], strides = [1, 1]} : vector<448x64xf32> to vector<448x32xf32>
    %slice3A_1887 = vector.extract_strided_slice %add3A_1885 {offsets = [0, 32], sizes = [448, 32], strides = [1, 1]} : vector<448x64xf32> to vector<448x32xf32>
    %add3A_1888 = arith.addf %slice3A_1886, %slice3A_1887 : vector<448x32xf32>
    %slice3A_1889 = vector.extract_strided_slice %add3A_1888 {offsets = [0, 0], sizes = [448, 16], strides = [1, 1]} : vector<448x32xf32> to vector<448x16xf32>
    %slice3A_1890 = vector.extract_strided_slice %add3A_1888 {offsets = [0, 16], sizes = [448, 16], strides = [1, 1]} : vector<448x32xf32> to vector<448x16xf32>
    %add3A_1891 = arith.addf %slice3A_1889, %slice3A_1890 : vector<448x16xf32>
    %slice3A_1892 = vector.extract_strided_slice %select_n3A_269 {offsets = [0, 4], sizes = [448, 1], strides = [1, 1]} : vector<448x8xf32> to vector<448x1xf32>
    %mul3A_1893 = vector.broadcast %slice3A_1892 : vector<448x1xf32> to vector<448x16xf32>
    %mul3A_1894 = arith.mulf %mul3A_1893, %add3A_1891 : vector<448x16xf32>
    %add3A_1895 = arith.addf %mul3A_1875, %mul3A_1894 : vector<448x16xf32>
    %slice3A_1896 = vector.extract_strided_slice %dot_general3A_1856 {offsets = [0, 256], sizes = [448, 128], strides = [1, 1]} : vector<448x1024xf32> to vector<448x128xf32>
    %slice3A_1897 = vector.extract_strided_slice %add3A_354 {offsets = [0, 4], sizes = [448, 1], strides = [1, 1]} : vector<448x8xi32> to vector<448x1xi32>
    %eq3A_1898 = vector.broadcast %slice3A_1897 : vector<448x1xi32> to vector<448x128xi32>
    %eq3A_1899 = arith.cmpi eq, %eq3A_1898, %select_n3A_826 : vector<448x128xi32>
    %jit3A_1900 = arith.constant 0.000000e+00 : f32
    %broadcast_in_dim3A_1901 = vector.broadcast %jit3A_1900 : f32 to vector<448x128xf32>
    %select_n3A_1902 = arith.select %eq3A_1899, %slice3A_1896, %broadcast_in_dim3A_1901 : vector<448x128xi1>, vector<448x128xf32>
    %slice3A_1903 = vector.extract_strided_slice %select_n3A_1902 {offsets = [0, 0], sizes = [448, 64], strides = [1, 1]} : vector<448x128xf32> to vector<448x64xf32>
    %slice3A_1904 = vector.extract_strided_slice %select_n3A_1902 {offsets = [0, 64], sizes = [448, 64], strides = [1, 1]} : vector<448x128xf32> to vector<448x64xf32>
    %add3A_1905 = arith.addf %slice3A_1903, %slice3A_1904 : vector<448x64xf32>
    %slice3A_1906 = vector.extract_strided_slice %add3A_1905 {offsets = [0, 0], sizes = [448, 32], strides = [1, 1]} : vector<448x64xf32> to vector<448x32xf32>
    %slice3A_1907 = vector.extract_strided_slice %add3A_1905 {offsets = [0, 32], sizes = [448, 32], strides = [1, 1]} : vector<448x64xf32> to vector<448x32xf32>
    %add3A_1908 = arith.addf %slice3A_1906, %slice3A_1907 : vector<448x32xf32>
    %slice3A_1909 = vector.extract_strided_slice %add3A_1908 {offsets = [0, 0], sizes = [448, 16], strides = [1, 1]} : vector<448x32xf32> to vector<448x16xf32>
    %slice3A_1910 = vector.extract_strided_slice %add3A_1908 {offsets = [0, 16], sizes = [448, 16], strides = [1, 1]} : vector<448x32xf32> to vector<448x16xf32>
    %add3A_1911 = arith.addf %slice3A_1909, %slice3A_1910 : vector<448x16xf32>
    %slice3A_1912 = vector.extract_strided_slice %select_n3A_357 {offsets = [0, 4], sizes = [448, 1], strides = [1, 1]} : vector<448x8xf32> to vector<448x1xf32>
    %mul3A_1913 = vector.broadcast %slice3A_1912 : vector<448x1xf32> to vector<448x16xf32>
    %mul3A_1914 = arith.mulf %mul3A_1913, %add3A_1911 : vector<448x16xf32>
    %add3A_1915 = arith.addf %add3A_1895, %mul3A_1914 : vector<448x16xf32>
    %slice3A_1916 = vector.extract_strided_slice %dot_general3A_1856 {offsets = [0, 384], sizes = [448, 128], strides = [1, 1]} : vector<448x1024xf32> to vector<448x128xf32>
    %slice3A_1917 = vector.extract_strided_slice %add3A_442 {offsets = [0, 4], sizes = [448, 1], strides = [1, 1]} : vector<448x8xi32> to vector<448x1xi32>
    %eq3A_1918 = vector.broadcast %slice3A_1917 : vector<448x1xi32> to vector<448x128xi32>
    %eq3A_1919 = arith.cmpi eq, %eq3A_1918, %select_n3A_826 : vector<448x128xi32>
    %jit3A_1920 = arith.constant 0.000000e+00 : f32
    %broadcast_in_dim3A_1921 = vector.broadcast %jit3A_1920 : f32 to vector<448x128xf32>
    %select_n3A_1922 = arith.select %eq3A_1919, %slice3A_1916, %broadcast_in_dim3A_1921 : vector<448x128xi1>, vector<448x128xf32>
    %slice3A_1923 = vector.extract_strided_slice %select_n3A_1922 {offsets = [0, 0], sizes = [448, 64], strides = [1, 1]} : vector<448x128xf32> to vector<448x64xf32>
    %slice3A_1924 = vector.extract_strided_slice %select_n3A_1922 {offsets = [0, 64], sizes = [448, 64], strides = [1, 1]} : vector<448x128xf32> to vector<448x64xf32>
    %add3A_1925 = arith.addf %slice3A_1923, %slice3A_1924 : vector<448x64xf32>
    %slice3A_1926 = vector.extract_strided_slice %add3A_1925 {offsets = [0, 0], sizes = [448, 32], strides = [1, 1]} : vector<448x64xf32> to vector<448x32xf32>
    %slice3A_1927 = vector.extract_strided_slice %add3A_1925 {offsets = [0, 32], sizes = [448, 32], strides = [1, 1]} : vector<448x64xf32> to vector<448x32xf32>
    %add3A_1928 = arith.addf %slice3A_1926, %slice3A_1927 : vector<448x32xf32>
    %slice3A_1929 = vector.extract_strided_slice %add3A_1928 {offsets = [0, 0], sizes = [448, 16], strides = [1, 1]} : vector<448x32xf32> to vector<448x16xf32>
    %slice3A_1930 = vector.extract_strided_slice %add3A_1928 {offsets = [0, 16], sizes = [448, 16], strides = [1, 1]} : vector<448x32xf32> to vector<448x16xf32>
    %add3A_1931 = arith.addf %slice3A_1929, %slice3A_1930 : vector<448x16xf32>
    %slice3A_1932 = vector.extract_strided_slice %select_n3A_445 {offsets = [0, 4], sizes = [448, 1], strides = [1, 1]} : vector<448x8xf32> to vector<448x1xf32>
    %mul3A_1933 = vector.broadcast %slice3A_1932 : vector<448x1xf32> to vector<448x16xf32>
    %mul3A_1934 = arith.mulf %mul3A_1933, %add3A_1931 : vector<448x16xf32>
    %add3A_1935 = arith.addf %add3A_1915, %mul3A_1934 : vector<448x16xf32>
    %slice3A_1936 = vector.extract_strided_slice %dot_general3A_1856 {offsets = [0, 512], sizes = [448, 128], strides = [1, 1]} : vector<448x1024xf32> to vector<448x128xf32>
    %slice3A_1937 = vector.extract_strided_slice %add3A_530 {offsets = [0, 4], sizes = [448, 1], strides = [1, 1]} : vector<448x8xi32> to vector<448x1xi32>
    %eq3A_1938 = vector.broadcast %slice3A_1937 : vector<448x1xi32> to vector<448x128xi32>
    %eq3A_1939 = arith.cmpi eq, %eq3A_1938, %select_n3A_826 : vector<448x128xi32>
    %jit3A_1940 = arith.constant 0.000000e+00 : f32
    %broadcast_in_dim3A_1941 = vector.broadcast %jit3A_1940 : f32 to vector<448x128xf32>
    %select_n3A_1942 = arith.select %eq3A_1939, %slice3A_1936, %broadcast_in_dim3A_1941 : vector<448x128xi1>, vector<448x128xf32>
    %slice3A_1943 = vector.extract_strided_slice %select_n3A_1942 {offsets = [0, 0], sizes = [448, 64], strides = [1, 1]} : vector<448x128xf32> to vector<448x64xf32>
    %slice3A_1944 = vector.extract_strided_slice %select_n3A_1942 {offsets = [0, 64], sizes = [448, 64], strides = [1, 1]} : vector<448x128xf32> to vector<448x64xf32>
    %add3A_1945 = arith.addf %slice3A_1943, %slice3A_1944 : vector<448x64xf32>
    %slice3A_1946 = vector.extract_strided_slice %add3A_1945 {offsets = [0, 0], sizes = [448, 32], strides = [1, 1]} : vector<448x64xf32> to vector<448x32xf32>
    %slice3A_1947 = vector.extract_strided_slice %add3A_1945 {offsets = [0, 32], sizes = [448, 32], strides = [1, 1]} : vector<448x64xf32> to vector<448x32xf32>
    %add3A_1948 = arith.addf %slice3A_1946, %slice3A_1947 : vector<448x32xf32>
    %slice3A_1949 = vector.extract_strided_slice %add3A_1948 {offsets = [0, 0], sizes = [448, 16], strides = [1, 1]} : vector<448x32xf32> to vector<448x16xf32>
    %slice3A_1950 = vector.extract_strided_slice %add3A_1948 {offsets = [0, 16], sizes = [448, 16], strides = [1, 1]} : vector<448x32xf32> to vector<448x16xf32>
    %add3A_1951 = arith.addf %slice3A_1949, %slice3A_1950 : vector<448x16xf32>
    %slice3A_1952 = vector.extract_strided_slice %select_n3A_533 {offsets = [0, 4], sizes = [448, 1], strides = [1, 1]} : vector<448x8xf32> to vector<448x1xf32>
    %mul3A_1953 = vector.broadcast %slice3A_1952 : vector<448x1xf32> to vector<448x16xf32>
    %mul3A_1954 = arith.mulf %mul3A_1953, %add3A_1951 : vector<448x16xf32>
    %add3A_1955 = arith.addf %add3A_1935, %mul3A_1954 : vector<448x16xf32>
    %slice3A_1956 = vector.extract_strided_slice %dot_general3A_1856 {offsets = [0, 640], sizes = [448, 128], strides = [1, 1]} : vector<448x1024xf32> to vector<448x128xf32>
    %slice3A_1957 = vector.extract_strided_slice %add3A_618 {offsets = [0, 4], sizes = [448, 1], strides = [1, 1]} : vector<448x8xi32> to vector<448x1xi32>
    %eq3A_1958 = vector.broadcast %slice3A_1957 : vector<448x1xi32> to vector<448x128xi32>
    %eq3A_1959 = arith.cmpi eq, %eq3A_1958, %select_n3A_826 : vector<448x128xi32>
    %jit3A_1960 = arith.constant 0.000000e+00 : f32
    %broadcast_in_dim3A_1961 = vector.broadcast %jit3A_1960 : f32 to vector<448x128xf32>
    %select_n3A_1962 = arith.select %eq3A_1959, %slice3A_1956, %broadcast_in_dim3A_1961 : vector<448x128xi1>, vector<448x128xf32>
    %slice3A_1963 = vector.extract_strided_slice %select_n3A_1962 {offsets = [0, 0], sizes = [448, 64], strides = [1, 1]} : vector<448x128xf32> to vector<448x64xf32>
    %slice3A_1964 = vector.extract_strided_slice %select_n3A_1962 {offsets = [0, 64], sizes = [448, 64], strides = [1, 1]} : vector<448x128xf32> to vector<448x64xf32>
    %add3A_1965 = arith.addf %slice3A_1963, %slice3A_1964 : vector<448x64xf32>
    %slice3A_1966 = vector.extract_strided_slice %add3A_1965 {offsets = [0, 0], sizes = [448, 32], strides = [1, 1]} : vector<448x64xf32> to vector<448x32xf32>
    %slice3A_1967 = vector.extract_strided_slice %add3A_1965 {offsets = [0, 32], sizes = [448, 32], strides = [1, 1]} : vector<448x64xf32> to vector<448x32xf32>
    %add3A_1968 = arith.addf %slice3A_1966, %slice3A_1967 : vector<448x32xf32>
    %slice3A_1969 = vector.extract_strided_slice %add3A_1968 {offsets = [0, 0], sizes = [448, 16], strides = [1, 1]} : vector<448x32xf32> to vector<448x16xf32>
    %slice3A_1970 = vector.extract_strided_slice %add3A_1968 {offsets = [0, 16], sizes = [448, 16], strides = [1, 1]} : vector<448x32xf32> to vector<448x16xf32>
    %add3A_1971 = arith.addf %slice3A_1969, %slice3A_1970 : vector<448x16xf32>
    %slice3A_1972 = vector.extract_strided_slice %select_n3A_621 {offsets = [0, 4], sizes = [448, 1], strides = [1, 1]} : vector<448x8xf32> to vector<448x1xf32>
    %mul3A_1973 = vector.broadcast %slice3A_1972 : vector<448x1xf32> to vector<448x16xf32>
    %mul3A_1974 = arith.mulf %mul3A_1973, %add3A_1971 : vector<448x16xf32>
    %add3A_1975 = arith.addf %add3A_1955, %mul3A_1974 : vector<448x16xf32>
    %slice3A_1976 = vector.extract_strided_slice %dot_general3A_1856 {offsets = [0, 768], sizes = [448, 128], strides = [1, 1]} : vector<448x1024xf32> to vector<448x128xf32>
    %slice3A_1977 = vector.extract_strided_slice %add3A_706 {offsets = [0, 4], sizes = [448, 1], strides = [1, 1]} : vector<448x8xi32> to vector<448x1xi32>
    %eq3A_1978 = vector.broadcast %slice3A_1977 : vector<448x1xi32> to vector<448x128xi32>
    %eq3A_1979 = arith.cmpi eq, %eq3A_1978, %select_n3A_826 : vector<448x128xi32>
    %jit3A_1980 = arith.constant 0.000000e+00 : f32
    %broadcast_in_dim3A_1981 = vector.broadcast %jit3A_1980 : f32 to vector<448x128xf32>
    %select_n3A_1982 = arith.select %eq3A_1979, %slice3A_1976, %broadcast_in_dim3A_1981 : vector<448x128xi1>, vector<448x128xf32>
    %slice3A_1983 = vector.extract_strided_slice %select_n3A_1982 {offsets = [0, 0], sizes = [448, 64], strides = [1, 1]} : vector<448x128xf32> to vector<448x64xf32>
    %slice3A_1984 = vector.extract_strided_slice %select_n3A_1982 {offsets = [0, 64], sizes = [448, 64], strides = [1, 1]} : vector<448x128xf32> to vector<448x64xf32>
    %add3A_1985 = arith.addf %slice3A_1983, %slice3A_1984 : vector<448x64xf32>
    %slice3A_1986 = vector.extract_strided_slice %add3A_1985 {offsets = [0, 0], sizes = [448, 32], strides = [1, 1]} : vector<448x64xf32> to vector<448x32xf32>
    %slice3A_1987 = vector.extract_strided_slice %add3A_1985 {offsets = [0, 32], sizes = [448, 32], strides = [1, 1]} : vector<448x64xf32> to vector<448x32xf32>
    %add3A_1988 = arith.addf %slice3A_1986, %slice3A_1987 : vector<448x32xf32>
    %slice3A_1989 = vector.extract_strided_slice %add3A_1988 {offsets = [0, 0], sizes = [448, 16], strides = [1, 1]} : vector<448x32xf32> to vector<448x16xf32>
    %slice3A_1990 = vector.extract_strided_slice %add3A_1988 {offsets = [0, 16], sizes = [448, 16], strides = [1, 1]} : vector<448x32xf32> to vector<448x16xf32>
    %add3A_1991 = arith.addf %slice3A_1989, %slice3A_1990 : vector<448x16xf32>
    %slice3A_1992 = vector.extract_strided_slice %select_n3A_709 {offsets = [0, 4], sizes = [448, 1], strides = [1, 1]} : vector<448x8xf32> to vector<448x1xf32>
    %mul3A_1993 = vector.broadcast %slice3A_1992 : vector<448x1xf32> to vector<448x16xf32>
    %mul3A_1994 = arith.mulf %mul3A_1993, %add3A_1991 : vector<448x16xf32>
    %add3A_1995 = arith.addf %add3A_1975, %mul3A_1994 : vector<448x16xf32>
    %slice3A_1996 = vector.extract_strided_slice %dot_general3A_1856 {offsets = [0, 896], sizes = [448, 128], strides = [1, 1]} : vector<448x1024xf32> to vector<448x128xf32>
    %slice3A_1997 = vector.extract_strided_slice %add3A_794 {offsets = [0, 4], sizes = [448, 1], strides = [1, 1]} : vector<448x8xi32> to vector<448x1xi32>
    %eq3A_1998 = vector.broadcast %slice3A_1997 : vector<448x1xi32> to vector<448x128xi32>
    %eq3A_1999 = arith.cmpi eq, %eq3A_1998, %select_n3A_826 : vector<448x128xi32>
    %jit3A_2000 = arith.constant 0.000000e+00 : f32
    %broadcast_in_dim3A_2001 = vector.broadcast %jit3A_2000 : f32 to vector<448x128xf32>
    %select_n3A_2002 = arith.select %eq3A_1999, %slice3A_1996, %broadcast_in_dim3A_2001 : vector<448x128xi1>, vector<448x128xf32>
    %slice3A_2003 = vector.extract_strided_slice %select_n3A_2002 {offsets = [0, 0], sizes = [448, 64], strides = [1, 1]} : vector<448x128xf32> to vector<448x64xf32>
    %slice3A_2004 = vector.extract_strided_slice %select_n3A_2002 {offsets = [0, 64], sizes = [448, 64], strides = [1, 1]} : vector<448x128xf32> to vector<448x64xf32>
    %add3A_2005 = arith.addf %slice3A_2003, %slice3A_2004 : vector<448x64xf32>
    %slice3A_2006 = vector.extract_strided_slice %add3A_2005 {offsets = [0, 0], sizes = [448, 32], strides = [1, 1]} : vector<448x64xf32> to vector<448x32xf32>
    %slice3A_2007 = vector.extract_strided_slice %add3A_2005 {offsets = [0, 32], sizes = [448, 32], strides = [1, 1]} : vector<448x64xf32> to vector<448x32xf32>
    %add3A_2008 = arith.addf %slice3A_2006, %slice3A_2007 : vector<448x32xf32>
    %slice3A_2009 = vector.extract_strided_slice %add3A_2008 {offsets = [0, 0], sizes = [448, 16], strides = [1, 1]} : vector<448x32xf32> to vector<448x16xf32>
    %slice3A_2010 = vector.extract_strided_slice %add3A_2008 {offsets = [0, 16], sizes = [448, 16], strides = [1, 1]} : vector<448x32xf32> to vector<448x16xf32>
    %add3A_2011 = arith.addf %slice3A_2009, %slice3A_2010 : vector<448x16xf32>
    %slice3A_2012 = vector.extract_strided_slice %select_n3A_797 {offsets = [0, 4], sizes = [448, 1], strides = [1, 1]} : vector<448x8xf32> to vector<448x1xf32>
    %mul3A_2013 = vector.broadcast %slice3A_2012 : vector<448x1xf32> to vector<448x16xf32>
    %mul3A_2014 = arith.mulf %mul3A_2013, %add3A_2011 : vector<448x16xf32>
    %add3A_2015 = arith.addf %add3A_1995, %mul3A_2014 : vector<448x16xf32>
    %slice3A_2016 = vector.extract_strided_slice %add3A_2015 {offsets = [0, 12], sizes = [448, 1], strides = [1, 1]} : vector<448x16xf32> to vector<448x1xf32>
    %slice3A_2017 = vector.extract_strided_slice %add3A_2015 {offsets = [0, 0], sizes = [448, 1], strides = [1, 1]} : vector<448x16xf32> to vector<448x1xf32>
    %mul3A_2018 = arith.constant 0.282094806 : f32
    %mul3A_2019 = vector.broadcast %mul3A_2018 : f32 to vector<448x1xf32>
    %mul3A_2020 = arith.mulf %mul3A_2019, %slice3A_2017 : vector<448x1xf32>
    %slice3A_2021 = vector.extract_strided_slice %squeeze3A_830 {offsets = [0, 4], sizes = [1, 1], strides = [1, 1]} : vector<1x8xf32> to vector<1x1xf32>
    %mul3A_2022 = arith.constant 0.488602519 : f32
    %mul3A_2023 = vector.broadcast %mul3A_2022 : f32 to vector<1x1xf32>
    %mul3A_2024 = arith.mulf %mul3A_2023, %slice3A_2021 : vector<1x1xf32>
    %slice3A_2025 = vector.extract_strided_slice %add3A_2015 {offsets = [0, 1], sizes = [448, 1], strides = [1, 1]} : vector<448x16xf32> to vector<448x1xf32>
    %mul3A_2026 = vector.broadcast %mul3A_2024 : vector<1x1xf32> to vector<448x1xf32>
    %mul3A_2027 = arith.mulf %mul3A_2026, %slice3A_2025 : vector<448x1xf32>
    %sub3A_2028 = arith.subf %mul3A_2020, %mul3A_2027 : vector<448x1xf32>
    %slice3A_2029 = vector.extract_strided_slice %squeeze3A_832 {offsets = [0, 4], sizes = [1, 1], strides = [1, 1]} : vector<1x8xf32> to vector<1x1xf32>
    %mul3A_2030 = arith.constant 0.488602519 : f32
    %mul3A_2031 = vector.broadcast %mul3A_2030 : f32 to vector<1x1xf32>
    %mul3A_2032 = arith.mulf %mul3A_2031, %slice3A_2029 : vector<1x1xf32>
    %slice3A_2033 = vector.extract_strided_slice %add3A_2015 {offsets = [0, 2], sizes = [448, 1], strides = [1, 1]} : vector<448x16xf32> to vector<448x1xf32>
    %mul3A_2034 = vector.broadcast %mul3A_2032 : vector<1x1xf32> to vector<448x1xf32>
    %mul3A_2035 = arith.mulf %mul3A_2034, %slice3A_2033 : vector<448x1xf32>
    %add3A_2036 = arith.addf %sub3A_2028, %mul3A_2035 : vector<448x1xf32>
    %slice3A_2037 = vector.extract_strided_slice %squeeze3A_828 {offsets = [0, 4], sizes = [1, 1], strides = [1, 1]} : vector<1x8xf32> to vector<1x1xf32>
    %mul3A_2038 = arith.constant 0.488602519 : f32
    %mul3A_2039 = vector.broadcast %mul3A_2038 : f32 to vector<1x1xf32>
    %mul3A_2040 = arith.mulf %mul3A_2039, %slice3A_2037 : vector<1x1xf32>
    %slice3A_2041 = vector.extract_strided_slice %add3A_2015 {offsets = [0, 3], sizes = [448, 1], strides = [1, 1]} : vector<448x16xf32> to vector<448x1xf32>
    %mul3A_2042 = vector.broadcast %mul3A_2040 : vector<1x1xf32> to vector<448x1xf32>
    %mul3A_2043 = arith.mulf %mul3A_2042, %slice3A_2041 : vector<448x1xf32>
    %sub3A_2044 = arith.subf %add3A_2036, %mul3A_2043 : vector<448x1xf32>
    %slice3A_2045 = vector.extract_strided_slice %add3A_2015 {offsets = [0, 4], sizes = [448, 1], strides = [1, 1]} : vector<448x16xf32> to vector<448x1xf32>
    %mul3A_2046 = arith.constant 0.282094806 : f32
    %mul3A_2047 = vector.broadcast %mul3A_2046 : f32 to vector<448x1xf32>
    %mul3A_2048 = arith.mulf %mul3A_2047, %slice3A_2045 : vector<448x1xf32>
    %slice3A_2049 = vector.extract_strided_slice %squeeze3A_830 {offsets = [0, 4], sizes = [1, 1], strides = [1, 1]} : vector<1x8xf32> to vector<1x1xf32>
    %mul3A_2050 = arith.constant 0.488602519 : f32
    %mul3A_2051 = vector.broadcast %mul3A_2050 : f32 to vector<1x1xf32>
    %mul3A_2052 = arith.mulf %mul3A_2051, %slice3A_2049 : vector<1x1xf32>
    %slice3A_2053 = vector.extract_strided_slice %add3A_2015 {offsets = [0, 5], sizes = [448, 1], strides = [1, 1]} : vector<448x16xf32> to vector<448x1xf32>
    %mul3A_2054 = vector.broadcast %mul3A_2052 : vector<1x1xf32> to vector<448x1xf32>
    %mul3A_2055 = arith.mulf %mul3A_2054, %slice3A_2053 : vector<448x1xf32>
    %sub3A_2056 = arith.subf %mul3A_2048, %mul3A_2055 : vector<448x1xf32>
    %slice3A_2057 = vector.extract_strided_slice %squeeze3A_832 {offsets = [0, 4], sizes = [1, 1], strides = [1, 1]} : vector<1x8xf32> to vector<1x1xf32>
    %mul3A_2058 = arith.constant 0.488602519 : f32
    %mul3A_2059 = vector.broadcast %mul3A_2058 : f32 to vector<1x1xf32>
    %mul3A_2060 = arith.mulf %mul3A_2059, %slice3A_2057 : vector<1x1xf32>
    %slice3A_2061 = vector.extract_strided_slice %add3A_2015 {offsets = [0, 6], sizes = [448, 1], strides = [1, 1]} : vector<448x16xf32> to vector<448x1xf32>
    %mul3A_2062 = vector.broadcast %mul3A_2060 : vector<1x1xf32> to vector<448x1xf32>
    %mul3A_2063 = arith.mulf %mul3A_2062, %slice3A_2061 : vector<448x1xf32>
    %add3A_2064 = arith.addf %sub3A_2056, %mul3A_2063 : vector<448x1xf32>
    %slice3A_2065 = vector.extract_strided_slice %squeeze3A_828 {offsets = [0, 4], sizes = [1, 1], strides = [1, 1]} : vector<1x8xf32> to vector<1x1xf32>
    %mul3A_2066 = arith.constant 0.488602519 : f32
    %mul3A_2067 = vector.broadcast %mul3A_2066 : f32 to vector<1x1xf32>
    %mul3A_2068 = arith.mulf %mul3A_2067, %slice3A_2065 : vector<1x1xf32>
    %slice3A_2069 = vector.extract_strided_slice %add3A_2015 {offsets = [0, 7], sizes = [448, 1], strides = [1, 1]} : vector<448x16xf32> to vector<448x1xf32>
    %mul3A_2070 = vector.broadcast %mul3A_2068 : vector<1x1xf32> to vector<448x1xf32>
    %mul3A_2071 = arith.mulf %mul3A_2070, %slice3A_2069 : vector<448x1xf32>
    %sub3A_2072 = arith.subf %add3A_2064, %mul3A_2071 : vector<448x1xf32>
    %slice3A_2073 = vector.extract_strided_slice %add3A_2015 {offsets = [0, 8], sizes = [448, 1], strides = [1, 1]} : vector<448x16xf32> to vector<448x1xf32>
    %mul3A_2074 = arith.constant 0.282094806 : f32
    %mul3A_2075 = vector.broadcast %mul3A_2074 : f32 to vector<448x1xf32>
    %mul3A_2076 = arith.mulf %mul3A_2075, %slice3A_2073 : vector<448x1xf32>
    %slice3A_2077 = vector.extract_strided_slice %squeeze3A_830 {offsets = [0, 4], sizes = [1, 1], strides = [1, 1]} : vector<1x8xf32> to vector<1x1xf32>
    %mul3A_2078 = arith.constant 0.488602519 : f32
    %mul3A_2079 = vector.broadcast %mul3A_2078 : f32 to vector<1x1xf32>
    %mul3A_2080 = arith.mulf %mul3A_2079, %slice3A_2077 : vector<1x1xf32>
    %slice3A_2081 = vector.extract_strided_slice %add3A_2015 {offsets = [0, 9], sizes = [448, 1], strides = [1, 1]} : vector<448x16xf32> to vector<448x1xf32>
    %mul3A_2082 = vector.broadcast %mul3A_2080 : vector<1x1xf32> to vector<448x1xf32>
    %mul3A_2083 = arith.mulf %mul3A_2082, %slice3A_2081 : vector<448x1xf32>
    %sub3A_2084 = arith.subf %mul3A_2076, %mul3A_2083 : vector<448x1xf32>
    %slice3A_2085 = vector.extract_strided_slice %squeeze3A_832 {offsets = [0, 4], sizes = [1, 1], strides = [1, 1]} : vector<1x8xf32> to vector<1x1xf32>
    %mul3A_2086 = arith.constant 0.488602519 : f32
    %mul3A_2087 = vector.broadcast %mul3A_2086 : f32 to vector<1x1xf32>
    %mul3A_2088 = arith.mulf %mul3A_2087, %slice3A_2085 : vector<1x1xf32>
    %slice3A_2089 = vector.extract_strided_slice %add3A_2015 {offsets = [0, 10], sizes = [448, 1], strides = [1, 1]} : vector<448x16xf32> to vector<448x1xf32>
    %mul3A_2090 = vector.broadcast %mul3A_2088 : vector<1x1xf32> to vector<448x1xf32>
    %mul3A_2091 = arith.mulf %mul3A_2090, %slice3A_2089 : vector<448x1xf32>
    %add3A_2092 = arith.addf %sub3A_2084, %mul3A_2091 : vector<448x1xf32>
    %slice3A_2093 = vector.extract_strided_slice %squeeze3A_828 {offsets = [0, 4], sizes = [1, 1], strides = [1, 1]} : vector<1x8xf32> to vector<1x1xf32>
    %mul3A_2094 = arith.constant 0.488602519 : f32
    %mul3A_2095 = vector.broadcast %mul3A_2094 : f32 to vector<1x1xf32>
    %mul3A_2096 = arith.mulf %mul3A_2095, %slice3A_2093 : vector<1x1xf32>
    %slice3A_2097 = vector.extract_strided_slice %add3A_2015 {offsets = [0, 11], sizes = [448, 1], strides = [1, 1]} : vector<448x16xf32> to vector<448x1xf32>
    %mul3A_2098 = vector.broadcast %mul3A_2096 : vector<1x1xf32> to vector<448x1xf32>
    %mul3A_2099 = arith.mulf %mul3A_2098, %slice3A_2097 : vector<448x1xf32>
    %sub3A_2100 = arith.subf %add3A_2092, %mul3A_2099 : vector<448x1xf32>
    %get3A_2101 = arith.constant 5 : index
    %get3A_2102 = arith.constant 0 : index
    %get3A_2103 = arith.constant 0 : index
    %get3A_2104 = vector.load %arg1[%get3A_2101, %get3A_2102, %get3A_2103] : memref<8x448x256xbf16, #tpu.memory_space<vmem>>, vector<1x448x256xbf16>
    %get3A_2105 = vector.shape_cast %get3A_2104 : vector<1x448x256xbf16> to vector<448x256xbf16>
    %get3A_2106 = arith.constant 0 : index
    %get3A_2107 = arith.constant 0 : index
    %get3A_2108 = vector.load %arg4[%get3A_2106, %get3A_2107] : memref<256x1024xbf16, #tpu.memory_space<vmem>>, vector<256x1024xbf16>
    %dot_general3A_2109 = arith.constant dense<0.000000e+00> : vector<448x1024xf32>
    %dot_general3A_2110 = tpu.matmul %get3A_2105, %get3A_2108, %dot_general3A_2109 {dimension_numbers = #tpu.dot_dimension_numbers<[1], [0], [0], [1], [0, 0, 1, 1], [], []>, transpose_lhs_hint = false} : vector<448x256xbf16>, vector<256x1024xbf16>, vector<448x1024xf32> -> vector<448x1024xf32>
    %slice3A_2111 = vector.extract_strided_slice %dot_general3A_2110 {offsets = [0, 0], sizes = [448, 128], strides = [1, 1]} : vector<448x1024xf32> to vector<448x128xf32>
    %slice3A_2112 = vector.extract_strided_slice %add3A_180 {offsets = [0, 5], sizes = [448, 1], strides = [1, 1]} : vector<448x8xi32> to vector<448x1xi32>
    %eq3A_2113 = vector.broadcast %slice3A_2112 : vector<448x1xi32> to vector<448x128xi32>
    %eq3A_2114 = arith.cmpi eq, %eq3A_2113, %select_n3A_826 : vector<448x128xi32>
    %jit3A_2115 = arith.constant 0.000000e+00 : f32
    %broadcast_in_dim3A_2116 = vector.broadcast %jit3A_2115 : f32 to vector<448x128xf32>
    %select_n3A_2117 = arith.select %eq3A_2114, %slice3A_2111, %broadcast_in_dim3A_2116 : vector<448x128xi1>, vector<448x128xf32>
    %slice3A_2118 = vector.extract_strided_slice %select_n3A_2117 {offsets = [0, 0], sizes = [448, 64], strides = [1, 1]} : vector<448x128xf32> to vector<448x64xf32>
    %slice3A_2119 = vector.extract_strided_slice %select_n3A_2117 {offsets = [0, 64], sizes = [448, 64], strides = [1, 1]} : vector<448x128xf32> to vector<448x64xf32>
    %add3A_2120 = arith.addf %slice3A_2118, %slice3A_2119 : vector<448x64xf32>
    %slice3A_2121 = vector.extract_strided_slice %add3A_2120 {offsets = [0, 0], sizes = [448, 32], strides = [1, 1]} : vector<448x64xf32> to vector<448x32xf32>
    %slice3A_2122 = vector.extract_strided_slice %add3A_2120 {offsets = [0, 32], sizes = [448, 32], strides = [1, 1]} : vector<448x64xf32> to vector<448x32xf32>
    %add3A_2123 = arith.addf %slice3A_2121, %slice3A_2122 : vector<448x32xf32>
    %slice3A_2124 = vector.extract_strided_slice %add3A_2123 {offsets = [0, 0], sizes = [448, 16], strides = [1, 1]} : vector<448x32xf32> to vector<448x16xf32>
    %slice3A_2125 = vector.extract_strided_slice %add3A_2123 {offsets = [0, 16], sizes = [448, 16], strides = [1, 1]} : vector<448x32xf32> to vector<448x16xf32>
    %add3A_2126 = arith.addf %slice3A_2124, %slice3A_2125 : vector<448x16xf32>
    %slice3A_2127 = vector.extract_strided_slice %select_n3A {offsets = [0, 5], sizes = [448, 1], strides = [1, 1]} : vector<448x8xf32> to vector<448x1xf32>
    %mul3A_2128 = vector.broadcast %slice3A_2127 : vector<448x1xf32> to vector<448x16xf32>
    %mul3A_2129 = arith.mulf %mul3A_2128, %add3A_2126 : vector<448x16xf32>
    %slice3A_2130 = vector.extract_strided_slice %dot_general3A_2110 {offsets = [0, 128], sizes = [448, 128], strides = [1, 1]} : vector<448x1024xf32> to vector<448x128xf32>
    %slice3A_2131 = vector.extract_strided_slice %add3A_266 {offsets = [0, 5], sizes = [448, 1], strides = [1, 1]} : vector<448x8xi32> to vector<448x1xi32>
    %eq3A_2132 = vector.broadcast %slice3A_2131 : vector<448x1xi32> to vector<448x128xi32>
    %eq3A_2133 = arith.cmpi eq, %eq3A_2132, %select_n3A_826 : vector<448x128xi32>
    %jit3A_2134 = arith.constant 0.000000e+00 : f32
    %broadcast_in_dim3A_2135 = vector.broadcast %jit3A_2134 : f32 to vector<448x128xf32>
    %select_n3A_2136 = arith.select %eq3A_2133, %slice3A_2130, %broadcast_in_dim3A_2135 : vector<448x128xi1>, vector<448x128xf32>
    %slice3A_2137 = vector.extract_strided_slice %select_n3A_2136 {offsets = [0, 0], sizes = [448, 64], strides = [1, 1]} : vector<448x128xf32> to vector<448x64xf32>
    %slice3A_2138 = vector.extract_strided_slice %select_n3A_2136 {offsets = [0, 64], sizes = [448, 64], strides = [1, 1]} : vector<448x128xf32> to vector<448x64xf32>
    %add3A_2139 = arith.addf %slice3A_2137, %slice3A_2138 : vector<448x64xf32>
    %slice3A_2140 = vector.extract_strided_slice %add3A_2139 {offsets = [0, 0], sizes = [448, 32], strides = [1, 1]} : vector<448x64xf32> to vector<448x32xf32>
    %slice3A_2141 = vector.extract_strided_slice %add3A_2139 {offsets = [0, 32], sizes = [448, 32], strides = [1, 1]} : vector<448x64xf32> to vector<448x32xf32>
    %add3A_2142 = arith.addf %slice3A_2140, %slice3A_2141 : vector<448x32xf32>
    %slice3A_2143 = vector.extract_strided_slice %add3A_2142 {offsets = [0, 0], sizes = [448, 16], strides = [1, 1]} : vector<448x32xf32> to vector<448x16xf32>
    %slice3A_2144 = vector.extract_strided_slice %add3A_2142 {offsets = [0, 16], sizes = [448, 16], strides = [1, 1]} : vector<448x32xf32> to vector<448x16xf32>
    %add3A_2145 = arith.addf %slice3A_2143, %slice3A_2144 : vector<448x16xf32>
    %slice3A_2146 = vector.extract_strided_slice %select_n3A_269 {offsets = [0, 5], sizes = [448, 1], strides = [1, 1]} : vector<448x8xf32> to vector<448x1xf32>
    %mul3A_2147 = vector.broadcast %slice3A_2146 : vector<448x1xf32> to vector<448x16xf32>
    %mul3A_2148 = arith.mulf %mul3A_2147, %add3A_2145 : vector<448x16xf32>
    %add3A_2149 = arith.addf %mul3A_2129, %mul3A_2148 : vector<448x16xf32>
    %slice3A_2150 = vector.extract_strided_slice %dot_general3A_2110 {offsets = [0, 256], sizes = [448, 128], strides = [1, 1]} : vector<448x1024xf32> to vector<448x128xf32>
    %slice3A_2151 = vector.extract_strided_slice %add3A_354 {offsets = [0, 5], sizes = [448, 1], strides = [1, 1]} : vector<448x8xi32> to vector<448x1xi32>
    %eq3A_2152 = vector.broadcast %slice3A_2151 : vector<448x1xi32> to vector<448x128xi32>
    %eq3A_2153 = arith.cmpi eq, %eq3A_2152, %select_n3A_826 : vector<448x128xi32>
    %jit3A_2154 = arith.constant 0.000000e+00 : f32
    %broadcast_in_dim3A_2155 = vector.broadcast %jit3A_2154 : f32 to vector<448x128xf32>
    %select_n3A_2156 = arith.select %eq3A_2153, %slice3A_2150, %broadcast_in_dim3A_2155 : vector<448x128xi1>, vector<448x128xf32>
    %slice3A_2157 = vector.extract_strided_slice %select_n3A_2156 {offsets = [0, 0], sizes = [448, 64], strides = [1, 1]} : vector<448x128xf32> to vector<448x64xf32>
    %slice3A_2158 = vector.extract_strided_slice %select_n3A_2156 {offsets = [0, 64], sizes = [448, 64], strides = [1, 1]} : vector<448x128xf32> to vector<448x64xf32>
    %add3A_2159 = arith.addf %slice3A_2157, %slice3A_2158 : vector<448x64xf32>
    %slice3A_2160 = vector.extract_strided_slice %add3A_2159 {offsets = [0, 0], sizes = [448, 32], strides = [1, 1]} : vector<448x64xf32> to vector<448x32xf32>
    %slice3A_2161 = vector.extract_strided_slice %add3A_2159 {offsets = [0, 32], sizes = [448, 32], strides = [1, 1]} : vector<448x64xf32> to vector<448x32xf32>
    %add3A_2162 = arith.addf %slice3A_2160, %slice3A_2161 : vector<448x32xf32>
    %slice3A_2163 = vector.extract_strided_slice %add3A_2162 {offsets = [0, 0], sizes = [448, 16], strides = [1, 1]} : vector<448x32xf32> to vector<448x16xf32>
    %slice3A_2164 = vector.extract_strided_slice %add3A_2162 {offsets = [0, 16], sizes = [448, 16], strides = [1, 1]} : vector<448x32xf32> to vector<448x16xf32>
    %add3A_2165 = arith.addf %slice3A_2163, %slice3A_2164 : vector<448x16xf32>
    %slice3A_2166 = vector.extract_strided_slice %select_n3A_357 {offsets = [0, 5], sizes = [448, 1], strides = [1, 1]} : vector<448x8xf32> to vector<448x1xf32>
    %mul3A_2167 = vector.broadcast %slice3A_2166 : vector<448x1xf32> to vector<448x16xf32>
    %mul3A_2168 = arith.mulf %mul3A_2167, %add3A_2165 : vector<448x16xf32>
    %add3A_2169 = arith.addf %add3A_2149, %mul3A_2168 : vector<448x16xf32>
    %slice3A_2170 = vector.extract_strided_slice %dot_general3A_2110 {offsets = [0, 384], sizes = [448, 128], strides = [1, 1]} : vector<448x1024xf32> to vector<448x128xf32>
    %slice3A_2171 = vector.extract_strided_slice %add3A_442 {offsets = [0, 5], sizes = [448, 1], strides = [1, 1]} : vector<448x8xi32> to vector<448x1xi32>
    %eq3A_2172 = vector.broadcast %slice3A_2171 : vector<448x1xi32> to vector<448x128xi32>
    %eq3A_2173 = arith.cmpi eq, %eq3A_2172, %select_n3A_826 : vector<448x128xi32>
    %jit3A_2174 = arith.constant 0.000000e+00 : f32
    %broadcast_in_dim3A_2175 = vector.broadcast %jit3A_2174 : f32 to vector<448x128xf32>
    %select_n3A_2176 = arith.select %eq3A_2173, %slice3A_2170, %broadcast_in_dim3A_2175 : vector<448x128xi1>, vector<448x128xf32>
    %slice3A_2177 = vector.extract_strided_slice %select_n3A_2176 {offsets = [0, 0], sizes = [448, 64], strides = [1, 1]} : vector<448x128xf32> to vector<448x64xf32>
    %slice3A_2178 = vector.extract_strided_slice %select_n3A_2176 {offsets = [0, 64], sizes = [448, 64], strides = [1, 1]} : vector<448x128xf32> to vector<448x64xf32>
    %add3A_2179 = arith.addf %slice3A_2177, %slice3A_2178 : vector<448x64xf32>
    %slice3A_2180 = vector.extract_strided_slice %add3A_2179 {offsets = [0, 0], sizes = [448, 32], strides = [1, 1]} : vector<448x64xf32> to vector<448x32xf32>
    %slice3A_2181 = vector.extract_strided_slice %add3A_2179 {offsets = [0, 32], sizes = [448, 32], strides = [1, 1]} : vector<448x64xf32> to vector<448x32xf32>
    %add3A_2182 = arith.addf %slice3A_2180, %slice3A_2181 : vector<448x32xf32>
    %slice3A_2183 = vector.extract_strided_slice %add3A_2182 {offsets = [0, 0], sizes = [448, 16], strides = [1, 1]} : vector<448x32xf32> to vector<448x16xf32>
    %slice3A_2184 = vector.extract_strided_slice %add3A_2182 {offsets = [0, 16], sizes = [448, 16], strides = [1, 1]} : vector<448x32xf32> to vector<448x16xf32>
    %add3A_2185 = arith.addf %slice3A_2183, %slice3A_2184 : vector<448x16xf32>
    %slice3A_2186 = vector.extract_strided_slice %select_n3A_445 {offsets = [0, 5], sizes = [448, 1], strides = [1, 1]} : vector<448x8xf32> to vector<448x1xf32>
    %mul3A_2187 = vector.broadcast %slice3A_2186 : vector<448x1xf32> to vector<448x16xf32>
    %mul3A_2188 = arith.mulf %mul3A_2187, %add3A_2185 : vector<448x16xf32>
    %add3A_2189 = arith.addf %add3A_2169, %mul3A_2188 : vector<448x16xf32>
    %slice3A_2190 = vector.extract_strided_slice %dot_general3A_2110 {offsets = [0, 512], sizes = [448, 128], strides = [1, 1]} : vector<448x1024xf32> to vector<448x128xf32>
    %slice3A_2191 = vector.extract_strided_slice %add3A_530 {offsets = [0, 5], sizes = [448, 1], strides = [1, 1]} : vector<448x8xi32> to vector<448x1xi32>
    %eq3A_2192 = vector.broadcast %slice3A_2191 : vector<448x1xi32> to vector<448x128xi32>
    %eq3A_2193 = arith.cmpi eq, %eq3A_2192, %select_n3A_826 : vector<448x128xi32>
    %jit3A_2194 = arith.constant 0.000000e+00 : f32
    %broadcast_in_dim3A_2195 = vector.broadcast %jit3A_2194 : f32 to vector<448x128xf32>
    %select_n3A_2196 = arith.select %eq3A_2193, %slice3A_2190, %broadcast_in_dim3A_2195 : vector<448x128xi1>, vector<448x128xf32>
    %slice3A_2197 = vector.extract_strided_slice %select_n3A_2196 {offsets = [0, 0], sizes = [448, 64], strides = [1, 1]} : vector<448x128xf32> to vector<448x64xf32>
    %slice3A_2198 = vector.extract_strided_slice %select_n3A_2196 {offsets = [0, 64], sizes = [448, 64], strides = [1, 1]} : vector<448x128xf32> to vector<448x64xf32>
    %add3A_2199 = arith.addf %slice3A_2197, %slice3A_2198 : vector<448x64xf32>
    %slice3A_2200 = vector.extract_strided_slice %add3A_2199 {offsets = [0, 0], sizes = [448, 32], strides = [1, 1]} : vector<448x64xf32> to vector<448x32xf32>
    %slice3A_2201 = vector.extract_strided_slice %add3A_2199 {offsets = [0, 32], sizes = [448, 32], strides = [1, 1]} : vector<448x64xf32> to vector<448x32xf32>
    %add3A_2202 = arith.addf %slice3A_2200, %slice3A_2201 : vector<448x32xf32>
    %slice3A_2203 = vector.extract_strided_slice %add3A_2202 {offsets = [0, 0], sizes = [448, 16], strides = [1, 1]} : vector<448x32xf32> to vector<448x16xf32>
    %slice3A_2204 = vector.extract_strided_slice %add3A_2202 {offsets = [0, 16], sizes = [448, 16], strides = [1, 1]} : vector<448x32xf32> to vector<448x16xf32>
    %add3A_2205 = arith.addf %slice3A_2203, %slice3A_2204 : vector<448x16xf32>
    %slice3A_2206 = vector.extract_strided_slice %select_n3A_533 {offsets = [0, 5], sizes = [448, 1], strides = [1, 1]} : vector<448x8xf32> to vector<448x1xf32>
    %mul3A_2207 = vector.broadcast %slice3A_2206 : vector<448x1xf32> to vector<448x16xf32>
    %mul3A_2208 = arith.mulf %mul3A_2207, %add3A_2205 : vector<448x16xf32>
    %add3A_2209 = arith.addf %add3A_2189, %mul3A_2208 : vector<448x16xf32>
    %slice3A_2210 = vector.extract_strided_slice %dot_general3A_2110 {offsets = [0, 640], sizes = [448, 128], strides = [1, 1]} : vector<448x1024xf32> to vector<448x128xf32>
    %slice3A_2211 = vector.extract_strided_slice %add3A_618 {offsets = [0, 5], sizes = [448, 1], strides = [1, 1]} : vector<448x8xi32> to vector<448x1xi32>
    %eq3A_2212 = vector.broadcast %slice3A_2211 : vector<448x1xi32> to vector<448x128xi32>
    %eq3A_2213 = arith.cmpi eq, %eq3A_2212, %select_n3A_826 : vector<448x128xi32>
    %jit3A_2214 = arith.constant 0.000000e+00 : f32
    %broadcast_in_dim3A_2215 = vector.broadcast %jit3A_2214 : f32 to vector<448x128xf32>
    %select_n3A_2216 = arith.select %eq3A_2213, %slice3A_2210, %broadcast_in_dim3A_2215 : vector<448x128xi1>, vector<448x128xf32>
    %slice3A_2217 = vector.extract_strided_slice %select_n3A_2216 {offsets = [0, 0], sizes = [448, 64], strides = [1, 1]} : vector<448x128xf32> to vector<448x64xf32>
    %slice3A_2218 = vector.extract_strided_slice %select_n3A_2216 {offsets = [0, 64], sizes = [448, 64], strides = [1, 1]} : vector<448x128xf32> to vector<448x64xf32>
    %add3A_2219 = arith.addf %slice3A_2217, %slice3A_2218 : vector<448x64xf32>
    %slice3A_2220 = vector.extract_strided_slice %add3A_2219 {offsets = [0, 0], sizes = [448, 32], strides = [1, 1]} : vector<448x64xf32> to vector<448x32xf32>
    %slice3A_2221 = vector.extract_strided_slice %add3A_2219 {offsets = [0, 32], sizes = [448, 32], strides = [1, 1]} : vector<448x64xf32> to vector<448x32xf32>
    %add3A_2222 = arith.addf %slice3A_2220, %slice3A_2221 : vector<448x32xf32>
    %slice3A_2223 = vector.extract_strided_slice %add3A_2222 {offsets = [0, 0], sizes = [448, 16], strides = [1, 1]} : vector<448x32xf32> to vector<448x16xf32>
    %slice3A_2224 = vector.extract_strided_slice %add3A_2222 {offsets = [0, 16], sizes = [448, 16], strides = [1, 1]} : vector<448x32xf32> to vector<448x16xf32>
    %add3A_2225 = arith.addf %slice3A_2223, %slice3A_2224 : vector<448x16xf32>
    %slice3A_2226 = vector.extract_strided_slice %select_n3A_621 {offsets = [0, 5], sizes = [448, 1], strides = [1, 1]} : vector<448x8xf32> to vector<448x1xf32>
    %mul3A_2227 = vector.broadcast %slice3A_2226 : vector<448x1xf32> to vector<448x16xf32>
    %mul3A_2228 = arith.mulf %mul3A_2227, %add3A_2225 : vector<448x16xf32>
    %add3A_2229 = arith.addf %add3A_2209, %mul3A_2228 : vector<448x16xf32>
    %slice3A_2230 = vector.extract_strided_slice %dot_general3A_2110 {offsets = [0, 768], sizes = [448, 128], strides = [1, 1]} : vector<448x1024xf32> to vector<448x128xf32>
    %slice3A_2231 = vector.extract_strided_slice %add3A_706 {offsets = [0, 5], sizes = [448, 1], strides = [1, 1]} : vector<448x8xi32> to vector<448x1xi32>
    %eq3A_2232 = vector.broadcast %slice3A_2231 : vector<448x1xi32> to vector<448x128xi32>
    %eq3A_2233 = arith.cmpi eq, %eq3A_2232, %select_n3A_826 : vector<448x128xi32>
    %jit3A_2234 = arith.constant 0.000000e+00 : f32
    %broadcast_in_dim3A_2235 = vector.broadcast %jit3A_2234 : f32 to vector<448x128xf32>
    %select_n3A_2236 = arith.select %eq3A_2233, %slice3A_2230, %broadcast_in_dim3A_2235 : vector<448x128xi1>, vector<448x128xf32>
    %slice3A_2237 = vector.extract_strided_slice %select_n3A_2236 {offsets = [0, 0], sizes = [448, 64], strides = [1, 1]} : vector<448x128xf32> to vector<448x64xf32>
    %slice3A_2238 = vector.extract_strided_slice %select_n3A_2236 {offsets = [0, 64], sizes = [448, 64], strides = [1, 1]} : vector<448x128xf32> to vector<448x64xf32>
    %add3A_2239 = arith.addf %slice3A_2237, %slice3A_2238 : vector<448x64xf32>
    %slice3A_2240 = vector.extract_strided_slice %add3A_2239 {offsets = [0, 0], sizes = [448, 32], strides = [1, 1]} : vector<448x64xf32> to vector<448x32xf32>
    %slice3A_2241 = vector.extract_strided_slice %add3A_2239 {offsets = [0, 32], sizes = [448, 32], strides = [1, 1]} : vector<448x64xf32> to vector<448x32xf32>
    %add3A_2242 = arith.addf %slice3A_2240, %slice3A_2241 : vector<448x32xf32>
    %slice3A_2243 = vector.extract_strided_slice %add3A_2242 {offsets = [0, 0], sizes = [448, 16], strides = [1, 1]} : vector<448x32xf32> to vector<448x16xf32>
    %slice3A_2244 = vector.extract_strided_slice %add3A_2242 {offsets = [0, 16], sizes = [448, 16], strides = [1, 1]} : vector<448x32xf32> to vector<448x16xf32>
    %add3A_2245 = arith.addf %slice3A_2243, %slice3A_2244 : vector<448x16xf32>
    %slice3A_2246 = vector.extract_strided_slice %select_n3A_709 {offsets = [0, 5], sizes = [448, 1], strides = [1, 1]} : vector<448x8xf32> to vector<448x1xf32>
    %mul3A_2247 = vector.broadcast %slice3A_2246 : vector<448x1xf32> to vector<448x16xf32>
    %mul3A_2248 = arith.mulf %mul3A_2247, %add3A_2245 : vector<448x16xf32>
    %add3A_2249 = arith.addf %add3A_2229, %mul3A_2248 : vector<448x16xf32>
    %slice3A_2250 = vector.extract_strided_slice %dot_general3A_2110 {offsets = [0, 896], sizes = [448, 128], strides = [1, 1]} : vector<448x1024xf32> to vector<448x128xf32>
    %slice3A_2251 = vector.extract_strided_slice %add3A_794 {offsets = [0, 5], sizes = [448, 1], strides = [1, 1]} : vector<448x8xi32> to vector<448x1xi32>
    %eq3A_2252 = vector.broadcast %slice3A_2251 : vector<448x1xi32> to vector<448x128xi32>
    %eq3A_2253 = arith.cmpi eq, %eq3A_2252, %select_n3A_826 : vector<448x128xi32>
    %jit3A_2254 = arith.constant 0.000000e+00 : f32
    %broadcast_in_dim3A_2255 = vector.broadcast %jit3A_2254 : f32 to vector<448x128xf32>
    %select_n3A_2256 = arith.select %eq3A_2253, %slice3A_2250, %broadcast_in_dim3A_2255 : vector<448x128xi1>, vector<448x128xf32>
    %slice3A_2257 = vector.extract_strided_slice %select_n3A_2256 {offsets = [0, 0], sizes = [448, 64], strides = [1, 1]} : vector<448x128xf32> to vector<448x64xf32>
    %slice3A_2258 = vector.extract_strided_slice %select_n3A_2256 {offsets = [0, 64], sizes = [448, 64], strides = [1, 1]} : vector<448x128xf32> to vector<448x64xf32>
    %add3A_2259 = arith.addf %slice3A_2257, %slice3A_2258 : vector<448x64xf32>
    %slice3A_2260 = vector.extract_strided_slice %add3A_2259 {offsets = [0, 0], sizes = [448, 32], strides = [1, 1]} : vector<448x64xf32> to vector<448x32xf32>
    %slice3A_2261 = vector.extract_strided_slice %add3A_2259 {offsets = [0, 32], sizes = [448, 32], strides = [1, 1]} : vector<448x64xf32> to vector<448x32xf32>
    %add3A_2262 = arith.addf %slice3A_2260, %slice3A_2261 : vector<448x32xf32>
    %slice3A_2263 = vector.extract_strided_slice %add3A_2262 {offsets = [0, 0], sizes = [448, 16], strides = [1, 1]} : vector<448x32xf32> to vector<448x16xf32>
    %slice3A_2264 = vector.extract_strided_slice %add3A_2262 {offsets = [0, 16], sizes = [448, 16], strides = [1, 1]} : vector<448x32xf32> to vector<448x16xf32>
    %add3A_2265 = arith.addf %slice3A_2263, %slice3A_2264 : vector<448x16xf32>
    %slice3A_2266 = vector.extract_strided_slice %select_n3A_797 {offsets = [0, 5], sizes = [448, 1], strides = [1, 1]} : vector<448x8xf32> to vector<448x1xf32>
    %mul3A_2267 = vector.broadcast %slice3A_2266 : vector<448x1xf32> to vector<448x16xf32>
    %mul3A_2268 = arith.mulf %mul3A_2267, %add3A_2265 : vector<448x16xf32>
    %add3A_2269 = arith.addf %add3A_2249, %mul3A_2268 : vector<448x16xf32>
    %slice3A_2270 = vector.extract_strided_slice %add3A_2269 {offsets = [0, 12], sizes = [448, 1], strides = [1, 1]} : vector<448x16xf32> to vector<448x1xf32>
    %slice3A_2271 = vector.extract_strided_slice %add3A_2269 {offsets = [0, 0], sizes = [448, 1], strides = [1, 1]} : vector<448x16xf32> to vector<448x1xf32>
    %mul3A_2272 = arith.constant 0.282094806 : f32
    %mul3A_2273 = vector.broadcast %mul3A_2272 : f32 to vector<448x1xf32>
    %mul3A_2274 = arith.mulf %mul3A_2273, %slice3A_2271 : vector<448x1xf32>
    %slice3A_2275 = vector.extract_strided_slice %squeeze3A_830 {offsets = [0, 5], sizes = [1, 1], strides = [1, 1]} : vector<1x8xf32> to vector<1x1xf32>
    %mul3A_2276 = arith.constant 0.488602519 : f32
    %mul3A_2277 = vector.broadcast %mul3A_2276 : f32 to vector<1x1xf32>
    %mul3A_2278 = arith.mulf %mul3A_2277, %slice3A_2275 : vector<1x1xf32>
    %slice3A_2279 = vector.extract_strided_slice %add3A_2269 {offsets = [0, 1], sizes = [448, 1], strides = [1, 1]} : vector<448x16xf32> to vector<448x1xf32>
    %mul3A_2280 = vector.broadcast %mul3A_2278 : vector<1x1xf32> to vector<448x1xf32>
    %mul3A_2281 = arith.mulf %mul3A_2280, %slice3A_2279 : vector<448x1xf32>
    %sub3A_2282 = arith.subf %mul3A_2274, %mul3A_2281 : vector<448x1xf32>
    %slice3A_2283 = vector.extract_strided_slice %squeeze3A_832 {offsets = [0, 5], sizes = [1, 1], strides = [1, 1]} : vector<1x8xf32> to vector<1x1xf32>
    %mul3A_2284 = arith.constant 0.488602519 : f32
    %mul3A_2285 = vector.broadcast %mul3A_2284 : f32 to vector<1x1xf32>
    %mul3A_2286 = arith.mulf %mul3A_2285, %slice3A_2283 : vector<1x1xf32>
    %slice3A_2287 = vector.extract_strided_slice %add3A_2269 {offsets = [0, 2], sizes = [448, 1], strides = [1, 1]} : vector<448x16xf32> to vector<448x1xf32>
    %mul3A_2288 = vector.broadcast %mul3A_2286 : vector<1x1xf32> to vector<448x1xf32>
    %mul3A_2289 = arith.mulf %mul3A_2288, %slice3A_2287 : vector<448x1xf32>
    %add3A_2290 = arith.addf %sub3A_2282, %mul3A_2289 : vector<448x1xf32>
    %slice3A_2291 = vector.extract_strided_slice %squeeze3A_828 {offsets = [0, 5], sizes = [1, 1], strides = [1, 1]} : vector<1x8xf32> to vector<1x1xf32>
    %mul3A_2292 = arith.constant 0.488602519 : f32
    %mul3A_2293 = vector.broadcast %mul3A_2292 : f32 to vector<1x1xf32>
    %mul3A_2294 = arith.mulf %mul3A_2293, %slice3A_2291 : vector<1x1xf32>
    %slice3A_2295 = vector.extract_strided_slice %add3A_2269 {offsets = [0, 3], sizes = [448, 1], strides = [1, 1]} : vector<448x16xf32> to vector<448x1xf32>
    %mul3A_2296 = vector.broadcast %mul3A_2294 : vector<1x1xf32> to vector<448x1xf32>
    %mul3A_2297 = arith.mulf %mul3A_2296, %slice3A_2295 : vector<448x1xf32>
    %sub3A_2298 = arith.subf %add3A_2290, %mul3A_2297 : vector<448x1xf32>
    %slice3A_2299 = vector.extract_strided_slice %add3A_2269 {offsets = [0, 4], sizes = [448, 1], strides = [1, 1]} : vector<448x16xf32> to vector<448x1xf32>
    %mul3A_2300 = arith.constant 0.282094806 : f32
    %mul3A_2301 = vector.broadcast %mul3A_2300 : f32 to vector<448x1xf32>
    %mul3A_2302 = arith.mulf %mul3A_2301, %slice3A_2299 : vector<448x1xf32>
    %slice3A_2303 = vector.extract_strided_slice %squeeze3A_830 {offsets = [0, 5], sizes = [1, 1], strides = [1, 1]} : vector<1x8xf32> to vector<1x1xf32>
    %mul3A_2304 = arith.constant 0.488602519 : f32
    %mul3A_2305 = vector.broadcast %mul3A_2304 : f32 to vector<1x1xf32>
    %mul3A_2306 = arith.mulf %mul3A_2305, %slice3A_2303 : vector<1x1xf32>
    %slice3A_2307 = vector.extract_strided_slice %add3A_2269 {offsets = [0, 5], sizes = [448, 1], strides = [1, 1]} : vector<448x16xf32> to vector<448x1xf32>
    %mul3A_2308 = vector.broadcast %mul3A_2306 : vector<1x1xf32> to vector<448x1xf32>
    %mul3A_2309 = arith.mulf %mul3A_2308, %slice3A_2307 : vector<448x1xf32>
    %sub3A_2310 = arith.subf %mul3A_2302, %mul3A_2309 : vector<448x1xf32>
    %slice3A_2311 = vector.extract_strided_slice %squeeze3A_832 {offsets = [0, 5], sizes = [1, 1], strides = [1, 1]} : vector<1x8xf32> to vector<1x1xf32>
    %mul3A_2312 = arith.constant 0.488602519 : f32
    %mul3A_2313 = vector.broadcast %mul3A_2312 : f32 to vector<1x1xf32>
    %mul3A_2314 = arith.mulf %mul3A_2313, %slice3A_2311 : vector<1x1xf32>
    %slice3A_2315 = vector.extract_strided_slice %add3A_2269 {offsets = [0, 6], sizes = [448, 1], strides = [1, 1]} : vector<448x16xf32> to vector<448x1xf32>
    %mul3A_2316 = vector.broadcast %mul3A_2314 : vector<1x1xf32> to vector<448x1xf32>
    %mul3A_2317 = arith.mulf %mul3A_2316, %slice3A_2315 : vector<448x1xf32>
    %add3A_2318 = arith.addf %sub3A_2310, %mul3A_2317 : vector<448x1xf32>
    %slice3A_2319 = vector.extract_strided_slice %squeeze3A_828 {offsets = [0, 5], sizes = [1, 1], strides = [1, 1]} : vector<1x8xf32> to vector<1x1xf32>
    %mul3A_2320 = arith.constant 0.488602519 : f32
    %mul3A_2321 = vector.broadcast %mul3A_2320 : f32 to vector<1x1xf32>
    %mul3A_2322 = arith.mulf %mul3A_2321, %slice3A_2319 : vector<1x1xf32>
    %slice3A_2323 = vector.extract_strided_slice %add3A_2269 {offsets = [0, 7], sizes = [448, 1], strides = [1, 1]} : vector<448x16xf32> to vector<448x1xf32>
    %mul3A_2324 = vector.broadcast %mul3A_2322 : vector<1x1xf32> to vector<448x1xf32>
    %mul3A_2325 = arith.mulf %mul3A_2324, %slice3A_2323 : vector<448x1xf32>
    %sub3A_2326 = arith.subf %add3A_2318, %mul3A_2325 : vector<448x1xf32>
    %slice3A_2327 = vector.extract_strided_slice %add3A_2269 {offsets = [0, 8], sizes = [448, 1], strides = [1, 1]} : vector<448x16xf32> to vector<448x1xf32>
    %mul3A_2328 = arith.constant 0.282094806 : f32
    %mul3A_2329 = vector.broadcast %mul3A_2328 : f32 to vector<448x1xf32>
    %mul3A_2330 = arith.mulf %mul3A_2329, %slice3A_2327 : vector<448x1xf32>
    %slice3A_2331 = vector.extract_strided_slice %squeeze3A_830 {offsets = [0, 5], sizes = [1, 1], strides = [1, 1]} : vector<1x8xf32> to vector<1x1xf32>
    %mul3A_2332 = arith.constant 0.488602519 : f32
    %mul3A_2333 = vector.broadcast %mul3A_2332 : f32 to vector<1x1xf32>
    %mul3A_2334 = arith.mulf %mul3A_2333, %slice3A_2331 : vector<1x1xf32>
    %slice3A_2335 = vector.extract_strided_slice %add3A_2269 {offsets = [0, 9], sizes = [448, 1], strides = [1, 1]} : vector<448x16xf32> to vector<448x1xf32>
    %mul3A_2336 = vector.broadcast %mul3A_2334 : vector<1x1xf32> to vector<448x1xf32>
    %mul3A_2337 = arith.mulf %mul3A_2336, %slice3A_2335 : vector<448x1xf32>
    %sub3A_2338 = arith.subf %mul3A_2330, %mul3A_2337 : vector<448x1xf32>
    %slice3A_2339 = vector.extract_strided_slice %squeeze3A_832 {offsets = [0, 5], sizes = [1, 1], strides = [1, 1]} : vector<1x8xf32> to vector<1x1xf32>
    %mul3A_2340 = arith.constant 0.488602519 : f32
    %mul3A_2341 = vector.broadcast %mul3A_2340 : f32 to vector<1x1xf32>
    %mul3A_2342 = arith.mulf %mul3A_2341, %slice3A_2339 : vector<1x1xf32>
    %slice3A_2343 = vector.extract_strided_slice %add3A_2269 {offsets = [0, 10], sizes = [448, 1], strides = [1, 1]} : vector<448x16xf32> to vector<448x1xf32>
    %mul3A_2344 = vector.broadcast %mul3A_2342 : vector<1x1xf32> to vector<448x1xf32>
    %mul3A_2345 = arith.mulf %mul3A_2344, %slice3A_2343 : vector<448x1xf32>
    %add3A_2346 = arith.addf %sub3A_2338, %mul3A_2345 : vector<448x1xf32>
    %slice3A_2347 = vector.extract_strided_slice %squeeze3A_828 {offsets = [0, 5], sizes = [1, 1], strides = [1, 1]} : vector<1x8xf32> to vector<1x1xf32>
    %mul3A_2348 = arith.constant 0.488602519 : f32
    %mul3A_2349 = vector.broadcast %mul3A_2348 : f32 to vector<1x1xf32>
    %mul3A_2350 = arith.mulf %mul3A_2349, %slice3A_2347 : vector<1x1xf32>
    %slice3A_2351 = vector.extract_strided_slice %add3A_2269 {offsets = [0, 11], sizes = [448, 1], strides = [1, 1]} : vector<448x16xf32> to vector<448x1xf32>
    %mul3A_2352 = vector.broadcast %mul3A_2350 : vector<1x1xf32> to vector<448x1xf32>
    %mul3A_2353 = arith.mulf %mul3A_2352, %slice3A_2351 : vector<448x1xf32>
    %sub3A_2354 = arith.subf %add3A_2346, %mul3A_2353 : vector<448x1xf32>
    %get3A_2355 = arith.constant 6 : index
    %get3A_2356 = arith.constant 0 : index
    %get3A_2357 = arith.constant 0 : index
    %get3A_2358 = vector.load %arg1[%get3A_2355, %get3A_2356, %get3A_2357] : memref<8x448x256xbf16, #tpu.memory_space<vmem>>, vector<1x448x256xbf16>
    %get3A_2359 = vector.shape_cast %get3A_2358 : vector<1x448x256xbf16> to vector<448x256xbf16>
    %get3A_2360 = arith.constant 0 : index
    %get3A_2361 = arith.constant 0 : index
    %get3A_2362 = vector.load %arg4[%get3A_2360, %get3A_2361] : memref<256x1024xbf16, #tpu.memory_space<vmem>>, vector<256x1024xbf16>
    %dot_general3A_2363 = arith.constant dense<0.000000e+00> : vector<448x1024xf32>
    %dot_general3A_2364 = tpu.matmul %get3A_2359, %get3A_2362, %dot_general3A_2363 {dimension_numbers = #tpu.dot_dimension_numbers<[1], [0], [0], [1], [0, 0, 1, 1], [], []>, transpose_lhs_hint = false} : vector<448x256xbf16>, vector<256x1024xbf16>, vector<448x1024xf32> -> vector<448x1024xf32>
    %slice3A_2365 = vector.extract_strided_slice %dot_general3A_2364 {offsets = [0, 0], sizes = [448, 128], strides = [1, 1]} : vector<448x1024xf32> to vector<448x128xf32>
    %slice3A_2366 = vector.extract_strided_slice %add3A_180 {offsets = [0, 6], sizes = [448, 1], strides = [1, 1]} : vector<448x8xi32> to vector<448x1xi32>
    %eq3A_2367 = vector.broadcast %slice3A_2366 : vector<448x1xi32> to vector<448x128xi32>
    %eq3A_2368 = arith.cmpi eq, %eq3A_2367, %select_n3A_826 : vector<448x128xi32>
    %jit3A_2369 = arith.constant 0.000000e+00 : f32
    %broadcast_in_dim3A_2370 = vector.broadcast %jit3A_2369 : f32 to vector<448x128xf32>
    %select_n3A_2371 = arith.select %eq3A_2368, %slice3A_2365, %broadcast_in_dim3A_2370 : vector<448x128xi1>, vector<448x128xf32>
    %slice3A_2372 = vector.extract_strided_slice %select_n3A_2371 {offsets = [0, 0], sizes = [448, 64], strides = [1, 1]} : vector<448x128xf32> to vector<448x64xf32>
    %slice3A_2373 = vector.extract_strided_slice %select_n3A_2371 {offsets = [0, 64], sizes = [448, 64], strides = [1, 1]} : vector<448x128xf32> to vector<448x64xf32>
    %add3A_2374 = arith.addf %slice3A_2372, %slice3A_2373 : vector<448x64xf32>
    %slice3A_2375 = vector.extract_strided_slice %add3A_2374 {offsets = [0, 0], sizes = [448, 32], strides = [1, 1]} : vector<448x64xf32> to vector<448x32xf32>
    %slice3A_2376 = vector.extract_strided_slice %add3A_2374 {offsets = [0, 32], sizes = [448, 32], strides = [1, 1]} : vector<448x64xf32> to vector<448x32xf32>
    %add3A_2377 = arith.addf %slice3A_2375, %slice3A_2376 : vector<448x32xf32>
    %slice3A_2378 = vector.extract_strided_slice %add3A_2377 {offsets = [0, 0], sizes = [448, 16], strides = [1, 1]} : vector<448x32xf32> to vector<448x16xf32>
    %slice3A_2379 = vector.extract_strided_slice %add3A_2377 {offsets = [0, 16], sizes = [448, 16], strides = [1, 1]} : vector<448x32xf32> to vector<448x16xf32>
    %add3A_2380 = arith.addf %slice3A_2378, %slice3A_2379 : vector<448x16xf32>
    %slice3A_2381 = vector.extract_strided_slice %select_n3A {offsets = [0, 6], sizes = [448, 1], strides = [1, 1]} : vector<448x8xf32> to vector<448x1xf32>
    %mul3A_2382 = vector.broadcast %slice3A_2381 : vector<448x1xf32> to vector<448x16xf32>
    %mul3A_2383 = arith.mulf %mul3A_2382, %add3A_2380 : vector<448x16xf32>
    %slice3A_2384 = vector.extract_strided_slice %dot_general3A_2364 {offsets = [0, 128], sizes = [448, 128], strides = [1, 1]} : vector<448x1024xf32> to vector<448x128xf32>
    %slice3A_2385 = vector.extract_strided_slice %add3A_266 {offsets = [0, 6], sizes = [448, 1], strides = [1, 1]} : vector<448x8xi32> to vector<448x1xi32>
    %eq3A_2386 = vector.broadcast %slice3A_2385 : vector<448x1xi32> to vector<448x128xi32>
    %eq3A_2387 = arith.cmpi eq, %eq3A_2386, %select_n3A_826 : vector<448x128xi32>
    %jit3A_2388 = arith.constant 0.000000e+00 : f32
    %broadcast_in_dim3A_2389 = vector.broadcast %jit3A_2388 : f32 to vector<448x128xf32>
    %select_n3A_2390 = arith.select %eq3A_2387, %slice3A_2384, %broadcast_in_dim3A_2389 : vector<448x128xi1>, vector<448x128xf32>
    %slice3A_2391 = vector.extract_strided_slice %select_n3A_2390 {offsets = [0, 0], sizes = [448, 64], strides = [1, 1]} : vector<448x128xf32> to vector<448x64xf32>
    %slice3A_2392 = vector.extract_strided_slice %select_n3A_2390 {offsets = [0, 64], sizes = [448, 64], strides = [1, 1]} : vector<448x128xf32> to vector<448x64xf32>
    %add3A_2393 = arith.addf %slice3A_2391, %slice3A_2392 : vector<448x64xf32>
    %slice3A_2394 = vector.extract_strided_slice %add3A_2393 {offsets = [0, 0], sizes = [448, 32], strides = [1, 1]} : vector<448x64xf32> to vector<448x32xf32>
    %slice3A_2395 = vector.extract_strided_slice %add3A_2393 {offsets = [0, 32], sizes = [448, 32], strides = [1, 1]} : vector<448x64xf32> to vector<448x32xf32>
    %add3A_2396 = arith.addf %slice3A_2394, %slice3A_2395 : vector<448x32xf32>
    %slice3A_2397 = vector.extract_strided_slice %add3A_2396 {offsets = [0, 0], sizes = [448, 16], strides = [1, 1]} : vector<448x32xf32> to vector<448x16xf32>
    %slice3A_2398 = vector.extract_strided_slice %add3A_2396 {offsets = [0, 16], sizes = [448, 16], strides = [1, 1]} : vector<448x32xf32> to vector<448x16xf32>
    %add3A_2399 = arith.addf %slice3A_2397, %slice3A_2398 : vector<448x16xf32>
    %slice3A_2400 = vector.extract_strided_slice %select_n3A_269 {offsets = [0, 6], sizes = [448, 1], strides = [1, 1]} : vector<448x8xf32> to vector<448x1xf32>
    %mul3A_2401 = vector.broadcast %slice3A_2400 : vector<448x1xf32> to vector<448x16xf32>
    %mul3A_2402 = arith.mulf %mul3A_2401, %add3A_2399 : vector<448x16xf32>
    %add3A_2403 = arith.addf %mul3A_2383, %mul3A_2402 : vector<448x16xf32>
    %slice3A_2404 = vector.extract_strided_slice %dot_general3A_2364 {offsets = [0, 256], sizes = [448, 128], strides = [1, 1]} : vector<448x1024xf32> to vector<448x128xf32>
    %slice3A_2405 = vector.extract_strided_slice %add3A_354 {offsets = [0, 6], sizes = [448, 1], strides = [1, 1]} : vector<448x8xi32> to vector<448x1xi32>
    %eq3A_2406 = vector.broadcast %slice3A_2405 : vector<448x1xi32> to vector<448x128xi32>
    %eq3A_2407 = arith.cmpi eq, %eq3A_2406, %select_n3A_826 : vector<448x128xi32>
    %jit3A_2408 = arith.constant 0.000000e+00 : f32
    %broadcast_in_dim3A_2409 = vector.broadcast %jit3A_2408 : f32 to vector<448x128xf32>
    %select_n3A_2410 = arith.select %eq3A_2407, %slice3A_2404, %broadcast_in_dim3A_2409 : vector<448x128xi1>, vector<448x128xf32>
    %slice3A_2411 = vector.extract_strided_slice %select_n3A_2410 {offsets = [0, 0], sizes = [448, 64], strides = [1, 1]} : vector<448x128xf32> to vector<448x64xf32>
    %slice3A_2412 = vector.extract_strided_slice %select_n3A_2410 {offsets = [0, 64], sizes = [448, 64], strides = [1, 1]} : vector<448x128xf32> to vector<448x64xf32>
    %add3A_2413 = arith.addf %slice3A_2411, %slice3A_2412 : vector<448x64xf32>
    %slice3A_2414 = vector.extract_strided_slice %add3A_2413 {offsets = [0, 0], sizes = [448, 32], strides = [1, 1]} : vector<448x64xf32> to vector<448x32xf32>
    %slice3A_2415 = vector.extract_strided_slice %add3A_2413 {offsets = [0, 32], sizes = [448, 32], strides = [1, 1]} : vector<448x64xf32> to vector<448x32xf32>
    %add3A_2416 = arith.addf %slice3A_2414, %slice3A_2415 : vector<448x32xf32>
    %slice3A_2417 = vector.extract_strided_slice %add3A_2416 {offsets = [0, 0], sizes = [448, 16], strides = [1, 1]} : vector<448x32xf32> to vector<448x16xf32>
    %slice3A_2418 = vector.extract_strided_slice %add3A_2416 {offsets = [0, 16], sizes = [448, 16], strides = [1, 1]} : vector<448x32xf32> to vector<448x16xf32>
    %add3A_2419 = arith.addf %slice3A_2417, %slice3A_2418 : vector<448x16xf32>
    %slice3A_2420 = vector.extract_strided_slice %select_n3A_357 {offsets = [0, 6], sizes = [448, 1], strides = [1, 1]} : vector<448x8xf32> to vector<448x1xf32>
    %mul3A_2421 = vector.broadcast %slice3A_2420 : vector<448x1xf32> to vector<448x16xf32>
    %mul3A_2422 = arith.mulf %mul3A_2421, %add3A_2419 : vector<448x16xf32>
    %add3A_2423 = arith.addf %add3A_2403, %mul3A_2422 : vector<448x16xf32>
    %slice3A_2424 = vector.extract_strided_slice %dot_general3A_2364 {offsets = [0, 384], sizes = [448, 128], strides = [1, 1]} : vector<448x1024xf32> to vector<448x128xf32>
    %slice3A_2425 = vector.extract_strided_slice %add3A_442 {offsets = [0, 6], sizes = [448, 1], strides = [1, 1]} : vector<448x8xi32> to vector<448x1xi32>
    %eq3A_2426 = vector.broadcast %slice3A_2425 : vector<448x1xi32> to vector<448x128xi32>
    %eq3A_2427 = arith.cmpi eq, %eq3A_2426, %select_n3A_826 : vector<448x128xi32>
    %jit3A_2428 = arith.constant 0.000000e+00 : f32
    %broadcast_in_dim3A_2429 = vector.broadcast %jit3A_2428 : f32 to vector<448x128xf32>
    %select_n3A_2430 = arith.select %eq3A_2427, %slice3A_2424, %broadcast_in_dim3A_2429 : vector<448x128xi1>, vector<448x128xf32>
    %slice3A_2431 = vector.extract_strided_slice %select_n3A_2430 {offsets = [0, 0], sizes = [448, 64], strides = [1, 1]} : vector<448x128xf32> to vector<448x64xf32>
    %slice3A_2432 = vector.extract_strided_slice %select_n3A_2430 {offsets = [0, 64], sizes = [448, 64], strides = [1, 1]} : vector<448x128xf32> to vector<448x64xf32>
    %add3A_2433 = arith.addf %slice3A_2431, %slice3A_2432 : vector<448x64xf32>
    %slice3A_2434 = vector.extract_strided_slice %add3A_2433 {offsets = [0, 0], sizes = [448, 32], strides = [1, 1]} : vector<448x64xf32> to vector<448x32xf32>
    %slice3A_2435 = vector.extract_strided_slice %add3A_2433 {offsets = [0, 32], sizes = [448, 32], strides = [1, 1]} : vector<448x64xf32> to vector<448x32xf32>
    %add3A_2436 = arith.addf %slice3A_2434, %slice3A_2435 : vector<448x32xf32>
    %slice3A_2437 = vector.extract_strided_slice %add3A_2436 {offsets = [0, 0], sizes = [448, 16], strides = [1, 1]} : vector<448x32xf32> to vector<448x16xf32>
    %slice3A_2438 = vector.extract_strided_slice %add3A_2436 {offsets = [0, 16], sizes = [448, 16], strides = [1, 1]} : vector<448x32xf32> to vector<448x16xf32>
    %add3A_2439 = arith.addf %slice3A_2437, %slice3A_2438 : vector<448x16xf32>
    %slice3A_2440 = vector.extract_strided_slice %select_n3A_445 {offsets = [0, 6], sizes = [448, 1], strides = [1, 1]} : vector<448x8xf32> to vector<448x1xf32>
    %mul3A_2441 = vector.broadcast %slice3A_2440 : vector<448x1xf32> to vector<448x16xf32>
    %mul3A_2442 = arith.mulf %mul3A_2441, %add3A_2439 : vector<448x16xf32>
    %add3A_2443 = arith.addf %add3A_2423, %mul3A_2442 : vector<448x16xf32>
    %slice3A_2444 = vector.extract_strided_slice %dot_general3A_2364 {offsets = [0, 512], sizes = [448, 128], strides = [1, 1]} : vector<448x1024xf32> to vector<448x128xf32>
    %slice3A_2445 = vector.extract_strided_slice %add3A_530 {offsets = [0, 6], sizes = [448, 1], strides = [1, 1]} : vector<448x8xi32> to vector<448x1xi32>
    %eq3A_2446 = vector.broadcast %slice3A_2445 : vector<448x1xi32> to vector<448x128xi32>
    %eq3A_2447 = arith.cmpi eq, %eq3A_2446, %select_n3A_826 : vector<448x128xi32>
    %jit3A_2448 = arith.constant 0.000000e+00 : f32
    %broadcast_in_dim3A_2449 = vector.broadcast %jit3A_2448 : f32 to vector<448x128xf32>
    %select_n3A_2450 = arith.select %eq3A_2447, %slice3A_2444, %broadcast_in_dim3A_2449 : vector<448x128xi1>, vector<448x128xf32>
    %slice3A_2451 = vector.extract_strided_slice %select_n3A_2450 {offsets = [0, 0], sizes = [448, 64], strides = [1, 1]} : vector<448x128xf32> to vector<448x64xf32>
    %slice3A_2452 = vector.extract_strided_slice %select_n3A_2450 {offsets = [0, 64], sizes = [448, 64], strides = [1, 1]} : vector<448x128xf32> to vector<448x64xf32>
    %add3A_2453 = arith.addf %slice3A_2451, %slice3A_2452 : vector<448x64xf32>
    %slice3A_2454 = vector.extract_strided_slice %add3A_2453 {offsets = [0, 0], sizes = [448, 32], strides = [1, 1]} : vector<448x64xf32> to vector<448x32xf32>
    %slice3A_2455 = vector.extract_strided_slice %add3A_2453 {offsets = [0, 32], sizes = [448, 32], strides = [1, 1]} : vector<448x64xf32> to vector<448x32xf32>
    %add3A_2456 = arith.addf %slice3A_2454, %slice3A_2455 : vector<448x32xf32>
    %slice3A_2457 = vector.extract_strided_slice %add3A_2456 {offsets = [0, 0], sizes = [448, 16], strides = [1, 1]} : vector<448x32xf32> to vector<448x16xf32>
    %slice3A_2458 = vector.extract_strided_slice %add3A_2456 {offsets = [0, 16], sizes = [448, 16], strides = [1, 1]} : vector<448x32xf32> to vector<448x16xf32>
    %add3A_2459 = arith.addf %slice3A_2457, %slice3A_2458 : vector<448x16xf32>
    %slice3A_2460 = vector.extract_strided_slice %select_n3A_533 {offsets = [0, 6], sizes = [448, 1], strides = [1, 1]} : vector<448x8xf32> to vector<448x1xf32>
    %mul3A_2461 = vector.broadcast %slice3A_2460 : vector<448x1xf32> to vector<448x16xf32>
    %mul3A_2462 = arith.mulf %mul3A_2461, %add3A_2459 : vector<448x16xf32>
    %add3A_2463 = arith.addf %add3A_2443, %mul3A_2462 : vector<448x16xf32>
    %slice3A_2464 = vector.extract_strided_slice %dot_general3A_2364 {offsets = [0, 640], sizes = [448, 128], strides = [1, 1]} : vector<448x1024xf32> to vector<448x128xf32>
    %slice3A_2465 = vector.extract_strided_slice %add3A_618 {offsets = [0, 6], sizes = [448, 1], strides = [1, 1]} : vector<448x8xi32> to vector<448x1xi32>
    %eq3A_2466 = vector.broadcast %slice3A_2465 : vector<448x1xi32> to vector<448x128xi32>
    %eq3A_2467 = arith.cmpi eq, %eq3A_2466, %select_n3A_826 : vector<448x128xi32>
    %jit3A_2468 = arith.constant 0.000000e+00 : f32
    %broadcast_in_dim3A_2469 = vector.broadcast %jit3A_2468 : f32 to vector<448x128xf32>
    %select_n3A_2470 = arith.select %eq3A_2467, %slice3A_2464, %broadcast_in_dim3A_2469 : vector<448x128xi1>, vector<448x128xf32>
    %slice3A_2471 = vector.extract_strided_slice %select_n3A_2470 {offsets = [0, 0], sizes = [448, 64], strides = [1, 1]} : vector<448x128xf32> to vector<448x64xf32>
    %slice3A_2472 = vector.extract_strided_slice %select_n3A_2470 {offsets = [0, 64], sizes = [448, 64], strides = [1, 1]} : vector<448x128xf32> to vector<448x64xf32>
    %add3A_2473 = arith.addf %slice3A_2471, %slice3A_2472 : vector<448x64xf32>
    %slice3A_2474 = vector.extract_strided_slice %add3A_2473 {offsets = [0, 0], sizes = [448, 32], strides = [1, 1]} : vector<448x64xf32> to vector<448x32xf32>
    %slice3A_2475 = vector.extract_strided_slice %add3A_2473 {offsets = [0, 32], sizes = [448, 32], strides = [1, 1]} : vector<448x64xf32> to vector<448x32xf32>
    %add3A_2476 = arith.addf %slice3A_2474, %slice3A_2475 : vector<448x32xf32>
    %slice3A_2477 = vector.extract_strided_slice %add3A_2476 {offsets = [0, 0], sizes = [448, 16], strides = [1, 1]} : vector<448x32xf32> to vector<448x16xf32>
    %slice3A_2478 = vector.extract_strided_slice %add3A_2476 {offsets = [0, 16], sizes = [448, 16], strides = [1, 1]} : vector<448x32xf32> to vector<448x16xf32>
    %add3A_2479 = arith.addf %slice3A_2477, %slice3A_2478 : vector<448x16xf32>
    %slice3A_2480 = vector.extract_strided_slice %select_n3A_621 {offsets = [0, 6], sizes = [448, 1], strides = [1, 1]} : vector<448x8xf32> to vector<448x1xf32>
    %mul3A_2481 = vector.broadcast %slice3A_2480 : vector<448x1xf32> to vector<448x16xf32>
    %mul3A_2482 = arith.mulf %mul3A_2481, %add3A_2479 : vector<448x16xf32>
    %add3A_2483 = arith.addf %add3A_2463, %mul3A_2482 : vector<448x16xf32>
    %slice3A_2484 = vector.extract_strided_slice %dot_general3A_2364 {offsets = [0, 768], sizes = [448, 128], strides = [1, 1]} : vector<448x1024xf32> to vector<448x128xf32>
    %slice3A_2485 = vector.extract_strided_slice %add3A_706 {offsets = [0, 6], sizes = [448, 1], strides = [1, 1]} : vector<448x8xi32> to vector<448x1xi32>
    %eq3A_2486 = vector.broadcast %slice3A_2485 : vector<448x1xi32> to vector<448x128xi32>
    %eq3A_2487 = arith.cmpi eq, %eq3A_2486, %select_n3A_826 : vector<448x128xi32>
    %jit3A_2488 = arith.constant 0.000000e+00 : f32
    %broadcast_in_dim3A_2489 = vector.broadcast %jit3A_2488 : f32 to vector<448x128xf32>
    %select_n3A_2490 = arith.select %eq3A_2487, %slice3A_2484, %broadcast_in_dim3A_2489 : vector<448x128xi1>, vector<448x128xf32>
    %slice3A_2491 = vector.extract_strided_slice %select_n3A_2490 {offsets = [0, 0], sizes = [448, 64], strides = [1, 1]} : vector<448x128xf32> to vector<448x64xf32>
    %slice3A_2492 = vector.extract_strided_slice %select_n3A_2490 {offsets = [0, 64], sizes = [448, 64], strides = [1, 1]} : vector<448x128xf32> to vector<448x64xf32>
    %add3A_2493 = arith.addf %slice3A_2491, %slice3A_2492 : vector<448x64xf32>
    %slice3A_2494 = vector.extract_strided_slice %add3A_2493 {offsets = [0, 0], sizes = [448, 32], strides = [1, 1]} : vector<448x64xf32> to vector<448x32xf32>
    %slice3A_2495 = vector.extract_strided_slice %add3A_2493 {offsets = [0, 32], sizes = [448, 32], strides = [1, 1]} : vector<448x64xf32> to vector<448x32xf32>
    %add3A_2496 = arith.addf %slice3A_2494, %slice3A_2495 : vector<448x32xf32>
    %slice3A_2497 = vector.extract_strided_slice %add3A_2496 {offsets = [0, 0], sizes = [448, 16], strides = [1, 1]} : vector<448x32xf32> to vector<448x16xf32>
    %slice3A_2498 = vector.extract_strided_slice %add3A_2496 {offsets = [0, 16], sizes = [448, 16], strides = [1, 1]} : vector<448x32xf32> to vector<448x16xf32>
    %add3A_2499 = arith.addf %slice3A_2497, %slice3A_2498 : vector<448x16xf32>
    %slice3A_2500 = vector.extract_strided_slice %select_n3A_709 {offsets = [0, 6], sizes = [448, 1], strides = [1, 1]} : vector<448x8xf32> to vector<448x1xf32>
    %mul3A_2501 = vector.broadcast %slice3A_2500 : vector<448x1xf32> to vector<448x16xf32>
    %mul3A_2502 = arith.mulf %mul3A_2501, %add3A_2499 : vector<448x16xf32>
    %add3A_2503 = arith.addf %add3A_2483, %mul3A_2502 : vector<448x16xf32>
    %slice3A_2504 = vector.extract_strided_slice %dot_general3A_2364 {offsets = [0, 896], sizes = [448, 128], strides = [1, 1]} : vector<448x1024xf32> to vector<448x128xf32>
    %slice3A_2505 = vector.extract_strided_slice %add3A_794 {offsets = [0, 6], sizes = [448, 1], strides = [1, 1]} : vector<448x8xi32> to vector<448x1xi32>
    %eq3A_2506 = vector.broadcast %slice3A_2505 : vector<448x1xi32> to vector<448x128xi32>
    %eq3A_2507 = arith.cmpi eq, %eq3A_2506, %select_n3A_826 : vector<448x128xi32>
    %jit3A_2508 = arith.constant 0.000000e+00 : f32
    %broadcast_in_dim3A_2509 = vector.broadcast %jit3A_2508 : f32 to vector<448x128xf32>
    %select_n3A_2510 = arith.select %eq3A_2507, %slice3A_2504, %broadcast_in_dim3A_2509 : vector<448x128xi1>, vector<448x128xf32>
    %slice3A_2511 = vector.extract_strided_slice %select_n3A_2510 {offsets = [0, 0], sizes = [448, 64], strides = [1, 1]} : vector<448x128xf32> to vector<448x64xf32>
    %slice3A_2512 = vector.extract_strided_slice %select_n3A_2510 {offsets = [0, 64], sizes = [448, 64], strides = [1, 1]} : vector<448x128xf32> to vector<448x64xf32>
    %add3A_2513 = arith.addf %slice3A_2511, %slice3A_2512 : vector<448x64xf32>
    %slice3A_2514 = vector.extract_strided_slice %add3A_2513 {offsets = [0, 0], sizes = [448, 32], strides = [1, 1]} : vector<448x64xf32> to vector<448x32xf32>
    %slice3A_2515 = vector.extract_strided_slice %add3A_2513 {offsets = [0, 32], sizes = [448, 32], strides = [1, 1]} : vector<448x64xf32> to vector<448x32xf32>
    %add3A_2516 = arith.addf %slice3A_2514, %slice3A_2515 : vector<448x32xf32>
    %slice3A_2517 = vector.extract_strided_slice %add3A_2516 {offsets = [0, 0], sizes = [448, 16], strides = [1, 1]} : vector<448x32xf32> to vector<448x16xf32>
    %slice3A_2518 = vector.extract_strided_slice %add3A_2516 {offsets = [0, 16], sizes = [448, 16], strides = [1, 1]} : vector<448x32xf32> to vector<448x16xf32>
    %add3A_2519 = arith.addf %slice3A_2517, %slice3A_2518 : vector<448x16xf32>
    %slice3A_2520 = vector.extract_strided_slice %select_n3A_797 {offsets = [0, 6], sizes = [448, 1], strides = [1, 1]} : vector<448x8xf32> to vector<448x1xf32>
    %mul3A_2521 = vector.broadcast %slice3A_2520 : vector<448x1xf32> to vector<448x16xf32>
    %mul3A_2522 = arith.mulf %mul3A_2521, %add3A_2519 : vector<448x16xf32>
    %add3A_2523 = arith.addf %add3A_2503, %mul3A_2522 : vector<448x16xf32>
    %slice3A_2524 = vector.extract_strided_slice %add3A_2523 {offsets = [0, 12], sizes = [448, 1], strides = [1, 1]} : vector<448x16xf32> to vector<448x1xf32>
    %slice3A_2525 = vector.extract_strided_slice %add3A_2523 {offsets = [0, 0], sizes = [448, 1], strides = [1, 1]} : vector<448x16xf32> to vector<448x1xf32>
    %mul3A_2526 = arith.constant 0.282094806 : f32
    %mul3A_2527 = vector.broadcast %mul3A_2526 : f32 to vector<448x1xf32>
    %mul3A_2528 = arith.mulf %mul3A_2527, %slice3A_2525 : vector<448x1xf32>
    %slice3A_2529 = vector.extract_strided_slice %squeeze3A_830 {offsets = [0, 6], sizes = [1, 1], strides = [1, 1]} : vector<1x8xf32> to vector<1x1xf32>
    %mul3A_2530 = arith.constant 0.488602519 : f32
    %mul3A_2531 = vector.broadcast %mul3A_2530 : f32 to vector<1x1xf32>
    %mul3A_2532 = arith.mulf %mul3A_2531, %slice3A_2529 : vector<1x1xf32>
    %slice3A_2533 = vector.extract_strided_slice %add3A_2523 {offsets = [0, 1], sizes = [448, 1], strides = [1, 1]} : vector<448x16xf32> to vector<448x1xf32>
    %mul3A_2534 = vector.broadcast %mul3A_2532 : vector<1x1xf32> to vector<448x1xf32>
    %mul3A_2535 = arith.mulf %mul3A_2534, %slice3A_2533 : vector<448x1xf32>
    %sub3A_2536 = arith.subf %mul3A_2528, %mul3A_2535 : vector<448x1xf32>
    %slice3A_2537 = vector.extract_strided_slice %squeeze3A_832 {offsets = [0, 6], sizes = [1, 1], strides = [1, 1]} : vector<1x8xf32> to vector<1x1xf32>
    %mul3A_2538 = arith.constant 0.488602519 : f32
    %mul3A_2539 = vector.broadcast %mul3A_2538 : f32 to vector<1x1xf32>
    %mul3A_2540 = arith.mulf %mul3A_2539, %slice3A_2537 : vector<1x1xf32>
    %slice3A_2541 = vector.extract_strided_slice %add3A_2523 {offsets = [0, 2], sizes = [448, 1], strides = [1, 1]} : vector<448x16xf32> to vector<448x1xf32>
    %mul3A_2542 = vector.broadcast %mul3A_2540 : vector<1x1xf32> to vector<448x1xf32>
    %mul3A_2543 = arith.mulf %mul3A_2542, %slice3A_2541 : vector<448x1xf32>
    %add3A_2544 = arith.addf %sub3A_2536, %mul3A_2543 : vector<448x1xf32>
    %slice3A_2545 = vector.extract_strided_slice %squeeze3A_828 {offsets = [0, 6], sizes = [1, 1], strides = [1, 1]} : vector<1x8xf32> to vector<1x1xf32>
    %mul3A_2546 = arith.constant 0.488602519 : f32
    %mul3A_2547 = vector.broadcast %mul3A_2546 : f32 to vector<1x1xf32>
    %mul3A_2548 = arith.mulf %mul3A_2547, %slice3A_2545 : vector<1x1xf32>
    %slice3A_2549 = vector.extract_strided_slice %add3A_2523 {offsets = [0, 3], sizes = [448, 1], strides = [1, 1]} : vector<448x16xf32> to vector<448x1xf32>
    %mul3A_2550 = vector.broadcast %mul3A_2548 : vector<1x1xf32> to vector<448x1xf32>
    %mul3A_2551 = arith.mulf %mul3A_2550, %slice3A_2549 : vector<448x1xf32>
    %sub3A_2552 = arith.subf %add3A_2544, %mul3A_2551 : vector<448x1xf32>
    %slice3A_2553 = vector.extract_strided_slice %add3A_2523 {offsets = [0, 4], sizes = [448, 1], strides = [1, 1]} : vector<448x16xf32> to vector<448x1xf32>
    %mul3A_2554 = arith.constant 0.282094806 : f32
    %mul3A_2555 = vector.broadcast %mul3A_2554 : f32 to vector<448x1xf32>
    %mul3A_2556 = arith.mulf %mul3A_2555, %slice3A_2553 : vector<448x1xf32>
    %slice3A_2557 = vector.extract_strided_slice %squeeze3A_830 {offsets = [0, 6], sizes = [1, 1], strides = [1, 1]} : vector<1x8xf32> to vector<1x1xf32>
    %mul3A_2558 = arith.constant 0.488602519 : f32
    %mul3A_2559 = vector.broadcast %mul3A_2558 : f32 to vector<1x1xf32>
    %mul3A_2560 = arith.mulf %mul3A_2559, %slice3A_2557 : vector<1x1xf32>
    %slice3A_2561 = vector.extract_strided_slice %add3A_2523 {offsets = [0, 5], sizes = [448, 1], strides = [1, 1]} : vector<448x16xf32> to vector<448x1xf32>
    %mul3A_2562 = vector.broadcast %mul3A_2560 : vector<1x1xf32> to vector<448x1xf32>
    %mul3A_2563 = arith.mulf %mul3A_2562, %slice3A_2561 : vector<448x1xf32>
    %sub3A_2564 = arith.subf %mul3A_2556, %mul3A_2563 : vector<448x1xf32>
    %slice3A_2565 = vector.extract_strided_slice %squeeze3A_832 {offsets = [0, 6], sizes = [1, 1], strides = [1, 1]} : vector<1x8xf32> to vector<1x1xf32>
    %mul3A_2566 = arith.constant 0.488602519 : f32
    %mul3A_2567 = vector.broadcast %mul3A_2566 : f32 to vector<1x1xf32>
    %mul3A_2568 = arith.mulf %mul3A_2567, %slice3A_2565 : vector<1x1xf32>
    %slice3A_2569 = vector.extract_strided_slice %add3A_2523 {offsets = [0, 6], sizes = [448, 1], strides = [1, 1]} : vector<448x16xf32> to vector<448x1xf32>
    %mul3A_2570 = vector.broadcast %mul3A_2568 : vector<1x1xf32> to vector<448x1xf32>
    %mul3A_2571 = arith.mulf %mul3A_2570, %slice3A_2569 : vector<448x1xf32>
    %add3A_2572 = arith.addf %sub3A_2564, %mul3A_2571 : vector<448x1xf32>
    %slice3A_2573 = vector.extract_strided_slice %squeeze3A_828 {offsets = [0, 6], sizes = [1, 1], strides = [1, 1]} : vector<1x8xf32> to vector<1x1xf32>
    %mul3A_2574 = arith.constant 0.488602519 : f32
    %mul3A_2575 = vector.broadcast %mul3A_2574 : f32 to vector<1x1xf32>
    %mul3A_2576 = arith.mulf %mul3A_2575, %slice3A_2573 : vector<1x1xf32>
    %slice3A_2577 = vector.extract_strided_slice %add3A_2523 {offsets = [0, 7], sizes = [448, 1], strides = [1, 1]} : vector<448x16xf32> to vector<448x1xf32>
    %mul3A_2578 = vector.broadcast %mul3A_2576 : vector<1x1xf32> to vector<448x1xf32>
    %mul3A_2579 = arith.mulf %mul3A_2578, %slice3A_2577 : vector<448x1xf32>
    %sub3A_2580 = arith.subf %add3A_2572, %mul3A_2579 : vector<448x1xf32>
    %slice3A_2581 = vector.extract_strided_slice %add3A_2523 {offsets = [0, 8], sizes = [448, 1], strides = [1, 1]} : vector<448x16xf32> to vector<448x1xf32>
    %mul3A_2582 = arith.constant 0.282094806 : f32
    %mul3A_2583 = vector.broadcast %mul3A_2582 : f32 to vector<448x1xf32>
    %mul3A_2584 = arith.mulf %mul3A_2583, %slice3A_2581 : vector<448x1xf32>
    %slice3A_2585 = vector.extract_strided_slice %squeeze3A_830 {offsets = [0, 6], sizes = [1, 1], strides = [1, 1]} : vector<1x8xf32> to vector<1x1xf32>
    %mul3A_2586 = arith.constant 0.488602519 : f32
    %mul3A_2587 = vector.broadcast %mul3A_2586 : f32 to vector<1x1xf32>
    %mul3A_2588 = arith.mulf %mul3A_2587, %slice3A_2585 : vector<1x1xf32>
    %slice3A_2589 = vector.extract_strided_slice %add3A_2523 {offsets = [0, 9], sizes = [448, 1], strides = [1, 1]} : vector<448x16xf32> to vector<448x1xf32>
    %mul3A_2590 = vector.broadcast %mul3A_2588 : vector<1x1xf32> to vector<448x1xf32>
    %mul3A_2591 = arith.mulf %mul3A_2590, %slice3A_2589 : vector<448x1xf32>
    %sub3A_2592 = arith.subf %mul3A_2584, %mul3A_2591 : vector<448x1xf32>
    %slice3A_2593 = vector.extract_strided_slice %squeeze3A_832 {offsets = [0, 6], sizes = [1, 1], strides = [1, 1]} : vector<1x8xf32> to vector<1x1xf32>
    %mul3A_2594 = arith.constant 0.488602519 : f32
    %mul3A_2595 = vector.broadcast %mul3A_2594 : f32 to vector<1x1xf32>
    %mul3A_2596 = arith.mulf %mul3A_2595, %slice3A_2593 : vector<1x1xf32>
    %slice3A_2597 = vector.extract_strided_slice %add3A_2523 {offsets = [0, 10], sizes = [448, 1], strides = [1, 1]} : vector<448x16xf32> to vector<448x1xf32>
    %mul3A_2598 = vector.broadcast %mul3A_2596 : vector<1x1xf32> to vector<448x1xf32>
    %mul3A_2599 = arith.mulf %mul3A_2598, %slice3A_2597 : vector<448x1xf32>
    %add3A_2600 = arith.addf %sub3A_2592, %mul3A_2599 : vector<448x1xf32>
    %slice3A_2601 = vector.extract_strided_slice %squeeze3A_828 {offsets = [0, 6], sizes = [1, 1], strides = [1, 1]} : vector<1x8xf32> to vector<1x1xf32>
    %mul3A_2602 = arith.constant 0.488602519 : f32
    %mul3A_2603 = vector.broadcast %mul3A_2602 : f32 to vector<1x1xf32>
    %mul3A_2604 = arith.mulf %mul3A_2603, %slice3A_2601 : vector<1x1xf32>
    %slice3A_2605 = vector.extract_strided_slice %add3A_2523 {offsets = [0, 11], sizes = [448, 1], strides = [1, 1]} : vector<448x16xf32> to vector<448x1xf32>
    %mul3A_2606 = vector.broadcast %mul3A_2604 : vector<1x1xf32> to vector<448x1xf32>
    %mul3A_2607 = arith.mulf %mul3A_2606, %slice3A_2605 : vector<448x1xf32>
    %sub3A_2608 = arith.subf %add3A_2600, %mul3A_2607 : vector<448x1xf32>
    %get3A_2609 = arith.constant 7 : index
    %get3A_2610 = arith.constant 0 : index
    %get3A_2611 = arith.constant 0 : index
    %get3A_2612 = vector.load %arg1[%get3A_2609, %get3A_2610, %get3A_2611] : memref<8x448x256xbf16, #tpu.memory_space<vmem>>, vector<1x448x256xbf16>
    %get3A_2613 = vector.shape_cast %get3A_2612 : vector<1x448x256xbf16> to vector<448x256xbf16>
    %get3A_2614 = arith.constant 0 : index
    %get3A_2615 = arith.constant 0 : index
    %get3A_2616 = vector.load %arg4[%get3A_2614, %get3A_2615] : memref<256x1024xbf16, #tpu.memory_space<vmem>>, vector<256x1024xbf16>
    %dot_general3A_2617 = arith.constant dense<0.000000e+00> : vector<448x1024xf32>
    %dot_general3A_2618 = tpu.matmul %get3A_2613, %get3A_2616, %dot_general3A_2617 {dimension_numbers = #tpu.dot_dimension_numbers<[1], [0], [0], [1], [0, 0, 1, 1], [], []>, transpose_lhs_hint = false} : vector<448x256xbf16>, vector<256x1024xbf16>, vector<448x1024xf32> -> vector<448x1024xf32>
    %slice3A_2619 = vector.extract_strided_slice %dot_general3A_2618 {offsets = [0, 0], sizes = [448, 128], strides = [1, 1]} : vector<448x1024xf32> to vector<448x128xf32>
    %slice3A_2620 = vector.extract_strided_slice %add3A_180 {offsets = [0, 7], sizes = [448, 1], strides = [1, 1]} : vector<448x8xi32> to vector<448x1xi32>
    %eq3A_2621 = vector.broadcast %slice3A_2620 : vector<448x1xi32> to vector<448x128xi32>
    %eq3A_2622 = arith.cmpi eq, %eq3A_2621, %select_n3A_826 : vector<448x128xi32>
    %jit3A_2623 = arith.constant 0.000000e+00 : f32
    %broadcast_in_dim3A_2624 = vector.broadcast %jit3A_2623 : f32 to vector<448x128xf32>
    %select_n3A_2625 = arith.select %eq3A_2622, %slice3A_2619, %broadcast_in_dim3A_2624 : vector<448x128xi1>, vector<448x128xf32>
    %slice3A_2626 = vector.extract_strided_slice %select_n3A_2625 {offsets = [0, 0], sizes = [448, 64], strides = [1, 1]} : vector<448x128xf32> to vector<448x64xf32>
    %slice3A_2627 = vector.extract_strided_slice %select_n3A_2625 {offsets = [0, 64], sizes = [448, 64], strides = [1, 1]} : vector<448x128xf32> to vector<448x64xf32>
    %add3A_2628 = arith.addf %slice3A_2626, %slice3A_2627 : vector<448x64xf32>
    %slice3A_2629 = vector.extract_strided_slice %add3A_2628 {offsets = [0, 0], sizes = [448, 32], strides = [1, 1]} : vector<448x64xf32> to vector<448x32xf32>
    %slice3A_2630 = vector.extract_strided_slice %add3A_2628 {offsets = [0, 32], sizes = [448, 32], strides = [1, 1]} : vector<448x64xf32> to vector<448x32xf32>
    %add3A_2631 = arith.addf %slice3A_2629, %slice3A_2630 : vector<448x32xf32>
    %slice3A_2632 = vector.extract_strided_slice %add3A_2631 {offsets = [0, 0], sizes = [448, 16], strides = [1, 1]} : vector<448x32xf32> to vector<448x16xf32>
    %slice3A_2633 = vector.extract_strided_slice %add3A_2631 {offsets = [0, 16], sizes = [448, 16], strides = [1, 1]} : vector<448x32xf32> to vector<448x16xf32>
    %add3A_2634 = arith.addf %slice3A_2632, %slice3A_2633 : vector<448x16xf32>
    %slice3A_2635 = vector.extract_strided_slice %select_n3A {offsets = [0, 7], sizes = [448, 1], strides = [1, 1]} : vector<448x8xf32> to vector<448x1xf32>
    %mul3A_2636 = vector.broadcast %slice3A_2635 : vector<448x1xf32> to vector<448x16xf32>
    %mul3A_2637 = arith.mulf %mul3A_2636, %add3A_2634 : vector<448x16xf32>
    %slice3A_2638 = vector.extract_strided_slice %dot_general3A_2618 {offsets = [0, 128], sizes = [448, 128], strides = [1, 1]} : vector<448x1024xf32> to vector<448x128xf32>
    %slice3A_2639 = vector.extract_strided_slice %add3A_266 {offsets = [0, 7], sizes = [448, 1], strides = [1, 1]} : vector<448x8xi32> to vector<448x1xi32>
    %eq3A_2640 = vector.broadcast %slice3A_2639 : vector<448x1xi32> to vector<448x128xi32>
    %eq3A_2641 = arith.cmpi eq, %eq3A_2640, %select_n3A_826 : vector<448x128xi32>
    %jit3A_2642 = arith.constant 0.000000e+00 : f32
    %broadcast_in_dim3A_2643 = vector.broadcast %jit3A_2642 : f32 to vector<448x128xf32>
    %select_n3A_2644 = arith.select %eq3A_2641, %slice3A_2638, %broadcast_in_dim3A_2643 : vector<448x128xi1>, vector<448x128xf32>
    %slice3A_2645 = vector.extract_strided_slice %select_n3A_2644 {offsets = [0, 0], sizes = [448, 64], strides = [1, 1]} : vector<448x128xf32> to vector<448x64xf32>
    %slice3A_2646 = vector.extract_strided_slice %select_n3A_2644 {offsets = [0, 64], sizes = [448, 64], strides = [1, 1]} : vector<448x128xf32> to vector<448x64xf32>
    %add3A_2647 = arith.addf %slice3A_2645, %slice3A_2646 : vector<448x64xf32>
    %slice3A_2648 = vector.extract_strided_slice %add3A_2647 {offsets = [0, 0], sizes = [448, 32], strides = [1, 1]} : vector<448x64xf32> to vector<448x32xf32>
    %slice3A_2649 = vector.extract_strided_slice %add3A_2647 {offsets = [0, 32], sizes = [448, 32], strides = [1, 1]} : vector<448x64xf32> to vector<448x32xf32>
    %add3A_2650 = arith.addf %slice3A_2648, %slice3A_2649 : vector<448x32xf32>
    %slice3A_2651 = vector.extract_strided_slice %add3A_2650 {offsets = [0, 0], sizes = [448, 16], strides = [1, 1]} : vector<448x32xf32> to vector<448x16xf32>
    %slice3A_2652 = vector.extract_strided_slice %add3A_2650 {offsets = [0, 16], sizes = [448, 16], strides = [1, 1]} : vector<448x32xf32> to vector<448x16xf32>
    %add3A_2653 = arith.addf %slice3A_2651, %slice3A_2652 : vector<448x16xf32>
    %slice3A_2654 = vector.extract_strided_slice %select_n3A_269 {offsets = [0, 7], sizes = [448, 1], strides = [1, 1]} : vector<448x8xf32> to vector<448x1xf32>
    %mul3A_2655 = vector.broadcast %slice3A_2654 : vector<448x1xf32> to vector<448x16xf32>
    %mul3A_2656 = arith.mulf %mul3A_2655, %add3A_2653 : vector<448x16xf32>
    %add3A_2657 = arith.addf %mul3A_2637, %mul3A_2656 : vector<448x16xf32>
    %slice3A_2658 = vector.extract_strided_slice %dot_general3A_2618 {offsets = [0, 256], sizes = [448, 128], strides = [1, 1]} : vector<448x1024xf32> to vector<448x128xf32>
    %slice3A_2659 = vector.extract_strided_slice %add3A_354 {offsets = [0, 7], sizes = [448, 1], strides = [1, 1]} : vector<448x8xi32> to vector<448x1xi32>
    %eq3A_2660 = vector.broadcast %slice3A_2659 : vector<448x1xi32> to vector<448x128xi32>
    %eq3A_2661 = arith.cmpi eq, %eq3A_2660, %select_n3A_826 : vector<448x128xi32>
    %jit3A_2662 = arith.constant 0.000000e+00 : f32
    %broadcast_in_dim3A_2663 = vector.broadcast %jit3A_2662 : f32 to vector<448x128xf32>
    %select_n3A_2664 = arith.select %eq3A_2661, %slice3A_2658, %broadcast_in_dim3A_2663 : vector<448x128xi1>, vector<448x128xf32>
    %slice3A_2665 = vector.extract_strided_slice %select_n3A_2664 {offsets = [0, 0], sizes = [448, 64], strides = [1, 1]} : vector<448x128xf32> to vector<448x64xf32>
    %slice3A_2666 = vector.extract_strided_slice %select_n3A_2664 {offsets = [0, 64], sizes = [448, 64], strides = [1, 1]} : vector<448x128xf32> to vector<448x64xf32>
    %add3A_2667 = arith.addf %slice3A_2665, %slice3A_2666 : vector<448x64xf32>
    %slice3A_2668 = vector.extract_strided_slice %add3A_2667 {offsets = [0, 0], sizes = [448, 32], strides = [1, 1]} : vector<448x64xf32> to vector<448x32xf32>
    %slice3A_2669 = vector.extract_strided_slice %add3A_2667 {offsets = [0, 32], sizes = [448, 32], strides = [1, 1]} : vector<448x64xf32> to vector<448x32xf32>
    %add3A_2670 = arith.addf %slice3A_2668, %slice3A_2669 : vector<448x32xf32>
    %slice3A_2671 = vector.extract_strided_slice %add3A_2670 {offsets = [0, 0], sizes = [448, 16], strides = [1, 1]} : vector<448x32xf32> to vector<448x16xf32>
    %slice3A_2672 = vector.extract_strided_slice %add3A_2670 {offsets = [0, 16], sizes = [448, 16], strides = [1, 1]} : vector<448x32xf32> to vector<448x16xf32>
    %add3A_2673 = arith.addf %slice3A_2671, %slice3A_2672 : vector<448x16xf32>
    %slice3A_2674 = vector.extract_strided_slice %select_n3A_357 {offsets = [0, 7], sizes = [448, 1], strides = [1, 1]} : vector<448x8xf32> to vector<448x1xf32>
    %mul3A_2675 = vector.broadcast %slice3A_2674 : vector<448x1xf32> to vector<448x16xf32>
    %mul3A_2676 = arith.mulf %mul3A_2675, %add3A_2673 : vector<448x16xf32>
    %add3A_2677 = arith.addf %add3A_2657, %mul3A_2676 : vector<448x16xf32>
    %slice3A_2678 = vector.extract_strided_slice %dot_general3A_2618 {offsets = [0, 384], sizes = [448, 128], strides = [1, 1]} : vector<448x1024xf32> to vector<448x128xf32>
    %slice3A_2679 = vector.extract_strided_slice %add3A_442 {offsets = [0, 7], sizes = [448, 1], strides = [1, 1]} : vector<448x8xi32> to vector<448x1xi32>
    %eq3A_2680 = vector.broadcast %slice3A_2679 : vector<448x1xi32> to vector<448x128xi32>
    %eq3A_2681 = arith.cmpi eq, %eq3A_2680, %select_n3A_826 : vector<448x128xi32>
    %jit3A_2682 = arith.constant 0.000000e+00 : f32
    %broadcast_in_dim3A_2683 = vector.broadcast %jit3A_2682 : f32 to vector<448x128xf32>
    %select_n3A_2684 = arith.select %eq3A_2681, %slice3A_2678, %broadcast_in_dim3A_2683 : vector<448x128xi1>, vector<448x128xf32>
    %slice3A_2685 = vector.extract_strided_slice %select_n3A_2684 {offsets = [0, 0], sizes = [448, 64], strides = [1, 1]} : vector<448x128xf32> to vector<448x64xf32>
    %slice3A_2686 = vector.extract_strided_slice %select_n3A_2684 {offsets = [0, 64], sizes = [448, 64], strides = [1, 1]} : vector<448x128xf32> to vector<448x64xf32>
    %add3A_2687 = arith.addf %slice3A_2685, %slice3A_2686 : vector<448x64xf32>
    %slice3A_2688 = vector.extract_strided_slice %add3A_2687 {offsets = [0, 0], sizes = [448, 32], strides = [1, 1]} : vector<448x64xf32> to vector<448x32xf32>
    %slice3A_2689 = vector.extract_strided_slice %add3A_2687 {offsets = [0, 32], sizes = [448, 32], strides = [1, 1]} : vector<448x64xf32> to vector<448x32xf32>
    %add3A_2690 = arith.addf %slice3A_2688, %slice3A_2689 : vector<448x32xf32>
    %slice3A_2691 = vector.extract_strided_slice %add3A_2690 {offsets = [0, 0], sizes = [448, 16], strides = [1, 1]} : vector<448x32xf32> to vector<448x16xf32>
    %slice3A_2692 = vector.extract_strided_slice %add3A_2690 {offsets = [0, 16], sizes = [448, 16], strides = [1, 1]} : vector<448x32xf32> to vector<448x16xf32>
    %add3A_2693 = arith.addf %slice3A_2691, %slice3A_2692 : vector<448x16xf32>
    %slice3A_2694 = vector.extract_strided_slice %select_n3A_445 {offsets = [0, 7], sizes = [448, 1], strides = [1, 1]} : vector<448x8xf32> to vector<448x1xf32>
    %mul3A_2695 = vector.broadcast %slice3A_2694 : vector<448x1xf32> to vector<448x16xf32>
    %mul3A_2696 = arith.mulf %mul3A_2695, %add3A_2693 : vector<448x16xf32>
    %add3A_2697 = arith.addf %add3A_2677, %mul3A_2696 : vector<448x16xf32>
    %slice3A_2698 = vector.extract_strided_slice %dot_general3A_2618 {offsets = [0, 512], sizes = [448, 128], strides = [1, 1]} : vector<448x1024xf32> to vector<448x128xf32>
    %slice3A_2699 = vector.extract_strided_slice %add3A_530 {offsets = [0, 7], sizes = [448, 1], strides = [1, 1]} : vector<448x8xi32> to vector<448x1xi32>
    %eq3A_2700 = vector.broadcast %slice3A_2699 : vector<448x1xi32> to vector<448x128xi32>
    %eq3A_2701 = arith.cmpi eq, %eq3A_2700, %select_n3A_826 : vector<448x128xi32>
    %jit3A_2702 = arith.constant 0.000000e+00 : f32
    %broadcast_in_dim3A_2703 = vector.broadcast %jit3A_2702 : f32 to vector<448x128xf32>
    %select_n3A_2704 = arith.select %eq3A_2701, %slice3A_2698, %broadcast_in_dim3A_2703 : vector<448x128xi1>, vector<448x128xf32>
    %slice3A_2705 = vector.extract_strided_slice %select_n3A_2704 {offsets = [0, 0], sizes = [448, 64], strides = [1, 1]} : vector<448x128xf32> to vector<448x64xf32>
    %slice3A_2706 = vector.extract_strided_slice %select_n3A_2704 {offsets = [0, 64], sizes = [448, 64], strides = [1, 1]} : vector<448x128xf32> to vector<448x64xf32>
    %add3A_2707 = arith.addf %slice3A_2705, %slice3A_2706 : vector<448x64xf32>
    %slice3A_2708 = vector.extract_strided_slice %add3A_2707 {offsets = [0, 0], sizes = [448, 32], strides = [1, 1]} : vector<448x64xf32> to vector<448x32xf32>
    %slice3A_2709 = vector.extract_strided_slice %add3A_2707 {offsets = [0, 32], sizes = [448, 32], strides = [1, 1]} : vector<448x64xf32> to vector<448x32xf32>
    %add3A_2710 = arith.addf %slice3A_2708, %slice3A_2709 : vector<448x32xf32>
    %slice3A_2711 = vector.extract_strided_slice %add3A_2710 {offsets = [0, 0], sizes = [448, 16], strides = [1, 1]} : vector<448x32xf32> to vector<448x16xf32>
    %slice3A_2712 = vector.extract_strided_slice %add3A_2710 {offsets = [0, 16], sizes = [448, 16], strides = [1, 1]} : vector<448x32xf32> to vector<448x16xf32>
    %add3A_2713 = arith.addf %slice3A_2711, %slice3A_2712 : vector<448x16xf32>
    %slice3A_2714 = vector.extract_strided_slice %select_n3A_533 {offsets = [0, 7], sizes = [448, 1], strides = [1, 1]} : vector<448x8xf32> to vector<448x1xf32>
    %mul3A_2715 = vector.broadcast %slice3A_2714 : vector<448x1xf32> to vector<448x16xf32>
    %mul3A_2716 = arith.mulf %mul3A_2715, %add3A_2713 : vector<448x16xf32>
    %add3A_2717 = arith.addf %add3A_2697, %mul3A_2716 : vector<448x16xf32>
    %slice3A_2718 = vector.extract_strided_slice %dot_general3A_2618 {offsets = [0, 640], sizes = [448, 128], strides = [1, 1]} : vector<448x1024xf32> to vector<448x128xf32>
    %slice3A_2719 = vector.extract_strided_slice %add3A_618 {offsets = [0, 7], sizes = [448, 1], strides = [1, 1]} : vector<448x8xi32> to vector<448x1xi32>
    %eq3A_2720 = vector.broadcast %slice3A_2719 : vector<448x1xi32> to vector<448x128xi32>
    %eq3A_2721 = arith.cmpi eq, %eq3A_2720, %select_n3A_826 : vector<448x128xi32>
    %jit3A_2722 = arith.constant 0.000000e+00 : f32
    %broadcast_in_dim3A_2723 = vector.broadcast %jit3A_2722 : f32 to vector<448x128xf32>
    %select_n3A_2724 = arith.select %eq3A_2721, %slice3A_2718, %broadcast_in_dim3A_2723 : vector<448x128xi1>, vector<448x128xf32>
    %slice3A_2725 = vector.extract_strided_slice %select_n3A_2724 {offsets = [0, 0], sizes = [448, 64], strides = [1, 1]} : vector<448x128xf32> to vector<448x64xf32>
    %slice3A_2726 = vector.extract_strided_slice %select_n3A_2724 {offsets = [0, 64], sizes = [448, 64], strides = [1, 1]} : vector<448x128xf32> to vector<448x64xf32>
    %add3A_2727 = arith.addf %slice3A_2725, %slice3A_2726 : vector<448x64xf32>
    %slice3A_2728 = vector.extract_strided_slice %add3A_2727 {offsets = [0, 0], sizes = [448, 32], strides = [1, 1]} : vector<448x64xf32> to vector<448x32xf32>
    %slice3A_2729 = vector.extract_strided_slice %add3A_2727 {offsets = [0, 32], sizes = [448, 32], strides = [1, 1]} : vector<448x64xf32> to vector<448x32xf32>
    %add3A_2730 = arith.addf %slice3A_2728, %slice3A_2729 : vector<448x32xf32>
    %slice3A_2731 = vector.extract_strided_slice %add3A_2730 {offsets = [0, 0], sizes = [448, 16], strides = [1, 1]} : vector<448x32xf32> to vector<448x16xf32>
    %slice3A_2732 = vector.extract_strided_slice %add3A_2730 {offsets = [0, 16], sizes = [448, 16], strides = [1, 1]} : vector<448x32xf32> to vector<448x16xf32>
    %add3A_2733 = arith.addf %slice3A_2731, %slice3A_2732 : vector<448x16xf32>
    %slice3A_2734 = vector.extract_strided_slice %select_n3A_621 {offsets = [0, 7], sizes = [448, 1], strides = [1, 1]} : vector<448x8xf32> to vector<448x1xf32>
    %mul3A_2735 = vector.broadcast %slice3A_2734 : vector<448x1xf32> to vector<448x16xf32>
    %mul3A_2736 = arith.mulf %mul3A_2735, %add3A_2733 : vector<448x16xf32>
    %add3A_2737 = arith.addf %add3A_2717, %mul3A_2736 : vector<448x16xf32>
    %slice3A_2738 = vector.extract_strided_slice %dot_general3A_2618 {offsets = [0, 768], sizes = [448, 128], strides = [1, 1]} : vector<448x1024xf32> to vector<448x128xf32>
    %slice3A_2739 = vector.extract_strided_slice %add3A_706 {offsets = [0, 7], sizes = [448, 1], strides = [1, 1]} : vector<448x8xi32> to vector<448x1xi32>
    %eq3A_2740 = vector.broadcast %slice3A_2739 : vector<448x1xi32> to vector<448x128xi32>
    %eq3A_2741 = arith.cmpi eq, %eq3A_2740, %select_n3A_826 : vector<448x128xi32>
    %jit3A_2742 = arith.constant 0.000000e+00 : f32
    %broadcast_in_dim3A_2743 = vector.broadcast %jit3A_2742 : f32 to vector<448x128xf32>
    %select_n3A_2744 = arith.select %eq3A_2741, %slice3A_2738, %broadcast_in_dim3A_2743 : vector<448x128xi1>, vector<448x128xf32>
    %slice3A_2745 = vector.extract_strided_slice %select_n3A_2744 {offsets = [0, 0], sizes = [448, 64], strides = [1, 1]} : vector<448x128xf32> to vector<448x64xf32>
    %slice3A_2746 = vector.extract_strided_slice %select_n3A_2744 {offsets = [0, 64], sizes = [448, 64], strides = [1, 1]} : vector<448x128xf32> to vector<448x64xf32>
    %add3A_2747 = arith.addf %slice3A_2745, %slice3A_2746 : vector<448x64xf32>
    %slice3A_2748 = vector.extract_strided_slice %add3A_2747 {offsets = [0, 0], sizes = [448, 32], strides = [1, 1]} : vector<448x64xf32> to vector<448x32xf32>
    %slice3A_2749 = vector.extract_strided_slice %add3A_2747 {offsets = [0, 32], sizes = [448, 32], strides = [1, 1]} : vector<448x64xf32> to vector<448x32xf32>
    %add3A_2750 = arith.addf %slice3A_2748, %slice3A_2749 : vector<448x32xf32>
    %slice3A_2751 = vector.extract_strided_slice %add3A_2750 {offsets = [0, 0], sizes = [448, 16], strides = [1, 1]} : vector<448x32xf32> to vector<448x16xf32>
    %slice3A_2752 = vector.extract_strided_slice %add3A_2750 {offsets = [0, 16], sizes = [448, 16], strides = [1, 1]} : vector<448x32xf32> to vector<448x16xf32>
    %add3A_2753 = arith.addf %slice3A_2751, %slice3A_2752 : vector<448x16xf32>
    %slice3A_2754 = vector.extract_strided_slice %select_n3A_709 {offsets = [0, 7], sizes = [448, 1], strides = [1, 1]} : vector<448x8xf32> to vector<448x1xf32>
    %mul3A_2755 = vector.broadcast %slice3A_2754 : vector<448x1xf32> to vector<448x16xf32>
    %mul3A_2756 = arith.mulf %mul3A_2755, %add3A_2753 : vector<448x16xf32>
    %add3A_2757 = arith.addf %add3A_2737, %mul3A_2756 : vector<448x16xf32>
    %slice3A_2758 = vector.extract_strided_slice %dot_general3A_2618 {offsets = [0, 896], sizes = [448, 128], strides = [1, 1]} : vector<448x1024xf32> to vector<448x128xf32>
    %slice3A_2759 = vector.extract_strided_slice %add3A_794 {offsets = [0, 7], sizes = [448, 1], strides = [1, 1]} : vector<448x8xi32> to vector<448x1xi32>
    %eq3A_2760 = vector.broadcast %slice3A_2759 : vector<448x1xi32> to vector<448x128xi32>
    %eq3A_2761 = arith.cmpi eq, %eq3A_2760, %select_n3A_826 : vector<448x128xi32>
    %jit3A_2762 = arith.constant 0.000000e+00 : f32
    %broadcast_in_dim3A_2763 = vector.broadcast %jit3A_2762 : f32 to vector<448x128xf32>
    %select_n3A_2764 = arith.select %eq3A_2761, %slice3A_2758, %broadcast_in_dim3A_2763 : vector<448x128xi1>, vector<448x128xf32>
    %slice3A_2765 = vector.extract_strided_slice %select_n3A_2764 {offsets = [0, 0], sizes = [448, 64], strides = [1, 1]} : vector<448x128xf32> to vector<448x64xf32>
    %slice3A_2766 = vector.extract_strided_slice %select_n3A_2764 {offsets = [0, 64], sizes = [448, 64], strides = [1, 1]} : vector<448x128xf32> to vector<448x64xf32>
    %add3A_2767 = arith.addf %slice3A_2765, %slice3A_2766 : vector<448x64xf32>
    %slice3A_2768 = vector.extract_strided_slice %add3A_2767 {offsets = [0, 0], sizes = [448, 32], strides = [1, 1]} : vector<448x64xf32> to vector<448x32xf32>
    %slice3A_2769 = vector.extract_strided_slice %add3A_2767 {offsets = [0, 32], sizes = [448, 32], strides = [1, 1]} : vector<448x64xf32> to vector<448x32xf32>
    %add3A_2770 = arith.addf %slice3A_2768, %slice3A_2769 : vector<448x32xf32>
    %slice3A_2771 = vector.extract_strided_slice %add3A_2770 {offsets = [0, 0], sizes = [448, 16], strides = [1, 1]} : vector<448x32xf32> to vector<448x16xf32>
    %slice3A_2772 = vector.extract_strided_slice %add3A_2770 {offsets = [0, 16], sizes = [448, 16], strides = [1, 1]} : vector<448x32xf32> to vector<448x16xf32>
    %add3A_2773 = arith.addf %slice3A_2771, %slice3A_2772 : vector<448x16xf32>
    %slice3A_2774 = vector.extract_strided_slice %select_n3A_797 {offsets = [0, 7], sizes = [448, 1], strides = [1, 1]} : vector<448x8xf32> to vector<448x1xf32>
    %mul3A_2775 = vector.broadcast %slice3A_2774 : vector<448x1xf32> to vector<448x16xf32>
    %mul3A_2776 = arith.mulf %mul3A_2775, %add3A_2773 : vector<448x16xf32>
    %add3A_2777 = arith.addf %add3A_2757, %mul3A_2776 : vector<448x16xf32>
    %slice3A_2778 = vector.extract_strided_slice %add3A_2777 {offsets = [0, 12], sizes = [448, 1], strides = [1, 1]} : vector<448x16xf32> to vector<448x1xf32>
    %slice3A_2779 = vector.extract_strided_slice %add3A_2777 {offsets = [0, 0], sizes = [448, 1], strides = [1, 1]} : vector<448x16xf32> to vector<448x1xf32>
    %mul3A_2780 = arith.constant 0.282094806 : f32
    %mul3A_2781 = vector.broadcast %mul3A_2780 : f32 to vector<448x1xf32>
    %mul3A_2782 = arith.mulf %mul3A_2781, %slice3A_2779 : vector<448x1xf32>
    %slice3A_2783 = vector.extract_strided_slice %squeeze3A_830 {offsets = [0, 7], sizes = [1, 1], strides = [1, 1]} : vector<1x8xf32> to vector<1x1xf32>
    %mul3A_2784 = arith.constant 0.488602519 : f32
    %mul3A_2785 = vector.broadcast %mul3A_2784 : f32 to vector<1x1xf32>
    %mul3A_2786 = arith.mulf %mul3A_2785, %slice3A_2783 : vector<1x1xf32>
    %slice3A_2787 = vector.extract_strided_slice %add3A_2777 {offsets = [0, 1], sizes = [448, 1], strides = [1, 1]} : vector<448x16xf32> to vector<448x1xf32>
    %mul3A_2788 = vector.broadcast %mul3A_2786 : vector<1x1xf32> to vector<448x1xf32>
    %mul3A_2789 = arith.mulf %mul3A_2788, %slice3A_2787 : vector<448x1xf32>
    %sub3A_2790 = arith.subf %mul3A_2782, %mul3A_2789 : vector<448x1xf32>
    %slice3A_2791 = vector.extract_strided_slice %squeeze3A_832 {offsets = [0, 7], sizes = [1, 1], strides = [1, 1]} : vector<1x8xf32> to vector<1x1xf32>
    %mul3A_2792 = arith.constant 0.488602519 : f32
    %mul3A_2793 = vector.broadcast %mul3A_2792 : f32 to vector<1x1xf32>
    %mul3A_2794 = arith.mulf %mul3A_2793, %slice3A_2791 : vector<1x1xf32>
    %slice3A_2795 = vector.extract_strided_slice %add3A_2777 {offsets = [0, 2], sizes = [448, 1], strides = [1, 1]} : vector<448x16xf32> to vector<448x1xf32>
    %mul3A_2796 = vector.broadcast %mul3A_2794 : vector<1x1xf32> to vector<448x1xf32>
    %mul3A_2797 = arith.mulf %mul3A_2796, %slice3A_2795 : vector<448x1xf32>
    %add3A_2798 = arith.addf %sub3A_2790, %mul3A_2797 : vector<448x1xf32>
    %slice3A_2799 = vector.extract_strided_slice %squeeze3A_828 {offsets = [0, 7], sizes = [1, 1], strides = [1, 1]} : vector<1x8xf32> to vector<1x1xf32>
    %mul3A_2800 = arith.constant 0.488602519 : f32
    %mul3A_2801 = vector.broadcast %mul3A_2800 : f32 to vector<1x1xf32>
    %mul3A_2802 = arith.mulf %mul3A_2801, %slice3A_2799 : vector<1x1xf32>
    %slice3A_2803 = vector.extract_strided_slice %add3A_2777 {offsets = [0, 3], sizes = [448, 1], strides = [1, 1]} : vector<448x16xf32> to vector<448x1xf32>
    %mul3A_2804 = vector.broadcast %mul3A_2802 : vector<1x1xf32> to vector<448x1xf32>
    %mul3A_2805 = arith.mulf %mul3A_2804, %slice3A_2803 : vector<448x1xf32>
    %sub3A_2806 = arith.subf %add3A_2798, %mul3A_2805 : vector<448x1xf32>
    %slice3A_2807 = vector.extract_strided_slice %add3A_2777 {offsets = [0, 4], sizes = [448, 1], strides = [1, 1]} : vector<448x16xf32> to vector<448x1xf32>
    %mul3A_2808 = arith.constant 0.282094806 : f32
    %mul3A_2809 = vector.broadcast %mul3A_2808 : f32 to vector<448x1xf32>
    %mul3A_2810 = arith.mulf %mul3A_2809, %slice3A_2807 : vector<448x1xf32>
    %slice3A_2811 = vector.extract_strided_slice %squeeze3A_830 {offsets = [0, 7], sizes = [1, 1], strides = [1, 1]} : vector<1x8xf32> to vector<1x1xf32>
    %mul3A_2812 = arith.constant 0.488602519 : f32
    %mul3A_2813 = vector.broadcast %mul3A_2812 : f32 to vector<1x1xf32>
    %mul3A_2814 = arith.mulf %mul3A_2813, %slice3A_2811 : vector<1x1xf32>
    %slice3A_2815 = vector.extract_strided_slice %add3A_2777 {offsets = [0, 5], sizes = [448, 1], strides = [1, 1]} : vector<448x16xf32> to vector<448x1xf32>
    %mul3A_2816 = vector.broadcast %mul3A_2814 : vector<1x1xf32> to vector<448x1xf32>
    %mul3A_2817 = arith.mulf %mul3A_2816, %slice3A_2815 : vector<448x1xf32>
    %sub3A_2818 = arith.subf %mul3A_2810, %mul3A_2817 : vector<448x1xf32>
    %slice3A_2819 = vector.extract_strided_slice %squeeze3A_832 {offsets = [0, 7], sizes = [1, 1], strides = [1, 1]} : vector<1x8xf32> to vector<1x1xf32>
    %mul3A_2820 = arith.constant 0.488602519 : f32
    %mul3A_2821 = vector.broadcast %mul3A_2820 : f32 to vector<1x1xf32>
    %mul3A_2822 = arith.mulf %mul3A_2821, %slice3A_2819 : vector<1x1xf32>
    %slice3A_2823 = vector.extract_strided_slice %add3A_2777 {offsets = [0, 6], sizes = [448, 1], strides = [1, 1]} : vector<448x16xf32> to vector<448x1xf32>
    %mul3A_2824 = vector.broadcast %mul3A_2822 : vector<1x1xf32> to vector<448x1xf32>
    %mul3A_2825 = arith.mulf %mul3A_2824, %slice3A_2823 : vector<448x1xf32>
    %add3A_2826 = arith.addf %sub3A_2818, %mul3A_2825 : vector<448x1xf32>
    %slice3A_2827 = vector.extract_strided_slice %squeeze3A_828 {offsets = [0, 7], sizes = [1, 1], strides = [1, 1]} : vector<1x8xf32> to vector<1x1xf32>
    %mul3A_2828 = arith.constant 0.488602519 : f32
    %mul3A_2829 = vector.broadcast %mul3A_2828 : f32 to vector<1x1xf32>
    %mul3A_2830 = arith.mulf %mul3A_2829, %slice3A_2827 : vector<1x1xf32>
    %slice3A_2831 = vector.extract_strided_slice %add3A_2777 {offsets = [0, 7], sizes = [448, 1], strides = [1, 1]} : vector<448x16xf32> to vector<448x1xf32>
    %mul3A_2832 = vector.broadcast %mul3A_2830 : vector<1x1xf32> to vector<448x1xf32>
    %mul3A_2833 = arith.mulf %mul3A_2832, %slice3A_2831 : vector<448x1xf32>
    %sub3A_2834 = arith.subf %add3A_2826, %mul3A_2833 : vector<448x1xf32>
    %slice3A_2835 = vector.extract_strided_slice %add3A_2777 {offsets = [0, 8], sizes = [448, 1], strides = [1, 1]} : vector<448x16xf32> to vector<448x1xf32>
    %mul3A_2836 = arith.constant 0.282094806 : f32
    %mul3A_2837 = vector.broadcast %mul3A_2836 : f32 to vector<448x1xf32>
    %mul3A_2838 = arith.mulf %mul3A_2837, %slice3A_2835 : vector<448x1xf32>
    %slice3A_2839 = vector.extract_strided_slice %squeeze3A_830 {offsets = [0, 7], sizes = [1, 1], strides = [1, 1]} : vector<1x8xf32> to vector<1x1xf32>
    %mul3A_2840 = arith.constant 0.488602519 : f32
    %mul3A_2841 = vector.broadcast %mul3A_2840 : f32 to vector<1x1xf32>
    %mul3A_2842 = arith.mulf %mul3A_2841, %slice3A_2839 : vector<1x1xf32>
    %slice3A_2843 = vector.extract_strided_slice %add3A_2777 {offsets = [0, 9], sizes = [448, 1], strides = [1, 1]} : vector<448x16xf32> to vector<448x1xf32>
    %mul3A_2844 = vector.broadcast %mul3A_2842 : vector<1x1xf32> to vector<448x1xf32>
    %mul3A_2845 = arith.mulf %mul3A_2844, %slice3A_2843 : vector<448x1xf32>
    %sub3A_2846 = arith.subf %mul3A_2838, %mul3A_2845 : vector<448x1xf32>
    %slice3A_2847 = vector.extract_strided_slice %squeeze3A_832 {offsets = [0, 7], sizes = [1, 1], strides = [1, 1]} : vector<1x8xf32> to vector<1x1xf32>
    %mul3A_2848 = arith.constant 0.488602519 : f32
    %mul3A_2849 = vector.broadcast %mul3A_2848 : f32 to vector<1x1xf32>
    %mul3A_2850 = arith.mulf %mul3A_2849, %slice3A_2847 : vector<1x1xf32>
    %slice3A_2851 = vector.extract_strided_slice %add3A_2777 {offsets = [0, 10], sizes = [448, 1], strides = [1, 1]} : vector<448x16xf32> to vector<448x1xf32>
    %mul3A_2852 = vector.broadcast %mul3A_2850 : vector<1x1xf32> to vector<448x1xf32>
    %mul3A_2853 = arith.mulf %mul3A_2852, %slice3A_2851 : vector<448x1xf32>
    %add3A_2854 = arith.addf %sub3A_2846, %mul3A_2853 : vector<448x1xf32>
    %slice3A_2855 = vector.extract_strided_slice %squeeze3A_828 {offsets = [0, 7], sizes = [1, 1], strides = [1, 1]} : vector<1x8xf32> to vector<1x1xf32>
    %mul3A_2856 = arith.constant 0.488602519 : f32
    %mul3A_2857 = vector.broadcast %mul3A_2856 : f32 to vector<1x1xf32>
    %mul3A_2858 = arith.mulf %mul3A_2857, %slice3A_2855 : vector<1x1xf32>
    %slice3A_2859 = vector.extract_strided_slice %add3A_2777 {offsets = [0, 11], sizes = [448, 1], strides = [1, 1]} : vector<448x16xf32> to vector<448x1xf32>
    %mul3A_2860 = vector.broadcast %mul3A_2858 : vector<1x1xf32> to vector<448x1xf32>
    %mul3A_2861 = arith.mulf %mul3A_2860, %slice3A_2859 : vector<448x1xf32>
    %sub3A_2862 = arith.subf %add3A_2854, %mul3A_2861 : vector<448x1xf32>
    %concatenate3A = tpu.concatenate %slice3A_1000, %slice3A_1254, %slice3A_1508, %slice3A_1762, %slice3A_2016, %slice3A_2270, %slice3A_2524, %slice3A_2778 in 1 : vector<448x1xf32>, vector<448x1xf32>, vector<448x1xf32>, vector<448x1xf32>, vector<448x1xf32>, vector<448x1xf32>, vector<448x1xf32>, vector<448x1xf32> -> vector<448x8xf32>
    %max3A_2863 = arith.constant 0.000000e+00 : f32
    %max3A_2864 = vector.broadcast %max3A_2863 : f32 to vector<448x8xf32>
    %max3A_2865 = arith.maximumf %concatenate3A, %max3A_2864 : vector<448x8xf32>
    %neg3A = arith.constant 0.000000e+00 : f32
    %neg3A_2866 = vector.broadcast %neg3A : f32 to vector<448x8xf32>
    %neg3A_2867 = arith.subf %neg3A_2866, %max3A_2865 : vector<448x8xf32>
    %mul3A_2868 = arith.constant 0.0101562496 : f32
    %mul3A_2869 = vector.broadcast %mul3A_2868 : f32 to vector<448x8xf32>
    %mul3A_2870 = arith.mulf %neg3A_2867, %mul3A_2869 : vector<448x8xf32>
    %exp3A = math.exp %mul3A_2870 : vector<448x8xf32>
    %sub3A_2871 = arith.constant 1.000000e+00 : f32
    %sub3A_2872 = vector.broadcast %sub3A_2871 : f32 to vector<448x8xf32>
    %sub3A_2873 = arith.subf %sub3A_2872, %exp3A : vector<448x8xf32>
    %sub3A_2874 = arith.constant 1.000000e+00 : f32
    %sub3A_2875 = vector.broadcast %sub3A_2874 : f32 to vector<448x8xf32>
    %sub3A_2876 = arith.subf %sub3A_2875, %sub3A_2873 : vector<448x8xf32>
    %add3A_2877 = arith.constant 1.000000e-10 : f32
    %add3A_2878 = vector.broadcast %add3A_2877 : f32 to vector<448x8xf32>
    %add3A_2879 = arith.addf %sub3A_2876, %add3A_2878 : vector<448x8xf32>
    %broadcast_in_dim3A_2880 = arith.constant 1.000000e+00 : f32
    %broadcast_in_dim3A_2881 = vector.broadcast %broadcast_in_dim3A_2880 : f32 to vector<1x8xf32>
    %slice3A_2882 = vector.extract_strided_slice %add3A_2879 {offsets = [0, 0], sizes = [447, 8], strides = [1, 1]} : vector<448x8xf32> to vector<447x8xf32>
    %concatenate3A_2883 = tpu.concatenate %broadcast_in_dim3A_2881, %slice3A_2882 in 0 : vector<1x8xf32>, vector<447x8xf32> -> vector<448x8xf32>
    %mul3A_2884 = arith.mulf %add3A_2879, %concatenate3A_2883 : vector<448x8xf32>
    %broadcast_in_dim3A_2885 = arith.constant 1.000000e+00 : f32
    %broadcast_in_dim3A_2886 = vector.broadcast %broadcast_in_dim3A_2885 : f32 to vector<2x8xf32>
    %slice3A_2887 = vector.extract_strided_slice %mul3A_2884 {offsets = [0, 0], sizes = [446, 8], strides = [1, 1]} : vector<448x8xf32> to vector<446x8xf32>
    %concatenate3A_2888 = tpu.concatenate %broadcast_in_dim3A_2886, %slice3A_2887 in 0 : vector<2x8xf32>, vector<446x8xf32> -> vector<448x8xf32>
    %mul3A_2889 = arith.mulf %mul3A_2884, %concatenate3A_2888 : vector<448x8xf32>
    %broadcast_in_dim3A_2890 = arith.constant 1.000000e+00 : f32
    %broadcast_in_dim3A_2891 = vector.broadcast %broadcast_in_dim3A_2890 : f32 to vector<4x8xf32>
    %slice3A_2892 = vector.extract_strided_slice %mul3A_2889 {offsets = [0, 0], sizes = [444, 8], strides = [1, 1]} : vector<448x8xf32> to vector<444x8xf32>
    %concatenate3A_2893 = tpu.concatenate %broadcast_in_dim3A_2891, %slice3A_2892 in 0 : vector<4x8xf32>, vector<444x8xf32> -> vector<448x8xf32>
    %mul3A_2894 = arith.mulf %mul3A_2889, %concatenate3A_2893 : vector<448x8xf32>
    %broadcast_in_dim3A_2895 = arith.constant 1.000000e+00 : f32
    %broadcast_in_dim3A_2896 = vector.broadcast %broadcast_in_dim3A_2895 : f32 to vector<8x8xf32>
    %slice3A_2897 = vector.extract_strided_slice %mul3A_2894 {offsets = [0, 0], sizes = [440, 8], strides = [1, 1]} : vector<448x8xf32> to vector<440x8xf32>
    %concatenate3A_2898 = tpu.concatenate %broadcast_in_dim3A_2896, %slice3A_2897 in 0 : vector<8x8xf32>, vector<440x8xf32> -> vector<448x8xf32>
    %mul3A_2899 = arith.mulf %mul3A_2894, %concatenate3A_2898 : vector<448x8xf32>
    %broadcast_in_dim3A_2900 = arith.constant 1.000000e+00 : f32
    %broadcast_in_dim3A_2901 = vector.broadcast %broadcast_in_dim3A_2900 : f32 to vector<16x8xf32>
    %slice3A_2902 = vector.extract_strided_slice %mul3A_2899 {offsets = [0, 0], sizes = [432, 8], strides = [1, 1]} : vector<448x8xf32> to vector<432x8xf32>
    %concatenate3A_2903 = tpu.concatenate %broadcast_in_dim3A_2901, %slice3A_2902 in 0 : vector<16x8xf32>, vector<432x8xf32> -> vector<448x8xf32>
    %mul3A_2904 = arith.mulf %mul3A_2899, %concatenate3A_2903 : vector<448x8xf32>
    %broadcast_in_dim3A_2905 = arith.constant 1.000000e+00 : f32
    %broadcast_in_dim3A_2906 = vector.broadcast %broadcast_in_dim3A_2905 : f32 to vector<32x8xf32>
    %slice3A_2907 = vector.extract_strided_slice %mul3A_2904 {offsets = [0, 0], sizes = [416, 8], strides = [1, 1]} : vector<448x8xf32> to vector<416x8xf32>
    %concatenate3A_2908 = tpu.concatenate %broadcast_in_dim3A_2906, %slice3A_2907 in 0 : vector<32x8xf32>, vector<416x8xf32> -> vector<448x8xf32>
    %mul3A_2909 = arith.mulf %mul3A_2904, %concatenate3A_2908 : vector<448x8xf32>
    %broadcast_in_dim3A_2910 = arith.constant 1.000000e+00 : f32
    %broadcast_in_dim3A_2911 = vector.broadcast %broadcast_in_dim3A_2910 : f32 to vector<64x8xf32>
    %slice3A_2912 = vector.extract_strided_slice %mul3A_2909 {offsets = [0, 0], sizes = [384, 8], strides = [1, 1]} : vector<448x8xf32> to vector<384x8xf32>
    %concatenate3A_2913 = tpu.concatenate %broadcast_in_dim3A_2911, %slice3A_2912 in 0 : vector<64x8xf32>, vector<384x8xf32> -> vector<448x8xf32>
    %mul3A_2914 = arith.mulf %mul3A_2909, %concatenate3A_2913 : vector<448x8xf32>
    %broadcast_in_dim3A_2915 = arith.constant 1.000000e+00 : f32
    %broadcast_in_dim3A_2916 = vector.broadcast %broadcast_in_dim3A_2915 : f32 to vector<128x8xf32>
    %slice3A_2917 = vector.extract_strided_slice %mul3A_2914 {offsets = [0, 0], sizes = [320, 8], strides = [1, 1]} : vector<448x8xf32> to vector<320x8xf32>
    %concatenate3A_2918 = tpu.concatenate %broadcast_in_dim3A_2916, %slice3A_2917 in 0 : vector<128x8xf32>, vector<320x8xf32> -> vector<448x8xf32>
    %mul3A_2919 = arith.mulf %mul3A_2914, %concatenate3A_2918 : vector<448x8xf32>
    %broadcast_in_dim3A_2920 = arith.constant 1.000000e+00 : f32
    %broadcast_in_dim3A_2921 = vector.broadcast %broadcast_in_dim3A_2920 : f32 to vector<256x8xf32>
    %slice3A_2922 = vector.extract_strided_slice %mul3A_2919 {offsets = [0, 0], sizes = [192, 8], strides = [1, 1]} : vector<448x8xf32> to vector<192x8xf32>
    %concatenate3A_2923 = tpu.concatenate %broadcast_in_dim3A_2921, %slice3A_2922 in 0 : vector<256x8xf32>, vector<192x8xf32> -> vector<448x8xf32>
    %mul3A_2924 = arith.mulf %mul3A_2919, %concatenate3A_2923 : vector<448x8xf32>
    %broadcast_in_dim3A_2925 = arith.constant 1.000000e+00 : f32
    %broadcast_in_dim3A_2926 = vector.broadcast %broadcast_in_dim3A_2925 : f32 to vector<1x8xf32>
    %slice3A_2927 = vector.extract_strided_slice %mul3A_2924 {offsets = [0, 0], sizes = [447, 8], strides = [1, 1]} : vector<448x8xf32> to vector<447x8xf32>
    %concatenate3A_2928 = tpu.concatenate %broadcast_in_dim3A_2926, %slice3A_2927 in 0 : vector<1x8xf32>, vector<447x8xf32> -> vector<448x8xf32>
    %mul3A_2929 = arith.mulf %sub3A_2873, %concatenate3A_2928 : vector<448x8xf32>
    %concatenate3A_2930 = tpu.concatenate %sub3A_1028, %sub3A_1282, %sub3A_1536, %sub3A_1790, %sub3A_2044, %sub3A_2298, %sub3A_2552, %sub3A_2806 in 1 : vector<448x1xf32>, vector<448x1xf32>, vector<448x1xf32>, vector<448x1xf32>, vector<448x1xf32>, vector<448x1xf32>, vector<448x1xf32>, vector<448x1xf32> -> vector<448x8xf32>
    %neg3A_2931 = arith.constant 0.000000e+00 : f32
    %neg3A_2932 = vector.broadcast %neg3A_2931 : f32 to vector<448x8xf32>
    %neg3A_2933 = arith.subf %neg3A_2932, %concatenate3A_2930 : vector<448x8xf32>
    %exp3A_2934 = math.exp %neg3A_2933 : vector<448x8xf32>
    %add3A_2935 = arith.constant 1.000000e+00 : f32
    %add3A_2936 = vector.broadcast %add3A_2935 : f32 to vector<448x8xf32>
    %add3A_2937 = arith.addf %add3A_2936, %exp3A_2934 : vector<448x8xf32>
    %div3A_2938 = arith.constant 1.000000e+00 : f32
    %div3A_2939 = vector.broadcast %div3A_2938 : f32 to vector<448x8xf32>
    %div3A_2940 = arith.divf %div3A_2939, %add3A_2937 : vector<448x8xf32>
    %mul3A_2941 = arith.mulf %mul3A_2929, %div3A_2940 : vector<448x8xf32>
    %reduce_sum3A = arith.constant dense<0.000000e+00> : vector<8xf32>
    %reduce_sum3A_2942 = vector.multi_reduction <add>, %mul3A_2941, %reduce_sum3A [0] : vector<448x8xf32> to vector<8xf32>
    %broadcast_in_dim3A_2943 = vector.shape_cast %reduce_sum3A_2942 : vector<8xf32> to vector<1x8xf32>
    %concatenate3A_2944 = tpu.concatenate %sub3A_1056, %sub3A_1310, %sub3A_1564, %sub3A_1818, %sub3A_2072, %sub3A_2326, %sub3A_2580, %sub3A_2834 in 1 : vector<448x1xf32>, vector<448x1xf32>, vector<448x1xf32>, vector<448x1xf32>, vector<448x1xf32>, vector<448x1xf32>, vector<448x1xf32>, vector<448x1xf32> -> vector<448x8xf32>
    %neg3A_2945 = arith.constant 0.000000e+00 : f32
    %neg3A_2946 = vector.broadcast %neg3A_2945 : f32 to vector<448x8xf32>
    %neg3A_2947 = arith.subf %neg3A_2946, %concatenate3A_2944 : vector<448x8xf32>
    %exp3A_2948 = math.exp %neg3A_2947 : vector<448x8xf32>
    %add3A_2949 = arith.constant 1.000000e+00 : f32
    %add3A_2950 = vector.broadcast %add3A_2949 : f32 to vector<448x8xf32>
    %add3A_2951 = arith.addf %add3A_2950, %exp3A_2948 : vector<448x8xf32>
    %div3A_2952 = arith.constant 1.000000e+00 : f32
    %div3A_2953 = vector.broadcast %div3A_2952 : f32 to vector<448x8xf32>
    %div3A_2954 = arith.divf %div3A_2953, %add3A_2951 : vector<448x8xf32>
    %mul3A_2955 = arith.mulf %mul3A_2929, %div3A_2954 : vector<448x8xf32>
    %reduce_sum3A_2956 = arith.constant dense<0.000000e+00> : vector<8xf32>
    %reduce_sum3A_2957 = vector.multi_reduction <add>, %mul3A_2955, %reduce_sum3A_2956 [0] : vector<448x8xf32> to vector<8xf32>
    %broadcast_in_dim3A_2958 = vector.shape_cast %reduce_sum3A_2957 : vector<8xf32> to vector<1x8xf32>
    %concatenate3A_2959 = tpu.concatenate %sub3A_1084, %sub3A_1338, %sub3A_1592, %sub3A_1846, %sub3A_2100, %sub3A_2354, %sub3A_2608, %sub3A_2862 in 1 : vector<448x1xf32>, vector<448x1xf32>, vector<448x1xf32>, vector<448x1xf32>, vector<448x1xf32>, vector<448x1xf32>, vector<448x1xf32>, vector<448x1xf32> -> vector<448x8xf32>
    %neg3A_2960 = arith.constant 0.000000e+00 : f32
    %neg3A_2961 = vector.broadcast %neg3A_2960 : f32 to vector<448x8xf32>
    %neg3A_2962 = arith.subf %neg3A_2961, %concatenate3A_2959 : vector<448x8xf32>
    %exp3A_2963 = math.exp %neg3A_2962 : vector<448x8xf32>
    %add3A_2964 = arith.constant 1.000000e+00 : f32
    %add3A_2965 = vector.broadcast %add3A_2964 : f32 to vector<448x8xf32>
    %add3A_2966 = arith.addf %add3A_2965, %exp3A_2963 : vector<448x8xf32>
    %div3A_2967 = arith.constant 1.000000e+00 : f32
    %div3A_2968 = vector.broadcast %div3A_2967 : f32 to vector<448x8xf32>
    %div3A_2969 = arith.divf %div3A_2968, %add3A_2966 : vector<448x8xf32>
    %mul3A_2970 = arith.mulf %mul3A_2929, %div3A_2969 : vector<448x8xf32>
    %reduce_sum3A_2971 = arith.constant dense<0.000000e+00> : vector<8xf32>
    %reduce_sum3A_2972 = vector.multi_reduction <add>, %mul3A_2970, %reduce_sum3A_2971 [0] : vector<448x8xf32> to vector<8xf32>
    %broadcast_in_dim3A_2973 = vector.shape_cast %reduce_sum3A_2972 : vector<8xf32> to vector<1x8xf32>
    %broadcast_in_dim3A_2974 = arith.constant 0.000000e+00 : f32
    %broadcast_in_dim3A_2975 = vector.broadcast %broadcast_in_dim3A_2974 : f32 to vector<1x8xf32>
    %concatenate3A_2976 = tpu.concatenate %broadcast_in_dim3A_2943, %broadcast_in_dim3A_2958, %broadcast_in_dim3A_2973, %broadcast_in_dim3A_2975 in 0 : vector<1x8xf32>, vector<1x8xf32>, vector<1x8xf32>, vector<1x8xf32> -> vector<4x8xf32>
    %reshape3A = vector.shape_cast %concatenate3A_2976 : vector<4x8xf32> to vector<1x4x8xf32>
    %swap3A = arith.constant 0 : index
    %swap3A_2977 = arith.constant 0 : index
    %swap3A_2978 = arith.constant 0 : index
    %swap3A_2979 = vector.load %arg5[%swap3A, %swap3A_2977, %swap3A_2978] : memref<1x4x8xf32, #tpu.memory_space<vmem>>, vector<1x4x8xf32>
    tpu.vector_store %arg5[%swap3A, %swap3A_2977, %swap3A_2978], %reshape3A {strides = array<i32>} : memref<1x4x8xf32, #tpu.memory_space<vmem>>, vector<1x4x8xf32>,
    return
  }
  func.func @transform_0(%arg0: i32) -> (i32, i32, i32) {
    %c0_i32 = arith.constant 0 : i32
    %c0_i32_0 = arith.constant 0 : i32
    %c0_i32_1 = arith.constant 0 : i32
    return %arg0, %c0_i32, %c0_i32_0 : i32, i32, i32
  }
  func.func @transform_1(%arg0: i32) -> (i32, i32, i32) {
    %c0_i32 = arith.constant 0 : i32
    %c0_i32_0 = arith.constant 0 : i32
    %c0_i32_1 = arith.constant 0 : i32
    return %arg0, %c0_i32, %c0_i32_0 : i32, i32, i32
  }
  func.func @transform_2(%arg0: i32) -> (i32, i32, i32) {
    %c0_i32 = arith.constant 0 : i32
    %c0_i32_0 = arith.constant 0 : i32
    %c0_i32_1 = arith.constant 0 : i32
    return %arg0, %c0_i32, %c0_i32_0 : i32, i32, i32
  }
  func.func @transform_3(%arg0: i32) -> (i32, i32) {
    %c0_i32 = arith.constant 0 : i32
    %c0_i32_0 = arith.constant 0 : i32
    %c0_i32_1 = arith.constant 0 : i32
    return %c0_i32, %c0_i32_0 : i32, i32
  }
  func.func @transform_4(%arg0: i32) -> (i32, i32, i32) {
    %c0_i32 = arith.constant 0 : i32
    %c0_i32_0 = arith.constant 0 : i32
    %c0_i32_1 = arith.constant 0 : i32
    return %arg0, %c0_i32, %c0_i32_0 : i32, i32, i32
  }
}

</mosaic_0001>

<sc_bundles>
// kernel: kernel.5.cloned.1.call-start
scs
__scs_entry_jumppad:
0x0: {  	(pc) =	sbr.rel $0x88, $3  }
0x1: {  	(tag) =	ssettag $0x0;
	lr =	simm.s32 $0x1  }
0x2: {  	[smem:$0x3F9D] =	sst lr;
	_ =	strace $0xD0000000  }
0x3: {  	_ = 	snop  }
0x4: {  	_ = 	snop  }
0x5: {  	_ = 	snop  }
0x6: {  	_ = 	snop  }
0x7: {  	_ = 	snop  }
__scs_overlays_trampoline_lowered:
0x8: {  	[smem:$0x3FAC] =	sst s0  }
0x9: {  	[smem:$0x3FAD] =	sst s1  }
0xa: {  	[smem:$0x3FAE] =	sst s2  }
0xb: {  	[smem:$0x3FAF] =	sst s3  }
0xc: {  	[smem:$0x3FB0] =	sst s4  }
0xd: {  	[smem:$0x3FB1] =	sst s5  }
0xe: {  	[smem:$0x3FB2] =	sst s6  }
0xf: {  	[smem:$0x3FB3] =	sst s7  }
0x10: {  	[smem:$0x3FB4] =	sst s8  }
0x11: {  	[smem:$0x3FB5] =	sst s9;
	s0 =	simm.s32 @!p0 $0x0  }
0x12: {  	s1 =	sld [smem:$0x3F9B];
	s0 =	simm.s32 @p0 $0x1  }
0x13: {  	[smem:$0x3FB6] =	sst s0;
	s0 =	simm.s32 @!p1 $0x0  }
0x14: {  	s2 =	sld [smem:$0x3F9A];
	s0 =	simm.s32 @p1 $0x1  }
0x15: {  	[smem:$0x3FB7] =	sst s0;
	s0 =	simm.s32 @!p2 $0x0  }
0x16: {  	s3 =	sld [smem:$0x3FDB];
	s0 =	simm.s32 @p2 $0x1  }
0x17: {  	s4 =	simm.s32 $0x1BF5;
	[smem:$0x3FB9] =	sst s0  }
0x18: {  	s0 =	sld [smem:$0x3F9C];
	_ =	swait.ge [sflag:s4], $0x0  }
0x19: {  	s7 =	sld [smem:$0x3F9D]  }
0x1a: {  	s8 =	sadd.s32 $0xFFFFE003, lr  }
0x1b: {  	s9 =	sadd.s32 $0xFFFFFEF7, lr;
	s5 =	simm.s32 $0xFFFFFFFF;
	p2 =	slt.u32 s8, $0xFFFFF086  }
0x1c: {  	p1 =	slt.u32 s9, $0xF7A;
	s5 =	simm.s32 @!p2 $0x0  }
0x1d: {  	s5 =	simm.s32 @p1 $0x1;
	p0 =	seq.s32 s7, s2  }
0x1e: {  	s7 =	smul.u32 @!p0 $0xF7A, s2;
	p2 =	seq.s32 @!p0 s5, $0x0  }
0x1f: {  	s9 =	smul.u32 $0xF7A, s1;
	s8 =	simm.s32 @!p0 $0x1BF5;
	p2 =	por !p2, p0  }
0x20: {  	[sflag:s8] =	ssyncset.s32 @!p0 $0xFFFFF086;
	s6 =	sadd.s32 @!p0 s3, s7;
	s7 =	simm.s32 @!p0 $0x108  }
0x21: {  	s3 =	sadd.s32 s3, s9;
	s6 =	sadd.s32 @!p0 $0x88, s6;
	s7 =	simm.s32 @p2 $0x1082  }
0x22: {  	[simem:s7], [sflag:s8] =	dma.local @!p0 [hbm:s6], $0xF7A  }
0x23: {  	s9 =	sor.u32 $0xD0000000, s2;
	s6 =	simm.s32 $0x108;
	_ =	swait.ge @!p0 [sflag:s8], $0x0  }
0x24: {  	s3 =	sadd.s32 $0x88, s3;
	s6 =	simm.s32 @!p1 $0x1082;
	[sflag:s4] =	ssyncset.s32 $0xFFFFF086  }
0x25: {  	[simem:s6], [sflag:s4] =	dma.local [hbm:s3], $0xF7A  }
0x26: {  	[smem:$0x3F9D] =	sst s1;
	(tag) =	ssettag s2;
	_ =	strace s9  }
0x27: {  	s1 =	sld [smem:$0x3FAD]  }
0x28: {  	s2 =	sld [smem:$0x3FAE]  }
0x29: {  	s4 =	sld [smem:$0x3FB0]  }
0x2a: {  	p0 =	seq.s32 s5, $0x0;
	s5 =	sld [smem:$0x3FB1]  }
0x2b: {  	s6 =	sld [smem:$0x3FB2]  }
0x2c: {  	s7 =	sld [smem:$0x3FB3]  }
0x2d: {  	s3 =	simm.s32 $0x108;
	s8 =	sld [smem:$0x3FB4]  }
0x2e: {  	s3 =	simm.s32 @!p0 $0x1082;
	s9 =	sld [smem:$0x3FB5]  }
0x2f: {  	lr =	sadd.s32 s0, s3;
	s0 =	sld [smem:$0x3FAC]  }
0x30: {  	s3 =	sld [smem:$0x3FAF]  }
0x31: {  	[smem:$0x3FB8] =	sst s10  }
0x32: {  	s10 =	sld [smem:$0x3FB6];
	_ =	sdelay $0x3  }
0x33: {  	p0 =	seq.s32 s10, $0x1;
	s10 =	sld [smem:$0x3FB8];
	_ =	sdelay $0x3  }
0x34: {  	[smem:$0x3FB8] =	sst s10  }
0x35: {  	s10 =	sld [smem:$0x3FB7];
	_ =	sdelay $0x3  }
0x36: {  	p1 =	seq.s32 s10, $0x1;
	s10 =	sld [smem:$0x3FB8];
	_ =	sdelay $0x3  }
0x37: {  	[smem:$0x3FB8] =	sst s10  }
0x38: {  	s10 =	sld [smem:$0x3FB9]  }
0x39: {  	_ = 	snop;
	(pc) =	sbr.ind lr, $3  }
0x3a: {  	_ = 	snop  }
0x3b: {  	_ = 	snop  }
0x3c: {  	p2 =	seq.s32 s10, $0x1;
	s10 =	sld [smem:$0x3FB8]  }
0x3d: {  	_ =	shalt  }
0x3e: {  	_ =	shalt  }
0x3f: {  	_ =	shalt  }
0x40: {  	_ =	shalt  }
0x41: {  	_ =	shalt  }
0x42: {  	_ =	shalt  }
0x43: {  	_ =	shalt  }
0x44: {  	_ =	shalt  }
0x45: {  	_ =	shalt  }
0x46: {  	_ =	shalt  }
0x47: {  	_ =	shalt  }
0x48: {  	_ =	shalt  }
0x49: {  	_ =	shalt  }
0x4a: {  	_ =	shalt  }
0x4b: {  	_ =	shalt  }
0x4c: {  	_ =	shalt  }
0x4d: {  	_ =	shalt  }
0x4e: {  	_ =	shalt  }
0x4f: {  	_ =	shalt  }
0x50: {  	_ =	shalt  }
0x51: {  	_ =	shalt  }
0x52: {  	_ =	shalt  }
0x53: {  	_ =	shalt  }
0x54: {  	_ =	shalt  }
0x55: {  	_ =	shalt  }
0x56: {  	_ =	shalt  }
0x57: {  	_ =	shalt  }
0x58: {  	_ =	shalt  }
0x59: {  	_ =	shalt  }
0x5a: {  	_ =	shalt  }
0x5b: {  	_ =	shalt  }
0x5c: {  	_ =	shalt  }
0x5d: {  	_ =	shalt  }
0x5e: {  	_ =	shalt  }
0x5f: {  	_ =	shalt  }
0x60: {  	_ =	shalt  }
0x61: {  	_ =	shalt  }
0x62: {  	_ =	shalt  }
0x63: {  	_ =	shalt  }
0x64: {  	_ =	shalt  }
0x65: {  	_ =	shalt  }
0x66: {  	_ =	shalt  }
0x67: {  	_ =	shalt  }
0x68: {  	_ =	shalt  }
0x69: {  	_ =	shalt  }
0x6a: {  	_ =	shalt  }
0x6b: {  	_ =	shalt  }
0x6c: {  	_ =	shalt  }
0x6d: {  	_ =	shalt  }
0x6e: {  	_ =	shalt  }
0x6f: {  	_ =	shalt  }
0x70: {  	_ =	shalt  }
0x71: {  	_ =	shalt  }
0x72: {  	_ =	shalt  }
0x73: {  	_ =	shalt  }
0x74: {  	_ =	shalt  }
0x75: {  	_ =	shalt  }
0x76: {  	_ =	shalt  }
0x77: {  	_ =	shalt  }
0x78: {  	_ =	shalt  }
0x79: {  	_ =	shalt  }
0x7a: {  	_ =	shalt  }
0x7b: {  	_ =	shalt  }
0x7c: {  	_ =	shalt  }
0x7d: {  	_ =	shalt  }
0x7e: {  	_ =	shalt  }
0x7f: {  	_ =	shalt  }
0x80: {  	_ =	shalt  }
0x81: {  	_ =	shalt  }
0x82: {  	_ =	shalt  }
0x83: {  	_ =	shalt  }
0x84: {  	_ =	shalt  }
0x85: {  	_ =	shalt  }
0x86: {  	_ =	shalt  }
0x87: {  	_ =	shalt  }
.Lfunc_end0:
.L_simem_size_0:
called_computation_lowered:
.L_overlay_start_0:
0x88: {  	s2 =	sld [smem:$0x3FD9]  }
0x89: {  	s3 =	sld [smem:$0x3FFE];
	_ =	sdelay $0x1  }
0x8a: {  	s1 =	srdreg.scid  }
0x8b: {  	s0 =	sand.u32 $0x1, s1  }
0x8c: {  	s16 =	sshll.u32 s0, $0xA;
	s2 =	sadd.s32 s3, s2  }
0x8d: {  	s2 =	sadd.s32 s2, s16  }
0x8e: {  	[smem:$0x3FC4] =	sst s2  }
0x8f: {  	_ = 	snop  }
0x90: {  	(tm) =	ssettm $0x1  }
0x91: {  	s17 =	sld [smem:$0x3FFB];
	_ =	sdelay $0x3  }
0x92: {  	_ =	strace s17  }
0x93: {  	s2 =	sld [smem:$0x3FFC];
	_ =	sdelay $0x3  }
0x94: {  	_ =	strace s2  }
0x95: {  	s2 =	sld [smem:$0x3FFD];
	_ =	sdelay $0x3  }
0x96: {  	_ =	strace s2  }
0x97: {  	_ =	strace $0x8FFFFFFF  }
0x98: {  	s18 =	sld [smem:$0x3FDB];
	_ =	sdelay $0x1  }
0x99: {  	s19 =	simm.s32 $_scs_section_size  }
0x9a: {  	s4 =	simm.s32 $_size__tile_overlayer_lowered;
	s5 =	simm.s32 $_tile_overlayer_lowered  }
0x9b: {  	s22 =	simm.s32 $0x1BFF;
	s21 =	sshll.u32 s5, $0x1;
	s2 =	sadd.s32 s19, s18  }
0x9c: {  	s6 =	simm.s32 $0x0;
	s20 =	sshll.u32 s4, $0x1;
	s4 =	sadd.s32 s21, s2  }
0x9d: {  	[timem:s6], [sflag:s22] =	dma.local [hbm:s4], s20  }
0x9e: {  	_ =	swait.ge [sflag:s22], s20  }
0x9f: {  	s3 =	ssub.s32 $0x0, s20;
	[sflag:s22] =	ssyncset.done $0x0  }
0xa0: {  	[sflag:s22] =	ssyncadd.s32 s3;
	_ =	sdelay $0x1  }
0xa1: {  	s23 =	simm.s32 $0x1B8B  }
0xa2: {  	_ =	swait.ge [sflag:s23], $0x1  }
0xa3: {  	[sflag:s23] =	ssyncset.done $0x0  }
0xa4: {  	s25 =	simm.s32 $0x1B8E;
	s24 =	sld [smem:$0x3FFE];
	[sflag:s23] =	ssyncadd.s32 $0xFFFFFFFF  }
0xa5: {  	s26 =	simm.s32 $execute0_lowered;
	[smem:$0x3FD2] =	sst s25  }
0xa6: {  	s4 =	sshll.u32 s26, $0x1;
	_ =	strace $0x80000046;
	[dreg:$0x1] =	wrdreg $0xFFFFFFFF  }
0xa7: {  	s28 =	simm.s32 $_size_execute0_lowered;
	s2 =	sadd.s32 s2, s4;
	[dreg:$0x0] =	wrdreg $0x0  }
0xa8: {  	s4 =	sshll.u32 s28, $0x1;
	[dreg:$0x2] =	wrdreg s2  }
0xa9: {  	[dreg:$0x3] =	wrdreg s4  }
0xaa: {  	[dreg:$0x4] =	wrdreg $0xC0  }
0xab: {  	_ =	task [dreg:s6], $0x5FFFF  }
0xac: {  	[dreg:$0x1] =	wrdreg $0xFFFFFFFF  }
0xad: {  	[dreg:$0x0] =	wrdreg $0x60  }
0xae: {  	[dreg:$0x2] =	wrdreg s24  }
0xaf: {  	[dreg:$0x3] =	wrdreg $0x9  }
0xb0: {  	_ =	task.clear_ibuf [dreg:s6], $0x4FFFF;
	_ =	strace $0x90000046  }
0xb1: {  	s29 =	simm.s32 $0x9;
	_ =	strace $0x80000048  }
0xb2: {  	_ =	swait.ge [sflag:s29], $0x1  }
0xb3: {  	[sflag:s29] =	ssyncadd.s32 $0xFFFFFFFF  }
0xb4: {  	_ =	strace $0x90000048  }
0xb5: {  	_ =	sfence  }
0xb6: {  	s30 =	sld [smem:$0x0];
	_ =	sdelay $0x2  }
0xb7: {  	s31 =	sshll.u32 s1, $0xD;
	s1 =	sshrl.u32 s1, $0x2  }
0xb8: {  	s3 =	sand.u32 $0x4000, s31;
	s1 =	sadd.s32 s1, s30  }
0xb9: {  	s0 =	sor.u32 s3, s0;
	s1 =	sshll.u32 s1, $0x11  }
0xba: {  	s0 =	sor.u32 s1, s0  }
0xbb: {  	s0 =	sadd.s32 $0x8F2B, s0  }
0xbc: {  	[sflag:s0] =	ssyncadd.remote.s32 $0x1  }
0xbd: {  	_ =	sfence.sel $0xFFFF  }
0xbe: {  	[dreg:$0x0] =	wrdreg $0xFFFFFFFF;
	(pc) =	sbr.abs _section_cstart, $3  }
0xbf: {  	[dreg:$0x1] =	wrdreg $0xFFFFFFFF  }
0xc0: {  	_ =	task.clear_ibuf [dreg:s6], $0x2FFFF;
	_ =	strace $0x9FFFFFFF  }
0xc1: {  	(tm) =	ssettm $0x7FFFFFFF  }
tec
execute0_lowered:
.L_overlay_start_1:
0x0: {  	(tag) =	ssettag $0x1  }
0x1: {  	s1 =	srdreg.scid;
	s0 =	stileid.u32  }
0x2: {  	s5 =	rddreg [dreg:$0x0];
	s2 =	simm.s32 $0x0;
	s12 =	simm.s32 $0x3800  }
0x3: {  	s13 =	simm.s32 $0x5800;
	s14 =	simm.s32 $0x7800;
	s15 =	simm.s32 $0x9800  }
0x4: {  	s16 =	simm.s32 $0x1;
	s17 =	simm.s32 $0x2;
	s7 =	smul.u32 $0xE0000, s0  }
0x5: {  	s18 =	simm.s32 $0x0;
	s4 =	sand.u32 $0x1, s1;
	s9 =	smul.u32 $0x7000, s0  }
0x6: {  	s25 =	sshll.u32 s0, $0x1;
	[smem:$0x7FF] =	sst s2;
	s8 =	smul.u32 $0x70000, s4  }
0x7: {  	s1 =	sor.u32 s4, s25;
	s10 =	ssub.s32 $0x2, s4;
	s4 =	smul.u32 $0x3800, s4  }
0x8: {  	s3 =	sadd.s32 $0x80C00, s5;
	s11 =	sadd.s32 $0x100C00, s5;
	s6 =	smul.u32 $0x700, s1  }
0x9: {  	s1 =	rddreg [dreg:$0x1];
	_ =	strace $0x80000047;
	s26 =	sshrl.u32 s10, $0x1  }
0xa: {  	s7 =	sadd.s32 s8, s7;
	s28 =	sadd.s32 s4, s9;
	s6 =	sadd.s32 s6, s5  }
0xb: {  	s5 =	ssub.s32 s10, s26;
	s29 =	sshrl.u32 s7, $0x4;
	s30 =	sshll.u32 s28, $0x1  }
0xc: {  	s10 =	simm.s32 $0x3;
	s4 =	sadd.s32 $0xC00, s6;
	s5 =	smax.u32 s5, $0x1  }
0xd: {  	s6 =	sadd.s32 s29, s11;
	s31 =	sadd.s32 s30, s11;
	s11 =	simm.s32 $0x200  }
0xe: {  	s7 =	sadd.s32 $0x800, s31;
	s8 =	sadd.s32 $0x400, s31;
	s9 =	sadd.s32 $0xC00, s31  }
.LBB2_1:
0xf: {  	[tilespmem:s2], [sflag:$0x3] =	stream.linear.gather [hbm4b:s4+s2], $0x3800, $0x38;
	[tilespmem:$0xB800] =	vst v63  }
0x10: {  	_ =	swait.ge [sflag:s10], $0x3800  }
0x11: {  	[sflag:s10] =	ssyncset.done $0x0  }
0x12: {  	[sflag:s10] =	ssyncadd.s32 $0xFFFFC800  }
0x13: {  	[tilespmem:s12], [sflag:$0x1] =	stream.indirect.gather [hbm4b:s3+s11], $0x10, s2, s11, $0xb8;
	[tilespmem:$0xB800] =	vst v63  }
0x14: {  	s19 =	simm.s32 $0x200  }
0x15: {  	[tilespmem:s13], [sflag:$0x1] =	stream.indirect.gather [hbm4b:s3+s11], $0x10, s19, s11, $0xb8;
	[tilespmem:$0xB800] =	vst v63  }
0x16: {  	s25 =	simm.s32 $0x400  }
0x17: {  	[tilespmem:s14], [sflag:$0x1] =	stream.indirect.gather [hbm4b:s3+s11], $0x10, s25, s11, $0xb8;
	[tilespmem:$0xB800] =	vst v63  }
0x18: {  	s26 =	simm.s32 $0x600  }
0x19: {  	[tilespmem:s15], [sflag:$0x1] =	stream.indirect.gather [hbm4b:s3+s11], $0x10, s26, s11, $0xb8;
	[tilespmem:$0xB800] =	vst v63  }
0x1a: {  	_ =	swait.ge [sflag:s16], $0x2000  }
0x1b: {  	[sflag:s16] =	ssyncset.done $0x0  }
0x1c: {  	[sflag:s16] =	ssyncadd.s32 $0xFFFFE000  }
0x1d: {  	_ =	swait.ge [sflag:s16], $0x2000  }
0x1e: {  	[sflag:s16] =	ssyncset.done $0x0  }
0x1f: {  	[sflag:s16] =	ssyncadd.s32 $0xFFFFE000  }
0x20: {  	_ =	swait.ge [sflag:s16], $0x2000  }
0x21: {  	[sflag:s16] =	ssyncset.done $0x0  }
0x22: {  	[sflag:s16] =	ssyncadd.s32 $0xFFFFE000  }
0x23: {  	_ =	swait.ge [sflag:s16], $0x2000  }
0x24: {  	[sflag:s16] =	ssyncset.done $0x0  }
0x25: {  	s28 =	sadd.s32 $0x0, s6;
	[sflag:s16] =	ssyncadd.s32 $0xFFFFE000  }
0x26: {  	[hbm4b:s28+s2] =	stream.linear.scatter [tilespmem:s12], [sflag:$0x2], $0x2000, $0x38;
	[tilespmem:$0xB800] =	vst v63  }
0x27: {  	s29 =	sadd.s32 $0x0, s8  }
0x28: {  	[hbm4b:s29+s2] =	stream.linear.scatter [tilespmem:s13], [sflag:$0x2], $0x2000, $0x38;
	[tilespmem:$0xB800] =	vst v63  }
0x29: {  	s30 =	sadd.s32 $0x0, s7  }
0x2a: {  	[hbm4b:s30+s2] =	stream.linear.scatter [tilespmem:s14], [sflag:$0x2], $0x2000, $0x38;
	[tilespmem:$0xB800] =	vst v63  }
0x2b: {  	s31 =	sadd.s32 $0x0, s9  }
0x2c: {  	[hbm4b:s31+s2] =	stream.linear.scatter [tilespmem:s15], [sflag:$0x2], $0x2000, $0x38;
	[tilespmem:$0xB800] =	vst v63  }
0x2d: {  	_ =	swait.ge [sflag:s17], $0x2000  }
0x2e: {  	[sflag:s17] =	ssyncset.done $0x0  }
0x2f: {  	[sflag:s17] =	ssyncadd.s32 $0xFFFFE000  }
0x30: {  	_ =	swait.ge [sflag:s17], $0x2000  }
0x31: {  	[sflag:s17] =	ssyncset.done $0x0  }
0x32: {  	[sflag:s17] =	ssyncadd.s32 $0xFFFFE000  }
0x33: {  	_ =	swait.ge [sflag:s17], $0x2000  }
0x34: {  	[sflag:s17] =	ssyncset.done $0x0  }
0x35: {  	[sflag:s17] =	ssyncadd.s32 $0xFFFFE000  }
0x36: {  	_ =	swait.ge [sflag:s17], $0x2000  }
0x37: {  	s20 =	simm.s32 $0x0;
	s19 =	simm.s32 $0x1000;
	[sflag:s17] =	ssyncset.done $0x0  }
.LBB2_2:
0x38: {  	p0 =	sne.s32 s19, $0x6000;
	[sflag:s17] =	ssyncadd.s32 $0xFFFFE000;
	s20 =	sadd.s32 $0x800, s20  }
0x39: {  	[tilespmem:s12], [sflag:$0x1] =	stream.indirect.gather [hbm4b:s3+s11], $0x10, s20, s11, $0xb8;
	[tilespmem:$0xB800] =	vst v63  }
0x3a: {  	s22 =	smov.u32 s19;
	s19 =	sadd.s32 $0x1000, s19;
	s21 =	sadd.s32 $0x200, s20  }
0x3b: {  	[tilespmem:s13], [sflag:$0x1] =	stream.indirect.gather [hbm4b:s3+s11], $0x10, s21, s11, $0xb8;
	[tilespmem:$0xB800] =	vst v63  }
0x3c: {  	s21 =	sadd.s32 $0x400, s20  }
0x3d: {  	[tilespmem:s14], [sflag:$0x1] =	stream.indirect.gather [hbm4b:s3+s11], $0x10, s21, s11, $0xb8;
	[tilespmem:$0xB800] =	vst v63  }
0x3e: {  	s21 =	sadd.s32 $0x600, s20  }
0x3f: {  	[tilespmem:s15], [sflag:$0x1] =	stream.indirect.gather [hbm4b:s3+s11], $0x10, s21, s11, $0xb8;
	[tilespmem:$0xB800] =	vst v63  }
0x40: {  	_ =	swait.ge [sflag:s16], $0x2000  }
0x41: {  	[sflag:s16] =	ssyncset.done $0x0  }
0x42: {  	[sflag:s16] =	ssyncadd.s32 $0xFFFFE000  }
0x43: {  	_ =	swait.ge [sflag:s16], $0x2000  }
0x44: {  	[sflag:s16] =	ssyncset.done $0x0  }
0x45: {  	[sflag:s16] =	ssyncadd.s32 $0xFFFFE000  }
0x46: {  	_ =	swait.ge [sflag:s16], $0x2000  }
0x47: {  	[sflag:s16] =	ssyncset.done $0x0  }
0x48: {  	[sflag:s16] =	ssyncadd.s32 $0xFFFFE000  }
0x49: {  	_ =	swait.ge [sflag:s16], $0x2000  }
0x4a: {  	[sflag:s16] =	ssyncset.done $0x0  }
0x4b: {  	s21 =	sadd.s32 s22, s6;
	[sflag:s16] =	ssyncadd.s32 $0xFFFFE000  }
0x4c: {  	[hbm4b:s21+s2] =	stream.linear.scatter [tilespmem:s12], [sflag:$0x2], $0x2000, $0x38;
	[tilespmem:$0xB800] =	vst v63  }
0x4d: {  	s21 =	sadd.s32 s22, s8  }
0x4e: {  	[hbm4b:s21+s2] =	stream.linear.scatter [tilespmem:s13], [sflag:$0x2], $0x2000, $0x38;
	[tilespmem:$0xB800] =	vst v63  }
0x4f: {  	s21 =	sadd.s32 s22, s7  }
0x50: {  	[hbm4b:s21+s2] =	stream.linear.scatter [tilespmem:s14], [sflag:$0x2], $0x2000, $0x38;
	[tilespmem:$0xB800] =	vst v63  }
0x51: {  	s21 =	sadd.s32 s22, s9  }
0x52: {  	[hbm4b:s21+s2] =	stream.linear.scatter [tilespmem:s15], [sflag:$0x2], $0x2000, $0x38;
	[tilespmem:$0xB800] =	vst v63  }
0x53: {  	_ =	swait.ge [sflag:s17], $0x2000  }
0x54: {  	[sflag:s17] =	ssyncset.done $0x0  }
0x55: {  	[sflag:s17] =	ssyncadd.s32 $0xFFFFE000  }
0x56: {  	_ =	swait.ge [sflag:s17], $0x2000  }
0x57: {  	[sflag:s17] =	ssyncset.done $0x0  }
0x58: {  	[sflag:s17] =	ssyncadd.s32 $0xFFFFE000  }
.Ltmp0:
0x59: {  	_ =	swait.ge [sflag:s17], $0x2000;
	(pc) =	sbr.rel @p0 .LBB2_2-.Ltmp0, $4  }
0x5a: {  	[sflag:s17] =	ssyncset.done $0x0  }
0x5b: {  	[sflag:s17] =	ssyncadd.s32 $0xFFFFE000  }
0x5c: {  	_ =	swait.ge [sflag:s17], $0x2000  }
0x5d: {  	[sflag:s17] =	ssyncset.done $0x0  }
0x5e: {  	s18 =	sadd.s32 $0x1, s18  }
0x5f: {  	p0 =	sne.s32 s18, s5  }
.Ltmp1:
0x60: {  	_ = 	snop;
	(pc) =	sbr.rel @p0 .LBB2_1-.Ltmp1, $2  }
0x61: {  	_ =	sdelay $0x2  }
0x62: {  	[sflag:s17] =	ssyncadd.s32 $0xFFFFE000  }
0x63: {  	_ =	sfence.sel $0x180000  }
0x64: {  	[bflag:$0x0] =	sbarrier.arrive $0xFFFF  }
0x65: {  	p0 =	sne.s32 s0, $0x0;
	_ =	strace $0x90000047  }
0x66: {  	s0 =	sadd.s32 @!p0 $0x100000, s1;
	[bflag:$0x2] =	sbarrier.arrive $0xFFFF  }
0x67: {  	[sflag:s0] =	ssyncadd.tile.s32 @!p0 $0x1;
	_ =	shalt  }
.Lfunc_end2:
_tile_overlayer_lowered:
.L_overlay_start_2:
0x68: {  	(tag) =	ssettag $0x2  }
0x69: {  	s0 =	rddreg [dreg:$0x0];
	s2 =	stileid.u32  }
0x6a: {  	s1 =	rddreg [dreg:$0x1];
	p0 =	sne.s32 s2, $0x0  }
0x6b: {  	s3 =	rddreg [dreg:$0x2];
	[bflag:$0x3] =	sbarrier.arrive $0xFFFF;
	s2 =	simm.s32 @!p0 $0x1C03  }
0x6c: {  	[timem:s3], [sflag:s2] =	dma.local @!p0 [hbm:s0], s1  }
0x6d: {  	s0 =	simm.s32 @!p0 $0x3  }
0x6e: {  	_ =	swait.ge @!p0 [sflag:s0], s1  }
0x6f: {  	s1 =	ssub.s32 @!p0 $0x0, s1;
	[sflag:s0] =	ssyncset.done @!p0 $0x0  }
0x70: {  	[sflag:s0] =	ssyncadd.s32 @!p0 s1  }
0x71: {  	[bflag:$0x3] =	sbarrier.arrive $0xFFFF  }
0x72: {  	_ =	shalt  }

</sc_bundles>
